<compile_context>
chip_gen: v7x
topology: tpu7x:2x2x1
jax: 0.10.2.dev20260603
libtpu: 0.0.44.dev20260713+nightly
codegen_flags: <defaults>
</compile_context>

<pallas_src>
import functools

import jax
import jax.numpy as jnp
from jax import lax
from jax.experimental import pallas as pl
from jax.experimental.pallas import tpu as pltpu
from jax.experimental.pallas import tpu_sc as plsc

H = 3
K = 16
OFFSET_SCALE = 10.0

M = 256

_SC_CORES = 2
_SC_SUBCORES = 16
_GATHER_CHUNK = 128

_INV_SQRT2 = 0.7071067811865476


def _gelu_exact(v):
    return 0.5 * v * (1.0 + lax.erf(v * _INV_SQRT2))


def _prep_body(n, coordsT_ref, coords_ref, x_ref, qkvwT_ref, qkvb_ref,
               off1T_ref, off1b_ref, off2T_ref, off2b_ref, w1_ref, b1_ref,
               w2s_ref, pos2b_ref, q_ref, kv_ref, idx_ref, bias_ref):
    xb = x_ref[...]
    qkv = jnp.dot(xb, qkvwT_ref[...], preferred_element_type=jnp.float32)
    qkv = qkv + qkvb_ref[...]
    c = xb.shape[1]
    q_ref[...] = qkv[:, :c]
    kv_ref[...] = qkv[:, c:]

    hid = jnp.dot(xb, off1T_ref[...], preferred_element_type=jnp.float32)
    hid = _gelu_exact(hid + off1b_ref[...])
    offs = jnp.dot(hid, off2T_ref[...], preferred_element_type=jnp.float32)
    offs = offs + off2b_ref[...]

    ph = jnp.dot(offs, w1_ref[...], preferred_element_type=jnp.float32)
    ph = _gelu_exact(ph + b1_ref[...])
    for h in range(H):
        bh = jnp.dot(ph, w2s_ref[h], preferred_element_type=jnp.float32)
        bias_ref[:, K * h:K * (h + 1)] = bh + pos2b_ref[:, h:h + 1]

    ct = coordsT_ref[...]
    cx, cy, cz = ct[0:1, :], ct[1:2, :], ct[2:3, :]
    cb = coords_ref[...]
    iota_f = lax.broadcasted_iota(jnp.int32, (xb.shape[0], n), 1).astype(jnp.float32)
    for k in range(K):
        spx = cb[:, 0:1] + offs[:, 3 * k:3 * k + 1] * OFFSET_SCALE
        spy = cb[:, 1:2] + offs[:, 3 * k + 1:3 * k + 2] * OFFSET_SCALE
        spz = cb[:, 2:3] + offs[:, 3 * k + 2:3 * k + 3] * OFFSET_SCALE
        dx = spx - cx
        dy = spy - cy
        dz = spz - cz
        d2 = dx * dx
        d2 = d2 + dy * dy
        d2 = d2 + dz * dz
        dmin = jnp.min(d2, axis=1, keepdims=True)
        cand = jnp.where(d2 == dmin, iota_f, float(n))
        nn = jnp.min(cand, axis=1, keepdims=True)
        idx_ref[:, k:k + 1] = nn.astype(jnp.int32)


def _attn_body(q_ref, s_ref, bias_ref, projT_ref, projb_ref, o_ref):
    q = q_ref[...]
    s = s_ref[...]
    c = q.shape[1]
    d = c // H
    scale = d ** (-0.5)
    outs = []
    for h in range(H):
        qh = q[:, d * h:d * (h + 1)]
        skh = s[:, :, d * h:d * (h + 1)]
        logits = (jnp.sum(qh[:, None, :] * skh, axis=2) * scale
                  + bias_ref[:, K * h:K * (h + 1)])
        mx = jnp.max(logits, axis=1, keepdims=True)
        e = jnp.exp(logits - mx)
        a = e / jnp.sum(e, axis=1, keepdims=True)
        svh = s[:, :, c + d * h:c + d * (h + 1)]
        outs.append(jnp.sum(a[:, :, None] * svh, axis=1))
    oc = jnp.concatenate(outs, axis=1)
    o_ref[...] = jnp.dot(oc, projT_ref[...], preferred_element_type=jnp.float32) + projb_ref[...]


def _gather_rows(kv_flat, flat_idx):
    rows, width = flat_idx.shape[0], kv_flat.shape[1]
    nw = _SC_CORES * _SC_SUBCORES
    per_w = rows // nw
    chunks = per_w // _GATHER_CHUNK
    mesh = plsc.VectorSubcoreMesh(core_axis_name="c", subcore_axis_name="s",
                                  num_cores=_SC_CORES, num_subcores=_SC_SUBCORES)

    @functools.partial(
        pl.kernel, mesh=mesh,
        out_type=jax.ShapeDtypeStruct((rows, width), jnp.float32),
        scratch_types=[
            pltpu.VMEM((2, _GATHER_CHUNK), jnp.int32),
            pltpu.VMEM((2, _GATHER_CHUNK, width), jnp.float32),
            [pltpu.SemaphoreType.DMA] * 2,
            [pltpu.SemaphoreType.DMA] * 2,
            [pltpu.SemaphoreType.DMA] * 2,
        ],
    )
    def gather_kernel(kv_hbm, idx_hbm, out_hbm, idx_v, rows_v, semi, semg, semo):
        wid = lax.axis_index("s") * _SC_CORES + lax.axis_index("c")
        base = wid * per_w

        def start_idx(ci):
            p = ci % 2
            return pltpu.async_copy(
                idx_hbm.at[pl.ds(base + ci * _GATHER_CHUNK, _GATHER_CHUNK)],
                idx_v.at[p], semi[p])

        idx_copies = {0: start_idx(0)}
        out_copies = {}
        for ci in range(chunks):
            p = ci % 2
            if ci >= 2:
                out_copies.pop(ci - 2).wait()
            idx_copies.pop(ci).wait()
            g = pltpu.async_copy(kv_hbm.at[idx_v.at[p]], rows_v.at[p], semg[p])
            if ci + 1 < chunks:
                idx_copies[ci + 1] = start_idx(ci + 1)
            g.wait()
            out_copies[ci] = pltpu.async_copy(
                rows_v.at[p],
                out_hbm.at[pl.ds(base + ci * _GATHER_CHUNK, _GATHER_CHUNK)],
                semo[p])
        for ci in sorted(out_copies):
            out_copies[ci].wait()

    return gather_kernel(kv_flat, flat_idx)


def kernel(coords, x, qkv_w, qkv_b, proj_w, proj_b, off1_w, off1_b,
           off2_w, off2_b, pos1_w, pos1_b, pos2_w, pos2_b):
    B, N, C = x.shape
    P = pos1_w.shape[0]
    MP = M
    nblocks = N // M
    grid = (nblocks,)

    qkv_wT = qkv_w.T
    off1_wT = off1_w.T
    off2_wT = off2_w.T
    eyeK = jnp.eye(K, dtype=jnp.float32)
    w1 = jnp.kron(eyeK, pos1_w.T)
    b1 = jnp.tile(pos1_b, K).reshape(1, K * P)
    w2s = jnp.stack([jnp.kron(eyeK, pos2_w[h].reshape(P, 1)) for h in range(H)])
    proj_wT = proj_w.T

    row_spec = lambda width: pl.BlockSpec((M, width), lambda i: (i, 0))
    prow_spec = lambda width: pl.BlockSpec((MP, width), lambda i: (i, 0))
    full_spec = lambda a, b_: pl.BlockSpec((a, b_), lambda i: (0, 0))

    prep_call = pl.pallas_call(
        functools.partial(_prep_body, N),
        grid=(N // MP,),
        in_specs=[
            full_spec(3, N),
            prow_spec(3),
            prow_spec(C),
            full_spec(C, 3 * C),
            full_spec(1, 3 * C),
            full_spec(C, C // 2),
            full_spec(1, C // 2),
            full_spec(C // 2, 3 * K),
            full_spec(1, 3 * K),
            full_spec(3 * K, K * P),
            full_spec(1, K * P),
            pl.BlockSpec((H, K * P, K), lambda i: (0, 0, 0)),
            full_spec(1, H),
        ],
        out_specs=[
            prow_spec(C),
            prow_spec(2 * C),
            prow_spec(K),
            prow_spec(H * K),
        ],
        out_shape=[
            jax.ShapeDtypeStruct((N, C), jnp.float32),
            jax.ShapeDtypeStruct((N, 2 * C), jnp.float32),
            jax.ShapeDtypeStruct((N, K), jnp.int32),
            jax.ShapeDtypeStruct((N, H * K), jnp.float32),
        ],
    )

    attn_call = pl.pallas_call(
        _attn_body,
        grid=grid,
        in_specs=[
            row_spec(C),
            pl.BlockSpec((M, K, 2 * C), lambda i: (i, 0, 0)),
            row_spec(H * K),
            full_spec(C, C),
            full_spec(1, C),
        ],
        out_specs=row_spec(C),
        out_shape=jax.ShapeDtypeStruct((N, C), jnp.float32),
    )

    outs = []
    for b in range(B):
        q_f, kv_f, idx_f, bias_f = prep_call(
            coords[b].T, coords[b], x[b], qkv_wT, qkv_b.reshape(1, -1),
            off1_wT, off1_b.reshape(1, -1), off2_wT, off2_b.reshape(1, -1),
            w1, b1, w2s, pos2_b.reshape(1, -1))
        sampled = _gather_rows(kv_f, idx_f.reshape(N * K))
        outs.append(attn_call(q_f, sampled.reshape(N, K, 2 * C), bias_f,
                              proj_wT, proj_b.reshape(1, -1)))
    return jnp.stack(outs)

# --- scband reference (transcript-rebuilt; emitter-appended) ---
"""Pipeline reference for scband-deformable-window-attention3-d-17703855194344 (READ-ONLY COPY).

The authoritative reference and input builder live on the scoring server;
editing this copy changes nothing except your own understanding.
"""

import jax, jax.numpy as jnp
import numpy as np

H = 3
K = 16
OFFSET_SCALE = 10.0


def setup_inputs(seed: int = 0) -> dict:
    key = jax.random.key(seed)
    ks = jax.random.split(key, 14)
    B, N, C = 2, 2048, 192
    pos_hidden = int(C // 4.0)
    inp = {}
    inp['coords'] = jax.random.normal(ks[0], (B, N, 3), dtype=jnp.float32)
    inp['x'] = jax.random.normal(ks[1], (B, N, C), dtype=jnp.float32)
    # parameters (torch Linear convention: W is [out, in], y = x @ W.T + b)
    inp['qkv_w'] = jax.random.normal(ks[2], (3 * C, C), dtype=jnp.float32) * 0.02
    inp['qkv_b'] = jnp.zeros((3 * C,), dtype=jnp.float32)
    inp['proj_w'] = jax.random.normal(ks[3], (C, C), dtype=jnp.float32) * 0.02
    inp['proj_b'] = jnp.zeros((C,), dtype=jnp.float32)
    inp['off1_w'] = jax.random.normal(ks[4], (C // 2, C), dtype=jnp.float32) * 0.02
    inp['off1_b'] = jnp.zeros((C // 2,), dtype=jnp.float32)
    inp['off2_w'] = jax.random.normal(ks[5], (3 * K, C // 2), dtype=jnp.float32) * 0.02
    inp['off2_b'] = jnp.zeros((3 * K,), dtype=jnp.float32)
    inp['pos1_w'] = jax.random.normal(ks[6], (pos_hidden, 3), dtype=jnp.float32) * 0.02
    inp['pos1_b'] = jnp.zeros((pos_hidden,), dtype=jnp.float32)
    inp['pos2_w'] = jax.random.normal(ks[7], (H, pos_hidden), dtype=jnp.float32) * 0.02
    inp['pos2_b'] = jnp.zeros((H,), dtype=jnp.float32)
    return inp


def reference(coords, x, qkv_w, qkv_b, proj_w, proj_b, off1_w, off1_b,
              off2_w, off2_b, pos1_w, pos1_b, pos2_w, pos2_b):
    B, N, C = x.shape
    D = C // H
    qkv = x @ qkv_w.T + qkv_b
    q, k, v = jnp.split(qkv, 3, axis=-1)
    q = q.reshape(B, N, H, D).transpose(0, 2, 1, 3)
    k = k.reshape(B, N, H, D).transpose(0, 2, 1, 3)
    v = v.reshape(B, N, H, D).transpose(0, 2, 1, 3)
    # offset network
    hid = jax.nn.gelu(x @ off1_w.T + off1_b, approximate=False)
    offsets = (hid @ off2_w.T + off2_b).reshape(B, N, K, 3)
    ref_points = coords[:, :, None, :]
    sample_points = ref_points + offsets * OFFSET_SCALE
    sampled_k = []
    sampled_v = []
    for b in range(B):
        sp = jax.lax.stop_gradient(sample_points[b].reshape(-1, 3))
        kc = jax.lax.stop_gradient(coords[b])
        d2 = jnp.sum((sp[:, None, :] - kc[None, :, :]) ** 2, axis=-1)
        nn_idx = jnp.argmin(d2, axis=-1).reshape(N, K)
        sampled_k.append(k[b][:, nn_idx])
        sampled_v.append(v[b][:, nn_idx])
    sampled_k = jnp.stack(sampled_k)
    sampled_v = jnp.stack(sampled_v)
    scale = D ** (-0.5)
    attn = jnp.sum(q[:, :, :, None, :] * sampled_k, axis=-1) * scale
    ph = jax.nn.gelu(offsets @ pos1_w.T + pos1_b, approximate=False)
    rel_pos_bias = (ph @ pos2_w.T + pos2_b).transpose(0, 3, 1, 2)
    attn = attn + rel_pos_bias
    attn = jax.nn.softmax(attn, axis=-1)
    out = jnp.sum(attn[..., None] * sampled_v, axis=3)
    out = out.transpose(0, 2, 1, 3).reshape(B, N, C)
    out = out @ proj_w.T + proj_b
    return out

if __name__ == "__main__":
    import jax
    _d = setup_inputs()
    print(jax.jit(kernel)(*tuple(_d.values())))

</pallas_src>

<mosaic_0001>
#map = affine_map<(d0, d1) -> (0, 0)>
#map1 = affine_map<(d0, d1) -> (0)>
module attributes {stable_mosaic.version = 14 : i64} {
  func.func @gather_kernel(%arg0: i32, %arg1: i32, %arg2: memref<2048x384xf32, #tpu.memory_space<hbm>>, %arg3: memref<32768xi32, #tpu.memory_space<hbm>>, %arg4: memref<32768x384xf32, #tpu.memory_space<hbm>>, %arg5: memref<2x128xi32, #tpu.memory_space<vmem>>, %arg6: memref<2x128x384xf32, #tpu.memory_space<vmem>>, %arg7: memref<!tpu.dma_semaphore, #tpu.memory_space<semaphore_mem>>, %arg8: memref<!tpu.dma_semaphore, #tpu.memory_space<semaphore_mem>>, %arg9: memref<!tpu.dma_semaphore, #tpu.memory_space<semaphore_mem>>, %arg10: memref<!tpu.dma_semaphore, #tpu.memory_space<semaphore_mem>>, %arg11: memref<!tpu.dma_semaphore, #tpu.memory_space<semaphore_mem>>, %arg12: memref<!tpu.dma_semaphore, #tpu.memory_space<semaphore_mem>>) attributes {dimension_semantics = [#tpu.dimension_semantics<core_parallel>, #tpu.dimension_semantics<subcore_parallel>], iteration_bounds = array<i64: 2, 16>, scalar_prefetch = 0 : i64, scratch_operands = 8 : i64, tpu.core_type = #tpu.core_type<sc_vector_subcore>, window_params = [{transform_indices = #map}, {transform_indices = #map1}, {transform_indices = #map}]} {
    %mul3A = arith.constant 2 : i32
    %mul3A_0 = arith.muli %arg1, %mul3A : i32
    %add3A = arith.addi %mul3A_0, %arg0 : i32
    %mul3A_1 = arith.constant 1024 : i32
    %mul3A_2 = arith.muli %add3A, %mul3A_1 : i32
    %add3A_3 = arith.constant 0 : i32
    %add3A_4 = arith.addi %mul3A_2, %add3A_3 : i32
    %dma_start3A = arith.constant 0 : i32
    %dma_start3A_5 = arith.constant 0 : i32
    %dma_start3A_6 = tpu.memref_slice %arg5[%dma_start3A, %dma_start3A_5] : memref<2x128xi32, #tpu.memory_space<vmem>> -> memref<1x128xi32, #tpu.memory_space<vmem>>
    %dma_start3A_7 = tpu.memref_squeeze %dma_start3A_6 : memref<1x128xi32, #tpu.memory_space<vmem>> -> memref<128xi32, #tpu.memory_space<vmem>>
    %dma_start3A_8 = tpu.memref_slice %arg3[%add3A_4] : memref<32768xi32, #tpu.memory_space<hbm>> -> memref<128xi32, #tpu.memory_space<hbm>>
    %dma_start3A_9 = arith.constant 0 : i32
    %dma_start3A_10 = tpu.memref_slice %arg5[%dma_start3A, %dma_start3A_9] : memref<2x128xi32, #tpu.memory_space<vmem>> -> memref<1x128xi32, #tpu.memory_space<vmem>>
    %dma_start3A_11 = tpu.memref_squeeze %dma_start3A_10 : memref<1x128xi32, #tpu.memory_space<vmem>> -> memref<128xi32, #tpu.memory_space<vmem>>
    %dma_start3A_12 = tpu.memref_slice %arg3[%add3A_4] : memref<32768xi32, #tpu.memory_space<hbm>> -> memref<128xi32, #tpu.memory_space<hbm>>
    tpu.enqueue_dma source(%dma_start3A_12 : memref<128xi32, #tpu.memory_space<hbm>>) target(%dma_start3A_11 : memref<128xi32, #tpu.memory_space<vmem>>) target_semaphore(%arg7 : memref<!tpu.dma_semaphore, #tpu.memory_space<semaphore_mem>>)
    %dma_wait3A = arith.constant 0 : i32
    %dma_wait3A_13 = arith.constant 0 : i32
    %dma_wait3A_14 = tpu.memref_slice %arg5[%dma_wait3A, %dma_wait3A_13] : memref<2x128xi32, #tpu.memory_space<vmem>> -> memref<1x128xi32, #tpu.memory_space<vmem>>
    %dma_wait3A_15 = tpu.memref_squeeze %dma_wait3A_14 : memref<1x128xi32, #tpu.memory_space<vmem>> -> memref<128xi32, #tpu.memory_space<vmem>>
    %dma_wait3A_16 = tpu.memref_slice %arg3[%add3A_4] : memref<32768xi32, #tpu.memory_space<hbm>> -> memref<128xi32, #tpu.memory_space<hbm>>
    %dma_wait3A_17 = arith.constant 0 : i32
    %dma_wait3A_18 = tpu.memref_slice %arg5[%dma_wait3A, %dma_wait3A_17] : memref<2x128xi32, #tpu.memory_space<vmem>> -> memref<1x128xi32, #tpu.memory_space<vmem>>
    %dma_wait3A_19 = tpu.memref_squeeze %dma_wait3A_18 : memref<1x128xi32, #tpu.memory_space<vmem>> -> memref<128xi32, #tpu.memory_space<vmem>>
    %dma_wait3A_20 = tpu.memref_slice %arg3[%add3A_4] : memref<32768xi32, #tpu.memory_space<hbm>> -> memref<128xi32, #tpu.memory_space<hbm>>
    tpu.wait_dma2 semaphore(%arg7 : memref<!tpu.dma_semaphore, #tpu.memory_space<semaphore_mem>>) src(%dma_wait3A_20 : memref<128xi32, #tpu.memory_space<hbm>>) dst(%dma_wait3A_19 : memref<128xi32, #tpu.memory_space<vmem>>)
    %dma_start3A_21 = arith.constant 0 : i32
    %dma_start3A_22 = arith.constant 0 : i32
    %dma_start3A_23 = arith.constant 0 : i32
    %dma_start3A_24 = arith.constant 0 : i32
    %dma_start3A_25 = tpu.memref_slice %arg6[%dma_start3A_22, %dma_start3A_23, %dma_start3A_24] : memref<2x128x384xf32, #tpu.memory_space<vmem>> -> memref<1x128x384xf32, #tpu.memory_space<vmem>>
    %dma_start3A_26 = tpu.memref_squeeze %dma_start3A_25 : memref<1x128x384xf32, #tpu.memory_space<vmem>> -> memref<128x384xf32, #tpu.memory_space<vmem>>
    %dma_start3A_27 = arith.constant 0 : i32
    %dma_start3A_28 = tpu.memref_slice %arg5[%dma_start3A_21, %dma_start3A_27] : memref<2x128xi32, #tpu.memory_space<vmem>> -> memref<1x128xi32, #tpu.memory_space<vmem>>
    %dma_start3A_29 = tpu.memref_squeeze %dma_start3A_28 : memref<1x128xi32, #tpu.memory_space<vmem>> -> memref<128xi32, #tpu.memory_space<vmem>>
    %dma_start3A_30 = arith.constant 0 : i32
    %dma_start3A_31 = arith.constant 0 : i32
    %dma_start3A_32 = tpu.memref_slice %arg2[%dma_start3A_30, %dma_start3A_31] : memref<2048x384xf32, #tpu.memory_space<hbm>> -> memref<2048x384xf32, #tpu.memory_space<hbm>>
    tpu.enqueue_indirect_dma source(%dma_start3A_32 : memref<2048x384xf32, #tpu.memory_space<hbm>>) target(%dma_start3A_26 : memref<128x384xf32, #tpu.memory_space<vmem>>) offsets(%dma_start3A_29 : memref<128xi32, #tpu.memory_space<vmem>>) semaphore(%arg9 : memref<!tpu.dma_semaphore, #tpu.memory_space<semaphore_mem>>)
    %add3A_33 = arith.constant 128 : i32
    %add3A_34 = arith.addi %mul3A_2, %add3A_33 : i32
    %dma_start3A_35 = arith.constant 1 : i32
    %dma_start3A_36 = arith.constant 0 : i32
    %dma_start3A_37 = tpu.memref_slice %arg5[%dma_start3A_35, %dma_start3A_36] : memref<2x128xi32, #tpu.memory_space<vmem>> -> memref<1x128xi32, #tpu.memory_space<vmem>>
    %dma_start3A_38 = tpu.memref_squeeze %dma_start3A_37 : memref<1x128xi32, #tpu.memory_space<vmem>> -> memref<128xi32, #tpu.memory_space<vmem>>
    %dma_start3A_39 = tpu.memref_slice %arg3[%add3A_34] : memref<32768xi32, #tpu.memory_space<hbm>> -> memref<128xi32, #tpu.memory_space<hbm>>
    %dma_start3A_40 = arith.constant 0 : i32
    %dma_start3A_41 = tpu.memref_slice %arg5[%dma_start3A_35, %dma_start3A_40] : memref<2x128xi32, #tpu.memory_space<vmem>> -> memref<1x128xi32, #tpu.memory_space<vmem>>
    %dma_start3A_42 = tpu.memref_squeeze %dma_start3A_41 : memref<1x128xi32, #tpu.memory_space<vmem>> -> memref<128xi32, #tpu.memory_space<vmem>>
    %dma_start3A_43 = tpu.memref_slice %arg3[%add3A_34] : memref<32768xi32, #tpu.memory_space<hbm>> -> memref<128xi32, #tpu.memory_space<hbm>>
    tpu.enqueue_dma source(%dma_start3A_43 : memref<128xi32, #tpu.memory_space<hbm>>) target(%dma_start3A_42 : memref<128xi32, #tpu.memory_space<vmem>>) target_semaphore(%arg8 : memref<!tpu.dma_semaphore, #tpu.memory_space<semaphore_mem>>)
    %dma_wait3A_44 = arith.constant 0 : i32
    %dma_wait3A_45 = arith.constant 0 : i32
    %dma_wait3A_46 = arith.constant 0 : i32
    %dma_wait3A_47 = arith.constant 0 : i32
    %dma_wait3A_48 = tpu.memref_slice %arg6[%dma_wait3A_45, %dma_wait3A_46, %dma_wait3A_47] : memref<2x128x384xf32, #tpu.memory_space<vmem>> -> memref<1x128x384xf32, #tpu.memory_space<vmem>>
    %dma_wait3A_49 = tpu.memref_squeeze %dma_wait3A_48 : memref<1x128x384xf32, #tpu.memory_space<vmem>> -> memref<128x384xf32, #tpu.memory_space<vmem>>
    %dma_wait3A_50 = arith.constant 0 : i32
    %dma_wait3A_51 = tpu.memref_slice %arg5[%dma_wait3A_44, %dma_wait3A_50] : memref<2x128xi32, #tpu.memory_space<vmem>> -> memref<1x128xi32, #tpu.memory_space<vmem>>
    %dma_wait3A_52 = tpu.memref_squeeze %dma_wait3A_51 : memref<1x128xi32, #tpu.memory_space<vmem>> -> memref<128xi32, #tpu.memory_space<vmem>>
    %dma_wait3A_53 = arith.constant 0 : i32
    %dma_wait3A_54 = arith.constant 0 : i32
    %dma_wait3A_55 = tpu.memref_slice %arg2[%dma_wait3A_53, %dma_wait3A_54] : memref<2048x384xf32, #tpu.memory_space<hbm>> -> memref<2048x384xf32, #tpu.memory_space<hbm>>
    tpu.wait_indirect_dma semaphore(%arg9 : memref<!tpu.dma_semaphore, #tpu.memory_space<semaphore_mem>>) src(%dma_wait3A_55 : memref<2048x384xf32, #tpu.memory_space<hbm>>) dst(%dma_wait3A_49 : memref<128x384xf32, #tpu.memory_space<vmem>>)
    %add3A_56 = arith.constant 0 : i32
    %add3A_57 = arith.addi %mul3A_2, %add3A_56 : i32
    %dma_start3A_58 = arith.constant 0 : i32
    %dma_start3A_59 = arith.constant 0 : i32
    %dma_start3A_60 = arith.constant 0 : i32
    %dma_start3A_61 = tpu.memref_slice %arg6[%dma_start3A_58, %dma_start3A_59, %dma_start3A_60] : memref<2x128x384xf32, #tpu.memory_space<vmem>> -> memref<1x128x384xf32, #tpu.memory_space<vmem>>
    %dma_start3A_62 = tpu.memref_squeeze %dma_start3A_61 : memref<1x128x384xf32, #tpu.memory_space<vmem>> -> memref<128x384xf32, #tpu.memory_space<vmem>>
    %dma_start3A_63 = arith.constant 0 : i32
    %dma_start3A_64 = tpu.memref_slice %arg4[%add3A_57, %dma_start3A_63] : memref<32768x384xf32, #tpu.memory_space<hbm>> -> memref<128x384xf32, #tpu.memory_space<hbm>>
    %dma_start3A_65 = arith.constant 0 : i32
    %dma_start3A_66 = tpu.memref_slice %arg4[%add3A_57, %dma_start3A_65] : memref<32768x384xf32, #tpu.memory_space<hbm>> -> memref<128x384xf32, #tpu.memory_space<hbm>>
    %dma_start3A_67 = arith.constant 0 : i32
    %dma_start3A_68 = arith.constant 0 : i32
    %dma_start3A_69 = tpu.memref_slice %arg6[%dma_start3A_58, %dma_start3A_67, %dma_start3A_68] : memref<2x128x384xf32, #tpu.memory_space<vmem>> -> memref<1x128x384xf32, #tpu.memory_space<vmem>>
    %dma_start3A_70 = tpu.memref_squeeze %dma_start3A_69 : memref<1x128x384xf32, #tpu.memory_space<vmem>> -> memref<128x384xf32, #tpu.memory_space<vmem>>
    tpu.enqueue_dma source(%dma_start3A_70 : memref<128x384xf32, #tpu.memory_space<vmem>>) target(%dma_start3A_66 : memref<128x384xf32, #tpu.memory_space<hbm>>) target_semaphore(%arg11 : memref<!tpu.dma_semaphore, #tpu.memory_space<semaphore_mem>>)
    %dma_wait3A_71 = arith.constant 1 : i32
    %dma_wait3A_72 = arith.constant 0 : i32
    %dma_wait3A_73 = tpu.memref_slice %arg5[%dma_wait3A_71, %dma_wait3A_72] : memref<2x128xi32, #tpu.memory_space<vmem>> -> memref<1x128xi32, #tpu.memory_space<vmem>>
    %dma_wait3A_74 = tpu.memref_squeeze %dma_wait3A_73 : memref<1x128xi32, #tpu.memory_space<vmem>> -> memref<128xi32, #tpu.memory_space<vmem>>
    %dma_wait3A_75 = tpu.memref_slice %arg3[%add3A_34] : memref<32768xi32, #tpu.memory_space<hbm>> -> memref<128xi32, #tpu.memory_space<hbm>>
    %dma_wait3A_76 = arith.constant 0 : i32
    %dma_wait3A_77 = tpu.memref_slice %arg5[%dma_wait3A_71, %dma_wait3A_76] : memref<2x128xi32, #tpu.memory_space<vmem>> -> memref<1x128xi32, #tpu.memory_space<vmem>>
    %dma_wait3A_78 = tpu.memref_squeeze %dma_wait3A_77 : memref<1x128xi32, #tpu.memory_space<vmem>> -> memref<128xi32, #tpu.memory_space<vmem>>
    %dma_wait3A_79 = tpu.memref_slice %arg3[%add3A_34] : memref<32768xi32, #tpu.memory_space<hbm>> -> memref<128xi32, #tpu.memory_space<hbm>>
    tpu.wait_dma2 semaphore(%arg8 : memref<!tpu.dma_semaphore, #tpu.memory_space<semaphore_mem>>) src(%dma_wait3A_79 : memref<128xi32, #tpu.memory_space<hbm>>) dst(%dma_wait3A_78 : memref<128xi32, #tpu.memory_space<vmem>>)
    %dma_start3A_80 = arith.constant 1 : i32
    %dma_start3A_81 = arith.constant 1 : i32
    %dma_start3A_82 = arith.constant 0 : i32
    %dma_start3A_83 = arith.constant 0 : i32
    %dma_start3A_84 = tpu.memref_slice %arg6[%dma_start3A_81, %dma_start3A_82, %dma_start3A_83] : memref<2x128x384xf32, #tpu.memory_space<vmem>> -> memref<1x128x384xf32, #tpu.memory_space<vmem>>
    %dma_start3A_85 = tpu.memref_squeeze %dma_start3A_84 : memref<1x128x384xf32, #tpu.memory_space<vmem>> -> memref<128x384xf32, #tpu.memory_space<vmem>>
    %dma_start3A_86 = arith.constant 0 : i32
    %dma_start3A_87 = tpu.memref_slice %arg5[%dma_start3A_80, %dma_start3A_86] : memref<2x128xi32, #tpu.memory_space<vmem>> -> memref<1x128xi32, #tpu.memory_space<vmem>>
    %dma_start3A_88 = tpu.memref_squeeze %dma_start3A_87 : memref<1x128xi32, #tpu.memory_space<vmem>> -> memref<128xi32, #tpu.memory_space<vmem>>
    %dma_start3A_89 = arith.constant 0 : i32
    %dma_start3A_90 = arith.constant 0 : i32
    %dma_start3A_91 = tpu.memref_slice %arg2[%dma_start3A_89, %dma_start3A_90] : memref<2048x384xf32, #tpu.memory_space<hbm>> -> memref<2048x384xf32, #tpu.memory_space<hbm>>
    tpu.enqueue_indirect_dma source(%dma_start3A_91 : memref<2048x384xf32, #tpu.memory_space<hbm>>) target(%dma_start3A_85 : memref<128x384xf32, #tpu.memory_space<vmem>>) offsets(%dma_start3A_88 : memref<128xi32, #tpu.memory_space<vmem>>) semaphore(%arg10 : memref<!tpu.dma_semaphore, #tpu.memory_space<semaphore_mem>>)
    %add3A_92 = arith.constant 256 : i32
    %add3A_93 = arith.addi %mul3A_2, %add3A_92 : i32
    %dma_start3A_94 = arith.constant 0 : i32
    %dma_start3A_95 = arith.constant 0 : i32
    %dma_start3A_96 = tpu.memref_slice %arg5[%dma_start3A_94, %dma_start3A_95] : memref<2x128xi32, #tpu.memory_space<vmem>> -> memref<1x128xi32, #tpu.memory_space<vmem>>
    %dma_start3A_97 = tpu.memref_squeeze %dma_start3A_96 : memref<1x128xi32, #tpu.memory_space<vmem>> -> memref<128xi32, #tpu.memory_space<vmem>>
    %dma_start3A_98 = tpu.memref_slice %arg3[%add3A_93] : memref<32768xi32, #tpu.memory_space<hbm>> -> memref<128xi32, #tpu.memory_space<hbm>>
    %dma_start3A_99 = arith.constant 0 : i32
    %dma_start3A_100 = tpu.memref_slice %arg5[%dma_start3A_94, %dma_start3A_99] : memref<2x128xi32, #tpu.memory_space<vmem>> -> memref<1x128xi32, #tpu.memory_space<vmem>>
    %dma_start3A_101 = tpu.memref_squeeze %dma_start3A_100 : memref<1x128xi32, #tpu.memory_space<vmem>> -> memref<128xi32, #tpu.memory_space<vmem>>
    %dma_start3A_102 = tpu.memref_slice %arg3[%add3A_93] : memref<32768xi32, #tpu.memory_space<hbm>> -> memref<128xi32, #tpu.memory_space<hbm>>
    tpu.enqueue_dma source(%dma_start3A_102 : memref<128xi32, #tpu.memory_space<hbm>>) target(%dma_start3A_101 : memref<128xi32, #tpu.memory_space<vmem>>) target_semaphore(%arg7 : memref<!tpu.dma_semaphore, #tpu.memory_space<semaphore_mem>>)
    %dma_wait3A_103 = arith.constant 1 : i32
    %dma_wait3A_104 = arith.constant 1 : i32
    %dma_wait3A_105 = arith.constant 0 : i32
    %dma_wait3A_106 = arith.constant 0 : i32
    %dma_wait3A_107 = tpu.memref_slice %arg6[%dma_wait3A_104, %dma_wait3A_105, %dma_wait3A_106] : memref<2x128x384xf32, #tpu.memory_space<vmem>> -> memref<1x128x384xf32, #tpu.memory_space<vmem>>
    %dma_wait3A_108 = tpu.memref_squeeze %dma_wait3A_107 : memref<1x128x384xf32, #tpu.memory_space<vmem>> -> memref<128x384xf32, #tpu.memory_space<vmem>>
    %dma_wait3A_109 = arith.constant 0 : i32
    %dma_wait3A_110 = tpu.memref_slice %arg5[%dma_wait3A_103, %dma_wait3A_109] : memref<2x128xi32, #tpu.memory_space<vmem>> -> memref<1x128xi32, #tpu.memory_space<vmem>>
    %dma_wait3A_111 = tpu.memref_squeeze %dma_wait3A_110 : memref<1x128xi32, #tpu.memory_space<vmem>> -> memref<128xi32, #tpu.memory_space<vmem>>
    %dma_wait3A_112 = arith.constant 0 : i32
    %dma_wait3A_113 = arith.constant 0 : i32
    %dma_wait3A_114 = tpu.memref_slice %arg2[%dma_wait3A_112, %dma_wait3A_113] : memref<2048x384xf32, #tpu.memory_space<hbm>> -> memref<2048x384xf32, #tpu.memory_space<hbm>>
    tpu.wait_indirect_dma semaphore(%arg10 : memref<!tpu.dma_semaphore, #tpu.memory_space<semaphore_mem>>) src(%dma_wait3A_114 : memref<2048x384xf32, #tpu.memory_space<hbm>>) dst(%dma_wait3A_108 : memref<128x384xf32, #tpu.memory_space<vmem>>)
    %add3A_115 = arith.constant 128 : i32
    %add3A_116 = arith.addi %mul3A_2, %add3A_115 : i32
    %dma_start3A_117 = arith.constant 1 : i32
    %dma_start3A_118 = arith.constant 0 : i32
    %dma_start3A_119 = arith.constant 0 : i32
    %dma_start3A_120 = tpu.memref_slice %arg6[%dma_start3A_117, %dma_start3A_118, %dma_start3A_119] : memref<2x128x384xf32, #tpu.memory_space<vmem>> -> memref<1x128x384xf32, #tpu.memory_space<vmem>>
    %dma_start3A_121 = tpu.memref_squeeze %dma_start3A_120 : memref<1x128x384xf32, #tpu.memory_space<vmem>> -> memref<128x384xf32, #tpu.memory_space<vmem>>
    %dma_start3A_122 = arith.constant 0 : i32
    %dma_start3A_123 = tpu.memref_slice %arg4[%add3A_116, %dma_start3A_122] : memref<32768x384xf32, #tpu.memory_space<hbm>> -> memref<128x384xf32, #tpu.memory_space<hbm>>
    %dma_start3A_124 = arith.constant 0 : i32
    %dma_start3A_125 = tpu.memref_slice %arg4[%add3A_116, %dma_start3A_124] : memref<32768x384xf32, #tpu.memory_space<hbm>> -> memref<128x384xf32, #tpu.memory_space<hbm>>
    %dma_start3A_126 = arith.constant 0 : i32
    %dma_start3A_127 = arith.constant 0 : i32
    %dma_start3A_128 = tpu.memref_slice %arg6[%dma_start3A_117, %dma_start3A_126, %dma_start3A_127] : memref<2x128x384xf32, #tpu.memory_space<vmem>> -> memref<1x128x384xf32, #tpu.memory_space<vmem>>
    %dma_start3A_129 = tpu.memref_squeeze %dma_start3A_128 : memref<1x128x384xf32, #tpu.memory_space<vmem>> -> memref<128x384xf32, #tpu.memory_space<vmem>>
    tpu.enqueue_dma source(%dma_start3A_129 : memref<128x384xf32, #tpu.memory_space<vmem>>) target(%dma_start3A_125 : memref<128x384xf32, #tpu.memory_space<hbm>>) target_semaphore(%arg12 : memref<!tpu.dma_semaphore, #tpu.memory_space<semaphore_mem>>)
    %dma_wait3A_130 = arith.constant 0 : i32
    %dma_wait3A_131 = arith.constant 0 : i32
    %dma_wait3A_132 = arith.constant 0 : i32
    %dma_wait3A_133 = tpu.memref_slice %arg6[%dma_wait3A_130, %dma_wait3A_131, %dma_wait3A_132] : memref<2x128x384xf32, #tpu.memory_space<vmem>> -> memref<1x128x384xf32, #tpu.memory_space<vmem>>
    %dma_wait3A_134 = tpu.memref_squeeze %dma_wait3A_133 : memref<1x128x384xf32, #tpu.memory_space<vmem>> -> memref<128x384xf32, #tpu.memory_space<vmem>>
    %dma_wait3A_135 = arith.constant 0 : i32
    %dma_wait3A_136 = tpu.memref_slice %arg4[%add3A_57, %dma_wait3A_135] : memref<32768x384xf32, #tpu.memory_space<hbm>> -> memref<128x384xf32, #tpu.memory_space<hbm>>
    %dma_wait3A_137 = arith.constant 0 : i32
    %dma_wait3A_138 = tpu.memref_slice %arg4[%add3A_57, %dma_wait3A_137] : memref<32768x384xf32, #tpu.memory_space<hbm>> -> memref<128x384xf32, #tpu.memory_space<hbm>>
    %dma_wait3A_139 = arith.constant 0 : i32
    %dma_wait3A_140 = arith.constant 0 : i32
    %dma_wait3A_141 = tpu.memref_slice %arg6[%dma_wait3A_130, %dma_wait3A_139, %dma_wait3A_140] : memref<2x128x384xf32, #tpu.memory_space<vmem>> -> memref<1x128x384xf32, #tpu.memory_space<vmem>>
    %dma_wait3A_142 = tpu.memref_squeeze %dma_wait3A_141 : memref<1x128x384xf32, #tpu.memory_space<vmem>> -> memref<128x384xf32, #tpu.memory_space<vmem>>
    tpu.wait_dma2 semaphore(%arg11 : memref<!tpu.dma_semaphore, #tpu.memory_space<semaphore_mem>>) src(%dma_wait3A_142 : memref<128x384xf32, #tpu.memory_space<vmem>>) dst(%dma_wait3A_138 : memref<128x384xf32, #tpu.memory_space<hbm>>)
    %dma_wait3A_143 = arith.constant 0 : i32
    %dma_wait3A_144 = arith.constant 0 : i32
    %dma_wait3A_145 = tpu.memref_slice %arg5[%dma_wait3A_143, %dma_wait3A_144] : memref<2x128xi32, #tpu.memory_space<vmem>> -> memref<1x128xi32, #tpu.memory_space<vmem>>
    %dma_wait3A_146 = tpu.memref_squeeze %dma_wait3A_145 : memref<1x128xi32, #tpu.memory_space<vmem>> -> memref<128xi32, #tpu.memory_space<vmem>>
    %dma_wait3A_147 = tpu.memref_slice %arg3[%add3A_93] : memref<32768xi32, #tpu.memory_space<hbm>> -> memref<128xi32, #tpu.memory_space<hbm>>
    %dma_wait3A_148 = arith.constant 0 : i32
    %dma_wait3A_149 = tpu.memref_slice %arg5[%dma_wait3A_143, %dma_wait3A_148] : memref<2x128xi32, #tpu.memory_space<vmem>> -> memref<1x128xi32, #tpu.memory_space<vmem>>
    %dma_wait3A_150 = tpu.memref_squeeze %dma_wait3A_149 : memref<1x128xi32, #tpu.memory_space<vmem>> -> memref<128xi32, #tpu.memory_space<vmem>>
    %dma_wait3A_151 = tpu.memref_slice %arg3[%add3A_93] : memref<32768xi32, #tpu.memory_space<hbm>> -> memref<128xi32, #tpu.memory_space<hbm>>
    tpu.wait_dma2 semaphore(%arg7 : memref<!tpu.dma_semaphore, #tpu.memory_space<semaphore_mem>>) src(%dma_wait3A_151 : memref<128xi32, #tpu.memory_space<hbm>>) dst(%dma_wait3A_150 : memref<128xi32, #tpu.memory_space<vmem>>)
    %dma_start3A_152 = arith.constant 0 : i32
    %dma_start3A_153 = arith.constant 0 : i32
    %dma_start3A_154 = arith.constant 0 : i32
    %dma_start3A_155 = arith.constant 0 : i32
    %dma_start3A_156 = tpu.memref_slice %arg6[%dma_start3A_153, %dma_start3A_154, %dma_start3A_155] : memref<2x128x384xf32, #tpu.memory_space<vmem>> -> memref<1x128x384xf32, #tpu.memory_space<vmem>>
    %dma_start3A_157 = tpu.memref_squeeze %dma_start3A_156 : memref<1x128x384xf32, #tpu.memory_space<vmem>> -> memref<128x384xf32, #tpu.memory_space<vmem>>
    %dma_start3A_158 = arith.constant 0 : i32
    %dma_start3A_159 = tpu.memref_slice %arg5[%dma_start3A_152, %dma_start3A_158] : memref<2x128xi32, #tpu.memory_space<vmem>> -> memref<1x128xi32, #tpu.memory_space<vmem>>
    %dma_start3A_160 = tpu.memref_squeeze %dma_start3A_159 : memref<1x128xi32, #tpu.memory_space<vmem>> -> memref<128xi32, #tpu.memory_space<vmem>>
    %dma_start3A_161 = arith.constant 0 : i32
    %dma_start3A_162 = arith.constant 0 : i32
    %dma_start3A_163 = tpu.memref_slice %arg2[%dma_start3A_161, %dma_start3A_162] : memref<2048x384xf32, #tpu.memory_space<hbm>> -> memref<2048x384xf32, #tpu.memory_space<hbm>>
    tpu.enqueue_indirect_dma source(%dma_start3A_163 : memref<2048x384xf32, #tpu.memory_space<hbm>>) target(%dma_start3A_157 : memref<128x384xf32, #tpu.memory_space<vmem>>) offsets(%dma_start3A_160 : memref<128xi32, #tpu.memory_space<vmem>>) semaphore(%arg9 : memref<!tpu.dma_semaphore, #tpu.memory_space<semaphore_mem>>)
    %add3A_164 = arith.constant 384 : i32
    %add3A_165 = arith.addi %mul3A_2, %add3A_164 : i32
    %dma_start3A_166 = arith.constant 1 : i32
    %dma_start3A_167 = arith.constant 0 : i32
    %dma_start3A_168 = tpu.memref_slice %arg5[%dma_start3A_166, %dma_start3A_167] : memref<2x128xi32, #tpu.memory_space<vmem>> -> memref<1x128xi32, #tpu.memory_space<vmem>>
    %dma_start3A_169 = tpu.memref_squeeze %dma_start3A_168 : memref<1x128xi32, #tpu.memory_space<vmem>> -> memref<128xi32, #tpu.memory_space<vmem>>
    %dma_start3A_170 = tpu.memref_slice %arg3[%add3A_165] : memref<32768xi32, #tpu.memory_space<hbm>> -> memref<128xi32, #tpu.memory_space<hbm>>
    %dma_start3A_171 = arith.constant 0 : i32
    %dma_start3A_172 = tpu.memref_slice %arg5[%dma_start3A_166, %dma_start3A_171] : memref<2x128xi32, #tpu.memory_space<vmem>> -> memref<1x128xi32, #tpu.memory_space<vmem>>
    %dma_start3A_173 = tpu.memref_squeeze %dma_start3A_172 : memref<1x128xi32, #tpu.memory_space<vmem>> -> memref<128xi32, #tpu.memory_space<vmem>>
    %dma_start3A_174 = tpu.memref_slice %arg3[%add3A_165] : memref<32768xi32, #tpu.memory_space<hbm>> -> memref<128xi32, #tpu.memory_space<hbm>>
    tpu.enqueue_dma source(%dma_start3A_174 : memref<128xi32, #tpu.memory_space<hbm>>) target(%dma_start3A_173 : memref<128xi32, #tpu.memory_space<vmem>>) target_semaphore(%arg8 : memref<!tpu.dma_semaphore, #tpu.memory_space<semaphore_mem>>)
    %dma_wait3A_175 = arith.constant 0 : i32
    %dma_wait3A_176 = arith.constant 0 : i32
    %dma_wait3A_177 = arith.constant 0 : i32
    %dma_wait3A_178 = arith.constant 0 : i32
    %dma_wait3A_179 = tpu.memref_slice %arg6[%dma_wait3A_176, %dma_wait3A_177, %dma_wait3A_178] : memref<2x128x384xf32, #tpu.memory_space<vmem>> -> memref<1x128x384xf32, #tpu.memory_space<vmem>>
    %dma_wait3A_180 = tpu.memref_squeeze %dma_wait3A_179 : memref<1x128x384xf32, #tpu.memory_space<vmem>> -> memref<128x384xf32, #tpu.memory_space<vmem>>
    %dma_wait3A_181 = arith.constant 0 : i32
    %dma_wait3A_182 = tpu.memref_slice %arg5[%dma_wait3A_175, %dma_wait3A_181] : memref<2x128xi32, #tpu.memory_space<vmem>> -> memref<1x128xi32, #tpu.memory_space<vmem>>
    %dma_wait3A_183 = tpu.memref_squeeze %dma_wait3A_182 : memref<1x128xi32, #tpu.memory_space<vmem>> -> memref<128xi32, #tpu.memory_space<vmem>>
    %dma_wait3A_184 = arith.constant 0 : i32
    %dma_wait3A_185 = arith.constant 0 : i32
    %dma_wait3A_186 = tpu.memref_slice %arg2[%dma_wait3A_184, %dma_wait3A_185] : memref<2048x384xf32, #tpu.memory_space<hbm>> -> memref<2048x384xf32, #tpu.memory_space<hbm>>
    tpu.wait_indirect_dma semaphore(%arg9 : memref<!tpu.dma_semaphore, #tpu.memory_space<semaphore_mem>>) src(%dma_wait3A_186 : memref<2048x384xf32, #tpu.memory_space<hbm>>) dst(%dma_wait3A_180 : memref<128x384xf32, #tpu.memory_space<vmem>>)
    %add3A_187 = arith.constant 256 : i32
    %add3A_188 = arith.addi %mul3A_2, %add3A_187 : i32
    %dma_start3A_189 = arith.constant 0 : i32
    %dma_start3A_190 = arith.constant 0 : i32
    %dma_start3A_191 = arith.constant 0 : i32
    %dma_start3A_192 = tpu.memref_slice %arg6[%dma_start3A_189, %dma_start3A_190, %dma_start3A_191] : memref<2x128x384xf32, #tpu.memory_space<vmem>> -> memref<1x128x384xf32, #tpu.memory_space<vmem>>
    %dma_start3A_193 = tpu.memref_squeeze %dma_start3A_192 : memref<1x128x384xf32, #tpu.memory_space<vmem>> -> memref<128x384xf32, #tpu.memory_space<vmem>>
    %dma_start3A_194 = arith.constant 0 : i32
    %dma_start3A_195 = tpu.memref_slice %arg4[%add3A_188, %dma_start3A_194] : memref<32768x384xf32, #tpu.memory_space<hbm>> -> memref<128x384xf32, #tpu.memory_space<hbm>>
    %dma_start3A_196 = arith.constant 0 : i32
    %dma_start3A_197 = tpu.memref_slice %arg4[%add3A_188, %dma_start3A_196] : memref<32768x384xf32, #tpu.memory_space<hbm>> -> memref<128x384xf32, #tpu.memory_space<hbm>>
    %dma_start3A_198 = arith.constant 0 : i32
    %dma_start3A_199 = arith.constant 0 : i32
    %dma_start3A_200 = tpu.memref_slice %arg6[%dma_start3A_189, %dma_start3A_198, %dma_start3A_199] : memref<2x128x384xf32, #tpu.memory_space<vmem>> -> memref<1x128x384xf32, #tpu.memory_space<vmem>>
    %dma_start3A_201 = tpu.memref_squeeze %dma_start3A_200 : memref<1x128x384xf32, #tpu.memory_space<vmem>> -> memref<128x384xf32, #tpu.memory_space<vmem>>
    tpu.enqueue_dma source(%dma_start3A_201 : memref<128x384xf32, #tpu.memory_space<vmem>>) target(%dma_start3A_197 : memref<128x384xf32, #tpu.memory_space<hbm>>) target_semaphore(%arg11 : memref<!tpu.dma_semaphore, #tpu.memory_space<semaphore_mem>>)
    %dma_wait3A_202 = arith.constant 1 : i32
    %dma_wait3A_203 = arith.constant 0 : i32
    %dma_wait3A_204 = arith.constant 0 : i32
    %dma_wait3A_205 = tpu.memref_slice %arg6[%dma_wait3A_202, %dma_wait3A_203, %dma_wait3A_204] : memref<2x128x384xf32, #tpu.memory_space<vmem>> -> memref<1x128x384xf32, #tpu.memory_space<vmem>>
    %dma_wait3A_206 = tpu.memref_squeeze %dma_wait3A_205 : memref<1x128x384xf32, #tpu.memory_space<vmem>> -> memref<128x384xf32, #tpu.memory_space<vmem>>
    %dma_wait3A_207 = arith.constant 0 : i32
    %dma_wait3A_208 = tpu.memref_slice %arg4[%add3A_116, %dma_wait3A_207] : memref<32768x384xf32, #tpu.memory_space<hbm>> -> memref<128x384xf32, #tpu.memory_space<hbm>>
    %dma_wait3A_209 = arith.constant 0 : i32
    %dma_wait3A_210 = tpu.memref_slice %arg4[%add3A_116, %dma_wait3A_209] : memref<32768x384xf32, #tpu.memory_space<hbm>> -> memref<128x384xf32, #tpu.memory_space<hbm>>
    %dma_wait3A_211 = arith.constant 0 : i32
    %dma_wait3A_212 = arith.constant 0 : i32
    %dma_wait3A_213 = tpu.memref_slice %arg6[%dma_wait3A_202, %dma_wait3A_211, %dma_wait3A_212] : memref<2x128x384xf32, #tpu.memory_space<vmem>> -> memref<1x128x384xf32, #tpu.memory_space<vmem>>
    %dma_wait3A_214 = tpu.memref_squeeze %dma_wait3A_213 : memref<1x128x384xf32, #tpu.memory_space<vmem>> -> memref<128x384xf32, #tpu.memory_space<vmem>>
    tpu.wait_dma2 semaphore(%arg12 : memref<!tpu.dma_semaphore, #tpu.memory_space<semaphore_mem>>) src(%dma_wait3A_214 : memref<128x384xf32, #tpu.memory_space<vmem>>) dst(%dma_wait3A_210 : memref<128x384xf32, #tpu.memory_space<hbm>>)
    %dma_wait3A_215 = arith.constant 1 : i32
    %dma_wait3A_216 = arith.constant 0 : i32
    %dma_wait3A_217 = tpu.memref_slice %arg5[%dma_wait3A_215, %dma_wait3A_216] : memref<2x128xi32, #tpu.memory_space<vmem>> -> memref<1x128xi32, #tpu.memory_space<vmem>>
    %dma_wait3A_218 = tpu.memref_squeeze %dma_wait3A_217 : memref<1x128xi32, #tpu.memory_space<vmem>> -> memref<128xi32, #tpu.memory_space<vmem>>
    %dma_wait3A_219 = tpu.memref_slice %arg3[%add3A_165] : memref<32768xi32, #tpu.memory_space<hbm>> -> memref<128xi32, #tpu.memory_space<hbm>>
    %dma_wait3A_220 = arith.constant 0 : i32
    %dma_wait3A_221 = tpu.memref_slice %arg5[%dma_wait3A_215, %dma_wait3A_220] : memref<2x128xi32, #tpu.memory_space<vmem>> -> memref<1x128xi32, #tpu.memory_space<vmem>>
    %dma_wait3A_222 = tpu.memref_squeeze %dma_wait3A_221 : memref<1x128xi32, #tpu.memory_space<vmem>> -> memref<128xi32, #tpu.memory_space<vmem>>
    %dma_wait3A_223 = tpu.memref_slice %arg3[%add3A_165] : memref<32768xi32, #tpu.memory_space<hbm>> -> memref<128xi32, #tpu.memory_space<hbm>>
    tpu.wait_dma2 semaphore(%arg8 : memref<!tpu.dma_semaphore, #tpu.memory_space<semaphore_mem>>) src(%dma_wait3A_223 : memref<128xi32, #tpu.memory_space<hbm>>) dst(%dma_wait3A_222 : memref<128xi32, #tpu.memory_space<vmem>>)
    %dma_start3A_224 = arith.constant 1 : i32
    %dma_start3A_225 = arith.constant 1 : i32
    %dma_start3A_226 = arith.constant 0 : i32
    %dma_start3A_227 = arith.constant 0 : i32
    %dma_start3A_228 = tpu.memref_slice %arg6[%dma_start3A_225, %dma_start3A_226, %dma_start3A_227] : memref<2x128x384xf32, #tpu.memory_space<vmem>> -> memref<1x128x384xf32, #tpu.memory_space<vmem>>
    %dma_start3A_229 = tpu.memref_squeeze %dma_start3A_228 : memref<1x128x384xf32, #tpu.memory_space<vmem>> -> memref<128x384xf32, #tpu.memory_space<vmem>>
    %dma_start3A_230 = arith.constant 0 : i32
    %dma_start3A_231 = tpu.memref_slice %arg5[%dma_start3A_224, %dma_start3A_230] : memref<2x128xi32, #tpu.memory_space<vmem>> -> memref<1x128xi32, #tpu.memory_space<vmem>>
    %dma_start3A_232 = tpu.memref_squeeze %dma_start3A_231 : memref<1x128xi32, #tpu.memory_space<vmem>> -> memref<128xi32, #tpu.memory_space<vmem>>
    %dma_start3A_233 = arith.constant 0 : i32
    %dma_start3A_234 = arith.constant 0 : i32
    %dma_start3A_235 = tpu.memref_slice %arg2[%dma_start3A_233, %dma_start3A_234] : memref<2048x384xf32, #tpu.memory_space<hbm>> -> memref<2048x384xf32, #tpu.memory_space<hbm>>
    tpu.enqueue_indirect_dma source(%dma_start3A_235 : memref<2048x384xf32, #tpu.memory_space<hbm>>) target(%dma_start3A_229 : memref<128x384xf32, #tpu.memory_space<vmem>>) offsets(%dma_start3A_232 : memref<128xi32, #tpu.memory_space<vmem>>) semaphore(%arg10 : memref<!tpu.dma_semaphore, #tpu.memory_space<semaphore_mem>>)
    %add3A_236 = arith.constant 512 : i32
    %add3A_237 = arith.addi %mul3A_2, %add3A_236 : i32
    %dma_start3A_238 = arith.constant 0 : i32
    %dma_start3A_239 = arith.constant 0 : i32
    %dma_start3A_240 = tpu.memref_slice %arg5[%dma_start3A_238, %dma_start3A_239] : memref<2x128xi32, #tpu.memory_space<vmem>> -> memref<1x128xi32, #tpu.memory_space<vmem>>
    %dma_start3A_241 = tpu.memref_squeeze %dma_start3A_240 : memref<1x128xi32, #tpu.memory_space<vmem>> -> memref<128xi32, #tpu.memory_space<vmem>>
    %dma_start3A_242 = tpu.memref_slice %arg3[%add3A_237] : memref<32768xi32, #tpu.memory_space<hbm>> -> memref<128xi32, #tpu.memory_space<hbm>>
    %dma_start3A_243 = arith.constant 0 : i32
    %dma_start3A_244 = tpu.memref_slice %arg5[%dma_start3A_238, %dma_start3A_243] : memref<2x128xi32, #tpu.memory_space<vmem>> -> memref<1x128xi32, #tpu.memory_space<vmem>>
    %dma_start3A_245 = tpu.memref_squeeze %dma_start3A_244 : memref<1x128xi32, #tpu.memory_space<vmem>> -> memref<128xi32, #tpu.memory_space<vmem>>
    %dma_start3A_246 = tpu.memref_slice %arg3[%add3A_237] : memref<32768xi32, #tpu.memory_space<hbm>> -> memref<128xi32, #tpu.memory_space<hbm>>
    tpu.enqueue_dma source(%dma_start3A_246 : memref<128xi32, #tpu.memory_space<hbm>>) target(%dma_start3A_245 : memref<128xi32, #tpu.memory_space<vmem>>) target_semaphore(%arg7 : memref<!tpu.dma_semaphore, #tpu.memory_space<semaphore_mem>>)
    %dma_wait3A_247 = arith.constant 1 : i32
    %dma_wait3A_248 = arith.constant 1 : i32
    %dma_wait3A_249 = arith.constant 0 : i32
    %dma_wait3A_250 = arith.constant 0 : i32
    %dma_wait3A_251 = tpu.memref_slice %arg6[%dma_wait3A_248, %dma_wait3A_249, %dma_wait3A_250] : memref<2x128x384xf32, #tpu.memory_space<vmem>> -> memref<1x128x384xf32, #tpu.memory_space<vmem>>
    %dma_wait3A_252 = tpu.memref_squeeze %dma_wait3A_251 : memref<1x128x384xf32, #tpu.memory_space<vmem>> -> memref<128x384xf32, #tpu.memory_space<vmem>>
    %dma_wait3A_253 = arith.constant 0 : i32
    %dma_wait3A_254 = tpu.memref_slice %arg5[%dma_wait3A_247, %dma_wait3A_253] : memref<2x128xi32, #tpu.memory_space<vmem>> -> memref<1x128xi32, #tpu.memory_space<vmem>>
    %dma_wait3A_255 = tpu.memref_squeeze %dma_wait3A_254 : memref<1x128xi32, #tpu.memory_space<vmem>> -> memref<128xi32, #tpu.memory_space<vmem>>
    %dma_wait3A_256 = arith.constant 0 : i32
    %dma_wait3A_257 = arith.constant 0 : i32
    %dma_wait3A_258 = tpu.memref_slice %arg2[%dma_wait3A_256, %dma_wait3A_257] : memref<2048x384xf32, #tpu.memory_space<hbm>> -> memref<2048x384xf32, #tpu.memory_space<hbm>>
    tpu.wait_indirect_dma semaphore(%arg10 : memref<!tpu.dma_semaphore, #tpu.memory_space<semaphore_mem>>) src(%dma_wait3A_258 : memref<2048x384xf32, #tpu.memory_space<hbm>>) dst(%dma_wait3A_252 : memref<128x384xf32, #tpu.memory_space<vmem>>)
    %add3A_259 = arith.constant 384 : i32
    %add3A_260 = arith.addi %mul3A_2, %add3A_259 : i32
    %dma_start3A_261 = arith.constant 1 : i32
    %dma_start3A_262 = arith.constant 0 : i32
    %dma_start3A_263 = arith.constant 0 : i32
    %dma_start3A_264 = tpu.memref_slice %arg6[%dma_start3A_261, %dma_start3A_262, %dma_start3A_263] : memref<2x128x384xf32, #tpu.memory_space<vmem>> -> memref<1x128x384xf32, #tpu.memory_space<vmem>>
    %dma_start3A_265 = tpu.memref_squeeze %dma_start3A_264 : memref<1x128x384xf32, #tpu.memory_space<vmem>> -> memref<128x384xf32, #tpu.memory_space<vmem>>
    %dma_start3A_266 = arith.constant 0 : i32
    %dma_start3A_267 = tpu.memref_slice %arg4[%add3A_260, %dma_start3A_266] : memref<32768x384xf32, #tpu.memory_space<hbm>> -> memref<128x384xf32, #tpu.memory_space<hbm>>
    %dma_start3A_268 = arith.constant 0 : i32
    %dma_start3A_269 = tpu.memref_slice %arg4[%add3A_260, %dma_start3A_268] : memref<32768x384xf32, #tpu.memory_space<hbm>> -> memref<128x384xf32, #tpu.memory_space<hbm>>
    %dma_start3A_270 = arith.constant 0 : i32
    %dma_start3A_271 = arith.constant 0 : i32
    %dma_start3A_272 = tpu.memref_slice %arg6[%dma_start3A_261, %dma_start3A_270, %dma_start3A_271] : memref<2x128x384xf32, #tpu.memory_space<vmem>> -> memref<1x128x384xf32, #tpu.memory_space<vmem>>
    %dma_start3A_273 = tpu.memref_squeeze %dma_start3A_272 : memref<1x128x384xf32, #tpu.memory_space<vmem>> -> memref<128x384xf32, #tpu.memory_space<vmem>>
    tpu.enqueue_dma source(%dma_start3A_273 : memref<128x384xf32, #tpu.memory_space<vmem>>) target(%dma_start3A_269 : memref<128x384xf32, #tpu.memory_space<hbm>>) target_semaphore(%arg12 : memref<!tpu.dma_semaphore, #tpu.memory_space<semaphore_mem>>)
    %dma_wait3A_274 = arith.constant 0 : i32
    %dma_wait3A_275 = arith.constant 0 : i32
    %dma_wait3A_276 = arith.constant 0 : i32
    %dma_wait3A_277 = tpu.memref_slice %arg6[%dma_wait3A_274, %dma_wait3A_275, %dma_wait3A_276] : memref<2x128x384xf32, #tpu.memory_space<vmem>> -> memref<1x128x384xf32, #tpu.memory_space<vmem>>
    %dma_wait3A_278 = tpu.memref_squeeze %dma_wait3A_277 : memref<1x128x384xf32, #tpu.memory_space<vmem>> -> memref<128x384xf32, #tpu.memory_space<vmem>>
    %dma_wait3A_279 = arith.constant 0 : i32
    %dma_wait3A_280 = tpu.memref_slice %arg4[%add3A_188, %dma_wait3A_279] : memref<32768x384xf32, #tpu.memory_space<hbm>> -> memref<128x384xf32, #tpu.memory_space<hbm>>
    %dma_wait3A_281 = arith.constant 0 : i32
    %dma_wait3A_282 = tpu.memref_slice %arg4[%add3A_188, %dma_wait3A_281] : memref<32768x384xf32, #tpu.memory_space<hbm>> -> memref<128x384xf32, #tpu.memory_space<hbm>>
    %dma_wait3A_283 = arith.constant 0 : i32
    %dma_wait3A_284 = arith.constant 0 : i32
    %dma_wait3A_285 = tpu.memref_slice %arg6[%dma_wait3A_274, %dma_wait3A_283, %dma_wait3A_284] : memref<2x128x384xf32, #tpu.memory_space<vmem>> -> memref<1x128x384xf32, #tpu.memory_space<vmem>>
    %dma_wait3A_286 = tpu.memref_squeeze %dma_wait3A_285 : memref<1x128x384xf32, #tpu.memory_space<vmem>> -> memref<128x384xf32, #tpu.memory_space<vmem>>
    tpu.wait_dma2 semaphore(%arg11 : memref<!tpu.dma_semaphore, #tpu.memory_space<semaphore_mem>>) src(%dma_wait3A_286 : memref<128x384xf32, #tpu.memory_space<vmem>>) dst(%dma_wait3A_282 : memref<128x384xf32, #tpu.memory_space<hbm>>)
    %dma_wait3A_287 = arith.constant 0 : i32
    %dma_wait3A_288 = arith.constant 0 : i32
    %dma_wait3A_289 = tpu.memref_slice %arg5[%dma_wait3A_287, %dma_wait3A_288] : memref<2x128xi32, #tpu.memory_space<vmem>> -> memref<1x128xi32, #tpu.memory_space<vmem>>
    %dma_wait3A_290 = tpu.memref_squeeze %dma_wait3A_289 : memref<1x128xi32, #tpu.memory_space<vmem>> -> memref<128xi32, #tpu.memory_space<vmem>>
    %dma_wait3A_291 = tpu.memref_slice %arg3[%add3A_237] : memref<32768xi32, #tpu.memory_space<hbm>> -> memref<128xi32, #tpu.memory_space<hbm>>
    %dma_wait3A_292 = arith.constant 0 : i32
    %dma_wait3A_293 = tpu.memref_slice %arg5[%dma_wait3A_287, %dma_wait3A_292] : memref<2x128xi32, #tpu.memory_space<vmem>> -> memref<1x128xi32, #tpu.memory_space<vmem>>
    %dma_wait3A_294 = tpu.memref_squeeze %dma_wait3A_293 : memref<1x128xi32, #tpu.memory_space<vmem>> -> memref<128xi32, #tpu.memory_space<vmem>>
    %dma_wait3A_295 = tpu.memref_slice %arg3[%add3A_237] : memref<32768xi32, #tpu.memory_space<hbm>> -> memref<128xi32, #tpu.memory_space<hbm>>
    tpu.wait_dma2 semaphore(%arg7 : memref<!tpu.dma_semaphore, #tpu.memory_space<semaphore_mem>>) src(%dma_wait3A_295 : memref<128xi32, #tpu.memory_space<hbm>>) dst(%dma_wait3A_294 : memref<128xi32, #tpu.memory_space<vmem>>)
    %dma_start3A_296 = arith.constant 0 : i32
    %dma_start3A_297 = arith.constant 0 : i32
    %dma_start3A_298 = arith.constant 0 : i32
    %dma_start3A_299 = arith.constant 0 : i32
    %dma_start3A_300 = tpu.memref_slice %arg6[%dma_start3A_297, %dma_start3A_298, %dma_start3A_299] : memref<2x128x384xf32, #tpu.memory_space<vmem>> -> memref<1x128x384xf32, #tpu.memory_space<vmem>>
    %dma_start3A_301 = tpu.memref_squeeze %dma_start3A_300 : memref<1x128x384xf32, #tpu.memory_space<vmem>> -> memref<128x384xf32, #tpu.memory_space<vmem>>
    %dma_start3A_302 = arith.constant 0 : i32
    %dma_start3A_303 = tpu.memref_slice %arg5[%dma_start3A_296, %dma_start3A_302] : memref<2x128xi32, #tpu.memory_space<vmem>> -> memref<1x128xi32, #tpu.memory_space<vmem>>
    %dma_start3A_304 = tpu.memref_squeeze %dma_start3A_303 : memref<1x128xi32, #tpu.memory_space<vmem>> -> memref<128xi32, #tpu.memory_space<vmem>>
    %dma_start3A_305 = arith.constant 0 : i32
    %dma_start3A_306 = arith.constant 0 : i32
    %dma_start3A_307 = tpu.memref_slice %arg2[%dma_start3A_305, %dma_start3A_306] : memref<2048x384xf32, #tpu.memory_space<hbm>> -> memref<2048x384xf32, #tpu.memory_space<hbm>>
    tpu.enqueue_indirect_dma source(%dma_start3A_307 : memref<2048x384xf32, #tpu.memory_space<hbm>>) target(%dma_start3A_301 : memref<128x384xf32, #tpu.memory_space<vmem>>) offsets(%dma_start3A_304 : memref<128xi32, #tpu.memory_space<vmem>>) semaphore(%arg9 : memref<!tpu.dma_semaphore, #tpu.memory_space<semaphore_mem>>)
    %add3A_308 = arith.constant 640 : i32
    %add3A_309 = arith.addi %mul3A_2, %add3A_308 : i32
    %dma_start3A_310 = arith.constant 1 : i32
    %dma_start3A_311 = arith.constant 0 : i32
    %dma_start3A_312 = tpu.memref_slice %arg5[%dma_start3A_310, %dma_start3A_311] : memref<2x128xi32, #tpu.memory_space<vmem>> -> memref<1x128xi32, #tpu.memory_space<vmem>>
    %dma_start3A_313 = tpu.memref_squeeze %dma_start3A_312 : memref<1x128xi32, #tpu.memory_space<vmem>> -> memref<128xi32, #tpu.memory_space<vmem>>
    %dma_start3A_314 = tpu.memref_slice %arg3[%add3A_309] : memref<32768xi32, #tpu.memory_space<hbm>> -> memref<128xi32, #tpu.memory_space<hbm>>
    %dma_start3A_315 = arith.constant 0 : i32
    %dma_start3A_316 = tpu.memref_slice %arg5[%dma_start3A_310, %dma_start3A_315] : memref<2x128xi32, #tpu.memory_space<vmem>> -> memref<1x128xi32, #tpu.memory_space<vmem>>
    %dma_start3A_317 = tpu.memref_squeeze %dma_start3A_316 : memref<1x128xi32, #tpu.memory_space<vmem>> -> memref<128xi32, #tpu.memory_space<vmem>>
    %dma_start3A_318 = tpu.memref_slice %arg3[%add3A_309] : memref<32768xi32, #tpu.memory_space<hbm>> -> memref<128xi32, #tpu.memory_space<hbm>>
    tpu.enqueue_dma source(%dma_start3A_318 : memref<128xi32, #tpu.memory_space<hbm>>) target(%dma_start3A_317 : memref<128xi32, #tpu.memory_space<vmem>>) target_semaphore(%arg8 : memref<!tpu.dma_semaphore, #tpu.memory_space<semaphore_mem>>)
    %dma_wait3A_319 = arith.constant 0 : i32
    %dma_wait3A_320 = arith.constant 0 : i32
    %dma_wait3A_321 = arith.constant 0 : i32
    %dma_wait3A_322 = arith.constant 0 : i32
    %dma_wait3A_323 = tpu.memref_slice %arg6[%dma_wait3A_320, %dma_wait3A_321, %dma_wait3A_322] : memref<2x128x384xf32, #tpu.memory_space<vmem>> -> memref<1x128x384xf32, #tpu.memory_space<vmem>>
    %dma_wait3A_324 = tpu.memref_squeeze %dma_wait3A_323 : memref<1x128x384xf32, #tpu.memory_space<vmem>> -> memref<128x384xf32, #tpu.memory_space<vmem>>
    %dma_wait3A_325 = arith.constant 0 : i32
    %dma_wait3A_326 = tpu.memref_slice %arg5[%dma_wait3A_319, %dma_wait3A_325] : memref<2x128xi32, #tpu.memory_space<vmem>> -> memref<1x128xi32, #tpu.memory_space<vmem>>
    %dma_wait3A_327 = tpu.memref_squeeze %dma_wait3A_326 : memref<1x128xi32, #tpu.memory_space<vmem>> -> memref<128xi32, #tpu.memory_space<vmem>>
    %dma_wait3A_328 = arith.constant 0 : i32
    %dma_wait3A_329 = arith.constant 0 : i32
    %dma_wait3A_330 = tpu.memref_slice %arg2[%dma_wait3A_328, %dma_wait3A_329] : memref<2048x384xf32, #tpu.memory_space<hbm>> -> memref<2048x384xf32, #tpu.memory_space<hbm>>
    tpu.wait_indirect_dma semaphore(%arg9 : memref<!tpu.dma_semaphore, #tpu.memory_space<semaphore_mem>>) src(%dma_wait3A_330 : memref<2048x384xf32, #tpu.memory_space<hbm>>) dst(%dma_wait3A_324 : memref<128x384xf32, #tpu.memory_space<vmem>>)
    %add3A_331 = arith.constant 512 : i32
    %add3A_332 = arith.addi %mul3A_2, %add3A_331 : i32
    %dma_start3A_333 = arith.constant 0 : i32
    %dma_start3A_334 = arith.constant 0 : i32
    %dma_start3A_335 = arith.constant 0 : i32
    %dma_start3A_336 = tpu.memref_slice %arg6[%dma_start3A_333, %dma_start3A_334, %dma_start3A_335] : memref<2x128x384xf32, #tpu.memory_space<vmem>> -> memref<1x128x384xf32, #tpu.memory_space<vmem>>
    %dma_start3A_337 = tpu.memref_squeeze %dma_start3A_336 : memref<1x128x384xf32, #tpu.memory_space<vmem>> -> memref<128x384xf32, #tpu.memory_space<vmem>>
    %dma_start3A_338 = arith.constant 0 : i32
    %dma_start3A_339 = tpu.memref_slice %arg4[%add3A_332, %dma_start3A_338] : memref<32768x384xf32, #tpu.memory_space<hbm>> -> memref<128x384xf32, #tpu.memory_space<hbm>>
    %dma_start3A_340 = arith.constant 0 : i32
    %dma_start3A_341 = tpu.memref_slice %arg4[%add3A_332, %dma_start3A_340] : memref<32768x384xf32, #tpu.memory_space<hbm>> -> memref<128x384xf32, #tpu.memory_space<hbm>>
    %dma_start3A_342 = arith.constant 0 : i32
    %dma_start3A_343 = arith.constant 0 : i32
    %dma_start3A_344 = tpu.memref_slice %arg6[%dma_start3A_333, %dma_start3A_342, %dma_start3A_343] : memref<2x128x384xf32, #tpu.memory_space<vmem>> -> memref<1x128x384xf32, #tpu.memory_space<vmem>>
    %dma_start3A_345 = tpu.memref_squeeze %dma_start3A_344 : memref<1x128x384xf32, #tpu.memory_space<vmem>> -> memref<128x384xf32, #tpu.memory_space<vmem>>
    tpu.enqueue_dma source(%dma_start3A_345 : memref<128x384xf32, #tpu.memory_space<vmem>>) target(%dma_start3A_341 : memref<128x384xf32, #tpu.memory_space<hbm>>) target_semaphore(%arg11 : memref<!tpu.dma_semaphore, #tpu.memory_space<semaphore_mem>>)
    %dma_wait3A_346 = arith.constant 1 : i32
    %dma_wait3A_347 = arith.constant 0 : i32
    %dma_wait3A_348 = arith.constant 0 : i32
    %dma_wait3A_349 = tpu.memref_slice %arg6[%dma_wait3A_346, %dma_wait3A_347, %dma_wait3A_348] : memref<2x128x384xf32, #tpu.memory_space<vmem>> -> memref<1x128x384xf32, #tpu.memory_space<vmem>>
    %dma_wait3A_350 = tpu.memref_squeeze %dma_wait3A_349 : memref<1x128x384xf32, #tpu.memory_space<vmem>> -> memref<128x384xf32, #tpu.memory_space<vmem>>
    %dma_wait3A_351 = arith.constant 0 : i32
    %dma_wait3A_352 = tpu.memref_slice %arg4[%add3A_260, %dma_wait3A_351] : memref<32768x384xf32, #tpu.memory_space<hbm>> -> memref<128x384xf32, #tpu.memory_space<hbm>>
    %dma_wait3A_353 = arith.constant 0 : i32
    %dma_wait3A_354 = tpu.memref_slice %arg4[%add3A_260, %dma_wait3A_353] : memref<32768x384xf32, #tpu.memory_space<hbm>> -> memref<128x384xf32, #tpu.memory_space<hbm>>
    %dma_wait3A_355 = arith.constant 0 : i32
    %dma_wait3A_356 = arith.constant 0 : i32
    %dma_wait3A_357 = tpu.memref_slice %arg6[%dma_wait3A_346, %dma_wait3A_355, %dma_wait3A_356] : memref<2x128x384xf32, #tpu.memory_space<vmem>> -> memref<1x128x384xf32, #tpu.memory_space<vmem>>
    %dma_wait3A_358 = tpu.memref_squeeze %dma_wait3A_357 : memref<1x128x384xf32, #tpu.memory_space<vmem>> -> memref<128x384xf32, #tpu.memory_space<vmem>>
    tpu.wait_dma2 semaphore(%arg12 : memref<!tpu.dma_semaphore, #tpu.memory_space<semaphore_mem>>) src(%dma_wait3A_358 : memref<128x384xf32, #tpu.memory_space<vmem>>) dst(%dma_wait3A_354 : memref<128x384xf32, #tpu.memory_space<hbm>>)
    %dma_wait3A_359 = arith.constant 1 : i32
    %dma_wait3A_360 = arith.constant 0 : i32
    %dma_wait3A_361 = tpu.memref_slice %arg5[%dma_wait3A_359, %dma_wait3A_360] : memref<2x128xi32, #tpu.memory_space<vmem>> -> memref<1x128xi32, #tpu.memory_space<vmem>>
    %dma_wait3A_362 = tpu.memref_squeeze %dma_wait3A_361 : memref<1x128xi32, #tpu.memory_space<vmem>> -> memref<128xi32, #tpu.memory_space<vmem>>
    %dma_wait3A_363 = tpu.memref_slice %arg3[%add3A_309] : memref<32768xi32, #tpu.memory_space<hbm>> -> memref<128xi32, #tpu.memory_space<hbm>>
    %dma_wait3A_364 = arith.constant 0 : i32
    %dma_wait3A_365 = tpu.memref_slice %arg5[%dma_wait3A_359, %dma_wait3A_364] : memref<2x128xi32, #tpu.memory_space<vmem>> -> memref<1x128xi32, #tpu.memory_space<vmem>>
    %dma_wait3A_366 = tpu.memref_squeeze %dma_wait3A_365 : memref<1x128xi32, #tpu.memory_space<vmem>> -> memref<128xi32, #tpu.memory_space<vmem>>
    %dma_wait3A_367 = tpu.memref_slice %arg3[%add3A_309] : memref<32768xi32, #tpu.memory_space<hbm>> -> memref<128xi32, #tpu.memory_space<hbm>>
    tpu.wait_dma2 semaphore(%arg8 : memref<!tpu.dma_semaphore, #tpu.memory_space<semaphore_mem>>) src(%dma_wait3A_367 : memref<128xi32, #tpu.memory_space<hbm>>) dst(%dma_wait3A_366 : memref<128xi32, #tpu.memory_space<vmem>>)
    %dma_start3A_368 = arith.constant 1 : i32
    %dma_start3A_369 = arith.constant 1 : i32
    %dma_start3A_370 = arith.constant 0 : i32
    %dma_start3A_371 = arith.constant 0 : i32
    %dma_start3A_372 = tpu.memref_slice %arg6[%dma_start3A_369, %dma_start3A_370, %dma_start3A_371] : memref<2x128x384xf32, #tpu.memory_space<vmem>> -> memref<1x128x384xf32, #tpu.memory_space<vmem>>
    %dma_start3A_373 = tpu.memref_squeeze %dma_start3A_372 : memref<1x128x384xf32, #tpu.memory_space<vmem>> -> memref<128x384xf32, #tpu.memory_space<vmem>>
    %dma_start3A_374 = arith.constant 0 : i32
    %dma_start3A_375 = tpu.memref_slice %arg5[%dma_start3A_368, %dma_start3A_374] : memref<2x128xi32, #tpu.memory_space<vmem>> -> memref<1x128xi32, #tpu.memory_space<vmem>>
    %dma_start3A_376 = tpu.memref_squeeze %dma_start3A_375 : memref<1x128xi32, #tpu.memory_space<vmem>> -> memref<128xi32, #tpu.memory_space<vmem>>
    %dma_start3A_377 = arith.constant 0 : i32
    %dma_start3A_378 = arith.constant 0 : i32
    %dma_start3A_379 = tpu.memref_slice %arg2[%dma_start3A_377, %dma_start3A_378] : memref<2048x384xf32, #tpu.memory_space<hbm>> -> memref<2048x384xf32, #tpu.memory_space<hbm>>
    tpu.enqueue_indirect_dma source(%dma_start3A_379 : memref<2048x384xf32, #tpu.memory_space<hbm>>) target(%dma_start3A_373 : memref<128x384xf32, #tpu.memory_space<vmem>>) offsets(%dma_start3A_376 : memref<128xi32, #tpu.memory_space<vmem>>) semaphore(%arg10 : memref<!tpu.dma_semaphore, #tpu.memory_space<semaphore_mem>>)
    %add3A_380 = arith.constant 768 : i32
    %add3A_381 = arith.addi %mul3A_2, %add3A_380 : i32
    %dma_start3A_382 = arith.constant 0 : i32
    %dma_start3A_383 = arith.constant 0 : i32
    %dma_start3A_384 = tpu.memref_slice %arg5[%dma_start3A_382, %dma_start3A_383] : memref<2x128xi32, #tpu.memory_space<vmem>> -> memref<1x128xi32, #tpu.memory_space<vmem>>
    %dma_start3A_385 = tpu.memref_squeeze %dma_start3A_384 : memref<1x128xi32, #tpu.memory_space<vmem>> -> memref<128xi32, #tpu.memory_space<vmem>>
    %dma_start3A_386 = tpu.memref_slice %arg3[%add3A_381] : memref<32768xi32, #tpu.memory_space<hbm>> -> memref<128xi32, #tpu.memory_space<hbm>>
    %dma_start3A_387 = arith.constant 0 : i32
    %dma_start3A_388 = tpu.memref_slice %arg5[%dma_start3A_382, %dma_start3A_387] : memref<2x128xi32, #tpu.memory_space<vmem>> -> memref<1x128xi32, #tpu.memory_space<vmem>>
    %dma_start3A_389 = tpu.memref_squeeze %dma_start3A_388 : memref<1x128xi32, #tpu.memory_space<vmem>> -> memref<128xi32, #tpu.memory_space<vmem>>
    %dma_start3A_390 = tpu.memref_slice %arg3[%add3A_381] : memref<32768xi32, #tpu.memory_space<hbm>> -> memref<128xi32, #tpu.memory_space<hbm>>
    tpu.enqueue_dma source(%dma_start3A_390 : memref<128xi32, #tpu.memory_space<hbm>>) target(%dma_start3A_389 : memref<128xi32, #tpu.memory_space<vmem>>) target_semaphore(%arg7 : memref<!tpu.dma_semaphore, #tpu.memory_space<semaphore_mem>>)
    %dma_wait3A_391 = arith.constant 1 : i32
    %dma_wait3A_392 = arith.constant 1 : i32
    %dma_wait3A_393 = arith.constant 0 : i32
    %dma_wait3A_394 = arith.constant 0 : i32
    %dma_wait3A_395 = tpu.memref_slice %arg6[%dma_wait3A_392, %dma_wait3A_393, %dma_wait3A_394] : memref<2x128x384xf32, #tpu.memory_space<vmem>> -> memref<1x128x384xf32, #tpu.memory_space<vmem>>
    %dma_wait3A_396 = tpu.memref_squeeze %dma_wait3A_395 : memref<1x128x384xf32, #tpu.memory_space<vmem>> -> memref<128x384xf32, #tpu.memory_space<vmem>>
    %dma_wait3A_397 = arith.constant 0 : i32
    %dma_wait3A_398 = tpu.memref_slice %arg5[%dma_wait3A_391, %dma_wait3A_397] : memref<2x128xi32, #tpu.memory_space<vmem>> -> memref<1x128xi32, #tpu.memory_space<vmem>>
    %dma_wait3A_399 = tpu.memref_squeeze %dma_wait3A_398 : memref<1x128xi32, #tpu.memory_space<vmem>> -> memref<128xi32, #tpu.memory_space<vmem>>
    %dma_wait3A_400 = arith.constant 0 : i32
    %dma_wait3A_401 = arith.constant 0 : i32
    %dma_wait3A_402 = tpu.memref_slice %arg2[%dma_wait3A_400, %dma_wait3A_401] : memref<2048x384xf32, #tpu.memory_space<hbm>> -> memref<2048x384xf32, #tpu.memory_space<hbm>>
    tpu.wait_indirect_dma semaphore(%arg10 : memref<!tpu.dma_semaphore, #tpu.memory_space<semaphore_mem>>) src(%dma_wait3A_402 : memref<2048x384xf32, #tpu.memory_space<hbm>>) dst(%dma_wait3A_396 : memref<128x384xf32, #tpu.memory_space<vmem>>)
    %add3A_403 = arith.constant 640 : i32
    %add3A_404 = arith.addi %mul3A_2, %add3A_403 : i32
    %dma_start3A_405 = arith.constant 1 : i32
    %dma_start3A_406 = arith.constant 0 : i32
    %dma_start3A_407 = arith.constant 0 : i32
    %dma_start3A_408 = tpu.memref_slice %arg6[%dma_start3A_405, %dma_start3A_406, %dma_start3A_407] : memref<2x128x384xf32, #tpu.memory_space<vmem>> -> memref<1x128x384xf32, #tpu.memory_space<vmem>>
    %dma_start3A_409 = tpu.memref_squeeze %dma_start3A_408 : memref<1x128x384xf32, #tpu.memory_space<vmem>> -> memref<128x384xf32, #tpu.memory_space<vmem>>
    %dma_start3A_410 = arith.constant 0 : i32
    %dma_start3A_411 = tpu.memref_slice %arg4[%add3A_404, %dma_start3A_410] : memref<32768x384xf32, #tpu.memory_space<hbm>> -> memref<128x384xf32, #tpu.memory_space<hbm>>
    %dma_start3A_412 = arith.constant 0 : i32
    %dma_start3A_413 = tpu.memref_slice %arg4[%add3A_404, %dma_start3A_412] : memref<32768x384xf32, #tpu.memory_space<hbm>> -> memref<128x384xf32, #tpu.memory_space<hbm>>
    %dma_start3A_414 = arith.constant 0 : i32
    %dma_start3A_415 = arith.constant 0 : i32
    %dma_start3A_416 = tpu.memref_slice %arg6[%dma_start3A_405, %dma_start3A_414, %dma_start3A_415] : memref<2x128x384xf32, #tpu.memory_space<vmem>> -> memref<1x128x384xf32, #tpu.memory_space<vmem>>
    %dma_start3A_417 = tpu.memref_squeeze %dma_start3A_416 : memref<1x128x384xf32, #tpu.memory_space<vmem>> -> memref<128x384xf32, #tpu.memory_space<vmem>>
    tpu.enqueue_dma source(%dma_start3A_417 : memref<128x384xf32, #tpu.memory_space<vmem>>) target(%dma_start3A_413 : memref<128x384xf32, #tpu.memory_space<hbm>>) target_semaphore(%arg12 : memref<!tpu.dma_semaphore, #tpu.memory_space<semaphore_mem>>)
    %dma_wait3A_418 = arith.constant 0 : i32
    %dma_wait3A_419 = arith.constant 0 : i32
    %dma_wait3A_420 = arith.constant 0 : i32
    %dma_wait3A_421 = tpu.memref_slice %arg6[%dma_wait3A_418, %dma_wait3A_419, %dma_wait3A_420] : memref<2x128x384xf32, #tpu.memory_space<vmem>> -> memref<1x128x384xf32, #tpu.memory_space<vmem>>
    %dma_wait3A_422 = tpu.memref_squeeze %dma_wait3A_421 : memref<1x128x384xf32, #tpu.memory_space<vmem>> -> memref<128x384xf32, #tpu.memory_space<vmem>>
    %dma_wait3A_423 = arith.constant 0 : i32
    %dma_wait3A_424 = tpu.memref_slice %arg4[%add3A_332, %dma_wait3A_423] : memref<32768x384xf32, #tpu.memory_space<hbm>> -> memref<128x384xf32, #tpu.memory_space<hbm>>
    %dma_wait3A_425 = arith.constant 0 : i32
    %dma_wait3A_426 = tpu.memref_slice %arg4[%add3A_332, %dma_wait3A_425] : memref<32768x384xf32, #tpu.memory_space<hbm>> -> memref<128x384xf32, #tpu.memory_space<hbm>>
    %dma_wait3A_427 = arith.constant 0 : i32
    %dma_wait3A_428 = arith.constant 0 : i32
    %dma_wait3A_429 = tpu.memref_slice %arg6[%dma_wait3A_418, %dma_wait3A_427, %dma_wait3A_428] : memref<2x128x384xf32, #tpu.memory_space<vmem>> -> memref<1x128x384xf32, #tpu.memory_space<vmem>>
    %dma_wait3A_430 = tpu.memref_squeeze %dma_wait3A_429 : memref<1x128x384xf32, #tpu.memory_space<vmem>> -> memref<128x384xf32, #tpu.memory_space<vmem>>
    tpu.wait_dma2 semaphore(%arg11 : memref<!tpu.dma_semaphore, #tpu.memory_space<semaphore_mem>>) src(%dma_wait3A_430 : memref<128x384xf32, #tpu.memory_space<vmem>>) dst(%dma_wait3A_426 : memref<128x384xf32, #tpu.memory_space<hbm>>)
    %dma_wait3A_431 = arith.constant 0 : i32
    %dma_wait3A_432 = arith.constant 0 : i32
    %dma_wait3A_433 = tpu.memref_slice %arg5[%dma_wait3A_431, %dma_wait3A_432] : memref<2x128xi32, #tpu.memory_space<vmem>> -> memref<1x128xi32, #tpu.memory_space<vmem>>
    %dma_wait3A_434 = tpu.memref_squeeze %dma_wait3A_433 : memref<1x128xi32, #tpu.memory_space<vmem>> -> memref<128xi32, #tpu.memory_space<vmem>>
    %dma_wait3A_435 = tpu.memref_slice %arg3[%add3A_381] : memref<32768xi32, #tpu.memory_space<hbm>> -> memref<128xi32, #tpu.memory_space<hbm>>
    %dma_wait3A_436 = arith.constant 0 : i32
    %dma_wait3A_437 = tpu.memref_slice %arg5[%dma_wait3A_431, %dma_wait3A_436] : memref<2x128xi32, #tpu.memory_space<vmem>> -> memref<1x128xi32, #tpu.memory_space<vmem>>
    %dma_wait3A_438 = tpu.memref_squeeze %dma_wait3A_437 : memref<1x128xi32, #tpu.memory_space<vmem>> -> memref<128xi32, #tpu.memory_space<vmem>>
    %dma_wait3A_439 = tpu.memref_slice %arg3[%add3A_381] : memref<32768xi32, #tpu.memory_space<hbm>> -> memref<128xi32, #tpu.memory_space<hbm>>
    tpu.wait_dma2 semaphore(%arg7 : memref<!tpu.dma_semaphore, #tpu.memory_space<semaphore_mem>>) src(%dma_wait3A_439 : memref<128xi32, #tpu.memory_space<hbm>>) dst(%dma_wait3A_438 : memref<128xi32, #tpu.memory_space<vmem>>)
    %dma_start3A_440 = arith.constant 0 : i32
    %dma_start3A_441 = arith.constant 0 : i32
    %dma_start3A_442 = arith.constant 0 : i32
    %dma_start3A_443 = arith.constant 0 : i32
    %dma_start3A_444 = tpu.memref_slice %arg6[%dma_start3A_441, %dma_start3A_442, %dma_start3A_443] : memref<2x128x384xf32, #tpu.memory_space<vmem>> -> memref<1x128x384xf32, #tpu.memory_space<vmem>>
    %dma_start3A_445 = tpu.memref_squeeze %dma_start3A_444 : memref<1x128x384xf32, #tpu.memory_space<vmem>> -> memref<128x384xf32, #tpu.memory_space<vmem>>
    %dma_start3A_446 = arith.constant 0 : i32
    %dma_start3A_447 = tpu.memref_slice %arg5[%dma_start3A_440, %dma_start3A_446] : memref<2x128xi32, #tpu.memory_space<vmem>> -> memref<1x128xi32, #tpu.memory_space<vmem>>
    %dma_start3A_448 = tpu.memref_squeeze %dma_start3A_447 : memref<1x128xi32, #tpu.memory_space<vmem>> -> memref<128xi32, #tpu.memory_space<vmem>>
    %dma_start3A_449 = arith.constant 0 : i32
    %dma_start3A_450 = arith.constant 0 : i32
    %dma_start3A_451 = tpu.memref_slice %arg2[%dma_start3A_449, %dma_start3A_450] : memref<2048x384xf32, #tpu.memory_space<hbm>> -> memref<2048x384xf32, #tpu.memory_space<hbm>>
    tpu.enqueue_indirect_dma source(%dma_start3A_451 : memref<2048x384xf32, #tpu.memory_space<hbm>>) target(%dma_start3A_445 : memref<128x384xf32, #tpu.memory_space<vmem>>) offsets(%dma_start3A_448 : memref<128xi32, #tpu.memory_space<vmem>>) semaphore(%arg9 : memref<!tpu.dma_semaphore, #tpu.memory_space<semaphore_mem>>)
    %add3A_452 = arith.constant 896 : i32
    %add3A_453 = arith.addi %mul3A_2, %add3A_452 : i32
    %dma_start3A_454 = arith.constant 1 : i32
    %dma_start3A_455 = arith.constant 0 : i32
    %dma_start3A_456 = tpu.memref_slice %arg5[%dma_start3A_454, %dma_start3A_455] : memref<2x128xi32, #tpu.memory_space<vmem>> -> memref<1x128xi32, #tpu.memory_space<vmem>>
    %dma_start3A_457 = tpu.memref_squeeze %dma_start3A_456 : memref<1x128xi32, #tpu.memory_space<vmem>> -> memref<128xi32, #tpu.memory_space<vmem>>
    %dma_start3A_458 = tpu.memref_slice %arg3[%add3A_453] : memref<32768xi32, #tpu.memory_space<hbm>> -> memref<128xi32, #tpu.memory_space<hbm>>
    %dma_start3A_459 = arith.constant 0 : i32
    %dma_start3A_460 = tpu.memref_slice %arg5[%dma_start3A_454, %dma_start3A_459] : memref<2x128xi32, #tpu.memory_space<vmem>> -> memref<1x128xi32, #tpu.memory_space<vmem>>
    %dma_start3A_461 = tpu.memref_squeeze %dma_start3A_460 : memref<1x128xi32, #tpu.memory_space<vmem>> -> memref<128xi32, #tpu.memory_space<vmem>>
    %dma_start3A_462 = tpu.memref_slice %arg3[%add3A_453] : memref<32768xi32, #tpu.memory_space<hbm>> -> memref<128xi32, #tpu.memory_space<hbm>>
    tpu.enqueue_dma source(%dma_start3A_462 : memref<128xi32, #tpu.memory_space<hbm>>) target(%dma_start3A_461 : memref<128xi32, #tpu.memory_space<vmem>>) target_semaphore(%arg8 : memref<!tpu.dma_semaphore, #tpu.memory_space<semaphore_mem>>)
    %dma_wait3A_463 = arith.constant 0 : i32
    %dma_wait3A_464 = arith.constant 0 : i32
    %dma_wait3A_465 = arith.constant 0 : i32
    %dma_wait3A_466 = arith.constant 0 : i32
    %dma_wait3A_467 = tpu.memref_slice %arg6[%dma_wait3A_464, %dma_wait3A_465, %dma_wait3A_466] : memref<2x128x384xf32, #tpu.memory_space<vmem>> -> memref<1x128x384xf32, #tpu.memory_space<vmem>>
    %dma_wait3A_468 = tpu.memref_squeeze %dma_wait3A_467 : memref<1x128x384xf32, #tpu.memory_space<vmem>> -> memref<128x384xf32, #tpu.memory_space<vmem>>
    %dma_wait3A_469 = arith.constant 0 : i32
    %dma_wait3A_470 = tpu.memref_slice %arg5[%dma_wait3A_463, %dma_wait3A_469] : memref<2x128xi32, #tpu.memory_space<vmem>> -> memref<1x128xi32, #tpu.memory_space<vmem>>
    %dma_wait3A_471 = tpu.memref_squeeze %dma_wait3A_470 : memref<1x128xi32, #tpu.memory_space<vmem>> -> memref<128xi32, #tpu.memory_space<vmem>>
    %dma_wait3A_472 = arith.constant 0 : i32
    %dma_wait3A_473 = arith.constant 0 : i32
    %dma_wait3A_474 = tpu.memref_slice %arg2[%dma_wait3A_472, %dma_wait3A_473] : memref<2048x384xf32, #tpu.memory_space<hbm>> -> memref<2048x384xf32, #tpu.memory_space<hbm>>
    tpu.wait_indirect_dma semaphore(%arg9 : memref<!tpu.dma_semaphore, #tpu.memory_space<semaphore_mem>>) src(%dma_wait3A_474 : memref<2048x384xf32, #tpu.memory_space<hbm>>) dst(%dma_wait3A_468 : memref<128x384xf32, #tpu.memory_space<vmem>>)
    %add3A_475 = arith.constant 768 : i32
    %add3A_476 = arith.addi %mul3A_2, %add3A_475 : i32
    %dma_start3A_477 = arith.constant 0 : i32
    %dma_start3A_478 = arith.constant 0 : i32
    %dma_start3A_479 = arith.constant 0 : i32
    %dma_start3A_480 = tpu.memref_slice %arg6[%dma_start3A_477, %dma_start3A_478, %dma_start3A_479] : memref<2x128x384xf32, #tpu.memory_space<vmem>> -> memref<1x128x384xf32, #tpu.memory_space<vmem>>
    %dma_start3A_481 = tpu.memref_squeeze %dma_start3A_480 : memref<1x128x384xf32, #tpu.memory_space<vmem>> -> memref<128x384xf32, #tpu.memory_space<vmem>>
    %dma_start3A_482 = arith.constant 0 : i32
    %dma_start3A_483 = tpu.memref_slice %arg4[%add3A_476, %dma_start3A_482] : memref<32768x384xf32, #tpu.memory_space<hbm>> -> memref<128x384xf32, #tpu.memory_space<hbm>>
    %dma_start3A_484 = arith.constant 0 : i32
    %dma_start3A_485 = tpu.memref_slice %arg4[%add3A_476, %dma_start3A_484] : memref<32768x384xf32, #tpu.memory_space<hbm>> -> memref<128x384xf32, #tpu.memory_space<hbm>>
    %dma_start3A_486 = arith.constant 0 : i32
    %dma_start3A_487 = arith.constant 0 : i32
    %dma_start3A_488 = tpu.memref_slice %arg6[%dma_start3A_477, %dma_start3A_486, %dma_start3A_487] : memref<2x128x384xf32, #tpu.memory_space<vmem>> -> memref<1x128x384xf32, #tpu.memory_space<vmem>>
    %dma_start3A_489 = tpu.memref_squeeze %dma_start3A_488 : memref<1x128x384xf32, #tpu.memory_space<vmem>> -> memref<128x384xf32, #tpu.memory_space<vmem>>
    tpu.enqueue_dma source(%dma_start3A_489 : memref<128x384xf32, #tpu.memory_space<vmem>>) target(%dma_start3A_485 : memref<128x384xf32, #tpu.memory_space<hbm>>) target_semaphore(%arg11 : memref<!tpu.dma_semaphore, #tpu.memory_space<semaphore_mem>>)
    %dma_wait3A_490 = arith.constant 1 : i32
    %dma_wait3A_491 = arith.constant 0 : i32
    %dma_wait3A_492 = arith.constant 0 : i32
    %dma_wait3A_493 = tpu.memref_slice %arg6[%dma_wait3A_490, %dma_wait3A_491, %dma_wait3A_492] : memref<2x128x384xf32, #tpu.memory_space<vmem>> -> memref<1x128x384xf32, #tpu.memory_space<vmem>>
    %dma_wait3A_494 = tpu.memref_squeeze %dma_wait3A_493 : memref<1x128x384xf32, #tpu.memory_space<vmem>> -> memref<128x384xf32, #tpu.memory_space<vmem>>
    %dma_wait3A_495 = arith.constant 0 : i32
    %dma_wait3A_496 = tpu.memref_slice %arg4[%add3A_404, %dma_wait3A_495] : memref<32768x384xf32, #tpu.memory_space<hbm>> -> memref<128x384xf32, #tpu.memory_space<hbm>>
    %dma_wait3A_497 = arith.constant 0 : i32
    %dma_wait3A_498 = tpu.memref_slice %arg4[%add3A_404, %dma_wait3A_497] : memref<32768x384xf32, #tpu.memory_space<hbm>> -> memref<128x384xf32, #tpu.memory_space<hbm>>
    %dma_wait3A_499 = arith.constant 0 : i32
    %dma_wait3A_500 = arith.constant 0 : i32
    %dma_wait3A_501 = tpu.memref_slice %arg6[%dma_wait3A_490, %dma_wait3A_499, %dma_wait3A_500] : memref<2x128x384xf32, #tpu.memory_space<vmem>> -> memref<1x128x384xf32, #tpu.memory_space<vmem>>
    %dma_wait3A_502 = tpu.memref_squeeze %dma_wait3A_501 : memref<1x128x384xf32, #tpu.memory_space<vmem>> -> memref<128x384xf32, #tpu.memory_space<vmem>>
    tpu.wait_dma2 semaphore(%arg12 : memref<!tpu.dma_semaphore, #tpu.memory_space<semaphore_mem>>) src(%dma_wait3A_502 : memref<128x384xf32, #tpu.memory_space<vmem>>) dst(%dma_wait3A_498 : memref<128x384xf32, #tpu.memory_space<hbm>>)
    %dma_wait3A_503 = arith.constant 1 : i32
    %dma_wait3A_504 = arith.constant 0 : i32
    %dma_wait3A_505 = tpu.memref_slice %arg5[%dma_wait3A_503, %dma_wait3A_504] : memref<2x128xi32, #tpu.memory_space<vmem>> -> memref<1x128xi32, #tpu.memory_space<vmem>>
    %dma_wait3A_506 = tpu.memref_squeeze %dma_wait3A_505 : memref<1x128xi32, #tpu.memory_space<vmem>> -> memref<128xi32, #tpu.memory_space<vmem>>
    %dma_wait3A_507 = tpu.memref_slice %arg3[%add3A_453] : memref<32768xi32, #tpu.memory_space<hbm>> -> memref<128xi32, #tpu.memory_space<hbm>>
    %dma_wait3A_508 = arith.constant 0 : i32
    %dma_wait3A_509 = tpu.memref_slice %arg5[%dma_wait3A_503, %dma_wait3A_508] : memref<2x128xi32, #tpu.memory_space<vmem>> -> memref<1x128xi32, #tpu.memory_space<vmem>>
    %dma_wait3A_510 = tpu.memref_squeeze %dma_wait3A_509 : memref<1x128xi32, #tpu.memory_space<vmem>> -> memref<128xi32, #tpu.memory_space<vmem>>
    %dma_wait3A_511 = tpu.memref_slice %arg3[%add3A_453] : memref<32768xi32, #tpu.memory_space<hbm>> -> memref<128xi32, #tpu.memory_space<hbm>>
    tpu.wait_dma2 semaphore(%arg8 : memref<!tpu.dma_semaphore, #tpu.memory_space<semaphore_mem>>) src(%dma_wait3A_511 : memref<128xi32, #tpu.memory_space<hbm>>) dst(%dma_wait3A_510 : memref<128xi32, #tpu.memory_space<vmem>>)
    %dma_start3A_512 = arith.constant 1 : i32
    %dma_start3A_513 = arith.constant 1 : i32
    %dma_start3A_514 = arith.constant 0 : i32
    %dma_start3A_515 = arith.constant 0 : i32
    %dma_start3A_516 = tpu.memref_slice %arg6[%dma_start3A_513, %dma_start3A_514, %dma_start3A_515] : memref<2x128x384xf32, #tpu.memory_space<vmem>> -> memref<1x128x384xf32, #tpu.memory_space<vmem>>
    %dma_start3A_517 = tpu.memref_squeeze %dma_start3A_516 : memref<1x128x384xf32, #tpu.memory_space<vmem>> -> memref<128x384xf32, #tpu.memory_space<vmem>>
    %dma_start3A_518 = arith.constant 0 : i32
    %dma_start3A_519 = tpu.memref_slice %arg5[%dma_start3A_512, %dma_start3A_518] : memref<2x128xi32, #tpu.memory_space<vmem>> -> memref<1x128xi32, #tpu.memory_space<vmem>>
    %dma_start3A_520 = tpu.memref_squeeze %dma_start3A_519 : memref<1x128xi32, #tpu.memory_space<vmem>> -> memref<128xi32, #tpu.memory_space<vmem>>
    %dma_start3A_521 = arith.constant 0 : i32
    %dma_start3A_522 = arith.constant 0 : i32
    %dma_start3A_523 = tpu.memref_slice %arg2[%dma_start3A_521, %dma_start3A_522] : memref<2048x384xf32, #tpu.memory_space<hbm>> -> memref<2048x384xf32, #tpu.memory_space<hbm>>
    tpu.enqueue_indirect_dma source(%dma_start3A_523 : memref<2048x384xf32, #tpu.memory_space<hbm>>) target(%dma_start3A_517 : memref<128x384xf32, #tpu.memory_space<vmem>>) offsets(%dma_start3A_520 : memref<128xi32, #tpu.memory_space<vmem>>) semaphore(%arg10 : memref<!tpu.dma_semaphore, #tpu.memory_space<semaphore_mem>>)
    %dma_wait3A_524 = arith.constant 1 : i32
    %dma_wait3A_525 = arith.constant 1 : i32
    %dma_wait3A_526 = arith.constant 0 : i32
    %dma_wait3A_527 = arith.constant 0 : i32
    %dma_wait3A_528 = tpu.memref_slice %arg6[%dma_wait3A_525, %dma_wait3A_526, %dma_wait3A_527] : memref<2x128x384xf32, #tpu.memory_space<vmem>> -> memref<1x128x384xf32, #tpu.memory_space<vmem>>
    %dma_wait3A_529 = tpu.memref_squeeze %dma_wait3A_528 : memref<1x128x384xf32, #tpu.memory_space<vmem>> -> memref<128x384xf32, #tpu.memory_space<vmem>>
    %dma_wait3A_530 = arith.constant 0 : i32
    %dma_wait3A_531 = tpu.memref_slice %arg5[%dma_wait3A_524, %dma_wait3A_530] : memref<2x128xi32, #tpu.memory_space<vmem>> -> memref<1x128xi32, #tpu.memory_space<vmem>>
    %dma_wait3A_532 = tpu.memref_squeeze %dma_wait3A_531 : memref<1x128xi32, #tpu.memory_space<vmem>> -> memref<128xi32, #tpu.memory_space<vmem>>
    %dma_wait3A_533 = arith.constant 0 : i32
    %dma_wait3A_534 = arith.constant 0 : i32
    %dma_wait3A_535 = tpu.memref_slice %arg2[%dma_wait3A_533, %dma_wait3A_534] : memref<2048x384xf32, #tpu.memory_space<hbm>> -> memref<2048x384xf32, #tpu.memory_space<hbm>>
    tpu.wait_indirect_dma semaphore(%arg10 : memref<!tpu.dma_semaphore, #tpu.memory_space<semaphore_mem>>) src(%dma_wait3A_535 : memref<2048x384xf32, #tpu.memory_space<hbm>>) dst(%dma_wait3A_529 : memref<128x384xf32, #tpu.memory_space<vmem>>)
    %add3A_536 = arith.constant 896 : i32
    %add3A_537 = arith.addi %mul3A_2, %add3A_536 : i32
    %dma_start3A_538 = arith.constant 1 : i32
    %dma_start3A_539 = arith.constant 0 : i32
    %dma_start3A_540 = arith.constant 0 : i32
    %dma_start3A_541 = tpu.memref_slice %arg6[%dma_start3A_538, %dma_start3A_539, %dma_start3A_540] : memref<2x128x384xf32, #tpu.memory_space<vmem>> -> memref<1x128x384xf32, #tpu.memory_space<vmem>>
    %dma_start3A_542 = tpu.memref_squeeze %dma_start3A_541 : memref<1x128x384xf32, #tpu.memory_space<vmem>> -> memref<128x384xf32, #tpu.memory_space<vmem>>
    %dma_start3A_543 = arith.constant 0 : i32
    %dma_start3A_544 = tpu.memref_slice %arg4[%add3A_537, %dma_start3A_543] : memref<32768x384xf32, #tpu.memory_space<hbm>> -> memref<128x384xf32, #tpu.memory_space<hbm>>
    %dma_start3A_545 = arith.constant 0 : i32
    %dma_start3A_546 = tpu.memref_slice %arg4[%add3A_537, %dma_start3A_545] : memref<32768x384xf32, #tpu.memory_space<hbm>> -> memref<128x384xf32, #tpu.memory_space<hbm>>
    %dma_start3A_547 = arith.constant 0 : i32
    %dma_start3A_548 = arith.constant 0 : i32
    %dma_start3A_549 = tpu.memref_slice %arg6[%dma_start3A_538, %dma_start3A_547, %dma_start3A_548] : memref<2x128x384xf32, #tpu.memory_space<vmem>> -> memref<1x128x384xf32, #tpu.memory_space<vmem>>
    %dma_start3A_550 = tpu.memref_squeeze %dma_start3A_549 : memref<1x128x384xf32, #tpu.memory_space<vmem>> -> memref<128x384xf32, #tpu.memory_space<vmem>>
    tpu.enqueue_dma source(%dma_start3A_550 : memref<128x384xf32, #tpu.memory_space<vmem>>) target(%dma_start3A_546 : memref<128x384xf32, #tpu.memory_space<hbm>>) target_semaphore(%arg12 : memref<!tpu.dma_semaphore, #tpu.memory_space<semaphore_mem>>)
    %dma_wait3A_551 = arith.constant 0 : i32
    %dma_wait3A_552 = arith.constant 0 : i32
    %dma_wait3A_553 = arith.constant 0 : i32
    %dma_wait3A_554 = tpu.memref_slice %arg6[%dma_wait3A_551, %dma_wait3A_552, %dma_wait3A_553] : memref<2x128x384xf32, #tpu.memory_space<vmem>> -> memref<1x128x384xf32, #tpu.memory_space<vmem>>
    %dma_wait3A_555 = tpu.memref_squeeze %dma_wait3A_554 : memref<1x128x384xf32, #tpu.memory_space<vmem>> -> memref<128x384xf32, #tpu.memory_space<vmem>>
    %dma_wait3A_556 = arith.constant 0 : i32
    %dma_wait3A_557 = tpu.memref_slice %arg4[%add3A_476, %dma_wait3A_556] : memref<32768x384xf32, #tpu.memory_space<hbm>> -> memref<128x384xf32, #tpu.memory_space<hbm>>
    %dma_wait3A_558 = arith.constant 0 : i32
    %dma_wait3A_559 = tpu.memref_slice %arg4[%add3A_476, %dma_wait3A_558] : memref<32768x384xf32, #tpu.memory_space<hbm>> -> memref<128x384xf32, #tpu.memory_space<hbm>>
    %dma_wait3A_560 = arith.constant 0 : i32
    %dma_wait3A_561 = arith.constant 0 : i32
    %dma_wait3A_562 = tpu.memref_slice %arg6[%dma_wait3A_551, %dma_wait3A_560, %dma_wait3A_561] : memref<2x128x384xf32, #tpu.memory_space<vmem>> -> memref<1x128x384xf32, #tpu.memory_space<vmem>>
    %dma_wait3A_563 = tpu.memref_squeeze %dma_wait3A_562 : memref<1x128x384xf32, #tpu.memory_space<vmem>> -> memref<128x384xf32, #tpu.memory_space<vmem>>
    tpu.wait_dma2 semaphore(%arg11 : memref<!tpu.dma_semaphore, #tpu.memory_space<semaphore_mem>>) src(%dma_wait3A_563 : memref<128x384xf32, #tpu.memory_space<vmem>>) dst(%dma_wait3A_559 : memref<128x384xf32, #tpu.memory_space<hbm>>)
    %dma_wait3A_564 = arith.constant 1 : i32
    %dma_wait3A_565 = arith.constant 0 : i32
    %dma_wait3A_566 = arith.constant 0 : i32
    %dma_wait3A_567 = tpu.memref_slice %arg6[%dma_wait3A_564, %dma_wait3A_565, %dma_wait3A_566] : memref<2x128x384xf32, #tpu.memory_space<vmem>> -> memref<1x128x384xf32, #tpu.memory_space<vmem>>
    %dma_wait3A_568 = tpu.memref_squeeze %dma_wait3A_567 : memref<1x128x384xf32, #tpu.memory_space<vmem>> -> memref<128x384xf32, #tpu.memory_space<vmem>>
    %dma_wait3A_569 = arith.constant 0 : i32
    %dma_wait3A_570 = tpu.memref_slice %arg4[%add3A_537, %dma_wait3A_569] : memref<32768x384xf32, #tpu.memory_space<hbm>> -> memref<128x384xf32, #tpu.memory_space<hbm>>
    %dma_wait3A_571 = arith.constant 0 : i32
    %dma_wait3A_572 = tpu.memref_slice %arg4[%add3A_537, %dma_wait3A_571] : memref<32768x384xf32, #tpu.memory_space<hbm>> -> memref<128x384xf32, #tpu.memory_space<hbm>>
    %dma_wait3A_573 = arith.constant 0 : i32
    %dma_wait3A_574 = arith.constant 0 : i32
    %dma_wait3A_575 = tpu.memref_slice %arg6[%dma_wait3A_564, %dma_wait3A_573, %dma_wait3A_574] : memref<2x128x384xf32, #tpu.memory_space<vmem>> -> memref<1x128x384xf32, #tpu.memory_space<vmem>>
    %dma_wait3A_576 = tpu.memref_squeeze %dma_wait3A_575 : memref<1x128x384xf32, #tpu.memory_space<vmem>> -> memref<128x384xf32, #tpu.memory_space<vmem>>
    tpu.wait_dma2 semaphore(%arg12 : memref<!tpu.dma_semaphore, #tpu.memory_space<semaphore_mem>>) src(%dma_wait3A_576 : memref<128x384xf32, #tpu.memory_space<vmem>>) dst(%dma_wait3A_572 : memref<128x384xf32, #tpu.memory_space<hbm>>)
    return
  }
}

#map = affine_map<(d0, d1) -> (0, 0)>
#map1 = affine_map<(d0, d1) -> (0)>
module attributes {stable_mosaic.version = 14 : i64} {
  func.func @gather_kernel(%arg0: i32, %arg1: i32, %arg2: memref<2048x384xf32, #tpu.memory_space<hbm>>, %arg3: memref<32768xi32, #tpu.memory_space<hbm>>, %arg4: memref<32768x384xf32, #tpu.memory_space<hbm>>, %arg5: memref<2x128xi32, #tpu.memory_space<vmem>>, %arg6: memref<2x128x384xf32, #tpu.memory_space<vmem>>, %arg7: memref<!tpu.dma_semaphore, #tpu.memory_space<semaphore_mem>>, %arg8: memref<!tpu.dma_semaphore, #tpu.memory_space<semaphore_mem>>, %arg9: memref<!tpu.dma_semaphore, #tpu.memory_space<semaphore_mem>>, %arg10: memref<!tpu.dma_semaphore, #tpu.memory_space<semaphore_mem>>, %arg11: memref<!tpu.dma_semaphore, #tpu.memory_space<semaphore_mem>>, %arg12: memref<!tpu.dma_semaphore, #tpu.memory_space<semaphore_mem>>) attributes {dimension_semantics = [#tpu.dimension_semantics<core_parallel>, #tpu.dimension_semantics<subcore_parallel>], iteration_bounds = array<i64: 2, 16>, scalar_prefetch = 0 : i64, scratch_operands = 8 : i64, tpu.core_type = #tpu.core_type<sc_vector_subcore>, window_params = [{transform_indices = #map}, {transform_indices = #map1}, {transform_indices = #map}]} {
    %mul3A = arith.constant 2 : i32
    %mul3A_0 = arith.muli %arg1, %mul3A : i32
    %add3A = arith.addi %mul3A_0, %arg0 : i32
    %mul3A_1 = arith.constant 1024 : i32
    %mul3A_2 = arith.muli %add3A, %mul3A_1 : i32
    %add3A_3 = arith.constant 0 : i32
    %add3A_4 = arith.addi %mul3A_2, %add3A_3 : i32
    %dma_start3A = arith.constant 0 : i32
    %dma_start3A_5 = arith.constant 0 : i32
    %dma_start3A_6 = tpu.memref_slice %arg5[%dma_start3A, %dma_start3A_5] : memref<2x128xi32, #tpu.memory_space<vmem>> -> memref<1x128xi32, #tpu.memory_space<vmem>>
    %dma_start3A_7 = tpu.memref_squeeze %dma_start3A_6 : memref<1x128xi32, #tpu.memory_space<vmem>> -> memref<128xi32, #tpu.memory_space<vmem>>
    %dma_start3A_8 = tpu.memref_slice %arg3[%add3A_4] : memref<32768xi32, #tpu.memory_space<hbm>> -> memref<128xi32, #tpu.memory_space<hbm>>
    %dma_start3A_9 = arith.constant 0 : i32
    %dma_start3A_10 = tpu.memref_slice %arg5[%dma_start3A, %dma_start3A_9] : memref<2x128xi32, #tpu.memory_space<vmem>> -> memref<1x128xi32, #tpu.memory_space<vmem>>
    %dma_start3A_11 = tpu.memref_squeeze %dma_start3A_10 : memref<1x128xi32, #tpu.memory_space<vmem>> -> memref<128xi32, #tpu.memory_space<vmem>>
    %dma_start3A_12 = tpu.memref_slice %arg3[%add3A_4] : memref<32768xi32, #tpu.memory_space<hbm>> -> memref<128xi32, #tpu.memory_space<hbm>>
    tpu.enqueue_dma source(%dma_start3A_12 : memref<128xi32, #tpu.memory_space<hbm>>) target(%dma_start3A_11 : memref<128xi32, #tpu.memory_space<vmem>>) target_semaphore(%arg7 : memref<!tpu.dma_semaphore, #tpu.memory_space<semaphore_mem>>)
    %dma_wait3A = arith.constant 0 : i32
    %dma_wait3A_13 = arith.constant 0 : i32
    %dma_wait3A_14 = tpu.memref_slice %arg5[%dma_wait3A, %dma_wait3A_13] : memref<2x128xi32, #tpu.memory_space<vmem>> -> memref<1x128xi32, #tpu.memory_space<vmem>>
    %dma_wait3A_15 = tpu.memref_squeeze %dma_wait3A_14 : memref<1x128xi32, #tpu.memory_space<vmem>> -> memref<128xi32, #tpu.memory_space<vmem>>
    %dma_wait3A_16 = tpu.memref_slice %arg3[%add3A_4] : memref<32768xi32, #tpu.memory_space<hbm>> -> memref<128xi32, #tpu.memory_space<hbm>>
    %dma_wait3A_17 = arith.constant 0 : i32
    %dma_wait3A_18 = tpu.memref_slice %arg5[%dma_wait3A, %dma_wait3A_17] : memref<2x128xi32, #tpu.memory_space<vmem>> -> memref<1x128xi32, #tpu.memory_space<vmem>>
    %dma_wait3A_19 = tpu.memref_squeeze %dma_wait3A_18 : memref<1x128xi32, #tpu.memory_space<vmem>> -> memref<128xi32, #tpu.memory_space<vmem>>
    %dma_wait3A_20 = tpu.memref_slice %arg3[%add3A_4] : memref<32768xi32, #tpu.memory_space<hbm>> -> memref<128xi32, #tpu.memory_space<hbm>>
    tpu.wait_dma2 semaphore(%arg7 : memref<!tpu.dma_semaphore, #tpu.memory_space<semaphore_mem>>) src(%dma_wait3A_20 : memref<128xi32, #tpu.memory_space<hbm>>) dst(%dma_wait3A_19 : memref<128xi32, #tpu.memory_space<vmem>>)
    %dma_start3A_21 = arith.constant 0 : i32
    %dma_start3A_22 = arith.constant 0 : i32
    %dma_start3A_23 = arith.constant 0 : i32
    %dma_start3A_24 = arith.constant 0 : i32
    %dma_start3A_25 = tpu.memref_slice %arg6[%dma_start3A_22, %dma_start3A_23, %dma_start3A_24] : memref<2x128x384xf32, #tpu.memory_space<vmem>> -> memref<1x128x384xf32, #tpu.memory_space<vmem>>
    %dma_start3A_26 = tpu.memref_squeeze %dma_start3A_25 : memref<1x128x384xf32, #tpu.memory_space<vmem>> -> memref<128x384xf32, #tpu.memory_space<vmem>>
    %dma_start3A_27 = arith.constant 0 : i32
    %dma_start3A_28 = tpu.memref_slice %arg5[%dma_start3A_21, %dma_start3A_27] : memref<2x128xi32, #tpu.memory_space<vmem>> -> memref<1x128xi32, #tpu.memory_space<vmem>>
    %dma_start3A_29 = tpu.memref_squeeze %dma_start3A_28 : memref<1x128xi32, #tpu.memory_space<vmem>> -> memref<128xi32, #tpu.memory_space<vmem>>
    %dma_start3A_30 = arith.constant 0 : i32
    %dma_start3A_31 = arith.constant 0 : i32
    %dma_start3A_32 = tpu.memref_slice %arg2[%dma_start3A_30, %dma_start3A_31] : memref<2048x384xf32, #tpu.memory_space<hbm>> -> memref<2048x384xf32, #tpu.memory_space<hbm>>
    tpu.enqueue_indirect_dma source(%dma_start3A_32 : memref<2048x384xf32, #tpu.memory_space<hbm>>) target(%dma_start3A_26 : memref<128x384xf32, #tpu.memory_space<vmem>>) offsets(%dma_start3A_29 : memref<128xi32, #tpu.memory_space<vmem>>) semaphore(%arg9 : memref<!tpu.dma_semaphore, #tpu.memory_space<semaphore_mem>>)
    %add3A_33 = arith.constant 128 : i32
    %add3A_34 = arith.addi %mul3A_2, %add3A_33 : i32
    %dma_start3A_35 = arith.constant 1 : i32
    %dma_start3A_36 = arith.constant 0 : i32
    %dma_start3A_37 = tpu.memref_slice %arg5[%dma_start3A_35, %dma_start3A_36] : memref<2x128xi32, #tpu.memory_space<vmem>> -> memref<1x128xi32, #tpu.memory_space<vmem>>
    %dma_start3A_38 = tpu.memref_squeeze %dma_start3A_37 : memref<1x128xi32, #tpu.memory_space<vmem>> -> memref<128xi32, #tpu.memory_space<vmem>>
    %dma_start3A_39 = tpu.memref_slice %arg3[%add3A_34] : memref<32768xi32, #tpu.memory_space<hbm>> -> memref<128xi32, #tpu.memory_space<hbm>>
    %dma_start3A_40 = arith.constant 0 : i32
    %dma_start3A_41 = tpu.memref_slice %arg5[%dma_start3A_35, %dma_start3A_40] : memref<2x128xi32, #tpu.memory_space<vmem>> -> memref<1x128xi32, #tpu.memory_space<vmem>>
    %dma_start3A_42 = tpu.memref_squeeze %dma_start3A_41 : memref<1x128xi32, #tpu.memory_space<vmem>> -> memref<128xi32, #tpu.memory_space<vmem>>
    %dma_start3A_43 = tpu.memref_slice %arg3[%add3A_34] : memref<32768xi32, #tpu.memory_space<hbm>> -> memref<128xi32, #tpu.memory_space<hbm>>
    tpu.enqueue_dma source(%dma_start3A_43 : memref<128xi32, #tpu.memory_space<hbm>>) target(%dma_start3A_42 : memref<128xi32, #tpu.memory_space<vmem>>) target_semaphore(%arg8 : memref<!tpu.dma_semaphore, #tpu.memory_space<semaphore_mem>>)
    %dma_wait3A_44 = arith.constant 0 : i32
    %dma_wait3A_45 = arith.constant 0 : i32
    %dma_wait3A_46 = arith.constant 0 : i32
    %dma_wait3A_47 = arith.constant 0 : i32
    %dma_wait3A_48 = tpu.memref_slice %arg6[%dma_wait3A_45, %dma_wait3A_46, %dma_wait3A_47] : memref<2x128x384xf32, #tpu.memory_space<vmem>> -> memref<1x128x384xf32, #tpu.memory_space<vmem>>
    %dma_wait3A_49 = tpu.memref_squeeze %dma_wait3A_48 : memref<1x128x384xf32, #tpu.memory_space<vmem>> -> memref<128x384xf32, #tpu.memory_space<vmem>>
    %dma_wait3A_50 = arith.constant 0 : i32
    %dma_wait3A_51 = tpu.memref_slice %arg5[%dma_wait3A_44, %dma_wait3A_50] : memref<2x128xi32, #tpu.memory_space<vmem>> -> memref<1x128xi32, #tpu.memory_space<vmem>>
    %dma_wait3A_52 = tpu.memref_squeeze %dma_wait3A_51 : memref<1x128xi32, #tpu.memory_space<vmem>> -> memref<128xi32, #tpu.memory_space<vmem>>
    %dma_wait3A_53 = arith.constant 0 : i32
    %dma_wait3A_54 = arith.constant 0 : i32
    %dma_wait3A_55 = tpu.memref_slice %arg2[%dma_wait3A_53, %dma_wait3A_54] : memref<2048x384xf32, #tpu.memory_space<hbm>> -> memref<2048x384xf32, #tpu.memory_space<hbm>>
    tpu.wait_indirect_dma semaphore(%arg9 : memref<!tpu.dma_semaphore, #tpu.memory_space<semaphore_mem>>) src(%dma_wait3A_55 : memref<2048x384xf32, #tpu.memory_space<hbm>>) dst(%dma_wait3A_49 : memref<128x384xf32, #tpu.memory_space<vmem>>)
    %add3A_56 = arith.constant 0 : i32
    %add3A_57 = arith.addi %mul3A_2, %add3A_56 : i32
    %dma_start3A_58 = arith.constant 0 : i32
    %dma_start3A_59 = arith.constant 0 : i32
    %dma_start3A_60 = arith.constant 0 : i32
    %dma_start3A_61 = tpu.memref_slice %arg6[%dma_start3A_58, %dma_start3A_59, %dma_start3A_60] : memref<2x128x384xf32, #tpu.memory_space<vmem>> -> memref<1x128x384xf32, #tpu.memory_space<vmem>>
    %dma_start3A_62 = tpu.memref_squeeze %dma_start3A_61 : memref<1x128x384xf32, #tpu.memory_space<vmem>> -> memref<128x384xf32, #tpu.memory_space<vmem>>
    %dma_start3A_63 = arith.constant 0 : i32
    %dma_start3A_64 = tpu.memref_slice %arg4[%add3A_57, %dma_start3A_63] : memref<32768x384xf32, #tpu.memory_space<hbm>> -> memref<128x384xf32, #tpu.memory_space<hbm>>
    %dma_start3A_65 = arith.constant 0 : i32
    %dma_start3A_66 = tpu.memref_slice %arg4[%add3A_57, %dma_start3A_65] : memref<32768x384xf32, #tpu.memory_space<hbm>> -> memref<128x384xf32, #tpu.memory_space<hbm>>
    %dma_start3A_67 = arith.constant 0 : i32
    %dma_start3A_68 = arith.constant 0 : i32
    %dma_start3A_69 = tpu.memref_slice %arg6[%dma_start3A_58, %dma_start3A_67, %dma_start3A_68] : memref<2x128x384xf32, #tpu.memory_space<vmem>> -> memref<1x128x384xf32, #tpu.memory_space<vmem>>
    %dma_start3A_70 = tpu.memref_squeeze %dma_start3A_69 : memref<1x128x384xf32, #tpu.memory_space<vmem>> -> memref<128x384xf32, #tpu.memory_space<vmem>>
    tpu.enqueue_dma source(%dma_start3A_70 : memref<128x384xf32, #tpu.memory_space<vmem>>) target(%dma_start3A_66 : memref<128x384xf32, #tpu.memory_space<hbm>>) target_semaphore(%arg11 : memref<!tpu.dma_semaphore, #tpu.memory_space<semaphore_mem>>)
    %dma_wait3A_71 = arith.constant 1 : i32
    %dma_wait3A_72 = arith.constant 0 : i32
    %dma_wait3A_73 = tpu.memref_slice %arg5[%dma_wait3A_71, %dma_wait3A_72] : memref<2x128xi32, #tpu.memory_space<vmem>> -> memref<1x128xi32, #tpu.memory_space<vmem>>
    %dma_wait3A_74 = tpu.memref_squeeze %dma_wait3A_73 : memref<1x128xi32, #tpu.memory_space<vmem>> -> memref<128xi32, #tpu.memory_space<vmem>>
    %dma_wait3A_75 = tpu.memref_slice %arg3[%add3A_34] : memref<32768xi32, #tpu.memory_space<hbm>> -> memref<128xi32, #tpu.memory_space<hbm>>
    %dma_wait3A_76 = arith.constant 0 : i32
    %dma_wait3A_77 = tpu.memref_slice %arg5[%dma_wait3A_71, %dma_wait3A_76] : memref<2x128xi32, #tpu.memory_space<vmem>> -> memref<1x128xi32, #tpu.memory_space<vmem>>
    %dma_wait3A_78 = tpu.memref_squeeze %dma_wait3A_77 : memref<1x128xi32, #tpu.memory_space<vmem>> -> memref<128xi32, #tpu.memory_space<vmem>>
    %dma_wait3A_79 = tpu.memref_slice %arg3[%add3A_34] : memref<32768xi32, #tpu.memory_space<hbm>> -> memref<128xi32, #tpu.memory_space<hbm>>
    tpu.wait_dma2 semaphore(%arg8 : memref<!tpu.dma_semaphore, #tpu.memory_space<semaphore_mem>>) src(%dma_wait3A_79 : memref<128xi32, #tpu.memory_space<hbm>>) dst(%dma_wait3A_78 : memref<128xi32, #tpu.memory_space<vmem>>)
    %dma_start3A_80 = arith.constant 1 : i32
    %dma_start3A_81 = arith.constant 1 : i32
    %dma_start3A_82 = arith.constant 0 : i32
    %dma_start3A_83 = arith.constant 0 : i32
    %dma_start3A_84 = tpu.memref_slice %arg6[%dma_start3A_81, %dma_start3A_82, %dma_start3A_83] : memref<2x128x384xf32, #tpu.memory_space<vmem>> -> memref<1x128x384xf32, #tpu.memory_space<vmem>>
    %dma_start3A_85 = tpu.memref_squeeze %dma_start3A_84 : memref<1x128x384xf32, #tpu.memory_space<vmem>> -> memref<128x384xf32, #tpu.memory_space<vmem>>
    %dma_start3A_86 = arith.constant 0 : i32
    %dma_start3A_87 = tpu.memref_slice %arg5[%dma_start3A_80, %dma_start3A_86] : memref<2x128xi32, #tpu.memory_space<vmem>> -> memref<1x128xi32, #tpu.memory_space<vmem>>
    %dma_start3A_88 = tpu.memref_squeeze %dma_start3A_87 : memref<1x128xi32, #tpu.memory_space<vmem>> -> memref<128xi32, #tpu.memory_space<vmem>>
    %dma_start3A_89 = arith.constant 0 : i32
    %dma_start3A_90 = arith.constant 0 : i32
    %dma_start3A_91 = tpu.memref_slice %arg2[%dma_start3A_89, %dma_start3A_90] : memref<2048x384xf32, #tpu.memory_space<hbm>> -> memref<2048x384xf32, #tpu.memory_space<hbm>>
    tpu.enqueue_indirect_dma source(%dma_start3A_91 : memref<2048x384xf32, #tpu.memory_space<hbm>>) target(%dma_start3A_85 : memref<128x384xf32, #tpu.memory_space<vmem>>) offsets(%dma_start3A_88 : memref<128xi32, #tpu.memory_space<vmem>>) semaphore(%arg10 : memref<!tpu.dma_semaphore, #tpu.memory_space<semaphore_mem>>)
    %add3A_92 = arith.constant 256 : i32
    %add3A_93 = arith.addi %mul3A_2, %add3A_92 : i32
    %dma_start3A_94 = arith.constant 0 : i32
    %dma_start3A_95 = arith.constant 0 : i32
    %dma_start3A_96 = tpu.memref_slice %arg5[%dma_start3A_94, %dma_start3A_95] : memref<2x128xi32, #tpu.memory_space<vmem>> -> memref<1x128xi32, #tpu.memory_space<vmem>>
    %dma_start3A_97 = tpu.memref_squeeze %dma_start3A_96 : memref<1x128xi32, #tpu.memory_space<vmem>> -> memref<128xi32, #tpu.memory_space<vmem>>
    %dma_start3A_98 = tpu.memref_slice %arg3[%add3A_93] : memref<32768xi32, #tpu.memory_space<hbm>> -> memref<128xi32, #tpu.memory_space<hbm>>
    %dma_start3A_99 = arith.constant 0 : i32
    %dma_start3A_100 = tpu.memref_slice %arg5[%dma_start3A_94, %dma_start3A_99] : memref<2x128xi32, #tpu.memory_space<vmem>> -> memref<1x128xi32, #tpu.memory_space<vmem>>
    %dma_start3A_101 = tpu.memref_squeeze %dma_start3A_100 : memref<1x128xi32, #tpu.memory_space<vmem>> -> memref<128xi32, #tpu.memory_space<vmem>>
    %dma_start3A_102 = tpu.memref_slice %arg3[%add3A_93] : memref<32768xi32, #tpu.memory_space<hbm>> -> memref<128xi32, #tpu.memory_space<hbm>>
    tpu.enqueue_dma source(%dma_start3A_102 : memref<128xi32, #tpu.memory_space<hbm>>) target(%dma_start3A_101 : memref<128xi32, #tpu.memory_space<vmem>>) target_semaphore(%arg7 : memref<!tpu.dma_semaphore, #tpu.memory_space<semaphore_mem>>)
    %dma_wait3A_103 = arith.constant 1 : i32
    %dma_wait3A_104 = arith.constant 1 : i32
    %dma_wait3A_105 = arith.constant 0 : i32
    %dma_wait3A_106 = arith.constant 0 : i32
    %dma_wait3A_107 = tpu.memref_slice %arg6[%dma_wait3A_104, %dma_wait3A_105, %dma_wait3A_106] : memref<2x128x384xf32, #tpu.memory_space<vmem>> -> memref<1x128x384xf32, #tpu.memory_space<vmem>>
    %dma_wait3A_108 = tpu.memref_squeeze %dma_wait3A_107 : memref<1x128x384xf32, #tpu.memory_space<vmem>> -> memref<128x384xf32, #tpu.memory_space<vmem>>
    %dma_wait3A_109 = arith.constant 0 : i32
    %dma_wait3A_110 = tpu.memref_slice %arg5[%dma_wait3A_103, %dma_wait3A_109] : memref<2x128xi32, #tpu.memory_space<vmem>> -> memref<1x128xi32, #tpu.memory_space<vmem>>
    %dma_wait3A_111 = tpu.memref_squeeze %dma_wait3A_110 : memref<1x128xi32, #tpu.memory_space<vmem>> -> memref<128xi32, #tpu.memory_space<vmem>>
    %dma_wait3A_112 = arith.constant 0 : i32
    %dma_wait3A_113 = arith.constant 0 : i32
    %dma_wait3A_114 = tpu.memref_slice %arg2[%dma_wait3A_112, %dma_wait3A_113] : memref<2048x384xf32, #tpu.memory_space<hbm>> -> memref<2048x384xf32, #tpu.memory_space<hbm>>
    tpu.wait_indirect_dma semaphore(%arg10 : memref<!tpu.dma_semaphore, #tpu.memory_space<semaphore_mem>>) src(%dma_wait3A_114 : memref<2048x384xf32, #tpu.memory_space<hbm>>) dst(%dma_wait3A_108 : memref<128x384xf32, #tpu.memory_space<vmem>>)
    %add3A_115 = arith.constant 128 : i32
    %add3A_116 = arith.addi %mul3A_2, %add3A_115 : i32
    %dma_start3A_117 = arith.constant 1 : i32
    %dma_start3A_118 = arith.constant 0 : i32
    %dma_start3A_119 = arith.constant 0 : i32
    %dma_start3A_120 = tpu.memref_slice %arg6[%dma_start3A_117, %dma_start3A_118, %dma_start3A_119] : memref<2x128x384xf32, #tpu.memory_space<vmem>> -> memref<1x128x384xf32, #tpu.memory_space<vmem>>
    %dma_start3A_121 = tpu.memref_squeeze %dma_start3A_120 : memref<1x128x384xf32, #tpu.memory_space<vmem>> -> memref<128x384xf32, #tpu.memory_space<vmem>>
    %dma_start3A_122 = arith.constant 0 : i32
    %dma_start3A_123 = tpu.memref_slice %arg4[%add3A_116, %dma_start3A_122] : memref<32768x384xf32, #tpu.memory_space<hbm>> -> memref<128x384xf32, #tpu.memory_space<hbm>>
    %dma_start3A_124 = arith.constant 0 : i32
    %dma_start3A_125 = tpu.memref_slice %arg4[%add3A_116, %dma_start3A_124] : memref<32768x384xf32, #tpu.memory_space<hbm>> -> memref<128x384xf32, #tpu.memory_space<hbm>>
    %dma_start3A_126 = arith.constant 0 : i32
    %dma_start3A_127 = arith.constant 0 : i32
    %dma_start3A_128 = tpu.memref_slice %arg6[%dma_start3A_117, %dma_start3A_126, %dma_start3A_127] : memref<2x128x384xf32, #tpu.memory_space<vmem>> -> memref<1x128x384xf32, #tpu.memory_space<vmem>>
    %dma_start3A_129 = tpu.memref_squeeze %dma_start3A_128 : memref<1x128x384xf32, #tpu.memory_space<vmem>> -> memref<128x384xf32, #tpu.memory_space<vmem>>
    tpu.enqueue_dma source(%dma_start3A_129 : memref<128x384xf32, #tpu.memory_space<vmem>>) target(%dma_start3A_125 : memref<128x384xf32, #tpu.memory_space<hbm>>) target_semaphore(%arg12 : memref<!tpu.dma_semaphore, #tpu.memory_space<semaphore_mem>>)
    %dma_wait3A_130 = arith.constant 0 : i32
    %dma_wait3A_131 = arith.constant 0 : i32
    %dma_wait3A_132 = arith.constant 0 : i32
    %dma_wait3A_133 = tpu.memref_slice %arg6[%dma_wait3A_130, %dma_wait3A_131, %dma_wait3A_132] : memref<2x128x384xf32, #tpu.memory_space<vmem>> -> memref<1x128x384xf32, #tpu.memory_space<vmem>>
    %dma_wait3A_134 = tpu.memref_squeeze %dma_wait3A_133 : memref<1x128x384xf32, #tpu.memory_space<vmem>> -> memref<128x384xf32, #tpu.memory_space<vmem>>
    %dma_wait3A_135 = arith.constant 0 : i32
    %dma_wait3A_136 = tpu.memref_slice %arg4[%add3A_57, %dma_wait3A_135] : memref<32768x384xf32, #tpu.memory_space<hbm>> -> memref<128x384xf32, #tpu.memory_space<hbm>>
    %dma_wait3A_137 = arith.constant 0 : i32
    %dma_wait3A_138 = tpu.memref_slice %arg4[%add3A_57, %dma_wait3A_137] : memref<32768x384xf32, #tpu.memory_space<hbm>> -> memref<128x384xf32, #tpu.memory_space<hbm>>
    %dma_wait3A_139 = arith.constant 0 : i32
    %dma_wait3A_140 = arith.constant 0 : i32
    %dma_wait3A_141 = tpu.memref_slice %arg6[%dma_wait3A_130, %dma_wait3A_139, %dma_wait3A_140] : memref<2x128x384xf32, #tpu.memory_space<vmem>> -> memref<1x128x384xf32, #tpu.memory_space<vmem>>
    %dma_wait3A_142 = tpu.memref_squeeze %dma_wait3A_141 : memref<1x128x384xf32, #tpu.memory_space<vmem>> -> memref<128x384xf32, #tpu.memory_space<vmem>>
    tpu.wait_dma2 semaphore(%arg11 : memref<!tpu.dma_semaphore, #tpu.memory_space<semaphore_mem>>) src(%dma_wait3A_142 : memref<128x384xf32, #tpu.memory_space<vmem>>) dst(%dma_wait3A_138 : memref<128x384xf32, #tpu.memory_space<hbm>>)
    %dma_wait3A_143 = arith.constant 0 : i32
    %dma_wait3A_144 = arith.constant 0 : i32
    %dma_wait3A_145 = tpu.memref_slice %arg5[%dma_wait3A_143, %dma_wait3A_144] : memref<2x128xi32, #tpu.memory_space<vmem>> -> memref<1x128xi32, #tpu.memory_space<vmem>>
    %dma_wait3A_146 = tpu.memref_squeeze %dma_wait3A_145 : memref<1x128xi32, #tpu.memory_space<vmem>> -> memref<128xi32, #tpu.memory_space<vmem>>
    %dma_wait3A_147 = tpu.memref_slice %arg3[%add3A_93] : memref<32768xi32, #tpu.memory_space<hbm>> -> memref<128xi32, #tpu.memory_space<hbm>>
    %dma_wait3A_148 = arith.constant 0 : i32
    %dma_wait3A_149 = tpu.memref_slice %arg5[%dma_wait3A_143, %dma_wait3A_148] : memref<2x128xi32, #tpu.memory_space<vmem>> -> memref<1x128xi32, #tpu.memory_space<vmem>>
    %dma_wait3A_150 = tpu.memref_squeeze %dma_wait3A_149 : memref<1x128xi32, #tpu.memory_space<vmem>> -> memref<128xi32, #tpu.memory_space<vmem>>
    %dma_wait3A_151 = tpu.memref_slice %arg3[%add3A_93] : memref<32768xi32, #tpu.memory_space<hbm>> -> memref<128xi32, #tpu.memory_space<hbm>>
    tpu.wait_dma2 semaphore(%arg7 : memref<!tpu.dma_semaphore, #tpu.memory_space<semaphore_mem>>) src(%dma_wait3A_151 : memref<128xi32, #tpu.memory_space<hbm>>) dst(%dma_wait3A_150 : memref<128xi32, #tpu.memory_space<vmem>>)
    %dma_start3A_152 = arith.constant 0 : i32
    %dma_start3A_153 = arith.constant 0 : i32
    %dma_start3A_154 = arith.constant 0 : i32
    %dma_start3A_155 = arith.constant 0 : i32
    %dma_start3A_156 = tpu.memref_slice %arg6[%dma_start3A_153, %dma_start3A_154, %dma_start3A_155] : memref<2x128x384xf32, #tpu.memory_space<vmem>> -> memref<1x128x384xf32, #tpu.memory_space<vmem>>
    %dma_start3A_157 = tpu.memref_squeeze %dma_start3A_156 : memref<1x128x384xf32, #tpu.memory_space<vmem>> -> memref<128x384xf32, #tpu.memory_space<vmem>>
    %dma_start3A_158 = arith.constant 0 : i32
    %dma_start3A_159 = tpu.memref_slice %arg5[%dma_start3A_152, %dma_start3A_158] : memref<2x128xi32, #tpu.memory_space<vmem>> -> memref<1x128xi32, #tpu.memory_space<vmem>>
    %dma_start3A_160 = tpu.memref_squeeze %dma_start3A_159 : memref<1x128xi32, #tpu.memory_space<vmem>> -> memref<128xi32, #tpu.memory_space<vmem>>
    %dma_start3A_161 = arith.constant 0 : i32
    %dma_start3A_162 = arith.constant 0 : i32
    %dma_start3A_163 = tpu.memref_slice %arg2[%dma_start3A_161, %dma_start3A_162] : memref<2048x384xf32, #tpu.memory_space<hbm>> -> memref<2048x384xf32, #tpu.memory_space<hbm>>
    tpu.enqueue_indirect_dma source(%dma_start3A_163 : memref<2048x384xf32, #tpu.memory_space<hbm>>) target(%dma_start3A_157 : memref<128x384xf32, #tpu.memory_space<vmem>>) offsets(%dma_start3A_160 : memref<128xi32, #tpu.memory_space<vmem>>) semaphore(%arg9 : memref<!tpu.dma_semaphore, #tpu.memory_space<semaphore_mem>>)
    %add3A_164 = arith.constant 384 : i32
    %add3A_165 = arith.addi %mul3A_2, %add3A_164 : i32
    %dma_start3A_166 = arith.constant 1 : i32
    %dma_start3A_167 = arith.constant 0 : i32
    %dma_start3A_168 = tpu.memref_slice %arg5[%dma_start3A_166, %dma_start3A_167] : memref<2x128xi32, #tpu.memory_space<vmem>> -> memref<1x128xi32, #tpu.memory_space<vmem>>
    %dma_start3A_169 = tpu.memref_squeeze %dma_start3A_168 : memref<1x128xi32, #tpu.memory_space<vmem>> -> memref<128xi32, #tpu.memory_space<vmem>>
    %dma_start3A_170 = tpu.memref_slice %arg3[%add3A_165] : memref<32768xi32, #tpu.memory_space<hbm>> -> memref<128xi32, #tpu.memory_space<hbm>>
    %dma_start3A_171 = arith.constant 0 : i32
    %dma_start3A_172 = tpu.memref_slice %arg5[%dma_start3A_166, %dma_start3A_171] : memref<2x128xi32, #tpu.memory_space<vmem>> -> memref<1x128xi32, #tpu.memory_space<vmem>>
    %dma_start3A_173 = tpu.memref_squeeze %dma_start3A_172 : memref<1x128xi32, #tpu.memory_space<vmem>> -> memref<128xi32, #tpu.memory_space<vmem>>
    %dma_start3A_174 = tpu.memref_slice %arg3[%add3A_165] : memref<32768xi32, #tpu.memory_space<hbm>> -> memref<128xi32, #tpu.memory_space<hbm>>
    tpu.enqueue_dma source(%dma_start3A_174 : memref<128xi32, #tpu.memory_space<hbm>>) target(%dma_start3A_173 : memref<128xi32, #tpu.memory_space<vmem>>) target_semaphore(%arg8 : memref<!tpu.dma_semaphore, #tpu.memory_space<semaphore_mem>>)
    %dma_wait3A_175 = arith.constant 0 : i32
    %dma_wait3A_176 = arith.constant 0 : i32
    %dma_wait3A_177 = arith.constant 0 : i32
    %dma_wait3A_178 = arith.constant 0 : i32
    %dma_wait3A_179 = tpu.memref_slice %arg6[%dma_wait3A_176, %dma_wait3A_177, %dma_wait3A_178] : memref<2x128x384xf32, #tpu.memory_space<vmem>> -> memref<1x128x384xf32, #tpu.memory_space<vmem>>
    %dma_wait3A_180 = tpu.memref_squeeze %dma_wait3A_179 : memref<1x128x384xf32, #tpu.memory_space<vmem>> -> memref<128x384xf32, #tpu.memory_space<vmem>>
    %dma_wait3A_181 = arith.constant 0 : i32
    %dma_wait3A_182 = tpu.memref_slice %arg5[%dma_wait3A_175, %dma_wait3A_181] : memref<2x128xi32, #tpu.memory_space<vmem>> -> memref<1x128xi32, #tpu.memory_space<vmem>>
    %dma_wait3A_183 = tpu.memref_squeeze %dma_wait3A_182 : memref<1x128xi32, #tpu.memory_space<vmem>> -> memref<128xi32, #tpu.memory_space<vmem>>
    %dma_wait3A_184 = arith.constant 0 : i32
    %dma_wait3A_185 = arith.constant 0 : i32
    %dma_wait3A_186 = tpu.memref_slice %arg2[%dma_wait3A_184, %dma_wait3A_185] : memref<2048x384xf32, #tpu.memory_space<hbm>> -> memref<2048x384xf32, #tpu.memory_space<hbm>>
    tpu.wait_indirect_dma semaphore(%arg9 : memref<!tpu.dma_semaphore, #tpu.memory_space<semaphore_mem>>) src(%dma_wait3A_186 : memref<2048x384xf32, #tpu.memory_space<hbm>>) dst(%dma_wait3A_180 : memref<128x384xf32, #tpu.memory_space<vmem>>)
    %add3A_187 = arith.constant 256 : i32
    %add3A_188 = arith.addi %mul3A_2, %add3A_187 : i32
    %dma_start3A_189 = arith.constant 0 : i32
    %dma_start3A_190 = arith.constant 0 : i32
    %dma_start3A_191 = arith.constant 0 : i32
    %dma_start3A_192 = tpu.memref_slice %arg6[%dma_start3A_189, %dma_start3A_190, %dma_start3A_191] : memref<2x128x384xf32, #tpu.memory_space<vmem>> -> memref<1x128x384xf32, #tpu.memory_space<vmem>>
    %dma_start3A_193 = tpu.memref_squeeze %dma_start3A_192 : memref<1x128x384xf32, #tpu.memory_space<vmem>> -> memref<128x384xf32, #tpu.memory_space<vmem>>
    %dma_start3A_194 = arith.constant 0 : i32
    %dma_start3A_195 = tpu.memref_slice %arg4[%add3A_188, %dma_start3A_194] : memref<32768x384xf32, #tpu.memory_space<hbm>> -> memref<128x384xf32, #tpu.memory_space<hbm>>
    %dma_start3A_196 = arith.constant 0 : i32
    %dma_start3A_197 = tpu.memref_slice %arg4[%add3A_188, %dma_start3A_196] : memref<32768x384xf32, #tpu.memory_space<hbm>> -> memref<128x384xf32, #tpu.memory_space<hbm>>
    %dma_start3A_198 = arith.constant 0 : i32
    %dma_start3A_199 = arith.constant 0 : i32
    %dma_start3A_200 = tpu.memref_slice %arg6[%dma_start3A_189, %dma_start3A_198, %dma_start3A_199] : memref<2x128x384xf32, #tpu.memory_space<vmem>> -> memref<1x128x384xf32, #tpu.memory_space<vmem>>
    %dma_start3A_201 = tpu.memref_squeeze %dma_start3A_200 : memref<1x128x384xf32, #tpu.memory_space<vmem>> -> memref<128x384xf32, #tpu.memory_space<vmem>>
    tpu.enqueue_dma source(%dma_start3A_201 : memref<128x384xf32, #tpu.memory_space<vmem>>) target(%dma_start3A_197 : memref<128x384xf32, #tpu.memory_space<hbm>>) target_semaphore(%arg11 : memref<!tpu.dma_semaphore, #tpu.memory_space<semaphore_mem>>)
    %dma_wait3A_202 = arith.constant 1 : i32
    %dma_wait3A_203 = arith.constant 0 : i32
    %dma_wait3A_204 = arith.constant 0 : i32
    %dma_wait3A_205 = tpu.memref_slice %arg6[%dma_wait3A_202, %dma_wait3A_203, %dma_wait3A_204] : memref<2x128x384xf32, #tpu.memory_space<vmem>> -> memref<1x128x384xf32, #tpu.memory_space<vmem>>
    %dma_wait3A_206 = tpu.memref_squeeze %dma_wait3A_205 : memref<1x128x384xf32, #tpu.memory_space<vmem>> -> memref<128x384xf32, #tpu.memory_space<vmem>>
    %dma_wait3A_207 = arith.constant 0 : i32
    %dma_wait3A_208 = tpu.memref_slice %arg4[%add3A_116, %dma_wait3A_207] : memref<32768x384xf32, #tpu.memory_space<hbm>> -> memref<128x384xf32, #tpu.memory_space<hbm>>
    %dma_wait3A_209 = arith.constant 0 : i32
    %dma_wait3A_210 = tpu.memref_slice %arg4[%add3A_116, %dma_wait3A_209] : memref<32768x384xf32, #tpu.memory_space<hbm>> -> memref<128x384xf32, #tpu.memory_space<hbm>>
    %dma_wait3A_211 = arith.constant 0 : i32
    %dma_wait3A_212 = arith.constant 0 : i32
    %dma_wait3A_213 = tpu.memref_slice %arg6[%dma_wait3A_202, %dma_wait3A_211, %dma_wait3A_212] : memref<2x128x384xf32, #tpu.memory_space<vmem>> -> memref<1x128x384xf32, #tpu.memory_space<vmem>>
    %dma_wait3A_214 = tpu.memref_squeeze %dma_wait3A_213 : memref<1x128x384xf32, #tpu.memory_space<vmem>> -> memref<128x384xf32, #tpu.memory_space<vmem>>
    tpu.wait_dma2 semaphore(%arg12 : memref<!tpu.dma_semaphore, #tpu.memory_space<semaphore_mem>>) src(%dma_wait3A_214 : memref<128x384xf32, #tpu.memory_space<vmem>>) dst(%dma_wait3A_210 : memref<128x384xf32, #tpu.memory_space<hbm>>)
    %dma_wait3A_215 = arith.constant 1 : i32
    %dma_wait3A_216 = arith.constant 0 : i32
    %dma_wait3A_217 = tpu.memref_slice %arg5[%dma_wait3A_215, %dma_wait3A_216] : memref<2x128xi32, #tpu.memory_space<vmem>> -> memref<1x128xi32, #tpu.memory_space<vmem>>
    %dma_wait3A_218 = tpu.memref_squeeze %dma_wait3A_217 : memref<1x128xi32, #tpu.memory_space<vmem>> -> memref<128xi32, #tpu.memory_space<vmem>>
    %dma_wait3A_219 = tpu.memref_slice %arg3[%add3A_165] : memref<32768xi32, #tpu.memory_space<hbm>> -> memref<128xi32, #tpu.memory_space<hbm>>
    %dma_wait3A_220 = arith.constant 0 : i32
    %dma_wait3A_221 = tpu.memref_slice %arg5[%dma_wait3A_215, %dma_wait3A_220] : memref<2x128xi32, #tpu.memory_space<vmem>> -> memref<1x128xi32, #tpu.memory_space<vmem>>
    %dma_wait3A_222 = tpu.memref_squeeze %dma_wait3A_221 : memref<1x128xi32, #tpu.memory_space<vmem>> -> memref<128xi32, #tpu.memory_space<vmem>>
    %dma_wait3A_223 = tpu.memref_slice %arg3[%add3A_165] : memref<32768xi32, #tpu.memory_space<hbm>> -> memref<128xi32, #tpu.memory_space<hbm>>
    tpu.wait_dma2 semaphore(%arg8 : memref<!tpu.dma_semaphore, #tpu.memory_space<semaphore_mem>>) src(%dma_wait3A_223 : memref<128xi32, #tpu.memory_space<hbm>>) dst(%dma_wait3A_222 : memref<128xi32, #tpu.memory_space<vmem>>)
    %dma_start3A_224 = arith.constant 1 : i32
    %dma_start3A_225 = arith.constant 1 : i32
    %dma_start3A_226 = arith.constant 0 : i32
    %dma_start3A_227 = arith.constant 0 : i32
    %dma_start3A_228 = tpu.memref_slice %arg6[%dma_start3A_225, %dma_start3A_226, %dma_start3A_227] : memref<2x128x384xf32, #tpu.memory_space<vmem>> -> memref<1x128x384xf32, #tpu.memory_space<vmem>>
    %dma_start3A_229 = tpu.memref_squeeze %dma_start3A_228 : memref<1x128x384xf32, #tpu.memory_space<vmem>> -> memref<128x384xf32, #tpu.memory_space<vmem>>
    %dma_start3A_230 = arith.constant 0 : i32
    %dma_start3A_231 = tpu.memref_slice %arg5[%dma_start3A_224, %dma_start3A_230] : memref<2x128xi32, #tpu.memory_space<vmem>> -> memref<1x128xi32, #tpu.memory_space<vmem>>
    %dma_start3A_232 = tpu.memref_squeeze %dma_start3A_231 : memref<1x128xi32, #tpu.memory_space<vmem>> -> memref<128xi32, #tpu.memory_space<vmem>>
    %dma_start3A_233 = arith.constant 0 : i32
    %dma_start3A_234 = arith.constant 0 : i32
    %dma_start3A_235 = tpu.memref_slice %arg2[%dma_start3A_233, %dma_start3A_234] : memref<2048x384xf32, #tpu.memory_space<hbm>> -> memref<2048x384xf32, #tpu.memory_space<hbm>>
    tpu.enqueue_indirect_dma source(%dma_start3A_235 : memref<2048x384xf32, #tpu.memory_space<hbm>>) target(%dma_start3A_229 : memref<128x384xf32, #tpu.memory_space<vmem>>) offsets(%dma_start3A_232 : memref<128xi32, #tpu.memory_space<vmem>>) semaphore(%arg10 : memref<!tpu.dma_semaphore, #tpu.memory_space<semaphore_mem>>)
    %add3A_236 = arith.constant 512 : i32
    %add3A_237 = arith.addi %mul3A_2, %add3A_236 : i32
    %dma_start3A_238 = arith.constant 0 : i32
    %dma_start3A_239 = arith.constant 0 : i32
    %dma_start3A_240 = tpu.memref_slice %arg5[%dma_start3A_238, %dma_start3A_239] : memref<2x128xi32, #tpu.memory_space<vmem>> -> memref<1x128xi32, #tpu.memory_space<vmem>>
    %dma_start3A_241 = tpu.memref_squeeze %dma_start3A_240 : memref<1x128xi32, #tpu.memory_space<vmem>> -> memref<128xi32, #tpu.memory_space<vmem>>
    %dma_start3A_242 = tpu.memref_slice %arg3[%add3A_237] : memref<32768xi32, #tpu.memory_space<hbm>> -> memref<128xi32, #tpu.memory_space<hbm>>
    %dma_start3A_243 = arith.constant 0 : i32
    %dma_start3A_244 = tpu.memref_slice %arg5[%dma_start3A_238, %dma_start3A_243] : memref<2x128xi32, #tpu.memory_space<vmem>> -> memref<1x128xi32, #tpu.memory_space<vmem>>
    %dma_start3A_245 = tpu.memref_squeeze %dma_start3A_244 : memref<1x128xi32, #tpu.memory_space<vmem>> -> memref<128xi32, #tpu.memory_space<vmem>>
    %dma_start3A_246 = tpu.memref_slice %arg3[%add3A_237] : memref<32768xi32, #tpu.memory_space<hbm>> -> memref<128xi32, #tpu.memory_space<hbm>>
    tpu.enqueue_dma source(%dma_start3A_246 : memref<128xi32, #tpu.memory_space<hbm>>) target(%dma_start3A_245 : memref<128xi32, #tpu.memory_space<vmem>>) target_semaphore(%arg7 : memref<!tpu.dma_semaphore, #tpu.memory_space<semaphore_mem>>)
    %dma_wait3A_247 = arith.constant 1 : i32
    %dma_wait3A_248 = arith.constant 1 : i32
    %dma_wait3A_249 = arith.constant 0 : i32
    %dma_wait3A_250 = arith.constant 0 : i32
    %dma_wait3A_251 = tpu.memref_slice %arg6[%dma_wait3A_248, %dma_wait3A_249, %dma_wait3A_250] : memref<2x128x384xf32, #tpu.memory_space<vmem>> -> memref<1x128x384xf32, #tpu.memory_space<vmem>>
    %dma_wait3A_252 = tpu.memref_squeeze %dma_wait3A_251 : memref<1x128x384xf32, #tpu.memory_space<vmem>> -> memref<128x384xf32, #tpu.memory_space<vmem>>
    %dma_wait3A_253 = arith.constant 0 : i32
    %dma_wait3A_254 = tpu.memref_slice %arg5[%dma_wait3A_247, %dma_wait3A_253] : memref<2x128xi32, #tpu.memory_space<vmem>> -> memref<1x128xi32, #tpu.memory_space<vmem>>
    %dma_wait3A_255 = tpu.memref_squeeze %dma_wait3A_254 : memref<1x128xi32, #tpu.memory_space<vmem>> -> memref<128xi32, #tpu.memory_space<vmem>>
    %dma_wait3A_256 = arith.constant 0 : i32
    %dma_wait3A_257 = arith.constant 0 : i32
    %dma_wait3A_258 = tpu.memref_slice %arg2[%dma_wait3A_256, %dma_wait3A_257] : memref<2048x384xf32, #tpu.memory_space<hbm>> -> memref<2048x384xf32, #tpu.memory_space<hbm>>
    tpu.wait_indirect_dma semaphore(%arg10 : memref<!tpu.dma_semaphore, #tpu.memory_space<semaphore_mem>>) src(%dma_wait3A_258 : memref<2048x384xf32, #tpu.memory_space<hbm>>) dst(%dma_wait3A_252 : memref<128x384xf32, #tpu.memory_space<vmem>>)
    %add3A_259 = arith.constant 384 : i32
    %add3A_260 = arith.addi %mul3A_2, %add3A_259 : i32
    %dma_start3A_261 = arith.constant 1 : i32
    %dma_start3A_262 = arith.constant 0 : i32
    %dma_start3A_263 = arith.constant 0 : i32
    %dma_start3A_264 = tpu.memref_slice %arg6[%dma_start3A_261, %dma_start3A_262, %dma_start3A_263] : memref<2x128x384xf32, #tpu.memory_space<vmem>> -> memref<1x128x384xf32, #tpu.memory_space<vmem>>
    %dma_start3A_265 = tpu.memref_squeeze %dma_start3A_264 : memref<1x128x384xf32, #tpu.memory_space<vmem>> -> memref<128x384xf32, #tpu.memory_space<vmem>>
    %dma_start3A_266 = arith.constant 0 : i32
    %dma_start3A_267 = tpu.memref_slice %arg4[%add3A_260, %dma_start3A_266] : memref<32768x384xf32, #tpu.memory_space<hbm>> -> memref<128x384xf32, #tpu.memory_space<hbm>>
    %dma_start3A_268 = arith.constant 0 : i32
    %dma_start3A_269 = tpu.memref_slice %arg4[%add3A_260, %dma_start3A_268] : memref<32768x384xf32, #tpu.memory_space<hbm>> -> memref<128x384xf32, #tpu.memory_space<hbm>>
    %dma_start3A_270 = arith.constant 0 : i32
    %dma_start3A_271 = arith.constant 0 : i32
    %dma_start3A_272 = tpu.memref_slice %arg6[%dma_start3A_261, %dma_start3A_270, %dma_start3A_271] : memref<2x128x384xf32, #tpu.memory_space<vmem>> -> memref<1x128x384xf32, #tpu.memory_space<vmem>>
    %dma_start3A_273 = tpu.memref_squeeze %dma_start3A_272 : memref<1x128x384xf32, #tpu.memory_space<vmem>> -> memref<128x384xf32, #tpu.memory_space<vmem>>
    tpu.enqueue_dma source(%dma_start3A_273 : memref<128x384xf32, #tpu.memory_space<vmem>>) target(%dma_start3A_269 : memref<128x384xf32, #tpu.memory_space<hbm>>) target_semaphore(%arg12 : memref<!tpu.dma_semaphore, #tpu.memory_space<semaphore_mem>>)
    %dma_wait3A_274 = arith.constant 0 : i32
    %dma_wait3A_275 = arith.constant 0 : i32
    %dma_wait3A_276 = arith.constant 0 : i32
    %dma_wait3A_277 = tpu.memref_slice %arg6[%dma_wait3A_274, %dma_wait3A_275, %dma_wait3A_276] : memref<2x128x384xf32, #tpu.memory_space<vmem>> -> memref<1x128x384xf32, #tpu.memory_space<vmem>>
    %dma_wait3A_278 = tpu.memref_squeeze %dma_wait3A_277 : memref<1x128x384xf32, #tpu.memory_space<vmem>> -> memref<128x384xf32, #tpu.memory_space<vmem>>
    %dma_wait3A_279 = arith.constant 0 : i32
    %dma_wait3A_280 = tpu.memref_slice %arg4[%add3A_188, %dma_wait3A_279] : memref<32768x384xf32, #tpu.memory_space<hbm>> -> memref<128x384xf32, #tpu.memory_space<hbm>>
    %dma_wait3A_281 = arith.constant 0 : i32
    %dma_wait3A_282 = tpu.memref_slice %arg4[%add3A_188, %dma_wait3A_281] : memref<32768x384xf32, #tpu.memory_space<hbm>> -> memref<128x384xf32, #tpu.memory_space<hbm>>
    %dma_wait3A_283 = arith.constant 0 : i32
    %dma_wait3A_284 = arith.constant 0 : i32
    %dma_wait3A_285 = tpu.memref_slice %arg6[%dma_wait3A_274, %dma_wait3A_283, %dma_wait3A_284] : memref<2x128x384xf32, #tpu.memory_space<vmem>> -> memref<1x128x384xf32, #tpu.memory_space<vmem>>
    %dma_wait3A_286 = tpu.memref_squeeze %dma_wait3A_285 : memref<1x128x384xf32, #tpu.memory_space<vmem>> -> memref<128x384xf32, #tpu.memory_space<vmem>>
    tpu.wait_dma2 semaphore(%arg11 : memref<!tpu.dma_semaphore, #tpu.memory_space<semaphore_mem>>) src(%dma_wait3A_286 : memref<128x384xf32, #tpu.memory_space<vmem>>) dst(%dma_wait3A_282 : memref<128x384xf32, #tpu.memory_space<hbm>>)
    %dma_wait3A_287 = arith.constant 0 : i32
    %dma_wait3A_288 = arith.constant 0 : i32
    %dma_wait3A_289 = tpu.memref_slice %arg5[%dma_wait3A_287, %dma_wait3A_288] : memref<2x128xi32, #tpu.memory_space<vmem>> -> memref<1x128xi32, #tpu.memory_space<vmem>>
    %dma_wait3A_290 = tpu.memref_squeeze %dma_wait3A_289 : memref<1x128xi32, #tpu.memory_space<vmem>> -> memref<128xi32, #tpu.memory_space<vmem>>
    %dma_wait3A_291 = tpu.memref_slice %arg3[%add3A_237] : memref<32768xi32, #tpu.memory_space<hbm>> -> memref<128xi32, #tpu.memory_space<hbm>>
    %dma_wait3A_292 = arith.constant 0 : i32
    %dma_wait3A_293 = tpu.memref_slice %arg5[%dma_wait3A_287, %dma_wait3A_292] : memref<2x128xi32, #tpu.memory_space<vmem>> -> memref<1x128xi32, #tpu.memory_space<vmem>>
    %dma_wait3A_294 = tpu.memref_squeeze %dma_wait3A_293 : memref<1x128xi32, #tpu.memory_space<vmem>> -> memref<128xi32, #tpu.memory_space<vmem>>
    %dma_wait3A_295 = tpu.memref_slice %arg3[%add3A_237] : memref<32768xi32, #tpu.memory_space<hbm>> -> memref<128xi32, #tpu.memory_space<hbm>>
    tpu.wait_dma2 semaphore(%arg7 : memref<!tpu.dma_semaphore, #tpu.memory_space<semaphore_mem>>) src(%dma_wait3A_295 : memref<128xi32, #tpu.memory_space<hbm>>) dst(%dma_wait3A_294 : memref<128xi32, #tpu.memory_space<vmem>>)
    %dma_start3A_296 = arith.constant 0 : i32
    %dma_start3A_297 = arith.constant 0 : i32
    %dma_start3A_298 = arith.constant 0 : i32
    %dma_start3A_299 = arith.constant 0 : i32
    %dma_start3A_300 = tpu.memref_slice %arg6[%dma_start3A_297, %dma_start3A_298, %dma_start3A_299] : memref<2x128x384xf32, #tpu.memory_space<vmem>> -> memref<1x128x384xf32, #tpu.memory_space<vmem>>
    %dma_start3A_301 = tpu.memref_squeeze %dma_start3A_300 : memref<1x128x384xf32, #tpu.memory_space<vmem>> -> memref<128x384xf32, #tpu.memory_space<vmem>>
    %dma_start3A_302 = arith.constant 0 : i32
    %dma_start3A_303 = tpu.memref_slice %arg5[%dma_start3A_296, %dma_start3A_302] : memref<2x128xi32, #tpu.memory_space<vmem>> -> memref<1x128xi32, #tpu.memory_space<vmem>>
    %dma_start3A_304 = tpu.memref_squeeze %dma_start3A_303 : memref<1x128xi32, #tpu.memory_space<vmem>> -> memref<128xi32, #tpu.memory_space<vmem>>
    %dma_start3A_305 = arith.constant 0 : i32
    %dma_start3A_306 = arith.constant 0 : i32
    %dma_start3A_307 = tpu.memref_slice %arg2[%dma_start3A_305, %dma_start3A_306] : memref<2048x384xf32, #tpu.memory_space<hbm>> -> memref<2048x384xf32, #tpu.memory_space<hbm>>
    tpu.enqueue_indirect_dma source(%dma_start3A_307 : memref<2048x384xf32, #tpu.memory_space<hbm>>) target(%dma_start3A_301 : memref<128x384xf32, #tpu.memory_space<vmem>>) offsets(%dma_start3A_304 : memref<128xi32, #tpu.memory_space<vmem>>) semaphore(%arg9 : memref<!tpu.dma_semaphore, #tpu.memory_space<semaphore_mem>>)
    %add3A_308 = arith.constant 640 : i32
    %add3A_309 = arith.addi %mul3A_2, %add3A_308 : i32
    %dma_start3A_310 = arith.constant 1 : i32
    %dma_start3A_311 = arith.constant 0 : i32
    %dma_start3A_312 = tpu.memref_slice %arg5[%dma_start3A_310, %dma_start3A_311] : memref<2x128xi32, #tpu.memory_space<vmem>> -> memref<1x128xi32, #tpu.memory_space<vmem>>
    %dma_start3A_313 = tpu.memref_squeeze %dma_start3A_312 : memref<1x128xi32, #tpu.memory_space<vmem>> -> memref<128xi32, #tpu.memory_space<vmem>>
    %dma_start3A_314 = tpu.memref_slice %arg3[%add3A_309] : memref<32768xi32, #tpu.memory_space<hbm>> -> memref<128xi32, #tpu.memory_space<hbm>>
    %dma_start3A_315 = arith.constant 0 : i32
    %dma_start3A_316 = tpu.memref_slice %arg5[%dma_start3A_310, %dma_start3A_315] : memref<2x128xi32, #tpu.memory_space<vmem>> -> memref<1x128xi32, #tpu.memory_space<vmem>>
    %dma_start3A_317 = tpu.memref_squeeze %dma_start3A_316 : memref<1x128xi32, #tpu.memory_space<vmem>> -> memref<128xi32, #tpu.memory_space<vmem>>
    %dma_start3A_318 = tpu.memref_slice %arg3[%add3A_309] : memref<32768xi32, #tpu.memory_space<hbm>> -> memref<128xi32, #tpu.memory_space<hbm>>
    tpu.enqueue_dma source(%dma_start3A_318 : memref<128xi32, #tpu.memory_space<hbm>>) target(%dma_start3A_317 : memref<128xi32, #tpu.memory_space<vmem>>) target_semaphore(%arg8 : memref<!tpu.dma_semaphore, #tpu.memory_space<semaphore_mem>>)
    %dma_wait3A_319 = arith.constant 0 : i32
    %dma_wait3A_320 = arith.constant 0 : i32
    %dma_wait3A_321 = arith.constant 0 : i32
    %dma_wait3A_322 = arith.constant 0 : i32
    %dma_wait3A_323 = tpu.memref_slice %arg6[%dma_wait3A_320, %dma_wait3A_321, %dma_wait3A_322] : memref<2x128x384xf32, #tpu.memory_space<vmem>> -> memref<1x128x384xf32, #tpu.memory_space<vmem>>
    %dma_wait3A_324 = tpu.memref_squeeze %dma_wait3A_323 : memref<1x128x384xf32, #tpu.memory_space<vmem>> -> memref<128x384xf32, #tpu.memory_space<vmem>>
    %dma_wait3A_325 = arith.constant 0 : i32
    %dma_wait3A_326 = tpu.memref_slice %arg5[%dma_wait3A_319, %dma_wait3A_325] : memref<2x128xi32, #tpu.memory_space<vmem>> -> memref<1x128xi32, #tpu.memory_space<vmem>>
    %dma_wait3A_327 = tpu.memref_squeeze %dma_wait3A_326 : memref<1x128xi32, #tpu.memory_space<vmem>> -> memref<128xi32, #tpu.memory_space<vmem>>
    %dma_wait3A_328 = arith.constant 0 : i32
    %dma_wait3A_329 = arith.constant 0 : i32
    %dma_wait3A_330 = tpu.memref_slice %arg2[%dma_wait3A_328, %dma_wait3A_329] : memref<2048x384xf32, #tpu.memory_space<hbm>> -> memref<2048x384xf32, #tpu.memory_space<hbm>>
    tpu.wait_indirect_dma semaphore(%arg9 : memref<!tpu.dma_semaphore, #tpu.memory_space<semaphore_mem>>) src(%dma_wait3A_330 : memref<2048x384xf32, #tpu.memory_space<hbm>>) dst(%dma_wait3A_324 : memref<128x384xf32, #tpu.memory_space<vmem>>)
    %add3A_331 = arith.constant 512 : i32
    %add3A_332 = arith.addi %mul3A_2, %add3A_331 : i32
    %dma_start3A_333 = arith.constant 0 : i32
    %dma_start3A_334 = arith.constant 0 : i32
    %dma_start3A_335 = arith.constant 0 : i32
    %dma_start3A_336 = tpu.memref_slice %arg6[%dma_start3A_333, %dma_start3A_334, %dma_start3A_335] : memref<2x128x384xf32, #tpu.memory_space<vmem>> -> memref<1x128x384xf32, #tpu.memory_space<vmem>>
    %dma_start3A_337 = tpu.memref_squeeze %dma_start3A_336 : memref<1x128x384xf32, #tpu.memory_space<vmem>> -> memref<128x384xf32, #tpu.memory_space<vmem>>
    %dma_start3A_338 = arith.constant 0 : i32
    %dma_start3A_339 = tpu.memref_slice %arg4[%add3A_332, %dma_start3A_338] : memref<32768x384xf32, #tpu.memory_space<hbm>> -> memref<128x384xf32, #tpu.memory_space<hbm>>
    %dma_start3A_340 = arith.constant 0 : i32
    %dma_start3A_341 = tpu.memref_slice %arg4[%add3A_332, %dma_start3A_340] : memref<32768x384xf32, #tpu.memory_space<hbm>> -> memref<128x384xf32, #tpu.memory_space<hbm>>
    %dma_start3A_342 = arith.constant 0 : i32
    %dma_start3A_343 = arith.constant 0 : i32
    %dma_start3A_344 = tpu.memref_slice %arg6[%dma_start3A_333, %dma_start3A_342, %dma_start3A_343] : memref<2x128x384xf32, #tpu.memory_space<vmem>> -> memref<1x128x384xf32, #tpu.memory_space<vmem>>
    %dma_start3A_345 = tpu.memref_squeeze %dma_start3A_344 : memref<1x128x384xf32, #tpu.memory_space<vmem>> -> memref<128x384xf32, #tpu.memory_space<vmem>>
    tpu.enqueue_dma source(%dma_start3A_345 : memref<128x384xf32, #tpu.memory_space<vmem>>) target(%dma_start3A_341 : memref<128x384xf32, #tpu.memory_space<hbm>>) target_semaphore(%arg11 : memref<!tpu.dma_semaphore, #tpu.memory_space<semaphore_mem>>)
    %dma_wait3A_346 = arith.constant 1 : i32
    %dma_wait3A_347 = arith.constant 0 : i32
    %dma_wait3A_348 = arith.constant 0 : i32
    %dma_wait3A_349 = tpu.memref_slice %arg6[%dma_wait3A_346, %dma_wait3A_347, %dma_wait3A_348] : memref<2x128x384xf32, #tpu.memory_space<vmem>> -> memref<1x128x384xf32, #tpu.memory_space<vmem>>
    %dma_wait3A_350 = tpu.memref_squeeze %dma_wait3A_349 : memref<1x128x384xf32, #tpu.memory_space<vmem>> -> memref<128x384xf32, #tpu.memory_space<vmem>>
    %dma_wait3A_351 = arith.constant 0 : i32
    %dma_wait3A_352 = tpu.memref_slice %arg4[%add3A_260, %dma_wait3A_351] : memref<32768x384xf32, #tpu.memory_space<hbm>> -> memref<128x384xf32, #tpu.memory_space<hbm>>
    %dma_wait3A_353 = arith.constant 0 : i32
    %dma_wait3A_354 = tpu.memref_slice %arg4[%add3A_260, %dma_wait3A_353] : memref<32768x384xf32, #tpu.memory_space<hbm>> -> memref<128x384xf32, #tpu.memory_space<hbm>>
    %dma_wait3A_355 = arith.constant 0 : i32
    %dma_wait3A_356 = arith.constant 0 : i32
    %dma_wait3A_357 = tpu.memref_slice %arg6[%dma_wait3A_346, %dma_wait3A_355, %dma_wait3A_356] : memref<2x128x384xf32, #tpu.memory_space<vmem>> -> memref<1x128x384xf32, #tpu.memory_space<vmem>>
    %dma_wait3A_358 = tpu.memref_squeeze %dma_wait3A_357 : memref<1x128x384xf32, #tpu.memory_space<vmem>> -> memref<128x384xf32, #tpu.memory_space<vmem>>
    tpu.wait_dma2 semaphore(%arg12 : memref<!tpu.dma_semaphore, #tpu.memory_space<semaphore_mem>>) src(%dma_wait3A_358 : memref<128x384xf32, #tpu.memory_space<vmem>>) dst(%dma_wait3A_354 : memref<128x384xf32, #tpu.memory_space<hbm>>)
    %dma_wait3A_359 = arith.constant 1 : i32
    %dma_wait3A_360 = arith.constant 0 : i32
    %dma_wait3A_361 = tpu.memref_slice %arg5[%dma_wait3A_359, %dma_wait3A_360] : memref<2x128xi32, #tpu.memory_space<vmem>> -> memref<1x128xi32, #tpu.memory_space<vmem>>
    %dma_wait3A_362 = tpu.memref_squeeze %dma_wait3A_361 : memref<1x128xi32, #tpu.memory_space<vmem>> -> memref<128xi32, #tpu.memory_space<vmem>>
    %dma_wait3A_363 = tpu.memref_slice %arg3[%add3A_309] : memref<32768xi32, #tpu.memory_space<hbm>> -> memref<128xi32, #tpu.memory_space<hbm>>
    %dma_wait3A_364 = arith.constant 0 : i32
    %dma_wait3A_365 = tpu.memref_slice %arg5[%dma_wait3A_359, %dma_wait3A_364] : memref<2x128xi32, #tpu.memory_space<vmem>> -> memref<1x128xi32, #tpu.memory_space<vmem>>
    %dma_wait3A_366 = tpu.memref_squeeze %dma_wait3A_365 : memref<1x128xi32, #tpu.memory_space<vmem>> -> memref<128xi32, #tpu.memory_space<vmem>>
    %dma_wait3A_367 = tpu.memref_slice %arg3[%add3A_309] : memref<32768xi32, #tpu.memory_space<hbm>> -> memref<128xi32, #tpu.memory_space<hbm>>
    tpu.wait_dma2 semaphore(%arg8 : memref<!tpu.dma_semaphore, #tpu.memory_space<semaphore_mem>>) src(%dma_wait3A_367 : memref<128xi32, #tpu.memory_space<hbm>>) dst(%dma_wait3A_366 : memref<128xi32, #tpu.memory_space<vmem>>)
    %dma_start3A_368 = arith.constant 1 : i32
    %dma_start3A_369 = arith.constant 1 : i32
    %dma_start3A_370 = arith.constant 0 : i32
    %dma_start3A_371 = arith.constant 0 : i32
    %dma_start3A_372 = tpu.memref_slice %arg6[%dma_start3A_369, %dma_start3A_370, %dma_start3A_371] : memref<2x128x384xf32, #tpu.memory_space<vmem>> -> memref<1x128x384xf32, #tpu.memory_space<vmem>>
    %dma_start3A_373 = tpu.memref_squeeze %dma_start3A_372 : memref<1x128x384xf32, #tpu.memory_space<vmem>> -> memref<128x384xf32, #tpu.memory_space<vmem>>
    %dma_start3A_374 = arith.constant 0 : i32
    %dma_start3A_375 = tpu.memref_slice %arg5[%dma_start3A_368, %dma_start3A_374] : memref<2x128xi32, #tpu.memory_space<vmem>> -> memref<1x128xi32, #tpu.memory_space<vmem>>
    %dma_start3A_376 = tpu.memref_squeeze %dma_start3A_375 : memref<1x128xi32, #tpu.memory_space<vmem>> -> memref<128xi32, #tpu.memory_space<vmem>>
    %dma_start3A_377 = arith.constant 0 : i32
    %dma_start3A_378 = arith.constant 0 : i32
    %dma_start3A_379 = tpu.memref_slice %arg2[%dma_start3A_377, %dma_start3A_378] : memref<2048x384xf32, #tpu.memory_space<hbm>> -> memref<2048x384xf32, #tpu.memory_space<hbm>>
    tpu.enqueue_indirect_dma source(%dma_start3A_379 : memref<2048x384xf32, #tpu.memory_space<hbm>>) target(%dma_start3A_373 : memref<128x384xf32, #tpu.memory_space<vmem>>) offsets(%dma_start3A_376 : memref<128xi32, #tpu.memory_space<vmem>>) semaphore(%arg10 : memref<!tpu.dma_semaphore, #tpu.memory_space<semaphore_mem>>)
    %add3A_380 = arith.constant 768 : i32
    %add3A_381 = arith.addi %mul3A_2, %add3A_380 : i32
    %dma_start3A_382 = arith.constant 0 : i32
    %dma_start3A_383 = arith.constant 0 : i32
    %dma_start3A_384 = tpu.memref_slice %arg5[%dma_start3A_382, %dma_start3A_383] : memref<2x128xi32, #tpu.memory_space<vmem>> -> memref<1x128xi32, #tpu.memory_space<vmem>>
    %dma_start3A_385 = tpu.memref_squeeze %dma_start3A_384 : memref<1x128xi32, #tpu.memory_space<vmem>> -> memref<128xi32, #tpu.memory_space<vmem>>
    %dma_start3A_386 = tpu.memref_slice %arg3[%add3A_381] : memref<32768xi32, #tpu.memory_space<hbm>> -> memref<128xi32, #tpu.memory_space<hbm>>
    %dma_start3A_387 = arith.constant 0 : i32
    %dma_start3A_388 = tpu.memref_slice %arg5[%dma_start3A_382, %dma_start3A_387] : memref<2x128xi32, #tpu.memory_space<vmem>> -> memref<1x128xi32, #tpu.memory_space<vmem>>
    %dma_start3A_389 = tpu.memref_squeeze %dma_start3A_388 : memref<1x128xi32, #tpu.memory_space<vmem>> -> memref<128xi32, #tpu.memory_space<vmem>>
    %dma_start3A_390 = tpu.memref_slice %arg3[%add3A_381] : memref<32768xi32, #tpu.memory_space<hbm>> -> memref<128xi32, #tpu.memory_space<hbm>>
    tpu.enqueue_dma source(%dma_start3A_390 : memref<128xi32, #tpu.memory_space<hbm>>) target(%dma_start3A_389 : memref<128xi32, #tpu.memory_space<vmem>>) target_semaphore(%arg7 : memref<!tpu.dma_semaphore, #tpu.memory_space<semaphore_mem>>)
    %dma_wait3A_391 = arith.constant 1 : i32
    %dma_wait3A_392 = arith.constant 1 : i32
    %dma_wait3A_393 = arith.constant 0 : i32
    %dma_wait3A_394 = arith.constant 0 : i32
    %dma_wait3A_395 = tpu.memref_slice %arg6[%dma_wait3A_392, %dma_wait3A_393, %dma_wait3A_394] : memref<2x128x384xf32, #tpu.memory_space<vmem>> -> memref<1x128x384xf32, #tpu.memory_space<vmem>>
    %dma_wait3A_396 = tpu.memref_squeeze %dma_wait3A_395 : memref<1x128x384xf32, #tpu.memory_space<vmem>> -> memref<128x384xf32, #tpu.memory_space<vmem>>
    %dma_wait3A_397 = arith.constant 0 : i32
    %dma_wait3A_398 = tpu.memref_slice %arg5[%dma_wait3A_391, %dma_wait3A_397] : memref<2x128xi32, #tpu.memory_space<vmem>> -> memref<1x128xi32, #tpu.memory_space<vmem>>
    %dma_wait3A_399 = tpu.memref_squeeze %dma_wait3A_398 : memref<1x128xi32, #tpu.memory_space<vmem>> -> memref<128xi32, #tpu.memory_space<vmem>>
    %dma_wait3A_400 = arith.constant 0 : i32
    %dma_wait3A_401 = arith.constant 0 : i32
    %dma_wait3A_402 = tpu.memref_slice %arg2[%dma_wait3A_400, %dma_wait3A_401] : memref<2048x384xf32, #tpu.memory_space<hbm>> -> memref<2048x384xf32, #tpu.memory_space<hbm>>
    tpu.wait_indirect_dma semaphore(%arg10 : memref<!tpu.dma_semaphore, #tpu.memory_space<semaphore_mem>>) src(%dma_wait3A_402 : memref<2048x384xf32, #tpu.memory_space<hbm>>) dst(%dma_wait3A_396 : memref<128x384xf32, #tpu.memory_space<vmem>>)
    %add3A_403 = arith.constant 640 : i32
    %add3A_404 = arith.addi %mul3A_2, %add3A_403 : i32
    %dma_start3A_405 = arith.constant 1 : i32
    %dma_start3A_406 = arith.constant 0 : i32
    %dma_start3A_407 = arith.constant 0 : i32
    %dma_start3A_408 = tpu.memref_slice %arg6[%dma_start3A_405, %dma_start3A_406, %dma_start3A_407] : memref<2x128x384xf32, #tpu.memory_space<vmem>> -> memref<1x128x384xf32, #tpu.memory_space<vmem>>
    %dma_start3A_409 = tpu.memref_squeeze %dma_start3A_408 : memref<1x128x384xf32, #tpu.memory_space<vmem>> -> memref<128x384xf32, #tpu.memory_space<vmem>>
    %dma_start3A_410 = arith.constant 0 : i32
    %dma_start3A_411 = tpu.memref_slice %arg4[%add3A_404, %dma_start3A_410] : memref<32768x384xf32, #tpu.memory_space<hbm>> -> memref<128x384xf32, #tpu.memory_space<hbm>>
    %dma_start3A_412 = arith.constant 0 : i32
    %dma_start3A_413 = tpu.memref_slice %arg4[%add3A_404, %dma_start3A_412] : memref<32768x384xf32, #tpu.memory_space<hbm>> -> memref<128x384xf32, #tpu.memory_space<hbm>>
    %dma_start3A_414 = arith.constant 0 : i32
    %dma_start3A_415 = arith.constant 0 : i32
    %dma_start3A_416 = tpu.memref_slice %arg6[%dma_start3A_405, %dma_start3A_414, %dma_start3A_415] : memref<2x128x384xf32, #tpu.memory_space<vmem>> -> memref<1x128x384xf32, #tpu.memory_space<vmem>>
    %dma_start3A_417 = tpu.memref_squeeze %dma_start3A_416 : memref<1x128x384xf32, #tpu.memory_space<vmem>> -> memref<128x384xf32, #tpu.memory_space<vmem>>
    tpu.enqueue_dma source(%dma_start3A_417 : memref<128x384xf32, #tpu.memory_space<vmem>>) target(%dma_start3A_413 : memref<128x384xf32, #tpu.memory_space<hbm>>) target_semaphore(%arg12 : memref<!tpu.dma_semaphore, #tpu.memory_space<semaphore_mem>>)
    %dma_wait3A_418 = arith.constant 0 : i32
    %dma_wait3A_419 = arith.constant 0 : i32
    %dma_wait3A_420 = arith.constant 0 : i32
    %dma_wait3A_421 = tpu.memref_slice %arg6[%dma_wait3A_418, %dma_wait3A_419, %dma_wait3A_420] : memref<2x128x384xf32, #tpu.memory_space<vmem>> -> memref<1x128x384xf32, #tpu.memory_space<vmem>>
    %dma_wait3A_422 = tpu.memref_squeeze %dma_wait3A_421 : memref<1x128x384xf32, #tpu.memory_space<vmem>> -> memref<128x384xf32, #tpu.memory_space<vmem>>
    %dma_wait3A_423 = arith.constant 0 : i32
    %dma_wait3A_424 = tpu.memref_slice %arg4[%add3A_332, %dma_wait3A_423] : memref<32768x384xf32, #tpu.memory_space<hbm>> -> memref<128x384xf32, #tpu.memory_space<hbm>>
    %dma_wait3A_425 = arith.constant 0 : i32
    %dma_wait3A_426 = tpu.memref_slice %arg4[%add3A_332, %dma_wait3A_425] : memref<32768x384xf32, #tpu.memory_space<hbm>> -> memref<128x384xf32, #tpu.memory_space<hbm>>
    %dma_wait3A_427 = arith.constant 0 : i32
    %dma_wait3A_428 = arith.constant 0 : i32
    %dma_wait3A_429 = tpu.memref_slice %arg6[%dma_wait3A_418, %dma_wait3A_427, %dma_wait3A_428] : memref<2x128x384xf32, #tpu.memory_space<vmem>> -> memref<1x128x384xf32, #tpu.memory_space<vmem>>
    %dma_wait3A_430 = tpu.memref_squeeze %dma_wait3A_429 : memref<1x128x384xf32, #tpu.memory_space<vmem>> -> memref<128x384xf32, #tpu.memory_space<vmem>>
    tpu.wait_dma2 semaphore(%arg11 : memref<!tpu.dma_semaphore, #tpu.memory_space<semaphore_mem>>) src(%dma_wait3A_430 : memref<128x384xf32, #tpu.memory_space<vmem>>) dst(%dma_wait3A_426 : memref<128x384xf32, #tpu.memory_space<hbm>>)
    %dma_wait3A_431 = arith.constant 0 : i32
    %dma_wait3A_432 = arith.constant 0 : i32
    %dma_wait3A_433 = tpu.memref_slice %arg5[%dma_wait3A_431, %dma_wait3A_432] : memref<2x128xi32, #tpu.memory_space<vmem>> -> memref<1x128xi32, #tpu.memory_space<vmem>>
    %dma_wait3A_434 = tpu.memref_squeeze %dma_wait3A_433 : memref<1x128xi32, #tpu.memory_space<vmem>> -> memref<128xi32, #tpu.memory_space<vmem>>
    %dma_wait3A_435 = tpu.memref_slice %arg3[%add3A_381] : memref<32768xi32, #tpu.memory_space<hbm>> -> memref<128xi32, #tpu.memory_space<hbm>>
    %dma_wait3A_436 = arith.constant 0 : i32
    %dma_wait3A_437 = tpu.memref_slice %arg5[%dma_wait3A_431, %dma_wait3A_436] : memref<2x128xi32, #tpu.memory_space<vmem>> -> memref<1x128xi32, #tpu.memory_space<vmem>>
    %dma_wait3A_438 = tpu.memref_squeeze %dma_wait3A_437 : memref<1x128xi32, #tpu.memory_space<vmem>> -> memref<128xi32, #tpu.memory_space<vmem>>
    %dma_wait3A_439 = tpu.memref_slice %arg3[%add3A_381] : memref<32768xi32, #tpu.memory_space<hbm>> -> memref<128xi32, #tpu.memory_space<hbm>>
    tpu.wait_dma2 semaphore(%arg7 : memref<!tpu.dma_semaphore, #tpu.memory_space<semaphore_mem>>) src(%dma_wait3A_439 : memref<128xi32, #tpu.memory_space<hbm>>) dst(%dma_wait3A_438 : memref<128xi32, #tpu.memory_space<vmem>>)
    %dma_start3A_440 = arith.constant 0 : i32
    %dma_start3A_441 = arith.constant 0 : i32
    %dma_start3A_442 = arith.constant 0 : i32
    %dma_start3A_443 = arith.constant 0 : i32
    %dma_start3A_444 = tpu.memref_slice %arg6[%dma_start3A_441, %dma_start3A_442, %dma_start3A_443] : memref<2x128x384xf32, #tpu.memory_space<vmem>> -> memref<1x128x384xf32, #tpu.memory_space<vmem>>
    %dma_start3A_445 = tpu.memref_squeeze %dma_start3A_444 : memref<1x128x384xf32, #tpu.memory_space<vmem>> -> memref<128x384xf32, #tpu.memory_space<vmem>>
    %dma_start3A_446 = arith.constant 0 : i32
    %dma_start3A_447 = tpu.memref_slice %arg5[%dma_start3A_440, %dma_start3A_446] : memref<2x128xi32, #tpu.memory_space<vmem>> -> memref<1x128xi32, #tpu.memory_space<vmem>>
    %dma_start3A_448 = tpu.memref_squeeze %dma_start3A_447 : memref<1x128xi32, #tpu.memory_space<vmem>> -> memref<128xi32, #tpu.memory_space<vmem>>
    %dma_start3A_449 = arith.constant 0 : i32
    %dma_start3A_450 = arith.constant 0 : i32
    %dma_start3A_451 = tpu.memref_slice %arg2[%dma_start3A_449, %dma_start3A_450] : memref<2048x384xf32, #tpu.memory_space<hbm>> -> memref<2048x384xf32, #tpu.memory_space<hbm>>
    tpu.enqueue_indirect_dma source(%dma_start3A_451 : memref<2048x384xf32, #tpu.memory_space<hbm>>) target(%dma_start3A_445 : memref<128x384xf32, #tpu.memory_space<vmem>>) offsets(%dma_start3A_448 : memref<128xi32, #tpu.memory_space<vmem>>) semaphore(%arg9 : memref<!tpu.dma_semaphore, #tpu.memory_space<semaphore_mem>>)
    %add3A_452 = arith.constant 896 : i32
    %add3A_453 = arith.addi %mul3A_2, %add3A_452 : i32
    %dma_start3A_454 = arith.constant 1 : i32
    %dma_start3A_455 = arith.constant 0 : i32
    %dma_start3A_456 = tpu.memref_slice %arg5[%dma_start3A_454, %dma_start3A_455] : memref<2x128xi32, #tpu.memory_space<vmem>> -> memref<1x128xi32, #tpu.memory_space<vmem>>
    %dma_start3A_457 = tpu.memref_squeeze %dma_start3A_456 : memref<1x128xi32, #tpu.memory_space<vmem>> -> memref<128xi32, #tpu.memory_space<vmem>>
    %dma_start3A_458 = tpu.memref_slice %arg3[%add3A_453] : memref<32768xi32, #tpu.memory_space<hbm>> -> memref<128xi32, #tpu.memory_space<hbm>>
    %dma_start3A_459 = arith.constant 0 : i32
    %dma_start3A_460 = tpu.memref_slice %arg5[%dma_start3A_454, %dma_start3A_459] : memref<2x128xi32, #tpu.memory_space<vmem>> -> memref<1x128xi32, #tpu.memory_space<vmem>>
    %dma_start3A_461 = tpu.memref_squeeze %dma_start3A_460 : memref<1x128xi32, #tpu.memory_space<vmem>> -> memref<128xi32, #tpu.memory_space<vmem>>
    %dma_start3A_462 = tpu.memref_slice %arg3[%add3A_453] : memref<32768xi32, #tpu.memory_space<hbm>> -> memref<128xi32, #tpu.memory_space<hbm>>
    tpu.enqueue_dma source(%dma_start3A_462 : memref<128xi32, #tpu.memory_space<hbm>>) target(%dma_start3A_461 : memref<128xi32, #tpu.memory_space<vmem>>) target_semaphore(%arg8 : memref<!tpu.dma_semaphore, #tpu.memory_space<semaphore_mem>>)
    %dma_wait3A_463 = arith.constant 0 : i32
    %dma_wait3A_464 = arith.constant 0 : i32
    %dma_wait3A_465 = arith.constant 0 : i32
    %dma_wait3A_466 = arith.constant 0 : i32
    %dma_wait3A_467 = tpu.memref_slice %arg6[%dma_wait3A_464, %dma_wait3A_465, %dma_wait3A_466] : memref<2x128x384xf32, #tpu.memory_space<vmem>> -> memref<1x128x384xf32, #tpu.memory_space<vmem>>
    %dma_wait3A_468 = tpu.memref_squeeze %dma_wait3A_467 : memref<1x128x384xf32, #tpu.memory_space<vmem>> -> memref<128x384xf32, #tpu.memory_space<vmem>>
    %dma_wait3A_469 = arith.constant 0 : i32
    %dma_wait3A_470 = tpu.memref_slice %arg5[%dma_wait3A_463, %dma_wait3A_469] : memref<2x128xi32, #tpu.memory_space<vmem>> -> memref<1x128xi32, #tpu.memory_space<vmem>>
    %dma_wait3A_471 = tpu.memref_squeeze %dma_wait3A_470 : memref<1x128xi32, #tpu.memory_space<vmem>> -> memref<128xi32, #tpu.memory_space<vmem>>
    %dma_wait3A_472 = arith.constant 0 : i32
    %dma_wait3A_473 = arith.constant 0 : i32
    %dma_wait3A_474 = tpu.memref_slice %arg2[%dma_wait3A_472, %dma_wait3A_473] : memref<2048x384xf32, #tpu.memory_space<hbm>> -> memref<2048x384xf32, #tpu.memory_space<hbm>>
    tpu.wait_indirect_dma semaphore(%arg9 : memref<!tpu.dma_semaphore, #tpu.memory_space<semaphore_mem>>) src(%dma_wait3A_474 : memref<2048x384xf32, #tpu.memory_space<hbm>>) dst(%dma_wait3A_468 : memref<128x384xf32, #tpu.memory_space<vmem>>)
    %add3A_475 = arith.constant 768 : i32
    %add3A_476 = arith.addi %mul3A_2, %add3A_475 : i32
    %dma_start3A_477 = arith.constant 0 : i32
    %dma_start3A_478 = arith.constant 0 : i32
    %dma_start3A_479 = arith.constant 0 : i32
    %dma_start3A_480 = tpu.memref_slice %arg6[%dma_start3A_477, %dma_start3A_478, %dma_start3A_479] : memref<2x128x384xf32, #tpu.memory_space<vmem>> -> memref<1x128x384xf32, #tpu.memory_space<vmem>>
    %dma_start3A_481 = tpu.memref_squeeze %dma_start3A_480 : memref<1x128x384xf32, #tpu.memory_space<vmem>> -> memref<128x384xf32, #tpu.memory_space<vmem>>
    %dma_start3A_482 = arith.constant 0 : i32
    %dma_start3A_483 = tpu.memref_slice %arg4[%add3A_476, %dma_start3A_482] : memref<32768x384xf32, #tpu.memory_space<hbm>> -> memref<128x384xf32, #tpu.memory_space<hbm>>
    %dma_start3A_484 = arith.constant 0 : i32
    %dma_start3A_485 = tpu.memref_slice %arg4[%add3A_476, %dma_start3A_484] : memref<32768x384xf32, #tpu.memory_space<hbm>> -> memref<128x384xf32, #tpu.memory_space<hbm>>
    %dma_start3A_486 = arith.constant 0 : i32
    %dma_start3A_487 = arith.constant 0 : i32
    %dma_start3A_488 = tpu.memref_slice %arg6[%dma_start3A_477, %dma_start3A_486, %dma_start3A_487] : memref<2x128x384xf32, #tpu.memory_space<vmem>> -> memref<1x128x384xf32, #tpu.memory_space<vmem>>
    %dma_start3A_489 = tpu.memref_squeeze %dma_start3A_488 : memref<1x128x384xf32, #tpu.memory_space<vmem>> -> memref<128x384xf32, #tpu.memory_space<vmem>>
    tpu.enqueue_dma source(%dma_start3A_489 : memref<128x384xf32, #tpu.memory_space<vmem>>) target(%dma_start3A_485 : memref<128x384xf32, #tpu.memory_space<hbm>>) target_semaphore(%arg11 : memref<!tpu.dma_semaphore, #tpu.memory_space<semaphore_mem>>)
    %dma_wait3A_490 = arith.constant 1 : i32
    %dma_wait3A_491 = arith.constant 0 : i32
    %dma_wait3A_492 = arith.constant 0 : i32
    %dma_wait3A_493 = tpu.memref_slice %arg6[%dma_wait3A_490, %dma_wait3A_491, %dma_wait3A_492] : memref<2x128x384xf32, #tpu.memory_space<vmem>> -> memref<1x128x384xf32, #tpu.memory_space<vmem>>
    %dma_wait3A_494 = tpu.memref_squeeze %dma_wait3A_493 : memref<1x128x384xf32, #tpu.memory_space<vmem>> -> memref<128x384xf32, #tpu.memory_space<vmem>>
    %dma_wait3A_495 = arith.constant 0 : i32
    %dma_wait3A_496 = tpu.memref_slice %arg4[%add3A_404, %dma_wait3A_495] : memref<32768x384xf32, #tpu.memory_space<hbm>> -> memref<128x384xf32, #tpu.memory_space<hbm>>
    %dma_wait3A_497 = arith.constant 0 : i32
    %dma_wait3A_498 = tpu.memref_slice %arg4[%add3A_404, %dma_wait3A_497] : memref<32768x384xf32, #tpu.memory_space<hbm>> -> memref<128x384xf32, #tpu.memory_space<hbm>>
    %dma_wait3A_499 = arith.constant 0 : i32
    %dma_wait3A_500 = arith.constant 0 : i32
    %dma_wait3A_501 = tpu.memref_slice %arg6[%dma_wait3A_490, %dma_wait3A_499, %dma_wait3A_500] : memref<2x128x384xf32, #tpu.memory_space<vmem>> -> memref<1x128x384xf32, #tpu.memory_space<vmem>>
    %dma_wait3A_502 = tpu.memref_squeeze %dma_wait3A_501 : memref<1x128x384xf32, #tpu.memory_space<vmem>> -> memref<128x384xf32, #tpu.memory_space<vmem>>
    tpu.wait_dma2 semaphore(%arg12 : memref<!tpu.dma_semaphore, #tpu.memory_space<semaphore_mem>>) src(%dma_wait3A_502 : memref<128x384xf32, #tpu.memory_space<vmem>>) dst(%dma_wait3A_498 : memref<128x384xf32, #tpu.memory_space<hbm>>)
    %dma_wait3A_503 = arith.constant 1 : i32
    %dma_wait3A_504 = arith.constant 0 : i32
    %dma_wait3A_505 = tpu.memref_slice %arg5[%dma_wait3A_503, %dma_wait3A_504] : memref<2x128xi32, #tpu.memory_space<vmem>> -> memref<1x128xi32, #tpu.memory_space<vmem>>
    %dma_wait3A_506 = tpu.memref_squeeze %dma_wait3A_505 : memref<1x128xi32, #tpu.memory_space<vmem>> -> memref<128xi32, #tpu.memory_space<vmem>>
    %dma_wait3A_507 = tpu.memref_slice %arg3[%add3A_453] : memref<32768xi32, #tpu.memory_space<hbm>> -> memref<128xi32, #tpu.memory_space<hbm>>
    %dma_wait3A_508 = arith.constant 0 : i32
    %dma_wait3A_509 = tpu.memref_slice %arg5[%dma_wait3A_503, %dma_wait3A_508] : memref<2x128xi32, #tpu.memory_space<vmem>> -> memref<1x128xi32, #tpu.memory_space<vmem>>
    %dma_wait3A_510 = tpu.memref_squeeze %dma_wait3A_509 : memref<1x128xi32, #tpu.memory_space<vmem>> -> memref<128xi32, #tpu.memory_space<vmem>>
    %dma_wait3A_511 = tpu.memref_slice %arg3[%add3A_453] : memref<32768xi32, #tpu.memory_space<hbm>> -> memref<128xi32, #tpu.memory_space<hbm>>
    tpu.wait_dma2 semaphore(%arg8 : memref<!tpu.dma_semaphore, #tpu.memory_space<semaphore_mem>>) src(%dma_wait3A_511 : memref<128xi32, #tpu.memory_space<hbm>>) dst(%dma_wait3A_510 : memref<128xi32, #tpu.memory_space<vmem>>)
    %dma_start3A_512 = arith.constant 1 : i32
    %dma_start3A_513 = arith.constant 1 : i32
    %dma_start3A_514 = arith.constant 0 : i32
    %dma_start3A_515 = arith.constant 0 : i32
    %dma_start3A_516 = tpu.memref_slice %arg6[%dma_start3A_513, %dma_start3A_514, %dma_start3A_515] : memref<2x128x384xf32, #tpu.memory_space<vmem>> -> memref<1x128x384xf32, #tpu.memory_space<vmem>>
    %dma_start3A_517 = tpu.memref_squeeze %dma_start3A_516 : memref<1x128x384xf32, #tpu.memory_space<vmem>> -> memref<128x384xf32, #tpu.memory_space<vmem>>
    %dma_start3A_518 = arith.constant 0 : i32
    %dma_start3A_519 = tpu.memref_slice %arg5[%dma_start3A_512, %dma_start3A_518] : memref<2x128xi32, #tpu.memory_space<vmem>> -> memref<1x128xi32, #tpu.memory_space<vmem>>
    %dma_start3A_520 = tpu.memref_squeeze %dma_start3A_519 : memref<1x128xi32, #tpu.memory_space<vmem>> -> memref<128xi32, #tpu.memory_space<vmem>>
    %dma_start3A_521 = arith.constant 0 : i32
    %dma_start3A_522 = arith.constant 0 : i32
    %dma_start3A_523 = tpu.memref_slice %arg2[%dma_start3A_521, %dma_start3A_522] : memref<2048x384xf32, #tpu.memory_space<hbm>> -> memref<2048x384xf32, #tpu.memory_space<hbm>>
    tpu.enqueue_indirect_dma source(%dma_start3A_523 : memref<2048x384xf32, #tpu.memory_space<hbm>>) target(%dma_start3A_517 : memref<128x384xf32, #tpu.memory_space<vmem>>) offsets(%dma_start3A_520 : memref<128xi32, #tpu.memory_space<vmem>>) semaphore(%arg10 : memref<!tpu.dma_semaphore, #tpu.memory_space<semaphore_mem>>)
    %dma_wait3A_524 = arith.constant 1 : i32
    %dma_wait3A_525 = arith.constant 1 : i32
    %dma_wait3A_526 = arith.constant 0 : i32
    %dma_wait3A_527 = arith.constant 0 : i32
    %dma_wait3A_528 = tpu.memref_slice %arg6[%dma_wait3A_525, %dma_wait3A_526, %dma_wait3A_527] : memref<2x128x384xf32, #tpu.memory_space<vmem>> -> memref<1x128x384xf32, #tpu.memory_space<vmem>>
    %dma_wait3A_529 = tpu.memref_squeeze %dma_wait3A_528 : memref<1x128x384xf32, #tpu.memory_space<vmem>> -> memref<128x384xf32, #tpu.memory_space<vmem>>
    %dma_wait3A_530 = arith.constant 0 : i32
    %dma_wait3A_531 = tpu.memref_slice %arg5[%dma_wait3A_524, %dma_wait3A_530] : memref<2x128xi32, #tpu.memory_space<vmem>> -> memref<1x128xi32, #tpu.memory_space<vmem>>
    %dma_wait3A_532 = tpu.memref_squeeze %dma_wait3A_531 : memref<1x128xi32, #tpu.memory_space<vmem>> -> memref<128xi32, #tpu.memory_space<vmem>>
    %dma_wait3A_533 = arith.constant 0 : i32
    %dma_wait3A_534 = arith.constant 0 : i32
    %dma_wait3A_535 = tpu.memref_slice %arg2[%dma_wait3A_533, %dma_wait3A_534] : memref<2048x384xf32, #tpu.memory_space<hbm>> -> memref<2048x384xf32, #tpu.memory_space<hbm>>
    tpu.wait_indirect_dma semaphore(%arg10 : memref<!tpu.dma_semaphore, #tpu.memory_space<semaphore_mem>>) src(%dma_wait3A_535 : memref<2048x384xf32, #tpu.memory_space<hbm>>) dst(%dma_wait3A_529 : memref<128x384xf32, #tpu.memory_space<vmem>>)
    %add3A_536 = arith.constant 896 : i32
    %add3A_537 = arith.addi %mul3A_2, %add3A_536 : i32
    %dma_start3A_538 = arith.constant 1 : i32
    %dma_start3A_539 = arith.constant 0 : i32
    %dma_start3A_540 = arith.constant 0 : i32
    %dma_start3A_541 = tpu.memref_slice %arg6[%dma_start3A_538, %dma_start3A_539, %dma_start3A_540] : memref<2x128x384xf32, #tpu.memory_space<vmem>> -> memref<1x128x384xf32, #tpu.memory_space<vmem>>
    %dma_start3A_542 = tpu.memref_squeeze %dma_start3A_541 : memref<1x128x384xf32, #tpu.memory_space<vmem>> -> memref<128x384xf32, #tpu.memory_space<vmem>>
    %dma_start3A_543 = arith.constant 0 : i32
    %dma_start3A_544 = tpu.memref_slice %arg4[%add3A_537, %dma_start3A_543] : memref<32768x384xf32, #tpu.memory_space<hbm>> -> memref<128x384xf32, #tpu.memory_space<hbm>>
    %dma_start3A_545 = arith.constant 0 : i32
    %dma_start3A_546 = tpu.memref_slice %arg4[%add3A_537, %dma_start3A_545] : memref<32768x384xf32, #tpu.memory_space<hbm>> -> memref<128x384xf32, #tpu.memory_space<hbm>>
    %dma_start3A_547 = arith.constant 0 : i32
    %dma_start3A_548 = arith.constant 0 : i32
    %dma_start3A_549 = tpu.memref_slice %arg6[%dma_start3A_538, %dma_start3A_547, %dma_start3A_548] : memref<2x128x384xf32, #tpu.memory_space<vmem>> -> memref<1x128x384xf32, #tpu.memory_space<vmem>>
    %dma_start3A_550 = tpu.memref_squeeze %dma_start3A_549 : memref<1x128x384xf32, #tpu.memory_space<vmem>> -> memref<128x384xf32, #tpu.memory_space<vmem>>
    tpu.enqueue_dma source(%dma_start3A_550 : memref<128x384xf32, #tpu.memory_space<vmem>>) target(%dma_start3A_546 : memref<128x384xf32, #tpu.memory_space<hbm>>) target_semaphore(%arg12 : memref<!tpu.dma_semaphore, #tpu.memory_space<semaphore_mem>>)
    %dma_wait3A_551 = arith.constant 0 : i32
    %dma_wait3A_552 = arith.constant 0 : i32
    %dma_wait3A_553 = arith.constant 0 : i32
    %dma_wait3A_554 = tpu.memref_slice %arg6[%dma_wait3A_551, %dma_wait3A_552, %dma_wait3A_553] : memref<2x128x384xf32, #tpu.memory_space<vmem>> -> memref<1x128x384xf32, #tpu.memory_space<vmem>>
    %dma_wait3A_555 = tpu.memref_squeeze %dma_wait3A_554 : memref<1x128x384xf32, #tpu.memory_space<vmem>> -> memref<128x384xf32, #tpu.memory_space<vmem>>
    %dma_wait3A_556 = arith.constant 0 : i32
    %dma_wait3A_557 = tpu.memref_slice %arg4[%add3A_476, %dma_wait3A_556] : memref<32768x384xf32, #tpu.memory_space<hbm>> -> memref<128x384xf32, #tpu.memory_space<hbm>>
    %dma_wait3A_558 = arith.constant 0 : i32
    %dma_wait3A_559 = tpu.memref_slice %arg4[%add3A_476, %dma_wait3A_558] : memref<32768x384xf32, #tpu.memory_space<hbm>> -> memref<128x384xf32, #tpu.memory_space<hbm>>
    %dma_wait3A_560 = arith.constant 0 : i32
    %dma_wait3A_561 = arith.constant 0 : i32
    %dma_wait3A_562 = tpu.memref_slice %arg6[%dma_wait3A_551, %dma_wait3A_560, %dma_wait3A_561] : memref<2x128x384xf32, #tpu.memory_space<vmem>> -> memref<1x128x384xf32, #tpu.memory_space<vmem>>
    %dma_wait3A_563 = tpu.memref_squeeze %dma_wait3A_562 : memref<1x128x384xf32, #tpu.memory_space<vmem>> -> memref<128x384xf32, #tpu.memory_space<vmem>>
    tpu.wait_dma2 semaphore(%arg11 : memref<!tpu.dma_semaphore, #tpu.memory_space<semaphore_mem>>) src(%dma_wait3A_563 : memref<128x384xf32, #tpu.memory_space<vmem>>) dst(%dma_wait3A_559 : memref<128x384xf32, #tpu.memory_space<hbm>>)
    %dma_wait3A_564 = arith.constant 1 : i32
    %dma_wait3A_565 = arith.constant 0 : i32
    %dma_wait3A_566 = arith.constant 0 : i32
    %dma_wait3A_567 = tpu.memref_slice %arg6[%dma_wait3A_564, %dma_wait3A_565, %dma_wait3A_566] : memref<2x128x384xf32, #tpu.memory_space<vmem>> -> memref<1x128x384xf32, #tpu.memory_space<vmem>>
    %dma_wait3A_568 = tpu.memref_squeeze %dma_wait3A_567 : memref<1x128x384xf32, #tpu.memory_space<vmem>> -> memref<128x384xf32, #tpu.memory_space<vmem>>
    %dma_wait3A_569 = arith.constant 0 : i32
    %dma_wait3A_570 = tpu.memref_slice %arg4[%add3A_537, %dma_wait3A_569] : memref<32768x384xf32, #tpu.memory_space<hbm>> -> memref<128x384xf32, #tpu.memory_space<hbm>>
    %dma_wait3A_571 = arith.constant 0 : i32
    %dma_wait3A_572 = tpu.memref_slice %arg4[%add3A_537, %dma_wait3A_571] : memref<32768x384xf32, #tpu.memory_space<hbm>> -> memref<128x384xf32, #tpu.memory_space<hbm>>
    %dma_wait3A_573 = arith.constant 0 : i32
    %dma_wait3A_574 = arith.constant 0 : i32
    %dma_wait3A_575 = tpu.memref_slice %arg6[%dma_wait3A_564, %dma_wait3A_573, %dma_wait3A_574] : memref<2x128x384xf32, #tpu.memory_space<vmem>> -> memref<1x128x384xf32, #tpu.memory_space<vmem>>
    %dma_wait3A_576 = tpu.memref_squeeze %dma_wait3A_575 : memref<1x128x384xf32, #tpu.memory_space<vmem>> -> memref<128x384xf32, #tpu.memory_space<vmem>>
    tpu.wait_dma2 semaphore(%arg12 : memref<!tpu.dma_semaphore, #tpu.memory_space<semaphore_mem>>) src(%dma_wait3A_576 : memref<128x384xf32, #tpu.memory_space<vmem>>) dst(%dma_wait3A_572 : memref<128x384xf32, #tpu.memory_space<hbm>>)
    return
  }
}

module attributes {stable_mosaic.version = 14 : i64} {
  func.func @_prep_body(%arg0: i32, %arg1: memref<3x2048xf32, #tpu.memory_space<vmem>>, %arg2: memref<256x3xf32, #tpu.memory_space<vmem>>, %arg3: memref<256x192xf32, #tpu.memory_space<vmem>>, %arg4: memref<192x576xf32, #tpu.memory_space<vmem>>, %arg5: memref<1x576xf32, #tpu.memory_space<vmem>>, %arg6: memref<192x96xf32, #tpu.memory_space<vmem>>, %arg7: memref<1x96xf32, #tpu.memory_space<vmem>>, %arg8: memref<96x48xf32, #tpu.memory_space<vmem>>, %arg9: memref<1x48xf32, #tpu.memory_space<vmem>>, %arg10: memref<48x768xf32, #tpu.memory_space<vmem>>, %arg11: memref<1x768xf32, #tpu.memory_space<vmem>>, %arg12: memref<3x768x16xf32, #tpu.memory_space<vmem>>, %arg13: memref<1x3xf32, #tpu.memory_space<vmem>>, %arg14: memref<256x192xf32, #tpu.memory_space<vmem>>, %arg15: memref<256x384xf32, #tpu.memory_space<vmem>>, %arg16: memref<256x16xi32, #tpu.memory_space<vmem>>, %arg17: memref<256x48xf32, #tpu.memory_space<vmem>>) attributes {dimension_semantics = [#tpu.dimension_semantics<arbitrary>], iteration_bounds = array<i64: 8>, scalar_prefetch = 0 : i64, scratch_operands = 0 : i64, tpu.core_type = #tpu.core_type<tc>, window_params = [{pipeline_mode = #tpu.pipeline_mode<synchronous>, transform_indices = @transform_0, window_bounds = array<i64: 3, 2048>}, {transform_indices = @transform_1, window_bounds = array<i64: 256, 3>}, {transform_indices = @transform_2, window_bounds = array<i64: 256, 192>}, {pipeline_mode = #tpu.pipeline_mode<synchronous>, transform_indices = @transform_3, window_bounds = array<i64: 192, 576>}, {pipeline_mode = #tpu.pipeline_mode<synchronous>, transform_indices = @transform_4, window_bounds = array<i64: 1, 576>}, {pipeline_mode = #tpu.pipeline_mode<synchronous>, transform_indices = @transform_5, window_bounds = array<i64: 192, 96>}, {pipeline_mode = #tpu.pipeline_mode<synchronous>, transform_indices = @transform_6, window_bounds = array<i64: 1, 96>}, {pipeline_mode = #tpu.pipeline_mode<synchronous>, transform_indices = @transform_7, window_bounds = array<i64: 96, 48>}, {pipeline_mode = #tpu.pipeline_mode<synchronous>, transform_indices = @transform_8, window_bounds = array<i64: 1, 48>}, {pipeline_mode = #tpu.pipeline_mode<synchronous>, transform_indices = @transform_9, window_bounds = array<i64: 48, 768>}, {pipeline_mode = #tpu.pipeline_mode<synchronous>, transform_indices = @transform_10, window_bounds = array<i64: 1, 768>}, {pipeline_mode = #tpu.pipeline_mode<synchronous>, transform_indices = @transform_11, window_bounds = array<i64: 3, 768, 16>}, {pipeline_mode = #tpu.pipeline_mode<synchronous>, transform_indices = @transform_12, window_bounds = array<i64: 1, 3>}, {transform_indices = @transform_13, window_bounds = array<i64: 256, 192>}, {transform_indices = @transform_14, window_bounds = array<i64: 256, 384>}, {transform_indices = @transform_15, window_bounds = array<i64: 256, 16>}, {transform_indices = @transform_16, window_bounds = array<i64: 256, 48>}]} {
    %get3A = arith.constant 0 : index
    %get3A_0 = arith.constant 0 : index
    %get3A_1 = vector.load %arg3[%get3A, %get3A_0] : memref<256x192xf32, #tpu.memory_space<vmem>>, vector<256x192xf32>
    %get3A_2 = arith.constant 0 : index
    %get3A_3 = arith.constant 0 : index
    %get3A_4 = vector.load %arg4[%get3A_2, %get3A_3] : memref<192x576xf32, #tpu.memory_space<vmem>>, vector<192x576xf32>
    %dot_general3A = arith.constant dense<0.000000e+00> : vector<256x576xf32>
    %dot_general3A_5 = tpu.matmul %get3A_1, %get3A_4, %dot_general3A {dimension_numbers = #tpu.dot_dimension_numbers<[1], [0], [0], [1], [0, 0, 1, 1], [], []>, transpose_lhs_hint = false} : vector<256x192xf32>, vector<192x576xf32>, vector<256x576xf32> -> vector<256x576xf32>
    %get3A_6 = arith.constant 0 : index
    %get3A_7 = arith.constant 0 : index
    %get3A_8 = vector.load %arg5[%get3A_6, %get3A_7] : memref<1x576xf32, #tpu.memory_space<vmem>>, vector<1x576xf32>
    %add3A = vector.broadcast %get3A_8 : vector<1x576xf32> to vector<256x576xf32>
    %add3A_9 = arith.addf %dot_general3A_5, %add3A : vector<256x576xf32>
    %slice3A = vector.extract_strided_slice %add3A_9 {offsets = [0, 0], sizes = [256, 192], strides = [1, 1]} : vector<256x576xf32> to vector<256x192xf32>
    %swap3A = arith.constant 0 : index
    %swap3A_10 = arith.constant 0 : index
    %swap3A_11 = vector.load %arg14[%swap3A, %swap3A_10] : memref<256x192xf32, #tpu.memory_space<vmem>>, vector<256x192xf32>
    tpu.vector_store %arg14[%swap3A, %swap3A_10], %slice3A {strides = array<i32>} : memref<256x192xf32, #tpu.memory_space<vmem>>, vector<256x192xf32>,
    %slice3A_12 = vector.extract_strided_slice %add3A_9 {offsets = [0, 192], sizes = [256, 384], strides = [1, 1]} : vector<256x576xf32> to vector<256x384xf32>
    %swap3A_13 = arith.constant 0 : index
    %swap3A_14 = arith.constant 0 : index
    %swap3A_15 = vector.load %arg15[%swap3A_13, %swap3A_14] : memref<256x384xf32, #tpu.memory_space<vmem>>, vector<256x384xf32>
    tpu.vector_store %arg15[%swap3A_13, %swap3A_14], %slice3A_12 {strides = array<i32>} : memref<256x384xf32, #tpu.memory_space<vmem>>, vector<256x384xf32>,
    %get3A_16 = arith.constant 0 : index
    %get3A_17 = arith.constant 0 : index
    %get3A_18 = vector.load %arg6[%get3A_16, %get3A_17] : memref<192x96xf32, #tpu.memory_space<vmem>>, vector<192x96xf32>
    %dot_general3A_19 = arith.constant dense<0.000000e+00> : vector<256x96xf32>
    %dot_general3A_20 = tpu.matmul %get3A_1, %get3A_18, %dot_general3A_19 {dimension_numbers = #tpu.dot_dimension_numbers<[1], [0], [0], [1], [0, 0, 1, 1], [], []>, transpose_lhs_hint = false} : vector<256x192xf32>, vector<192x96xf32>, vector<256x96xf32> -> vector<256x96xf32>
    %get3A_21 = arith.constant 0 : index
    %get3A_22 = arith.constant 0 : index
    %get3A_23 = vector.load %arg7[%get3A_21, %get3A_22] : memref<1x96xf32, #tpu.memory_space<vmem>>, vector<1x96xf32>
    %add3A_24 = vector.broadcast %get3A_23 : vector<1x96xf32> to vector<256x96xf32>
    %add3A_25 = arith.addf %dot_general3A_20, %add3A_24 : vector<256x96xf32>
    %mul3A = arith.constant 5.000000e-01 : f32
    %mul3A_26 = vector.broadcast %mul3A : f32 to vector<256x96xf32>
    %mul3A_27 = arith.mulf %mul3A_26, %add3A_25 : vector<256x96xf32>
    %mul3A_28 = arith.constant 0.707106769 : f32
    %mul3A_29 = vector.broadcast %mul3A_28 : f32 to vector<256x96xf32>
    %mul3A_30 = arith.mulf %add3A_25, %mul3A_29 : vector<256x96xf32>
    %erf3A = math.erf %mul3A_30 : vector<256x96xf32>
    %add3A_31 = arith.constant 1.000000e+00 : f32
    %add3A_32 = vector.broadcast %add3A_31 : f32 to vector<256x96xf32>
    %add3A_33 = arith.addf %add3A_32, %erf3A : vector<256x96xf32>
    %mul3A_34 = arith.mulf %mul3A_27, %add3A_33 : vector<256x96xf32>
    %get3A_35 = arith.constant 0 : index
    %get3A_36 = arith.constant 0 : index
    %get3A_37 = vector.load %arg8[%get3A_35, %get3A_36] : memref<96x48xf32, #tpu.memory_space<vmem>>, vector<96x48xf32>
    %dot_general3A_38 = arith.constant dense<0.000000e+00> : vector<256x48xf32>
    %dot_general3A_39 = tpu.matmul %mul3A_34, %get3A_37, %dot_general3A_38 {dimension_numbers = #tpu.dot_dimension_numbers<[1], [0], [0], [1], [0, 0, 1, 1], [], []>, transpose_lhs_hint = false} : vector<256x96xf32>, vector<96x48xf32>, vector<256x48xf32> -> vector<256x48xf32>
    %get3A_40 = arith.constant 0 : index
    %get3A_41 = arith.constant 0 : index
    %get3A_42 = vector.load %arg9[%get3A_40, %get3A_41] : memref<1x48xf32, #tpu.memory_space<vmem>>, vector<1x48xf32>
    %add3A_43 = vector.broadcast %get3A_42 : vector<1x48xf32> to vector<256x48xf32>
    %add3A_44 = arith.addf %dot_general3A_39, %add3A_43 : vector<256x48xf32>
    %get3A_45 = arith.constant 0 : index
    %get3A_46 = arith.constant 0 : index
    %get3A_47 = vector.load %arg10[%get3A_45, %get3A_46] : memref<48x768xf32, #tpu.memory_space<vmem>>, vector<48x768xf32>
    %dot_general3A_48 = arith.constant dense<0.000000e+00> : vector<256x768xf32>
    %dot_general3A_49 = tpu.matmul %add3A_44, %get3A_47, %dot_general3A_48 {dimension_numbers = #tpu.dot_dimension_numbers<[1], [0], [0], [1], [0, 0, 1, 1], [], []>, transpose_lhs_hint = false} : vector<256x48xf32>, vector<48x768xf32>, vector<256x768xf32> -> vector<256x768xf32>
    %get3A_50 = arith.constant 0 : index
    %get3A_51 = arith.constant 0 : index
    %get3A_52 = vector.load %arg11[%get3A_50, %get3A_51] : memref<1x768xf32, #tpu.memory_space<vmem>>, vector<1x768xf32>
    %add3A_53 = vector.broadcast %get3A_52 : vector<1x768xf32> to vector<256x768xf32>
    %add3A_54 = arith.addf %dot_general3A_49, %add3A_53 : vector<256x768xf32>
    %mul3A_55 = arith.constant 5.000000e-01 : f32
    %mul3A_56 = vector.broadcast %mul3A_55 : f32 to vector<256x768xf32>
    %mul3A_57 = arith.mulf %mul3A_56, %add3A_54 : vector<256x768xf32>
    %mul3A_58 = arith.constant 0.707106769 : f32
    %mul3A_59 = vector.broadcast %mul3A_58 : f32 to vector<256x768xf32>
    %mul3A_60 = arith.mulf %add3A_54, %mul3A_59 : vector<256x768xf32>
    %erf3A_61 = math.erf %mul3A_60 : vector<256x768xf32>
    %add3A_62 = arith.constant 1.000000e+00 : f32
    %add3A_63 = vector.broadcast %add3A_62 : f32 to vector<256x768xf32>
    %add3A_64 = arith.addf %add3A_63, %erf3A_61 : vector<256x768xf32>
    %mul3A_65 = arith.mulf %mul3A_57, %add3A_64 : vector<256x768xf32>
    %get3A_66 = arith.constant 0 : index
    %get3A_67 = arith.constant 0 : index
    %get3A_68 = arith.constant 0 : index
    %get3A_69 = vector.load %arg12[%get3A_66, %get3A_67, %get3A_68] : memref<3x768x16xf32, #tpu.memory_space<vmem>>, vector<1x768x16xf32>
    %get3A_70 = vector.shape_cast %get3A_69 : vector<1x768x16xf32> to vector<768x16xf32>
    %dot_general3A_71 = arith.constant dense<0.000000e+00> : vector<256x16xf32>
    %dot_general3A_72 = tpu.matmul %mul3A_65, %get3A_70, %dot_general3A_71 {dimension_numbers = #tpu.dot_dimension_numbers<[1], [0], [0], [1], [0, 0, 1, 1], [], []>, transpose_lhs_hint = false} : vector<256x768xf32>, vector<768x16xf32>, vector<256x16xf32> -> vector<256x16xf32>
    %get3A_73 = arith.constant 0 : index
    %get3A_74 = arith.constant 0 : index
    %get3A_75 = vector.load %arg13[%get3A_73, %get3A_74] : memref<1x3xf32, #tpu.memory_space<vmem>>, vector<1x1xf32>
    %add3A_76 = vector.broadcast %get3A_75 : vector<1x1xf32> to vector<256x16xf32>
    %add3A_77 = arith.addf %dot_general3A_72, %add3A_76 : vector<256x16xf32>
    %swap3A_78 = arith.constant 0 : index
    %swap3A_79 = arith.constant 0 : index
    %swap3A_80 = vector.load %arg17[%swap3A_78, %swap3A_79] : memref<256x48xf32, #tpu.memory_space<vmem>>, vector<256x16xf32>
    tpu.vector_store %arg17[%swap3A_78, %swap3A_79], %add3A_77 {strides = array<i32>} : memref<256x48xf32, #tpu.memory_space<vmem>>, vector<256x16xf32>,
    %get3A_81 = arith.constant 1 : index
    %get3A_82 = arith.constant 0 : index
    %get3A_83 = arith.constant 0 : index
    %get3A_84 = vector.load %arg12[%get3A_81, %get3A_82, %get3A_83] : memref<3x768x16xf32, #tpu.memory_space<vmem>>, vector<1x768x16xf32>
    %get3A_85 = vector.shape_cast %get3A_84 : vector<1x768x16xf32> to vector<768x16xf32>
    %dot_general3A_86 = arith.constant dense<0.000000e+00> : vector<256x16xf32>
    %dot_general3A_87 = tpu.matmul %mul3A_65, %get3A_85, %dot_general3A_86 {dimension_numbers = #tpu.dot_dimension_numbers<[1], [0], [0], [1], [0, 0, 1, 1], [], []>, transpose_lhs_hint = false} : vector<256x768xf32>, vector<768x16xf32>, vector<256x16xf32> -> vector<256x16xf32>
    %get3A_88 = arith.constant 0 : index
    %get3A_89 = arith.constant 1 : index
    %get3A_90 = vector.load %arg13[%get3A_88, %get3A_89] : memref<1x3xf32, #tpu.memory_space<vmem>>, vector<1x1xf32>
    %add3A_91 = vector.broadcast %get3A_90 : vector<1x1xf32> to vector<256x16xf32>
    %add3A_92 = arith.addf %dot_general3A_87, %add3A_91 : vector<256x16xf32>
    %swap3A_93 = arith.constant 0 : index
    %swap3A_94 = arith.constant 16 : index
    %swap3A_95 = vector.load %arg17[%swap3A_93, %swap3A_94] : memref<256x48xf32, #tpu.memory_space<vmem>>, vector<256x16xf32>
    tpu.vector_store %arg17[%swap3A_93, %swap3A_94], %add3A_92 {strides = array<i32>} : memref<256x48xf32, #tpu.memory_space<vmem>>, vector<256x16xf32>,
    %get3A_96 = arith.constant 2 : index
    %get3A_97 = arith.constant 0 : index
    %get3A_98 = arith.constant 0 : index
    %get3A_99 = vector.load %arg12[%get3A_96, %get3A_97, %get3A_98] : memref<3x768x16xf32, #tpu.memory_space<vmem>>, vector<1x768x16xf32>
    %get3A_100 = vector.shape_cast %get3A_99 : vector<1x768x16xf32> to vector<768x16xf32>
    %dot_general3A_101 = arith.constant dense<0.000000e+00> : vector<256x16xf32>
    %dot_general3A_102 = tpu.matmul %mul3A_65, %get3A_100, %dot_general3A_101 {dimension_numbers = #tpu.dot_dimension_numbers<[1], [0], [0], [1], [0, 0, 1, 1], [], []>, transpose_lhs_hint = false} : vector<256x768xf32>, vector<768x16xf32>, vector<256x16xf32> -> vector<256x16xf32>
    %get3A_103 = arith.constant 0 : index
    %get3A_104 = arith.constant 2 : index
    %get3A_105 = vector.load %arg13[%get3A_103, %get3A_104] : memref<1x3xf32, #tpu.memory_space<vmem>>, vector<1x1xf32>
    %add3A_106 = vector.broadcast %get3A_105 : vector<1x1xf32> to vector<256x16xf32>
    %add3A_107 = arith.addf %dot_general3A_102, %add3A_106 : vector<256x16xf32>
    %swap3A_108 = arith.constant 0 : index
    %swap3A_109 = arith.constant 32 : index
    %swap3A_110 = vector.load %arg17[%swap3A_108, %swap3A_109] : memref<256x48xf32, #tpu.memory_space<vmem>>, vector<256x16xf32>
    tpu.vector_store %arg17[%swap3A_108, %swap3A_109], %add3A_107 {strides = array<i32>} : memref<256x48xf32, #tpu.memory_space<vmem>>, vector<256x16xf32>,
    %get3A_111 = arith.constant 0 : index
    %get3A_112 = arith.constant 0 : index
    %get3A_113 = vector.load %arg1[%get3A_111, %get3A_112] : memref<3x2048xf32, #tpu.memory_space<vmem>>, vector<3x2048xf32>
    %slice3A_114 = vector.extract_strided_slice %get3A_113 {offsets = [0, 0], sizes = [1, 2048], strides = [1, 1]} : vector<3x2048xf32> to vector<1x2048xf32>
    %slice3A_115 = vector.extract_strided_slice %get3A_113 {offsets = [1, 0], sizes = [1, 2048], strides = [1, 1]} : vector<3x2048xf32> to vector<1x2048xf32>
    %slice3A_116 = vector.extract_strided_slice %get3A_113 {offsets = [2, 0], sizes = [1, 2048], strides = [1, 1]} : vector<3x2048xf32> to vector<1x2048xf32>
    %get3A_117 = arith.constant 0 : index
    %get3A_118 = arith.constant 0 : index
    %get3A_119 = vector.load %arg2[%get3A_117, %get3A_118] : memref<256x3xf32, #tpu.memory_space<vmem>>, vector<256x3xf32>
    %iota3A = tpu.iota {dimensions = array<i32: 1>} : vector<256x2048xi32>
    %convert_element_type3A = arith.sitofp %iota3A : vector<256x2048xi32> to vector<256x2048xf32>
    %slice3A_120 = vector.extract_strided_slice %get3A_119 {offsets = [0, 0], sizes = [256, 1], strides = [1, 1]} : vector<256x3xf32> to vector<256x1xf32>
    %slice3A_121 = vector.extract_strided_slice %add3A_44 {offsets = [0, 0], sizes = [256, 1], strides = [1, 1]} : vector<256x48xf32> to vector<256x1xf32>
    %mul3A_122 = arith.constant 1.000000e+01 : f32
    %mul3A_123 = vector.broadcast %mul3A_122 : f32 to vector<256x1xf32>
    %mul3A_124 = arith.mulf %slice3A_121, %mul3A_123 : vector<256x1xf32>
    %add3A_125 = arith.addf %slice3A_120, %mul3A_124 : vector<256x1xf32>
    %slice3A_126 = vector.extract_strided_slice %get3A_119 {offsets = [0, 1], sizes = [256, 1], strides = [1, 1]} : vector<256x3xf32> to vector<256x1xf32>
    %slice3A_127 = vector.extract_strided_slice %add3A_44 {offsets = [0, 1], sizes = [256, 1], strides = [1, 1]} : vector<256x48xf32> to vector<256x1xf32>
    %mul3A_128 = arith.constant 1.000000e+01 : f32
    %mul3A_129 = vector.broadcast %mul3A_128 : f32 to vector<256x1xf32>
    %mul3A_130 = arith.mulf %slice3A_127, %mul3A_129 : vector<256x1xf32>
    %add3A_131 = arith.addf %slice3A_126, %mul3A_130 : vector<256x1xf32>
    %slice3A_132 = vector.extract_strided_slice %get3A_119 {offsets = [0, 2], sizes = [256, 1], strides = [1, 1]} : vector<256x3xf32> to vector<256x1xf32>
    %slice3A_133 = vector.extract_strided_slice %add3A_44 {offsets = [0, 2], sizes = [256, 1], strides = [1, 1]} : vector<256x48xf32> to vector<256x1xf32>
    %mul3A_134 = arith.constant 1.000000e+01 : f32
    %mul3A_135 = vector.broadcast %mul3A_134 : f32 to vector<256x1xf32>
    %mul3A_136 = arith.mulf %slice3A_133, %mul3A_135 : vector<256x1xf32>
    %add3A_137 = arith.addf %slice3A_132, %mul3A_136 : vector<256x1xf32>
    %sub3A = vector.broadcast %add3A_125 : vector<256x1xf32> to vector<256x2048xf32>
    %sub3A_138 = vector.broadcast %slice3A_114 : vector<1x2048xf32> to vector<256x2048xf32>
    %sub3A_139 = arith.subf %sub3A, %sub3A_138 : vector<256x2048xf32>
    %sub3A_140 = vector.broadcast %add3A_131 : vector<256x1xf32> to vector<256x2048xf32>
    %sub3A_141 = vector.broadcast %slice3A_115 : vector<1x2048xf32> to vector<256x2048xf32>
    %sub3A_142 = arith.subf %sub3A_140, %sub3A_141 : vector<256x2048xf32>
    %sub3A_143 = vector.broadcast %add3A_137 : vector<256x1xf32> to vector<256x2048xf32>
    %sub3A_144 = vector.broadcast %slice3A_116 : vector<1x2048xf32> to vector<256x2048xf32>
    %sub3A_145 = arith.subf %sub3A_143, %sub3A_144 : vector<256x2048xf32>
    %mul3A_146 = arith.mulf %sub3A_139, %sub3A_139 : vector<256x2048xf32>
    %mul3A_147 = arith.mulf %sub3A_142, %sub3A_142 : vector<256x2048xf32>
    %add3A_148 = arith.addf %mul3A_146, %mul3A_147 : vector<256x2048xf32>
    %mul3A_149 = arith.mulf %sub3A_145, %sub3A_145 : vector<256x2048xf32>
    %add3A_150 = arith.addf %add3A_148, %mul3A_149 : vector<256x2048xf32>
    %reduce_min3A = arith.constant dense<0x7F800000> : vector<256xf32>
    %reduce_min3A_151 = vector.multi_reduction <minimumf>, %add3A_150, %reduce_min3A [1] : vector<256x2048xf32> to vector<256xf32>
    %broadcast_in_dim3A = vector.shape_cast %reduce_min3A_151 : vector<256xf32> to vector<256x1xf32>
    %eq3A = vector.broadcast %broadcast_in_dim3A : vector<256x1xf32> to vector<256x2048xf32>
    %eq3A_152 = arith.cmpf oeq, %add3A_150, %eq3A : vector<256x2048xf32>
    %jit3A = arith.constant 2.048000e+03 : f32
    %broadcast_in_dim3A_153 = vector.broadcast %jit3A : f32 to vector<256x2048xf32>
    %select_n3A = arith.select %eq3A_152, %convert_element_type3A, %broadcast_in_dim3A_153 : vector<256x2048xi1>, vector<256x2048xf32>
    %reduce_min3A_154 = arith.constant dense<0x7F800000> : vector<256xf32>
    %reduce_min3A_155 = vector.multi_reduction <minimumf>, %select_n3A, %reduce_min3A_154 [1] : vector<256x2048xf32> to vector<256xf32>
    %broadcast_in_dim3A_156 = vector.shape_cast %reduce_min3A_155 : vector<256xf32> to vector<256x1xf32>
    %convert_element_type3A_157 = arith.fptosi %broadcast_in_dim3A_156 : vector<256x1xf32> to vector<256x1xi32>
    %swap3A_158 = arith.constant 0 : index
    %swap3A_159 = arith.constant 0 : index
    %swap3A_160 = vector.load %arg16[%swap3A_158, %swap3A_159] : memref<256x16xi32, #tpu.memory_space<vmem>>, vector<256x1xi32>
    tpu.vector_store %arg16[%swap3A_158, %swap3A_159], %convert_element_type3A_157 {strides = array<i32>} : memref<256x16xi32, #tpu.memory_space<vmem>>, vector<256x1xi32>,
    %slice3A_161 = vector.extract_strided_slice %get3A_119 {offsets = [0, 0], sizes = [256, 1], strides = [1, 1]} : vector<256x3xf32> to vector<256x1xf32>
    %slice3A_162 = vector.extract_strided_slice %add3A_44 {offsets = [0, 3], sizes = [256, 1], strides = [1, 1]} : vector<256x48xf32> to vector<256x1xf32>
    %mul3A_163 = arith.constant 1.000000e+01 : f32
    %mul3A_164 = vector.broadcast %mul3A_163 : f32 to vector<256x1xf32>
    %mul3A_165 = arith.mulf %slice3A_162, %mul3A_164 : vector<256x1xf32>
    %add3A_166 = arith.addf %slice3A_161, %mul3A_165 : vector<256x1xf32>
    %slice3A_167 = vector.extract_strided_slice %get3A_119 {offsets = [0, 1], sizes = [256, 1], strides = [1, 1]} : vector<256x3xf32> to vector<256x1xf32>
    %slice3A_168 = vector.extract_strided_slice %add3A_44 {offsets = [0, 4], sizes = [256, 1], strides = [1, 1]} : vector<256x48xf32> to vector<256x1xf32>
    %mul3A_169 = arith.constant 1.000000e+01 : f32
    %mul3A_170 = vector.broadcast %mul3A_169 : f32 to vector<256x1xf32>
    %mul3A_171 = arith.mulf %slice3A_168, %mul3A_170 : vector<256x1xf32>
    %add3A_172 = arith.addf %slice3A_167, %mul3A_171 : vector<256x1xf32>
    %slice3A_173 = vector.extract_strided_slice %get3A_119 {offsets = [0, 2], sizes = [256, 1], strides = [1, 1]} : vector<256x3xf32> to vector<256x1xf32>
    %slice3A_174 = vector.extract_strided_slice %add3A_44 {offsets = [0, 5], sizes = [256, 1], strides = [1, 1]} : vector<256x48xf32> to vector<256x1xf32>
    %mul3A_175 = arith.constant 1.000000e+01 : f32
    %mul3A_176 = vector.broadcast %mul3A_175 : f32 to vector<256x1xf32>
    %mul3A_177 = arith.mulf %slice3A_174, %mul3A_176 : vector<256x1xf32>
    %add3A_178 = arith.addf %slice3A_173, %mul3A_177 : vector<256x1xf32>
    %sub3A_179 = vector.broadcast %add3A_166 : vector<256x1xf32> to vector<256x2048xf32>
    %sub3A_180 = vector.broadcast %slice3A_114 : vector<1x2048xf32> to vector<256x2048xf32>
    %sub3A_181 = arith.subf %sub3A_179, %sub3A_180 : vector<256x2048xf32>
    %sub3A_182 = vector.broadcast %add3A_172 : vector<256x1xf32> to vector<256x2048xf32>
    %sub3A_183 = vector.broadcast %slice3A_115 : vector<1x2048xf32> to vector<256x2048xf32>
    %sub3A_184 = arith.subf %sub3A_182, %sub3A_183 : vector<256x2048xf32>
    %sub3A_185 = vector.broadcast %add3A_178 : vector<256x1xf32> to vector<256x2048xf32>
    %sub3A_186 = vector.broadcast %slice3A_116 : vector<1x2048xf32> to vector<256x2048xf32>
    %sub3A_187 = arith.subf %sub3A_185, %sub3A_186 : vector<256x2048xf32>
    %mul3A_188 = arith.mulf %sub3A_181, %sub3A_181 : vector<256x2048xf32>
    %mul3A_189 = arith.mulf %sub3A_184, %sub3A_184 : vector<256x2048xf32>
    %add3A_190 = arith.addf %mul3A_188, %mul3A_189 : vector<256x2048xf32>
    %mul3A_191 = arith.mulf %sub3A_187, %sub3A_187 : vector<256x2048xf32>
    %add3A_192 = arith.addf %add3A_190, %mul3A_191 : vector<256x2048xf32>
    %reduce_min3A_193 = arith.constant dense<0x7F800000> : vector<256xf32>
    %reduce_min3A_194 = vector.multi_reduction <minimumf>, %add3A_192, %reduce_min3A_193 [1] : vector<256x2048xf32> to vector<256xf32>
    %broadcast_in_dim3A_195 = vector.shape_cast %reduce_min3A_194 : vector<256xf32> to vector<256x1xf32>
    %eq3A_196 = vector.broadcast %broadcast_in_dim3A_195 : vector<256x1xf32> to vector<256x2048xf32>
    %eq3A_197 = arith.cmpf oeq, %add3A_192, %eq3A_196 : vector<256x2048xf32>
    %jit3A_198 = arith.constant 2.048000e+03 : f32
    %broadcast_in_dim3A_199 = vector.broadcast %jit3A_198 : f32 to vector<256x2048xf32>
    %select_n3A_200 = arith.select %eq3A_197, %convert_element_type3A, %broadcast_in_dim3A_199 : vector<256x2048xi1>, vector<256x2048xf32>
    %reduce_min3A_201 = arith.constant dense<0x7F800000> : vector<256xf32>
    %reduce_min3A_202 = vector.multi_reduction <minimumf>, %select_n3A_200, %reduce_min3A_201 [1] : vector<256x2048xf32> to vector<256xf32>
    %broadcast_in_dim3A_203 = vector.shape_cast %reduce_min3A_202 : vector<256xf32> to vector<256x1xf32>
    %convert_element_type3A_204 = arith.fptosi %broadcast_in_dim3A_203 : vector<256x1xf32> to vector<256x1xi32>
    %swap3A_205 = arith.constant 0 : index
    %swap3A_206 = arith.constant 1 : index
    %swap3A_207 = vector.load %arg16[%swap3A_205, %swap3A_206] : memref<256x16xi32, #tpu.memory_space<vmem>>, vector<256x1xi32>
    tpu.vector_store %arg16[%swap3A_205, %swap3A_206], %convert_element_type3A_204 {strides = array<i32>} : memref<256x16xi32, #tpu.memory_space<vmem>>, vector<256x1xi32>,
    %slice3A_208 = vector.extract_strided_slice %get3A_119 {offsets = [0, 0], sizes = [256, 1], strides = [1, 1]} : vector<256x3xf32> to vector<256x1xf32>
    %slice3A_209 = vector.extract_strided_slice %add3A_44 {offsets = [0, 6], sizes = [256, 1], strides = [1, 1]} : vector<256x48xf32> to vector<256x1xf32>
    %mul3A_210 = arith.constant 1.000000e+01 : f32
    %mul3A_211 = vector.broadcast %mul3A_210 : f32 to vector<256x1xf32>
    %mul3A_212 = arith.mulf %slice3A_209, %mul3A_211 : vector<256x1xf32>
    %add3A_213 = arith.addf %slice3A_208, %mul3A_212 : vector<256x1xf32>
    %slice3A_214 = vector.extract_strided_slice %get3A_119 {offsets = [0, 1], sizes = [256, 1], strides = [1, 1]} : vector<256x3xf32> to vector<256x1xf32>
    %slice3A_215 = vector.extract_strided_slice %add3A_44 {offsets = [0, 7], sizes = [256, 1], strides = [1, 1]} : vector<256x48xf32> to vector<256x1xf32>
    %mul3A_216 = arith.constant 1.000000e+01 : f32
    %mul3A_217 = vector.broadcast %mul3A_216 : f32 to vector<256x1xf32>
    %mul3A_218 = arith.mulf %slice3A_215, %mul3A_217 : vector<256x1xf32>
    %add3A_219 = arith.addf %slice3A_214, %mul3A_218 : vector<256x1xf32>
    %slice3A_220 = vector.extract_strided_slice %get3A_119 {offsets = [0, 2], sizes = [256, 1], strides = [1, 1]} : vector<256x3xf32> to vector<256x1xf32>
    %slice3A_221 = vector.extract_strided_slice %add3A_44 {offsets = [0, 8], sizes = [256, 1], strides = [1, 1]} : vector<256x48xf32> to vector<256x1xf32>
    %mul3A_222 = arith.constant 1.000000e+01 : f32
    %mul3A_223 = vector.broadcast %mul3A_222 : f32 to vector<256x1xf32>
    %mul3A_224 = arith.mulf %slice3A_221, %mul3A_223 : vector<256x1xf32>
    %add3A_225 = arith.addf %slice3A_220, %mul3A_224 : vector<256x1xf32>
    %sub3A_226 = vector.broadcast %add3A_213 : vector<256x1xf32> to vector<256x2048xf32>
    %sub3A_227 = vector.broadcast %slice3A_114 : vector<1x2048xf32> to vector<256x2048xf32>
    %sub3A_228 = arith.subf %sub3A_226, %sub3A_227 : vector<256x2048xf32>
    %sub3A_229 = vector.broadcast %add3A_219 : vector<256x1xf32> to vector<256x2048xf32>
    %sub3A_230 = vector.broadcast %slice3A_115 : vector<1x2048xf32> to vector<256x2048xf32>
    %sub3A_231 = arith.subf %sub3A_229, %sub3A_230 : vector<256x2048xf32>
    %sub3A_232 = vector.broadcast %add3A_225 : vector<256x1xf32> to vector<256x2048xf32>
    %sub3A_233 = vector.broadcast %slice3A_116 : vector<1x2048xf32> to vector<256x2048xf32>
    %sub3A_234 = arith.subf %sub3A_232, %sub3A_233 : vector<256x2048xf32>
    %mul3A_235 = arith.mulf %sub3A_228, %sub3A_228 : vector<256x2048xf32>
    %mul3A_236 = arith.mulf %sub3A_231, %sub3A_231 : vector<256x2048xf32>
    %add3A_237 = arith.addf %mul3A_235, %mul3A_236 : vector<256x2048xf32>
    %mul3A_238 = arith.mulf %sub3A_234, %sub3A_234 : vector<256x2048xf32>
    %add3A_239 = arith.addf %add3A_237, %mul3A_238 : vector<256x2048xf32>
    %reduce_min3A_240 = arith.constant dense<0x7F800000> : vector<256xf32>
    %reduce_min3A_241 = vector.multi_reduction <minimumf>, %add3A_239, %reduce_min3A_240 [1] : vector<256x2048xf32> to vector<256xf32>
    %broadcast_in_dim3A_242 = vector.shape_cast %reduce_min3A_241 : vector<256xf32> to vector<256x1xf32>
    %eq3A_243 = vector.broadcast %broadcast_in_dim3A_242 : vector<256x1xf32> to vector<256x2048xf32>
    %eq3A_244 = arith.cmpf oeq, %add3A_239, %eq3A_243 : vector<256x2048xf32>
    %jit3A_245 = arith.constant 2.048000e+03 : f32
    %broadcast_in_dim3A_246 = vector.broadcast %jit3A_245 : f32 to vector<256x2048xf32>
    %select_n3A_247 = arith.select %eq3A_244, %convert_element_type3A, %broadcast_in_dim3A_246 : vector<256x2048xi1>, vector<256x2048xf32>
    %reduce_min3A_248 = arith.constant dense<0x7F800000> : vector<256xf32>
    %reduce_min3A_249 = vector.multi_reduction <minimumf>, %select_n3A_247, %reduce_min3A_248 [1] : vector<256x2048xf32> to vector<256xf32>
    %broadcast_in_dim3A_250 = vector.shape_cast %reduce_min3A_249 : vector<256xf32> to vector<256x1xf32>
    %convert_element_type3A_251 = arith.fptosi %broadcast_in_dim3A_250 : vector<256x1xf32> to vector<256x1xi32>
    %swap3A_252 = arith.constant 0 : index
    %swap3A_253 = arith.constant 2 : index
    %swap3A_254 = vector.load %arg16[%swap3A_252, %swap3A_253] : memref<256x16xi32, #tpu.memory_space<vmem>>, vector<256x1xi32>
    tpu.vector_store %arg16[%swap3A_252, %swap3A_253], %convert_element_type3A_251 {strides = array<i32>} : memref<256x16xi32, #tpu.memory_space<vmem>>, vector<256x1xi32>,
    %slice3A_255 = vector.extract_strided_slice %get3A_119 {offsets = [0, 0], sizes = [256, 1], strides = [1, 1]} : vector<256x3xf32> to vector<256x1xf32>
    %slice3A_256 = vector.extract_strided_slice %add3A_44 {offsets = [0, 9], sizes = [256, 1], strides = [1, 1]} : vector<256x48xf32> to vector<256x1xf32>
    %mul3A_257 = arith.constant 1.000000e+01 : f32
    %mul3A_258 = vector.broadcast %mul3A_257 : f32 to vector<256x1xf32>
    %mul3A_259 = arith.mulf %slice3A_256, %mul3A_258 : vector<256x1xf32>
    %add3A_260 = arith.addf %slice3A_255, %mul3A_259 : vector<256x1xf32>
    %slice3A_261 = vector.extract_strided_slice %get3A_119 {offsets = [0, 1], sizes = [256, 1], strides = [1, 1]} : vector<256x3xf32> to vector<256x1xf32>
    %slice3A_262 = vector.extract_strided_slice %add3A_44 {offsets = [0, 10], sizes = [256, 1], strides = [1, 1]} : vector<256x48xf32> to vector<256x1xf32>
    %mul3A_263 = arith.constant 1.000000e+01 : f32
    %mul3A_264 = vector.broadcast %mul3A_263 : f32 to vector<256x1xf32>
    %mul3A_265 = arith.mulf %slice3A_262, %mul3A_264 : vector<256x1xf32>
    %add3A_266 = arith.addf %slice3A_261, %mul3A_265 : vector<256x1xf32>
    %slice3A_267 = vector.extract_strided_slice %get3A_119 {offsets = [0, 2], sizes = [256, 1], strides = [1, 1]} : vector<256x3xf32> to vector<256x1xf32>
    %slice3A_268 = vector.extract_strided_slice %add3A_44 {offsets = [0, 11], sizes = [256, 1], strides = [1, 1]} : vector<256x48xf32> to vector<256x1xf32>
    %mul3A_269 = arith.constant 1.000000e+01 : f32
    %mul3A_270 = vector.broadcast %mul3A_269 : f32 to vector<256x1xf32>
    %mul3A_271 = arith.mulf %slice3A_268, %mul3A_270 : vector<256x1xf32>
    %add3A_272 = arith.addf %slice3A_267, %mul3A_271 : vector<256x1xf32>
    %sub3A_273 = vector.broadcast %add3A_260 : vector<256x1xf32> to vector<256x2048xf32>
    %sub3A_274 = vector.broadcast %slice3A_114 : vector<1x2048xf32> to vector<256x2048xf32>
    %sub3A_275 = arith.subf %sub3A_273, %sub3A_274 : vector<256x2048xf32>
    %sub3A_276 = vector.broadcast %add3A_266 : vector<256x1xf32> to vector<256x2048xf32>
    %sub3A_277 = vector.broadcast %slice3A_115 : vector<1x2048xf32> to vector<256x2048xf32>
    %sub3A_278 = arith.subf %sub3A_276, %sub3A_277 : vector<256x2048xf32>
    %sub3A_279 = vector.broadcast %add3A_272 : vector<256x1xf32> to vector<256x2048xf32>
    %sub3A_280 = vector.broadcast %slice3A_116 : vector<1x2048xf32> to vector<256x2048xf32>
    %sub3A_281 = arith.subf %sub3A_279, %sub3A_280 : vector<256x2048xf32>
    %mul3A_282 = arith.mulf %sub3A_275, %sub3A_275 : vector<256x2048xf32>
    %mul3A_283 = arith.mulf %sub3A_278, %sub3A_278 : vector<256x2048xf32>
    %add3A_284 = arith.addf %mul3A_282, %mul3A_283 : vector<256x2048xf32>
    %mul3A_285 = arith.mulf %sub3A_281, %sub3A_281 : vector<256x2048xf32>
    %add3A_286 = arith.addf %add3A_284, %mul3A_285 : vector<256x2048xf32>
    %reduce_min3A_287 = arith.constant dense<0x7F800000> : vector<256xf32>
    %reduce_min3A_288 = vector.multi_reduction <minimumf>, %add3A_286, %reduce_min3A_287 [1] : vector<256x2048xf32> to vector<256xf32>
    %broadcast_in_dim3A_289 = vector.shape_cast %reduce_min3A_288 : vector<256xf32> to vector<256x1xf32>
    %eq3A_290 = vector.broadcast %broadcast_in_dim3A_289 : vector<256x1xf32> to vector<256x2048xf32>
    %eq3A_291 = arith.cmpf oeq, %add3A_286, %eq3A_290 : vector<256x2048xf32>
    %jit3A_292 = arith.constant 2.048000e+03 : f32
    %broadcast_in_dim3A_293 = vector.broadcast %jit3A_292 : f32 to vector<256x2048xf32>
    %select_n3A_294 = arith.select %eq3A_291, %convert_element_type3A, %broadcast_in_dim3A_293 : vector<256x2048xi1>, vector<256x2048xf32>
    %reduce_min3A_295 = arith.constant dense<0x7F800000> : vector<256xf32>
    %reduce_min3A_296 = vector.multi_reduction <minimumf>, %select_n3A_294, %reduce_min3A_295 [1] : vector<256x2048xf32> to vector<256xf32>
    %broadcast_in_dim3A_297 = vector.shape_cast %reduce_min3A_296 : vector<256xf32> to vector<256x1xf32>
    %convert_element_type3A_298 = arith.fptosi %broadcast_in_dim3A_297 : vector<256x1xf32> to vector<256x1xi32>
    %swap3A_299 = arith.constant 0 : index
    %swap3A_300 = arith.constant 3 : index
    %swap3A_301 = vector.load %arg16[%swap3A_299, %swap3A_300] : memref<256x16xi32, #tpu.memory_space<vmem>>, vector<256x1xi32>
    tpu.vector_store %arg16[%swap3A_299, %swap3A_300], %convert_element_type3A_298 {strides = array<i32>} : memref<256x16xi32, #tpu.memory_space<vmem>>, vector<256x1xi32>,
    %slice3A_302 = vector.extract_strided_slice %get3A_119 {offsets = [0, 0], sizes = [256, 1], strides = [1, 1]} : vector<256x3xf32> to vector<256x1xf32>
    %slice3A_303 = vector.extract_strided_slice %add3A_44 {offsets = [0, 12], sizes = [256, 1], strides = [1, 1]} : vector<256x48xf32> to vector<256x1xf32>
    %mul3A_304 = arith.constant 1.000000e+01 : f32
    %mul3A_305 = vector.broadcast %mul3A_304 : f32 to vector<256x1xf32>
    %mul3A_306 = arith.mulf %slice3A_303, %mul3A_305 : vector<256x1xf32>
    %add3A_307 = arith.addf %slice3A_302, %mul3A_306 : vector<256x1xf32>
    %slice3A_308 = vector.extract_strided_slice %get3A_119 {offsets = [0, 1], sizes = [256, 1], strides = [1, 1]} : vector<256x3xf32> to vector<256x1xf32>
    %slice3A_309 = vector.extract_strided_slice %add3A_44 {offsets = [0, 13], sizes = [256, 1], strides = [1, 1]} : vector<256x48xf32> to vector<256x1xf32>
    %mul3A_310 = arith.constant 1.000000e+01 : f32
    %mul3A_311 = vector.broadcast %mul3A_310 : f32 to vector<256x1xf32>
    %mul3A_312 = arith.mulf %slice3A_309, %mul3A_311 : vector<256x1xf32>
    %add3A_313 = arith.addf %slice3A_308, %mul3A_312 : vector<256x1xf32>
    %slice3A_314 = vector.extract_strided_slice %get3A_119 {offsets = [0, 2], sizes = [256, 1], strides = [1, 1]} : vector<256x3xf32> to vector<256x1xf32>
    %slice3A_315 = vector.extract_strided_slice %add3A_44 {offsets = [0, 14], sizes = [256, 1], strides = [1, 1]} : vector<256x48xf32> to vector<256x1xf32>
    %mul3A_316 = arith.constant 1.000000e+01 : f32
    %mul3A_317 = vector.broadcast %mul3A_316 : f32 to vector<256x1xf32>
    %mul3A_318 = arith.mulf %slice3A_315, %mul3A_317 : vector<256x1xf32>
    %add3A_319 = arith.addf %slice3A_314, %mul3A_318 : vector<256x1xf32>
    %sub3A_320 = vector.broadcast %add3A_307 : vector<256x1xf32> to vector<256x2048xf32>
    %sub3A_321 = vector.broadcast %slice3A_114 : vector<1x2048xf32> to vector<256x2048xf32>
    %sub3A_322 = arith.subf %sub3A_320, %sub3A_321 : vector<256x2048xf32>
    %sub3A_323 = vector.broadcast %add3A_313 : vector<256x1xf32> to vector<256x2048xf32>
    %sub3A_324 = vector.broadcast %slice3A_115 : vector<1x2048xf32> to vector<256x2048xf32>
    %sub3A_325 = arith.subf %sub3A_323, %sub3A_324 : vector<256x2048xf32>
    %sub3A_326 = vector.broadcast %add3A_319 : vector<256x1xf32> to vector<256x2048xf32>
    %sub3A_327 = vector.broadcast %slice3A_116 : vector<1x2048xf32> to vector<256x2048xf32>
    %sub3A_328 = arith.subf %sub3A_326, %sub3A_327 : vector<256x2048xf32>
    %mul3A_329 = arith.mulf %sub3A_322, %sub3A_322 : vector<256x2048xf32>
    %mul3A_330 = arith.mulf %sub3A_325, %sub3A_325 : vector<256x2048xf32>
    %add3A_331 = arith.addf %mul3A_329, %mul3A_330 : vector<256x2048xf32>
    %mul3A_332 = arith.mulf %sub3A_328, %sub3A_328 : vector<256x2048xf32>
    %add3A_333 = arith.addf %add3A_331, %mul3A_332 : vector<256x2048xf32>
    %reduce_min3A_334 = arith.constant dense<0x7F800000> : vector<256xf32>
    %reduce_min3A_335 = vector.multi_reduction <minimumf>, %add3A_333, %reduce_min3A_334 [1] : vector<256x2048xf32> to vector<256xf32>
    %broadcast_in_dim3A_336 = vector.shape_cast %reduce_min3A_335 : vector<256xf32> to vector<256x1xf32>
    %eq3A_337 = vector.broadcast %broadcast_in_dim3A_336 : vector<256x1xf32> to vector<256x2048xf32>
    %eq3A_338 = arith.cmpf oeq, %add3A_333, %eq3A_337 : vector<256x2048xf32>
    %jit3A_339 = arith.constant 2.048000e+03 : f32
    %broadcast_in_dim3A_340 = vector.broadcast %jit3A_339 : f32 to vector<256x2048xf32>
    %select_n3A_341 = arith.select %eq3A_338, %convert_element_type3A, %broadcast_in_dim3A_340 : vector<256x2048xi1>, vector<256x2048xf32>
    %reduce_min3A_342 = arith.constant dense<0x7F800000> : vector<256xf32>
    %reduce_min3A_343 = vector.multi_reduction <minimumf>, %select_n3A_341, %reduce_min3A_342 [1] : vector<256x2048xf32> to vector<256xf32>
    %broadcast_in_dim3A_344 = vector.shape_cast %reduce_min3A_343 : vector<256xf32> to vector<256x1xf32>
    %convert_element_type3A_345 = arith.fptosi %broadcast_in_dim3A_344 : vector<256x1xf32> to vector<256x1xi32>
    %swap3A_346 = arith.constant 0 : index
    %swap3A_347 = arith.constant 4 : index
    %swap3A_348 = vector.load %arg16[%swap3A_346, %swap3A_347] : memref<256x16xi32, #tpu.memory_space<vmem>>, vector<256x1xi32>
    tpu.vector_store %arg16[%swap3A_346, %swap3A_347], %convert_element_type3A_345 {strides = array<i32>} : memref<256x16xi32, #tpu.memory_space<vmem>>, vector<256x1xi32>,
    %slice3A_349 = vector.extract_strided_slice %get3A_119 {offsets = [0, 0], sizes = [256, 1], strides = [1, 1]} : vector<256x3xf32> to vector<256x1xf32>
    %slice3A_350 = vector.extract_strided_slice %add3A_44 {offsets = [0, 15], sizes = [256, 1], strides = [1, 1]} : vector<256x48xf32> to vector<256x1xf32>
    %mul3A_351 = arith.constant 1.000000e+01 : f32
    %mul3A_352 = vector.broadcast %mul3A_351 : f32 to vector<256x1xf32>
    %mul3A_353 = arith.mulf %slice3A_350, %mul3A_352 : vector<256x1xf32>
    %add3A_354 = arith.addf %slice3A_349, %mul3A_353 : vector<256x1xf32>
    %slice3A_355 = vector.extract_strided_slice %get3A_119 {offsets = [0, 1], sizes = [256, 1], strides = [1, 1]} : vector<256x3xf32> to vector<256x1xf32>
    %slice3A_356 = vector.extract_strided_slice %add3A_44 {offsets = [0, 16], sizes = [256, 1], strides = [1, 1]} : vector<256x48xf32> to vector<256x1xf32>
    %mul3A_357 = arith.constant 1.000000e+01 : f32
    %mul3A_358 = vector.broadcast %mul3A_357 : f32 to vector<256x1xf32>
    %mul3A_359 = arith.mulf %slice3A_356, %mul3A_358 : vector<256x1xf32>
    %add3A_360 = arith.addf %slice3A_355, %mul3A_359 : vector<256x1xf32>
    %slice3A_361 = vector.extract_strided_slice %get3A_119 {offsets = [0, 2], sizes = [256, 1], strides = [1, 1]} : vector<256x3xf32> to vector<256x1xf32>
    %slice3A_362 = vector.extract_strided_slice %add3A_44 {offsets = [0, 17], sizes = [256, 1], strides = [1, 1]} : vector<256x48xf32> to vector<256x1xf32>
    %mul3A_363 = arith.constant 1.000000e+01 : f32
    %mul3A_364 = vector.broadcast %mul3A_363 : f32 to vector<256x1xf32>
    %mul3A_365 = arith.mulf %slice3A_362, %mul3A_364 : vector<256x1xf32>
    %add3A_366 = arith.addf %slice3A_361, %mul3A_365 : vector<256x1xf32>
    %sub3A_367 = vector.broadcast %add3A_354 : vector<256x1xf32> to vector<256x2048xf32>
    %sub3A_368 = vector.broadcast %slice3A_114 : vector<1x2048xf32> to vector<256x2048xf32>
    %sub3A_369 = arith.subf %sub3A_367, %sub3A_368 : vector<256x2048xf32>
    %sub3A_370 = vector.broadcast %add3A_360 : vector<256x1xf32> to vector<256x2048xf32>
    %sub3A_371 = vector.broadcast %slice3A_115 : vector<1x2048xf32> to vector<256x2048xf32>
    %sub3A_372 = arith.subf %sub3A_370, %sub3A_371 : vector<256x2048xf32>
    %sub3A_373 = vector.broadcast %add3A_366 : vector<256x1xf32> to vector<256x2048xf32>
    %sub3A_374 = vector.broadcast %slice3A_116 : vector<1x2048xf32> to vector<256x2048xf32>
    %sub3A_375 = arith.subf %sub3A_373, %sub3A_374 : vector<256x2048xf32>
    %mul3A_376 = arith.mulf %sub3A_369, %sub3A_369 : vector<256x2048xf32>
    %mul3A_377 = arith.mulf %sub3A_372, %sub3A_372 : vector<256x2048xf32>
    %add3A_378 = arith.addf %mul3A_376, %mul3A_377 : vector<256x2048xf32>
    %mul3A_379 = arith.mulf %sub3A_375, %sub3A_375 : vector<256x2048xf32>
    %add3A_380 = arith.addf %add3A_378, %mul3A_379 : vector<256x2048xf32>
    %reduce_min3A_381 = arith.constant dense<0x7F800000> : vector<256xf32>
    %reduce_min3A_382 = vector.multi_reduction <minimumf>, %add3A_380, %reduce_min3A_381 [1] : vector<256x2048xf32> to vector<256xf32>
    %broadcast_in_dim3A_383 = vector.shape_cast %reduce_min3A_382 : vector<256xf32> to vector<256x1xf32>
    %eq3A_384 = vector.broadcast %broadcast_in_dim3A_383 : vector<256x1xf32> to vector<256x2048xf32>
    %eq3A_385 = arith.cmpf oeq, %add3A_380, %eq3A_384 : vector<256x2048xf32>
    %jit3A_386 = arith.constant 2.048000e+03 : f32
    %broadcast_in_dim3A_387 = vector.broadcast %jit3A_386 : f32 to vector<256x2048xf32>
    %select_n3A_388 = arith.select %eq3A_385, %convert_element_type3A, %broadcast_in_dim3A_387 : vector<256x2048xi1>, vector<256x2048xf32>
    %reduce_min3A_389 = arith.constant dense<0x7F800000> : vector<256xf32>
    %reduce_min3A_390 = vector.multi_reduction <minimumf>, %select_n3A_388, %reduce_min3A_389 [1] : vector<256x2048xf32> to vector<256xf32>
    %broadcast_in_dim3A_391 = vector.shape_cast %reduce_min3A_390 : vector<256xf32> to vector<256x1xf32>
    %convert_element_type3A_392 = arith.fptosi %broadcast_in_dim3A_391 : vector<256x1xf32> to vector<256x1xi32>
    %swap3A_393 = arith.constant 0 : index
    %swap3A_394 = arith.constant 5 : index
    %swap3A_395 = vector.load %arg16[%swap3A_393, %swap3A_394] : memref<256x16xi32, #tpu.memory_space<vmem>>, vector<256x1xi32>
    tpu.vector_store %arg16[%swap3A_393, %swap3A_394], %convert_element_type3A_392 {strides = array<i32>} : memref<256x16xi32, #tpu.memory_space<vmem>>, vector<256x1xi32>,
    %slice3A_396 = vector.extract_strided_slice %get3A_119 {offsets = [0, 0], sizes = [256, 1], strides = [1, 1]} : vector<256x3xf32> to vector<256x1xf32>
    %slice3A_397 = vector.extract_strided_slice %add3A_44 {offsets = [0, 18], sizes = [256, 1], strides = [1, 1]} : vector<256x48xf32> to vector<256x1xf32>
    %mul3A_398 = arith.constant 1.000000e+01 : f32
    %mul3A_399 = vector.broadcast %mul3A_398 : f32 to vector<256x1xf32>
    %mul3A_400 = arith.mulf %slice3A_397, %mul3A_399 : vector<256x1xf32>
    %add3A_401 = arith.addf %slice3A_396, %mul3A_400 : vector<256x1xf32>
    %slice3A_402 = vector.extract_strided_slice %get3A_119 {offsets = [0, 1], sizes = [256, 1], strides = [1, 1]} : vector<256x3xf32> to vector<256x1xf32>
    %slice3A_403 = vector.extract_strided_slice %add3A_44 {offsets = [0, 19], sizes = [256, 1], strides = [1, 1]} : vector<256x48xf32> to vector<256x1xf32>
    %mul3A_404 = arith.constant 1.000000e+01 : f32
    %mul3A_405 = vector.broadcast %mul3A_404 : f32 to vector<256x1xf32>
    %mul3A_406 = arith.mulf %slice3A_403, %mul3A_405 : vector<256x1xf32>
    %add3A_407 = arith.addf %slice3A_402, %mul3A_406 : vector<256x1xf32>
    %slice3A_408 = vector.extract_strided_slice %get3A_119 {offsets = [0, 2], sizes = [256, 1], strides = [1, 1]} : vector<256x3xf32> to vector<256x1xf32>
    %slice3A_409 = vector.extract_strided_slice %add3A_44 {offsets = [0, 20], sizes = [256, 1], strides = [1, 1]} : vector<256x48xf32> to vector<256x1xf32>
    %mul3A_410 = arith.constant 1.000000e+01 : f32
    %mul3A_411 = vector.broadcast %mul3A_410 : f32 to vector<256x1xf32>
    %mul3A_412 = arith.mulf %slice3A_409, %mul3A_411 : vector<256x1xf32>
    %add3A_413 = arith.addf %slice3A_408, %mul3A_412 : vector<256x1xf32>
    %sub3A_414 = vector.broadcast %add3A_401 : vector<256x1xf32> to vector<256x2048xf32>
    %sub3A_415 = vector.broadcast %slice3A_114 : vector<1x2048xf32> to vector<256x2048xf32>
    %sub3A_416 = arith.subf %sub3A_414, %sub3A_415 : vector<256x2048xf32>
    %sub3A_417 = vector.broadcast %add3A_407 : vector<256x1xf32> to vector<256x2048xf32>
    %sub3A_418 = vector.broadcast %slice3A_115 : vector<1x2048xf32> to vector<256x2048xf32>
    %sub3A_419 = arith.subf %sub3A_417, %sub3A_418 : vector<256x2048xf32>
    %sub3A_420 = vector.broadcast %add3A_413 : vector<256x1xf32> to vector<256x2048xf32>
    %sub3A_421 = vector.broadcast %slice3A_116 : vector<1x2048xf32> to vector<256x2048xf32>
    %sub3A_422 = arith.subf %sub3A_420, %sub3A_421 : vector<256x2048xf32>
    %mul3A_423 = arith.mulf %sub3A_416, %sub3A_416 : vector<256x2048xf32>
    %mul3A_424 = arith.mulf %sub3A_419, %sub3A_419 : vector<256x2048xf32>
    %add3A_425 = arith.addf %mul3A_423, %mul3A_424 : vector<256x2048xf32>
    %mul3A_426 = arith.mulf %sub3A_422, %sub3A_422 : vector<256x2048xf32>
    %add3A_427 = arith.addf %add3A_425, %mul3A_426 : vector<256x2048xf32>
    %reduce_min3A_428 = arith.constant dense<0x7F800000> : vector<256xf32>
    %reduce_min3A_429 = vector.multi_reduction <minimumf>, %add3A_427, %reduce_min3A_428 [1] : vector<256x2048xf32> to vector<256xf32>
    %broadcast_in_dim3A_430 = vector.shape_cast %reduce_min3A_429 : vector<256xf32> to vector<256x1xf32>
    %eq3A_431 = vector.broadcast %broadcast_in_dim3A_430 : vector<256x1xf32> to vector<256x2048xf32>
    %eq3A_432 = arith.cmpf oeq, %add3A_427, %eq3A_431 : vector<256x2048xf32>
    %jit3A_433 = arith.constant 2.048000e+03 : f32
    %broadcast_in_dim3A_434 = vector.broadcast %jit3A_433 : f32 to vector<256x2048xf32>
    %select_n3A_435 = arith.select %eq3A_432, %convert_element_type3A, %broadcast_in_dim3A_434 : vector<256x2048xi1>, vector<256x2048xf32>
    %reduce_min3A_436 = arith.constant dense<0x7F800000> : vector<256xf32>
    %reduce_min3A_437 = vector.multi_reduction <minimumf>, %select_n3A_435, %reduce_min3A_436 [1] : vector<256x2048xf32> to vector<256xf32>
    %broadcast_in_dim3A_438 = vector.shape_cast %reduce_min3A_437 : vector<256xf32> to vector<256x1xf32>
    %convert_element_type3A_439 = arith.fptosi %broadcast_in_dim3A_438 : vector<256x1xf32> to vector<256x1xi32>
    %swap3A_440 = arith.constant 0 : index
    %swap3A_441 = arith.constant 6 : index
    %swap3A_442 = vector.load %arg16[%swap3A_440, %swap3A_441] : memref<256x16xi32, #tpu.memory_space<vmem>>, vector<256x1xi32>
    tpu.vector_store %arg16[%swap3A_440, %swap3A_441], %convert_element_type3A_439 {strides = array<i32>} : memref<256x16xi32, #tpu.memory_space<vmem>>, vector<256x1xi32>,
    %slice3A_443 = vector.extract_strided_slice %get3A_119 {offsets = [0, 0], sizes = [256, 1], strides = [1, 1]} : vector<256x3xf32> to vector<256x1xf32>
    %slice3A_444 = vector.extract_strided_slice %add3A_44 {offsets = [0, 21], sizes = [256, 1], strides = [1, 1]} : vector<256x48xf32> to vector<256x1xf32>
    %mul3A_445 = arith.constant 1.000000e+01 : f32
    %mul3A_446 = vector.broadcast %mul3A_445 : f32 to vector<256x1xf32>
    %mul3A_447 = arith.mulf %slice3A_444, %mul3A_446 : vector<256x1xf32>
    %add3A_448 = arith.addf %slice3A_443, %mul3A_447 : vector<256x1xf32>
    %slice3A_449 = vector.extract_strided_slice %get3A_119 {offsets = [0, 1], sizes = [256, 1], strides = [1, 1]} : vector<256x3xf32> to vector<256x1xf32>
    %slice3A_450 = vector.extract_strided_slice %add3A_44 {offsets = [0, 22], sizes = [256, 1], strides = [1, 1]} : vector<256x48xf32> to vector<256x1xf32>
    %mul3A_451 = arith.constant 1.000000e+01 : f32
    %mul3A_452 = vector.broadcast %mul3A_451 : f32 to vector<256x1xf32>
    %mul3A_453 = arith.mulf %slice3A_450, %mul3A_452 : vector<256x1xf32>
    %add3A_454 = arith.addf %slice3A_449, %mul3A_453 : vector<256x1xf32>
    %slice3A_455 = vector.extract_strided_slice %get3A_119 {offsets = [0, 2], sizes = [256, 1], strides = [1, 1]} : vector<256x3xf32> to vector<256x1xf32>
    %slice3A_456 = vector.extract_strided_slice %add3A_44 {offsets = [0, 23], sizes = [256, 1], strides = [1, 1]} : vector<256x48xf32> to vector<256x1xf32>
    %mul3A_457 = arith.constant 1.000000e+01 : f32
    %mul3A_458 = vector.broadcast %mul3A_457 : f32 to vector<256x1xf32>
    %mul3A_459 = arith.mulf %slice3A_456, %mul3A_458 : vector<256x1xf32>
    %add3A_460 = arith.addf %slice3A_455, %mul3A_459 : vector<256x1xf32>
    %sub3A_461 = vector.broadcast %add3A_448 : vector<256x1xf32> to vector<256x2048xf32>
    %sub3A_462 = vector.broadcast %slice3A_114 : vector<1x2048xf32> to vector<256x2048xf32>
    %sub3A_463 = arith.subf %sub3A_461, %sub3A_462 : vector<256x2048xf32>
    %sub3A_464 = vector.broadcast %add3A_454 : vector<256x1xf32> to vector<256x2048xf32>
    %sub3A_465 = vector.broadcast %slice3A_115 : vector<1x2048xf32> to vector<256x2048xf32>
    %sub3A_466 = arith.subf %sub3A_464, %sub3A_465 : vector<256x2048xf32>
    %sub3A_467 = vector.broadcast %add3A_460 : vector<256x1xf32> to vector<256x2048xf32>
    %sub3A_468 = vector.broadcast %slice3A_116 : vector<1x2048xf32> to vector<256x2048xf32>
    %sub3A_469 = arith.subf %sub3A_467, %sub3A_468 : vector<256x2048xf32>
    %mul3A_470 = arith.mulf %sub3A_463, %sub3A_463 : vector<256x2048xf32>
    %mul3A_471 = arith.mulf %sub3A_466, %sub3A_466 : vector<256x2048xf32>
    %add3A_472 = arith.addf %mul3A_470, %mul3A_471 : vector<256x2048xf32>
    %mul3A_473 = arith.mulf %sub3A_469, %sub3A_469 : vector<256x2048xf32>
    %add3A_474 = arith.addf %add3A_472, %mul3A_473 : vector<256x2048xf32>
    %reduce_min3A_475 = arith.constant dense<0x7F800000> : vector<256xf32>
    %reduce_min3A_476 = vector.multi_reduction <minimumf>, %add3A_474, %reduce_min3A_475 [1] : vector<256x2048xf32> to vector<256xf32>
    %broadcast_in_dim3A_477 = vector.shape_cast %reduce_min3A_476 : vector<256xf32> to vector<256x1xf32>
    %eq3A_478 = vector.broadcast %broadcast_in_dim3A_477 : vector<256x1xf32> to vector<256x2048xf32>
    %eq3A_479 = arith.cmpf oeq, %add3A_474, %eq3A_478 : vector<256x2048xf32>
    %jit3A_480 = arith.constant 2.048000e+03 : f32
    %broadcast_in_dim3A_481 = vector.broadcast %jit3A_480 : f32 to vector<256x2048xf32>
    %select_n3A_482 = arith.select %eq3A_479, %convert_element_type3A, %broadcast_in_dim3A_481 : vector<256x2048xi1>, vector<256x2048xf32>
    %reduce_min3A_483 = arith.constant dense<0x7F800000> : vector<256xf32>
    %reduce_min3A_484 = vector.multi_reduction <minimumf>, %select_n3A_482, %reduce_min3A_483 [1] : vector<256x2048xf32> to vector<256xf32>
    %broadcast_in_dim3A_485 = vector.shape_cast %reduce_min3A_484 : vector<256xf32> to vector<256x1xf32>
    %convert_element_type3A_486 = arith.fptosi %broadcast_in_dim3A_485 : vector<256x1xf32> to vector<256x1xi32>
    %swap3A_487 = arith.constant 0 : index
    %swap3A_488 = arith.constant 7 : index
    %swap3A_489 = vector.load %arg16[%swap3A_487, %swap3A_488] : memref<256x16xi32, #tpu.memory_space<vmem>>, vector<256x1xi32>
    tpu.vector_store %arg16[%swap3A_487, %swap3A_488], %convert_element_type3A_486 {strides = array<i32>} : memref<256x16xi32, #tpu.memory_space<vmem>>, vector<256x1xi32>,
    %slice3A_490 = vector.extract_strided_slice %get3A_119 {offsets = [0, 0], sizes = [256, 1], strides = [1, 1]} : vector<256x3xf32> to vector<256x1xf32>
    %slice3A_491 = vector.extract_strided_slice %add3A_44 {offsets = [0, 24], sizes = [256, 1], strides = [1, 1]} : vector<256x48xf32> to vector<256x1xf32>
    %mul3A_492 = arith.constant 1.000000e+01 : f32
    %mul3A_493 = vector.broadcast %mul3A_492 : f32 to vector<256x1xf32>
    %mul3A_494 = arith.mulf %slice3A_491, %mul3A_493 : vector<256x1xf32>
    %add3A_495 = arith.addf %slice3A_490, %mul3A_494 : vector<256x1xf32>
    %slice3A_496 = vector.extract_strided_slice %get3A_119 {offsets = [0, 1], sizes = [256, 1], strides = [1, 1]} : vector<256x3xf32> to vector<256x1xf32>
    %slice3A_497 = vector.extract_strided_slice %add3A_44 {offsets = [0, 25], sizes = [256, 1], strides = [1, 1]} : vector<256x48xf32> to vector<256x1xf32>
    %mul3A_498 = arith.constant 1.000000e+01 : f32
    %mul3A_499 = vector.broadcast %mul3A_498 : f32 to vector<256x1xf32>
    %mul3A_500 = arith.mulf %slice3A_497, %mul3A_499 : vector<256x1xf32>
    %add3A_501 = arith.addf %slice3A_496, %mul3A_500 : vector<256x1xf32>
    %slice3A_502 = vector.extract_strided_slice %get3A_119 {offsets = [0, 2], sizes = [256, 1], strides = [1, 1]} : vector<256x3xf32> to vector<256x1xf32>
    %slice3A_503 = vector.extract_strided_slice %add3A_44 {offsets = [0, 26], sizes = [256, 1], strides = [1, 1]} : vector<256x48xf32> to vector<256x1xf32>
    %mul3A_504 = arith.constant 1.000000e+01 : f32
    %mul3A_505 = vector.broadcast %mul3A_504 : f32 to vector<256x1xf32>
    %mul3A_506 = arith.mulf %slice3A_503, %mul3A_505 : vector<256x1xf32>
    %add3A_507 = arith.addf %slice3A_502, %mul3A_506 : vector<256x1xf32>
    %sub3A_508 = vector.broadcast %add3A_495 : vector<256x1xf32> to vector<256x2048xf32>
    %sub3A_509 = vector.broadcast %slice3A_114 : vector<1x2048xf32> to vector<256x2048xf32>
    %sub3A_510 = arith.subf %sub3A_508, %sub3A_509 : vector<256x2048xf32>
    %sub3A_511 = vector.broadcast %add3A_501 : vector<256x1xf32> to vector<256x2048xf32>
    %sub3A_512 = vector.broadcast %slice3A_115 : vector<1x2048xf32> to vector<256x2048xf32>
    %sub3A_513 = arith.subf %sub3A_511, %sub3A_512 : vector<256x2048xf32>
    %sub3A_514 = vector.broadcast %add3A_507 : vector<256x1xf32> to vector<256x2048xf32>
    %sub3A_515 = vector.broadcast %slice3A_116 : vector<1x2048xf32> to vector<256x2048xf32>
    %sub3A_516 = arith.subf %sub3A_514, %sub3A_515 : vector<256x2048xf32>
    %mul3A_517 = arith.mulf %sub3A_510, %sub3A_510 : vector<256x2048xf32>
    %mul3A_518 = arith.mulf %sub3A_513, %sub3A_513 : vector<256x2048xf32>
    %add3A_519 = arith.addf %mul3A_517, %mul3A_518 : vector<256x2048xf32>
    %mul3A_520 = arith.mulf %sub3A_516, %sub3A_516 : vector<256x2048xf32>
    %add3A_521 = arith.addf %add3A_519, %mul3A_520 : vector<256x2048xf32>
    %reduce_min3A_522 = arith.constant dense<0x7F800000> : vector<256xf32>
    %reduce_min3A_523 = vector.multi_reduction <minimumf>, %add3A_521, %reduce_min3A_522 [1] : vector<256x2048xf32> to vector<256xf32>
    %broadcast_in_dim3A_524 = vector.shape_cast %reduce_min3A_523 : vector<256xf32> to vector<256x1xf32>
    %eq3A_525 = vector.broadcast %broadcast_in_dim3A_524 : vector<256x1xf32> to vector<256x2048xf32>
    %eq3A_526 = arith.cmpf oeq, %add3A_521, %eq3A_525 : vector<256x2048xf32>
    %jit3A_527 = arith.constant 2.048000e+03 : f32
    %broadcast_in_dim3A_528 = vector.broadcast %jit3A_527 : f32 to vector<256x2048xf32>
    %select_n3A_529 = arith.select %eq3A_526, %convert_element_type3A, %broadcast_in_dim3A_528 : vector<256x2048xi1>, vector<256x2048xf32>
    %reduce_min3A_530 = arith.constant dense<0x7F800000> : vector<256xf32>
    %reduce_min3A_531 = vector.multi_reduction <minimumf>, %select_n3A_529, %reduce_min3A_530 [1] : vector<256x2048xf32> to vector<256xf32>
    %broadcast_in_dim3A_532 = vector.shape_cast %reduce_min3A_531 : vector<256xf32> to vector<256x1xf32>
    %convert_element_type3A_533 = arith.fptosi %broadcast_in_dim3A_532 : vector<256x1xf32> to vector<256x1xi32>
    %swap3A_534 = arith.constant 0 : index
    %swap3A_535 = arith.constant 8 : index
    %swap3A_536 = vector.load %arg16[%swap3A_534, %swap3A_535] : memref<256x16xi32, #tpu.memory_space<vmem>>, vector<256x1xi32>
    tpu.vector_store %arg16[%swap3A_534, %swap3A_535], %convert_element_type3A_533 {strides = array<i32>} : memref<256x16xi32, #tpu.memory_space<vmem>>, vector<256x1xi32>,
    %slice3A_537 = vector.extract_strided_slice %get3A_119 {offsets = [0, 0], sizes = [256, 1], strides = [1, 1]} : vector<256x3xf32> to vector<256x1xf32>
    %slice3A_538 = vector.extract_strided_slice %add3A_44 {offsets = [0, 27], sizes = [256, 1], strides = [1, 1]} : vector<256x48xf32> to vector<256x1xf32>
    %mul3A_539 = arith.constant 1.000000e+01 : f32
    %mul3A_540 = vector.broadcast %mul3A_539 : f32 to vector<256x1xf32>
    %mul3A_541 = arith.mulf %slice3A_538, %mul3A_540 : vector<256x1xf32>
    %add3A_542 = arith.addf %slice3A_537, %mul3A_541 : vector<256x1xf32>
    %slice3A_543 = vector.extract_strided_slice %get3A_119 {offsets = [0, 1], sizes = [256, 1], strides = [1, 1]} : vector<256x3xf32> to vector<256x1xf32>
    %slice3A_544 = vector.extract_strided_slice %add3A_44 {offsets = [0, 28], sizes = [256, 1], strides = [1, 1]} : vector<256x48xf32> to vector<256x1xf32>
    %mul3A_545 = arith.constant 1.000000e+01 : f32
    %mul3A_546 = vector.broadcast %mul3A_545 : f32 to vector<256x1xf32>
    %mul3A_547 = arith.mulf %slice3A_544, %mul3A_546 : vector<256x1xf32>
    %add3A_548 = arith.addf %slice3A_543, %mul3A_547 : vector<256x1xf32>
    %slice3A_549 = vector.extract_strided_slice %get3A_119 {offsets = [0, 2], sizes = [256, 1], strides = [1, 1]} : vector<256x3xf32> to vector<256x1xf32>
    %slice3A_550 = vector.extract_strided_slice %add3A_44 {offsets = [0, 29], sizes = [256, 1], strides = [1, 1]} : vector<256x48xf32> to vector<256x1xf32>
    %mul3A_551 = arith.constant 1.000000e+01 : f32
    %mul3A_552 = vector.broadcast %mul3A_551 : f32 to vector<256x1xf32>
    %mul3A_553 = arith.mulf %slice3A_550, %mul3A_552 : vector<256x1xf32>
    %add3A_554 = arith.addf %slice3A_549, %mul3A_553 : vector<256x1xf32>
    %sub3A_555 = vector.broadcast %add3A_542 : vector<256x1xf32> to vector<256x2048xf32>
    %sub3A_556 = vector.broadcast %slice3A_114 : vector<1x2048xf32> to vector<256x2048xf32>
    %sub3A_557 = arith.subf %sub3A_555, %sub3A_556 : vector<256x2048xf32>
    %sub3A_558 = vector.broadcast %add3A_548 : vector<256x1xf32> to vector<256x2048xf32>
    %sub3A_559 = vector.broadcast %slice3A_115 : vector<1x2048xf32> to vector<256x2048xf32>
    %sub3A_560 = arith.subf %sub3A_558, %sub3A_559 : vector<256x2048xf32>
    %sub3A_561 = vector.broadcast %add3A_554 : vector<256x1xf32> to vector<256x2048xf32>
    %sub3A_562 = vector.broadcast %slice3A_116 : vector<1x2048xf32> to vector<256x2048xf32>
    %sub3A_563 = arith.subf %sub3A_561, %sub3A_562 : vector<256x2048xf32>
    %mul3A_564 = arith.mulf %sub3A_557, %sub3A_557 : vector<256x2048xf32>
    %mul3A_565 = arith.mulf %sub3A_560, %sub3A_560 : vector<256x2048xf32>
    %add3A_566 = arith.addf %mul3A_564, %mul3A_565 : vector<256x2048xf32>
    %mul3A_567 = arith.mulf %sub3A_563, %sub3A_563 : vector<256x2048xf32>
    %add3A_568 = arith.addf %add3A_566, %mul3A_567 : vector<256x2048xf32>
    %reduce_min3A_569 = arith.constant dense<0x7F800000> : vector<256xf32>
    %reduce_min3A_570 = vector.multi_reduction <minimumf>, %add3A_568, %reduce_min3A_569 [1] : vector<256x2048xf32> to vector<256xf32>
    %broadcast_in_dim3A_571 = vector.shape_cast %reduce_min3A_570 : vector<256xf32> to vector<256x1xf32>
    %eq3A_572 = vector.broadcast %broadcast_in_dim3A_571 : vector<256x1xf32> to vector<256x2048xf32>
    %eq3A_573 = arith.cmpf oeq, %add3A_568, %eq3A_572 : vector<256x2048xf32>
    %jit3A_574 = arith.constant 2.048000e+03 : f32
    %broadcast_in_dim3A_575 = vector.broadcast %jit3A_574 : f32 to vector<256x2048xf32>
    %select_n3A_576 = arith.select %eq3A_573, %convert_element_type3A, %broadcast_in_dim3A_575 : vector<256x2048xi1>, vector<256x2048xf32>
    %reduce_min3A_577 = arith.constant dense<0x7F800000> : vector<256xf32>
    %reduce_min3A_578 = vector.multi_reduction <minimumf>, %select_n3A_576, %reduce_min3A_577 [1] : vector<256x2048xf32> to vector<256xf32>
    %broadcast_in_dim3A_579 = vector.shape_cast %reduce_min3A_578 : vector<256xf32> to vector<256x1xf32>
    %convert_element_type3A_580 = arith.fptosi %broadcast_in_dim3A_579 : vector<256x1xf32> to vector<256x1xi32>
    %swap3A_581 = arith.constant 0 : index
    %swap3A_582 = arith.constant 9 : index
    %swap3A_583 = vector.load %arg16[%swap3A_581, %swap3A_582] : memref<256x16xi32, #tpu.memory_space<vmem>>, vector<256x1xi32>
    tpu.vector_store %arg16[%swap3A_581, %swap3A_582], %convert_element_type3A_580 {strides = array<i32>} : memref<256x16xi32, #tpu.memory_space<vmem>>, vector<256x1xi32>,
    %slice3A_584 = vector.extract_strided_slice %get3A_119 {offsets = [0, 0], sizes = [256, 1], strides = [1, 1]} : vector<256x3xf32> to vector<256x1xf32>
    %slice3A_585 = vector.extract_strided_slice %add3A_44 {offsets = [0, 30], sizes = [256, 1], strides = [1, 1]} : vector<256x48xf32> to vector<256x1xf32>
    %mul3A_586 = arith.constant 1.000000e+01 : f32
    %mul3A_587 = vector.broadcast %mul3A_586 : f32 to vector<256x1xf32>
    %mul3A_588 = arith.mulf %slice3A_585, %mul3A_587 : vector<256x1xf32>
    %add3A_589 = arith.addf %slice3A_584, %mul3A_588 : vector<256x1xf32>
    %slice3A_590 = vector.extract_strided_slice %get3A_119 {offsets = [0, 1], sizes = [256, 1], strides = [1, 1]} : vector<256x3xf32> to vector<256x1xf32>
    %slice3A_591 = vector.extract_strided_slice %add3A_44 {offsets = [0, 31], sizes = [256, 1], strides = [1, 1]} : vector<256x48xf32> to vector<256x1xf32>
    %mul3A_592 = arith.constant 1.000000e+01 : f32
    %mul3A_593 = vector.broadcast %mul3A_592 : f32 to vector<256x1xf32>
    %mul3A_594 = arith.mulf %slice3A_591, %mul3A_593 : vector<256x1xf32>
    %add3A_595 = arith.addf %slice3A_590, %mul3A_594 : vector<256x1xf32>
    %slice3A_596 = vector.extract_strided_slice %get3A_119 {offsets = [0, 2], sizes = [256, 1], strides = [1, 1]} : vector<256x3xf32> to vector<256x1xf32>
    %slice3A_597 = vector.extract_strided_slice %add3A_44 {offsets = [0, 32], sizes = [256, 1], strides = [1, 1]} : vector<256x48xf32> to vector<256x1xf32>
    %mul3A_598 = arith.constant 1.000000e+01 : f32
    %mul3A_599 = vector.broadcast %mul3A_598 : f32 to vector<256x1xf32>
    %mul3A_600 = arith.mulf %slice3A_597, %mul3A_599 : vector<256x1xf32>
    %add3A_601 = arith.addf %slice3A_596, %mul3A_600 : vector<256x1xf32>
    %sub3A_602 = vector.broadcast %add3A_589 : vector<256x1xf32> to vector<256x2048xf32>
    %sub3A_603 = vector.broadcast %slice3A_114 : vector<1x2048xf32> to vector<256x2048xf32>
    %sub3A_604 = arith.subf %sub3A_602, %sub3A_603 : vector<256x2048xf32>
    %sub3A_605 = vector.broadcast %add3A_595 : vector<256x1xf32> to vector<256x2048xf32>
    %sub3A_606 = vector.broadcast %slice3A_115 : vector<1x2048xf32> to vector<256x2048xf32>
    %sub3A_607 = arith.subf %sub3A_605, %sub3A_606 : vector<256x2048xf32>
    %sub3A_608 = vector.broadcast %add3A_601 : vector<256x1xf32> to vector<256x2048xf32>
    %sub3A_609 = vector.broadcast %slice3A_116 : vector<1x2048xf32> to vector<256x2048xf32>
    %sub3A_610 = arith.subf %sub3A_608, %sub3A_609 : vector<256x2048xf32>
    %mul3A_611 = arith.mulf %sub3A_604, %sub3A_604 : vector<256x2048xf32>
    %mul3A_612 = arith.mulf %sub3A_607, %sub3A_607 : vector<256x2048xf32>
    %add3A_613 = arith.addf %mul3A_611, %mul3A_612 : vector<256x2048xf32>
    %mul3A_614 = arith.mulf %sub3A_610, %sub3A_610 : vector<256x2048xf32>
    %add3A_615 = arith.addf %add3A_613, %mul3A_614 : vector<256x2048xf32>
    %reduce_min3A_616 = arith.constant dense<0x7F800000> : vector<256xf32>
    %reduce_min3A_617 = vector.multi_reduction <minimumf>, %add3A_615, %reduce_min3A_616 [1] : vector<256x2048xf32> to vector<256xf32>
    %broadcast_in_dim3A_618 = vector.shape_cast %reduce_min3A_617 : vector<256xf32> to vector<256x1xf32>
    %eq3A_619 = vector.broadcast %broadcast_in_dim3A_618 : vector<256x1xf32> to vector<256x2048xf32>
    %eq3A_620 = arith.cmpf oeq, %add3A_615, %eq3A_619 : vector<256x2048xf32>
    %jit3A_621 = arith.constant 2.048000e+03 : f32
    %broadcast_in_dim3A_622 = vector.broadcast %jit3A_621 : f32 to vector<256x2048xf32>
    %select_n3A_623 = arith.select %eq3A_620, %convert_element_type3A, %broadcast_in_dim3A_622 : vector<256x2048xi1>, vector<256x2048xf32>
    %reduce_min3A_624 = arith.constant dense<0x7F800000> : vector<256xf32>
    %reduce_min3A_625 = vector.multi_reduction <minimumf>, %select_n3A_623, %reduce_min3A_624 [1] : vector<256x2048xf32> to vector<256xf32>
    %broadcast_in_dim3A_626 = vector.shape_cast %reduce_min3A_625 : vector<256xf32> to vector<256x1xf32>
    %convert_element_type3A_627 = arith.fptosi %broadcast_in_dim3A_626 : vector<256x1xf32> to vector<256x1xi32>
    %swap3A_628 = arith.constant 0 : index
    %swap3A_629 = arith.constant 10 : index
    %swap3A_630 = vector.load %arg16[%swap3A_628, %swap3A_629] : memref<256x16xi32, #tpu.memory_space<vmem>>, vector<256x1xi32>
    tpu.vector_store %arg16[%swap3A_628, %swap3A_629], %convert_element_type3A_627 {strides = array<i32>} : memref<256x16xi32, #tpu.memory_space<vmem>>, vector<256x1xi32>,
    %slice3A_631 = vector.extract_strided_slice %get3A_119 {offsets = [0, 0], sizes = [256, 1], strides = [1, 1]} : vector<256x3xf32> to vector<256x1xf32>
    %slice3A_632 = vector.extract_strided_slice %add3A_44 {offsets = [0, 33], sizes = [256, 1], strides = [1, 1]} : vector<256x48xf32> to vector<256x1xf32>
    %mul3A_633 = arith.constant 1.000000e+01 : f32
    %mul3A_634 = vector.broadcast %mul3A_633 : f32 to vector<256x1xf32>
    %mul3A_635 = arith.mulf %slice3A_632, %mul3A_634 : vector<256x1xf32>
    %add3A_636 = arith.addf %slice3A_631, %mul3A_635 : vector<256x1xf32>
    %slice3A_637 = vector.extract_strided_slice %get3A_119 {offsets = [0, 1], sizes = [256, 1], strides = [1, 1]} : vector<256x3xf32> to vector<256x1xf32>
    %slice3A_638 = vector.extract_strided_slice %add3A_44 {offsets = [0, 34], sizes = [256, 1], strides = [1, 1]} : vector<256x48xf32> to vector<256x1xf32>
    %mul3A_639 = arith.constant 1.000000e+01 : f32
    %mul3A_640 = vector.broadcast %mul3A_639 : f32 to vector<256x1xf32>
    %mul3A_641 = arith.mulf %slice3A_638, %mul3A_640 : vector<256x1xf32>
    %add3A_642 = arith.addf %slice3A_637, %mul3A_641 : vector<256x1xf32>
    %slice3A_643 = vector.extract_strided_slice %get3A_119 {offsets = [0, 2], sizes = [256, 1], strides = [1, 1]} : vector<256x3xf32> to vector<256x1xf32>
    %slice3A_644 = vector.extract_strided_slice %add3A_44 {offsets = [0, 35], sizes = [256, 1], strides = [1, 1]} : vector<256x48xf32> to vector<256x1xf32>
    %mul3A_645 = arith.constant 1.000000e+01 : f32
    %mul3A_646 = vector.broadcast %mul3A_645 : f32 to vector<256x1xf32>
    %mul3A_647 = arith.mulf %slice3A_644, %mul3A_646 : vector<256x1xf32>
    %add3A_648 = arith.addf %slice3A_643, %mul3A_647 : vector<256x1xf32>
    %sub3A_649 = vector.broadcast %add3A_636 : vector<256x1xf32> to vector<256x2048xf32>
    %sub3A_650 = vector.broadcast %slice3A_114 : vector<1x2048xf32> to vector<256x2048xf32>
    %sub3A_651 = arith.subf %sub3A_649, %sub3A_650 : vector<256x2048xf32>
    %sub3A_652 = vector.broadcast %add3A_642 : vector<256x1xf32> to vector<256x2048xf32>
    %sub3A_653 = vector.broadcast %slice3A_115 : vector<1x2048xf32> to vector<256x2048xf32>
    %sub3A_654 = arith.subf %sub3A_652, %sub3A_653 : vector<256x2048xf32>
    %sub3A_655 = vector.broadcast %add3A_648 : vector<256x1xf32> to vector<256x2048xf32>
    %sub3A_656 = vector.broadcast %slice3A_116 : vector<1x2048xf32> to vector<256x2048xf32>
    %sub3A_657 = arith.subf %sub3A_655, %sub3A_656 : vector<256x2048xf32>
    %mul3A_658 = arith.mulf %sub3A_651, %sub3A_651 : vector<256x2048xf32>
    %mul3A_659 = arith.mulf %sub3A_654, %sub3A_654 : vector<256x2048xf32>
    %add3A_660 = arith.addf %mul3A_658, %mul3A_659 : vector<256x2048xf32>
    %mul3A_661 = arith.mulf %sub3A_657, %sub3A_657 : vector<256x2048xf32>
    %add3A_662 = arith.addf %add3A_660, %mul3A_661 : vector<256x2048xf32>
    %reduce_min3A_663 = arith.constant dense<0x7F800000> : vector<256xf32>
    %reduce_min3A_664 = vector.multi_reduction <minimumf>, %add3A_662, %reduce_min3A_663 [1] : vector<256x2048xf32> to vector<256xf32>
    %broadcast_in_dim3A_665 = vector.shape_cast %reduce_min3A_664 : vector<256xf32> to vector<256x1xf32>
    %eq3A_666 = vector.broadcast %broadcast_in_dim3A_665 : vector<256x1xf32> to vector<256x2048xf32>
    %eq3A_667 = arith.cmpf oeq, %add3A_662, %eq3A_666 : vector<256x2048xf32>
    %jit3A_668 = arith.constant 2.048000e+03 : f32
    %broadcast_in_dim3A_669 = vector.broadcast %jit3A_668 : f32 to vector<256x2048xf32>
    %select_n3A_670 = arith.select %eq3A_667, %convert_element_type3A, %broadcast_in_dim3A_669 : vector<256x2048xi1>, vector<256x2048xf32>
    %reduce_min3A_671 = arith.constant dense<0x7F800000> : vector<256xf32>
    %reduce_min3A_672 = vector.multi_reduction <minimumf>, %select_n3A_670, %reduce_min3A_671 [1] : vector<256x2048xf32> to vector<256xf32>
    %broadcast_in_dim3A_673 = vector.shape_cast %reduce_min3A_672 : vector<256xf32> to vector<256x1xf32>
    %convert_element_type3A_674 = arith.fptosi %broadcast_in_dim3A_673 : vector<256x1xf32> to vector<256x1xi32>
    %swap3A_675 = arith.constant 0 : index
    %swap3A_676 = arith.constant 11 : index
    %swap3A_677 = vector.load %arg16[%swap3A_675, %swap3A_676] : memref<256x16xi32, #tpu.memory_space<vmem>>, vector<256x1xi32>
    tpu.vector_store %arg16[%swap3A_675, %swap3A_676], %convert_element_type3A_674 {strides = array<i32>} : memref<256x16xi32, #tpu.memory_space<vmem>>, vector<256x1xi32>,
    %slice3A_678 = vector.extract_strided_slice %get3A_119 {offsets = [0, 0], sizes = [256, 1], strides = [1, 1]} : vector<256x3xf32> to vector<256x1xf32>
    %slice3A_679 = vector.extract_strided_slice %add3A_44 {offsets = [0, 36], sizes = [256, 1], strides = [1, 1]} : vector<256x48xf32> to vector<256x1xf32>
    %mul3A_680 = arith.constant 1.000000e+01 : f32
    %mul3A_681 = vector.broadcast %mul3A_680 : f32 to vector<256x1xf32>
    %mul3A_682 = arith.mulf %slice3A_679, %mul3A_681 : vector<256x1xf32>
    %add3A_683 = arith.addf %slice3A_678, %mul3A_682 : vector<256x1xf32>
    %slice3A_684 = vector.extract_strided_slice %get3A_119 {offsets = [0, 1], sizes = [256, 1], strides = [1, 1]} : vector<256x3xf32> to vector<256x1xf32>
    %slice3A_685 = vector.extract_strided_slice %add3A_44 {offsets = [0, 37], sizes = [256, 1], strides = [1, 1]} : vector<256x48xf32> to vector<256x1xf32>
    %mul3A_686 = arith.constant 1.000000e+01 : f32
    %mul3A_687 = vector.broadcast %mul3A_686 : f32 to vector<256x1xf32>
    %mul3A_688 = arith.mulf %slice3A_685, %mul3A_687 : vector<256x1xf32>
    %add3A_689 = arith.addf %slice3A_684, %mul3A_688 : vector<256x1xf32>
    %slice3A_690 = vector.extract_strided_slice %get3A_119 {offsets = [0, 2], sizes = [256, 1], strides = [1, 1]} : vector<256x3xf32> to vector<256x1xf32>
    %slice3A_691 = vector.extract_strided_slice %add3A_44 {offsets = [0, 38], sizes = [256, 1], strides = [1, 1]} : vector<256x48xf32> to vector<256x1xf32>
    %mul3A_692 = arith.constant 1.000000e+01 : f32
    %mul3A_693 = vector.broadcast %mul3A_692 : f32 to vector<256x1xf32>
    %mul3A_694 = arith.mulf %slice3A_691, %mul3A_693 : vector<256x1xf32>
    %add3A_695 = arith.addf %slice3A_690, %mul3A_694 : vector<256x1xf32>
    %sub3A_696 = vector.broadcast %add3A_683 : vector<256x1xf32> to vector<256x2048xf32>
    %sub3A_697 = vector.broadcast %slice3A_114 : vector<1x2048xf32> to vector<256x2048xf32>
    %sub3A_698 = arith.subf %sub3A_696, %sub3A_697 : vector<256x2048xf32>
    %sub3A_699 = vector.broadcast %add3A_689 : vector<256x1xf32> to vector<256x2048xf32>
    %sub3A_700 = vector.broadcast %slice3A_115 : vector<1x2048xf32> to vector<256x2048xf32>
    %sub3A_701 = arith.subf %sub3A_699, %sub3A_700 : vector<256x2048xf32>
    %sub3A_702 = vector.broadcast %add3A_695 : vector<256x1xf32> to vector<256x2048xf32>
    %sub3A_703 = vector.broadcast %slice3A_116 : vector<1x2048xf32> to vector<256x2048xf32>
    %sub3A_704 = arith.subf %sub3A_702, %sub3A_703 : vector<256x2048xf32>
    %mul3A_705 = arith.mulf %sub3A_698, %sub3A_698 : vector<256x2048xf32>
    %mul3A_706 = arith.mulf %sub3A_701, %sub3A_701 : vector<256x2048xf32>
    %add3A_707 = arith.addf %mul3A_705, %mul3A_706 : vector<256x2048xf32>
    %mul3A_708 = arith.mulf %sub3A_704, %sub3A_704 : vector<256x2048xf32>
    %add3A_709 = arith.addf %add3A_707, %mul3A_708 : vector<256x2048xf32>
    %reduce_min3A_710 = arith.constant dense<0x7F800000> : vector<256xf32>
    %reduce_min3A_711 = vector.multi_reduction <minimumf>, %add3A_709, %reduce_min3A_710 [1] : vector<256x2048xf32> to vector<256xf32>
    %broadcast_in_dim3A_712 = vector.shape_cast %reduce_min3A_711 : vector<256xf32> to vector<256x1xf32>
    %eq3A_713 = vector.broadcast %broadcast_in_dim3A_712 : vector<256x1xf32> to vector<256x2048xf32>
    %eq3A_714 = arith.cmpf oeq, %add3A_709, %eq3A_713 : vector<256x2048xf32>
    %jit3A_715 = arith.constant 2.048000e+03 : f32
    %broadcast_in_dim3A_716 = vector.broadcast %jit3A_715 : f32 to vector<256x2048xf32>
    %select_n3A_717 = arith.select %eq3A_714, %convert_element_type3A, %broadcast_in_dim3A_716 : vector<256x2048xi1>, vector<256x2048xf32>
    %reduce_min3A_718 = arith.constant dense<0x7F800000> : vector<256xf32>
    %reduce_min3A_719 = vector.multi_reduction <minimumf>, %select_n3A_717, %reduce_min3A_718 [1] : vector<256x2048xf32> to vector<256xf32>
    %broadcast_in_dim3A_720 = vector.shape_cast %reduce_min3A_719 : vector<256xf32> to vector<256x1xf32>
    %convert_element_type3A_721 = arith.fptosi %broadcast_in_dim3A_720 : vector<256x1xf32> to vector<256x1xi32>
    %swap3A_722 = arith.constant 0 : index
    %swap3A_723 = arith.constant 12 : index
    %swap3A_724 = vector.load %arg16[%swap3A_722, %swap3A_723] : memref<256x16xi32, #tpu.memory_space<vmem>>, vector<256x1xi32>
    tpu.vector_store %arg16[%swap3A_722, %swap3A_723], %convert_element_type3A_721 {strides = array<i32>} : memref<256x16xi32, #tpu.memory_space<vmem>>, vector<256x1xi32>,
    %slice3A_725 = vector.extract_strided_slice %get3A_119 {offsets = [0, 0], sizes = [256, 1], strides = [1, 1]} : vector<256x3xf32> to vector<256x1xf32>
    %slice3A_726 = vector.extract_strided_slice %add3A_44 {offsets = [0, 39], sizes = [256, 1], strides = [1, 1]} : vector<256x48xf32> to vector<256x1xf32>
    %mul3A_727 = arith.constant 1.000000e+01 : f32
    %mul3A_728 = vector.broadcast %mul3A_727 : f32 to vector<256x1xf32>
    %mul3A_729 = arith.mulf %slice3A_726, %mul3A_728 : vector<256x1xf32>
    %add3A_730 = arith.addf %slice3A_725, %mul3A_729 : vector<256x1xf32>
    %slice3A_731 = vector.extract_strided_slice %get3A_119 {offsets = [0, 1], sizes = [256, 1], strides = [1, 1]} : vector<256x3xf32> to vector<256x1xf32>
    %slice3A_732 = vector.extract_strided_slice %add3A_44 {offsets = [0, 40], sizes = [256, 1], strides = [1, 1]} : vector<256x48xf32> to vector<256x1xf32>
    %mul3A_733 = arith.constant 1.000000e+01 : f32
    %mul3A_734 = vector.broadcast %mul3A_733 : f32 to vector<256x1xf32>
    %mul3A_735 = arith.mulf %slice3A_732, %mul3A_734 : vector<256x1xf32>
    %add3A_736 = arith.addf %slice3A_731, %mul3A_735 : vector<256x1xf32>
    %slice3A_737 = vector.extract_strided_slice %get3A_119 {offsets = [0, 2], sizes = [256, 1], strides = [1, 1]} : vector<256x3xf32> to vector<256x1xf32>
    %slice3A_738 = vector.extract_strided_slice %add3A_44 {offsets = [0, 41], sizes = [256, 1], strides = [1, 1]} : vector<256x48xf32> to vector<256x1xf32>
    %mul3A_739 = arith.constant 1.000000e+01 : f32
    %mul3A_740 = vector.broadcast %mul3A_739 : f32 to vector<256x1xf32>
    %mul3A_741 = arith.mulf %slice3A_738, %mul3A_740 : vector<256x1xf32>
    %add3A_742 = arith.addf %slice3A_737, %mul3A_741 : vector<256x1xf32>
    %sub3A_743 = vector.broadcast %add3A_730 : vector<256x1xf32> to vector<256x2048xf32>
    %sub3A_744 = vector.broadcast %slice3A_114 : vector<1x2048xf32> to vector<256x2048xf32>
    %sub3A_745 = arith.subf %sub3A_743, %sub3A_744 : vector<256x2048xf32>
    %sub3A_746 = vector.broadcast %add3A_736 : vector<256x1xf32> to vector<256x2048xf32>
    %sub3A_747 = vector.broadcast %slice3A_115 : vector<1x2048xf32> to vector<256x2048xf32>
    %sub3A_748 = arith.subf %sub3A_746, %sub3A_747 : vector<256x2048xf32>
    %sub3A_749 = vector.broadcast %add3A_742 : vector<256x1xf32> to vector<256x2048xf32>
    %sub3A_750 = vector.broadcast %slice3A_116 : vector<1x2048xf32> to vector<256x2048xf32>
    %sub3A_751 = arith.subf %sub3A_749, %sub3A_750 : vector<256x2048xf32>
    %mul3A_752 = arith.mulf %sub3A_745, %sub3A_745 : vector<256x2048xf32>
    %mul3A_753 = arith.mulf %sub3A_748, %sub3A_748 : vector<256x2048xf32>
    %add3A_754 = arith.addf %mul3A_752, %mul3A_753 : vector<256x2048xf32>
    %mul3A_755 = arith.mulf %sub3A_751, %sub3A_751 : vector<256x2048xf32>
    %add3A_756 = arith.addf %add3A_754, %mul3A_755 : vector<256x2048xf32>
    %reduce_min3A_757 = arith.constant dense<0x7F800000> : vector<256xf32>
    %reduce_min3A_758 = vector.multi_reduction <minimumf>, %add3A_756, %reduce_min3A_757 [1] : vector<256x2048xf32> to vector<256xf32>
    %broadcast_in_dim3A_759 = vector.shape_cast %reduce_min3A_758 : vector<256xf32> to vector<256x1xf32>
    %eq3A_760 = vector.broadcast %broadcast_in_dim3A_759 : vector<256x1xf32> to vector<256x2048xf32>
    %eq3A_761 = arith.cmpf oeq, %add3A_756, %eq3A_760 : vector<256x2048xf32>
    %jit3A_762 = arith.constant 2.048000e+03 : f32
    %broadcast_in_dim3A_763 = vector.broadcast %jit3A_762 : f32 to vector<256x2048xf32>
    %select_n3A_764 = arith.select %eq3A_761, %convert_element_type3A, %broadcast_in_dim3A_763 : vector<256x2048xi1>, vector<256x2048xf32>
    %reduce_min3A_765 = arith.constant dense<0x7F800000> : vector<256xf32>
    %reduce_min3A_766 = vector.multi_reduction <minimumf>, %select_n3A_764, %reduce_min3A_765 [1] : vector<256x2048xf32> to vector<256xf32>
    %broadcast_in_dim3A_767 = vector.shape_cast %reduce_min3A_766 : vector<256xf32> to vector<256x1xf32>
    %convert_element_type3A_768 = arith.fptosi %broadcast_in_dim3A_767 : vector<256x1xf32> to vector<256x1xi32>
    %swap3A_769 = arith.constant 0 : index
    %swap3A_770 = arith.constant 13 : index
    %swap3A_771 = vector.load %arg16[%swap3A_769, %swap3A_770] : memref<256x16xi32, #tpu.memory_space<vmem>>, vector<256x1xi32>
    tpu.vector_store %arg16[%swap3A_769, %swap3A_770], %convert_element_type3A_768 {strides = array<i32>} : memref<256x16xi32, #tpu.memory_space<vmem>>, vector<256x1xi32>,
    %slice3A_772 = vector.extract_strided_slice %get3A_119 {offsets = [0, 0], sizes = [256, 1], strides = [1, 1]} : vector<256x3xf32> to vector<256x1xf32>
    %slice3A_773 = vector.extract_strided_slice %add3A_44 {offsets = [0, 42], sizes = [256, 1], strides = [1, 1]} : vector<256x48xf32> to vector<256x1xf32>
    %mul3A_774 = arith.constant 1.000000e+01 : f32
    %mul3A_775 = vector.broadcast %mul3A_774 : f32 to vector<256x1xf32>
    %mul3A_776 = arith.mulf %slice3A_773, %mul3A_775 : vector<256x1xf32>
    %add3A_777 = arith.addf %slice3A_772, %mul3A_776 : vector<256x1xf32>
    %slice3A_778 = vector.extract_strided_slice %get3A_119 {offsets = [0, 1], sizes = [256, 1], strides = [1, 1]} : vector<256x3xf32> to vector<256x1xf32>
    %slice3A_779 = vector.extract_strided_slice %add3A_44 {offsets = [0, 43], sizes = [256, 1], strides = [1, 1]} : vector<256x48xf32> to vector<256x1xf32>
    %mul3A_780 = arith.constant 1.000000e+01 : f32
    %mul3A_781 = vector.broadcast %mul3A_780 : f32 to vector<256x1xf32>
    %mul3A_782 = arith.mulf %slice3A_779, %mul3A_781 : vector<256x1xf32>
    %add3A_783 = arith.addf %slice3A_778, %mul3A_782 : vector<256x1xf32>
    %slice3A_784 = vector.extract_strided_slice %get3A_119 {offsets = [0, 2], sizes = [256, 1], strides = [1, 1]} : vector<256x3xf32> to vector<256x1xf32>
    %slice3A_785 = vector.extract_strided_slice %add3A_44 {offsets = [0, 44], sizes = [256, 1], strides = [1, 1]} : vector<256x48xf32> to vector<256x1xf32>
    %mul3A_786 = arith.constant 1.000000e+01 : f32
    %mul3A_787 = vector.broadcast %mul3A_786 : f32 to vector<256x1xf32>
    %mul3A_788 = arith.mulf %slice3A_785, %mul3A_787 : vector<256x1xf32>
    %add3A_789 = arith.addf %slice3A_784, %mul3A_788 : vector<256x1xf32>
    %sub3A_790 = vector.broadcast %add3A_777 : vector<256x1xf32> to vector<256x2048xf32>
    %sub3A_791 = vector.broadcast %slice3A_114 : vector<1x2048xf32> to vector<256x2048xf32>
    %sub3A_792 = arith.subf %sub3A_790, %sub3A_791 : vector<256x2048xf32>
    %sub3A_793 = vector.broadcast %add3A_783 : vector<256x1xf32> to vector<256x2048xf32>
    %sub3A_794 = vector.broadcast %slice3A_115 : vector<1x2048xf32> to vector<256x2048xf32>
    %sub3A_795 = arith.subf %sub3A_793, %sub3A_794 : vector<256x2048xf32>
    %sub3A_796 = vector.broadcast %add3A_789 : vector<256x1xf32> to vector<256x2048xf32>
    %sub3A_797 = vector.broadcast %slice3A_116 : vector<1x2048xf32> to vector<256x2048xf32>
    %sub3A_798 = arith.subf %sub3A_796, %sub3A_797 : vector<256x2048xf32>
    %mul3A_799 = arith.mulf %sub3A_792, %sub3A_792 : vector<256x2048xf32>
    %mul3A_800 = arith.mulf %sub3A_795, %sub3A_795 : vector<256x2048xf32>
    %add3A_801 = arith.addf %mul3A_799, %mul3A_800 : vector<256x2048xf32>
    %mul3A_802 = arith.mulf %sub3A_798, %sub3A_798 : vector<256x2048xf32>
    %add3A_803 = arith.addf %add3A_801, %mul3A_802 : vector<256x2048xf32>
    %reduce_min3A_804 = arith.constant dense<0x7F800000> : vector<256xf32>
    %reduce_min3A_805 = vector.multi_reduction <minimumf>, %add3A_803, %reduce_min3A_804 [1] : vector<256x2048xf32> to vector<256xf32>
    %broadcast_in_dim3A_806 = vector.shape_cast %reduce_min3A_805 : vector<256xf32> to vector<256x1xf32>
    %eq3A_807 = vector.broadcast %broadcast_in_dim3A_806 : vector<256x1xf32> to vector<256x2048xf32>
    %eq3A_808 = arith.cmpf oeq, %add3A_803, %eq3A_807 : vector<256x2048xf32>
    %jit3A_809 = arith.constant 2.048000e+03 : f32
    %broadcast_in_dim3A_810 = vector.broadcast %jit3A_809 : f32 to vector<256x2048xf32>
    %select_n3A_811 = arith.select %eq3A_808, %convert_element_type3A, %broadcast_in_dim3A_810 : vector<256x2048xi1>, vector<256x2048xf32>
    %reduce_min3A_812 = arith.constant dense<0x7F800000> : vector<256xf32>
    %reduce_min3A_813 = vector.multi_reduction <minimumf>, %select_n3A_811, %reduce_min3A_812 [1] : vector<256x2048xf32> to vector<256xf32>
    %broadcast_in_dim3A_814 = vector.shape_cast %reduce_min3A_813 : vector<256xf32> to vector<256x1xf32>
    %convert_element_type3A_815 = arith.fptosi %broadcast_in_dim3A_814 : vector<256x1xf32> to vector<256x1xi32>
    %swap3A_816 = arith.constant 0 : index
    %swap3A_817 = arith.constant 14 : index
    %swap3A_818 = vector.load %arg16[%swap3A_816, %swap3A_817] : memref<256x16xi32, #tpu.memory_space<vmem>>, vector<256x1xi32>
    tpu.vector_store %arg16[%swap3A_816, %swap3A_817], %convert_element_type3A_815 {strides = array<i32>} : memref<256x16xi32, #tpu.memory_space<vmem>>, vector<256x1xi32>,
    %slice3A_819 = vector.extract_strided_slice %get3A_119 {offsets = [0, 0], sizes = [256, 1], strides = [1, 1]} : vector<256x3xf32> to vector<256x1xf32>
    %slice3A_820 = vector.extract_strided_slice %add3A_44 {offsets = [0, 45], sizes = [256, 1], strides = [1, 1]} : vector<256x48xf32> to vector<256x1xf32>
    %mul3A_821 = arith.constant 1.000000e+01 : f32
    %mul3A_822 = vector.broadcast %mul3A_821 : f32 to vector<256x1xf32>
    %mul3A_823 = arith.mulf %slice3A_820, %mul3A_822 : vector<256x1xf32>
    %add3A_824 = arith.addf %slice3A_819, %mul3A_823 : vector<256x1xf32>
    %slice3A_825 = vector.extract_strided_slice %get3A_119 {offsets = [0, 1], sizes = [256, 1], strides = [1, 1]} : vector<256x3xf32> to vector<256x1xf32>
    %slice3A_826 = vector.extract_strided_slice %add3A_44 {offsets = [0, 46], sizes = [256, 1], strides = [1, 1]} : vector<256x48xf32> to vector<256x1xf32>
    %mul3A_827 = arith.constant 1.000000e+01 : f32
    %mul3A_828 = vector.broadcast %mul3A_827 : f32 to vector<256x1xf32>
    %mul3A_829 = arith.mulf %slice3A_826, %mul3A_828 : vector<256x1xf32>
    %add3A_830 = arith.addf %slice3A_825, %mul3A_829 : vector<256x1xf32>
    %slice3A_831 = vector.extract_strided_slice %get3A_119 {offsets = [0, 2], sizes = [256, 1], strides = [1, 1]} : vector<256x3xf32> to vector<256x1xf32>
    %slice3A_832 = vector.extract_strided_slice %add3A_44 {offsets = [0, 47], sizes = [256, 1], strides = [1, 1]} : vector<256x48xf32> to vector<256x1xf32>
    %mul3A_833 = arith.constant 1.000000e+01 : f32
    %mul3A_834 = vector.broadcast %mul3A_833 : f32 to vector<256x1xf32>
    %mul3A_835 = arith.mulf %slice3A_832, %mul3A_834 : vector<256x1xf32>
    %add3A_836 = arith.addf %slice3A_831, %mul3A_835 : vector<256x1xf32>
    %sub3A_837 = vector.broadcast %add3A_824 : vector<256x1xf32> to vector<256x2048xf32>
    %sub3A_838 = vector.broadcast %slice3A_114 : vector<1x2048xf32> to vector<256x2048xf32>
    %sub3A_839 = arith.subf %sub3A_837, %sub3A_838 : vector<256x2048xf32>
    %sub3A_840 = vector.broadcast %add3A_830 : vector<256x1xf32> to vector<256x2048xf32>
    %sub3A_841 = vector.broadcast %slice3A_115 : vector<1x2048xf32> to vector<256x2048xf32>
    %sub3A_842 = arith.subf %sub3A_840, %sub3A_841 : vector<256x2048xf32>
    %sub3A_843 = vector.broadcast %add3A_836 : vector<256x1xf32> to vector<256x2048xf32>
    %sub3A_844 = vector.broadcast %slice3A_116 : vector<1x2048xf32> to vector<256x2048xf32>
    %sub3A_845 = arith.subf %sub3A_843, %sub3A_844 : vector<256x2048xf32>
    %mul3A_846 = arith.mulf %sub3A_839, %sub3A_839 : vector<256x2048xf32>
    %mul3A_847 = arith.mulf %sub3A_842, %sub3A_842 : vector<256x2048xf32>
    %add3A_848 = arith.addf %mul3A_846, %mul3A_847 : vector<256x2048xf32>
    %mul3A_849 = arith.mulf %sub3A_845, %sub3A_845 : vector<256x2048xf32>
    %add3A_850 = arith.addf %add3A_848, %mul3A_849 : vector<256x2048xf32>
    %reduce_min3A_851 = arith.constant dense<0x7F800000> : vector<256xf32>
    %reduce_min3A_852 = vector.multi_reduction <minimumf>, %add3A_850, %reduce_min3A_851 [1] : vector<256x2048xf32> to vector<256xf32>
    %broadcast_in_dim3A_853 = vector.shape_cast %reduce_min3A_852 : vector<256xf32> to vector<256x1xf32>
    %eq3A_854 = vector.broadcast %broadcast_in_dim3A_853 : vector<256x1xf32> to vector<256x2048xf32>
    %eq3A_855 = arith.cmpf oeq, %add3A_850, %eq3A_854 : vector<256x2048xf32>
    %jit3A_856 = arith.constant 2.048000e+03 : f32
    %broadcast_in_dim3A_857 = vector.broadcast %jit3A_856 : f32 to vector<256x2048xf32>
    %select_n3A_858 = arith.select %eq3A_855, %convert_element_type3A, %broadcast_in_dim3A_857 : vector<256x2048xi1>, vector<256x2048xf32>
    %reduce_min3A_859 = arith.constant dense<0x7F800000> : vector<256xf32>
    %reduce_min3A_860 = vector.multi_reduction <minimumf>, %select_n3A_858, %reduce_min3A_859 [1] : vector<256x2048xf32> to vector<256xf32>
    %broadcast_in_dim3A_861 = vector.shape_cast %reduce_min3A_860 : vector<256xf32> to vector<256x1xf32>
    %convert_element_type3A_862 = arith.fptosi %broadcast_in_dim3A_861 : vector<256x1xf32> to vector<256x1xi32>
    %swap3A_863 = arith.constant 0 : index
    %swap3A_864 = arith.constant 15 : index
    %swap3A_865 = vector.load %arg16[%swap3A_863, %swap3A_864] : memref<256x16xi32, #tpu.memory_space<vmem>>, vector<256x1xi32>
    tpu.vector_store %arg16[%swap3A_863, %swap3A_864], %convert_element_type3A_862 {strides = array<i32>} : memref<256x16xi32, #tpu.memory_space<vmem>>, vector<256x1xi32>,
    return
  }
  func.func @transform_0(%arg0: i32) -> (i32, i32) {
    %c0_i32 = arith.constant 0 : i32
    %c0_i32_0 = arith.constant 0 : i32
    %c0_i32_1 = arith.constant 0 : i32
    return %c0_i32, %c0_i32_0 : i32, i32
  }
  func.func @transform_1(%arg0: i32) -> (i32, i32) {
    %c0_i32 = arith.constant 0 : i32
    %c0_i32_0 = arith.constant 0 : i32
    return %arg0, %c0_i32 : i32, i32
  }
  func.func @transform_2(%arg0: i32) -> (i32, i32) {
    %c0_i32 = arith.constant 0 : i32
    %c0_i32_0 = arith.constant 0 : i32
    return %arg0, %c0_i32 : i32, i32
  }
  func.func @transform_3(%arg0: i32) -> (i32, i32) {
    %c0_i32 = arith.constant 0 : i32
    %c0_i32_0 = arith.constant 0 : i32
    %c0_i32_1 = arith.constant 0 : i32
    return %c0_i32, %c0_i32_0 : i32, i32
  }
  func.func @transform_4(%arg0: i32) -> (i32, i32) {
    %c0_i32 = arith.constant 0 : i32
    %c0_i32_0 = arith.constant 0 : i32
    %c0_i32_1 = arith.constant 0 : i32
    return %c0_i32, %c0_i32_0 : i32, i32
  }
  func.func @transform_5(%arg0: i32) -> (i32, i32) {
    %c0_i32 = arith.constant 0 : i32
    %c0_i32_0 = arith.constant 0 : i32
    %c0_i32_1 = arith.constant 0 : i32
    return %c0_i32, %c0_i32_0 : i32, i32
  }
  func.func @transform_6(%arg0: i32) -> (i32, i32) {
    %c0_i32 = arith.constant 0 : i32
    %c0_i32_0 = arith.constant 0 : i32
    %c0_i32_1 = arith.constant 0 : i32
    return %c0_i32, %c0_i32_0 : i32, i32
  }
  func.func @transform_7(%arg0: i32) -> (i32, i32) {
    %c0_i32 = arith.constant 0 : i32
    %c0_i32_0 = arith.constant 0 : i32
    %c0_i32_1 = arith.constant 0 : i32
    return %c0_i32, %c0_i32_0 : i32, i32
  }
  func.func @transform_8(%arg0: i32) -> (i32, i32) {
    %c0_i32 = arith.constant 0 : i32
    %c0_i32_0 = arith.constant 0 : i32
    %c0_i32_1 = arith.constant 0 : i32
    return %c0_i32, %c0_i32_0 : i32, i32
  }
  func.func @transform_9(%arg0: i32) -> (i32, i32) {
    %c0_i32 = arith.constant 0 : i32
    %c0_i32_0 = arith.constant 0 : i32
    %c0_i32_1 = arith.constant 0 : i32
    return %c0_i32, %c0_i32_0 : i32, i32
  }
  func.func @transform_10(%arg0: i32) -> (i32, i32) {
    %c0_i32 = arith.constant 0 : i32
    %c0_i32_0 = arith.constant 0 : i32
    %c0_i32_1 = arith.constant 0 : i32
    return %c0_i32, %c0_i32_0 : i32, i32
  }
  func.func @transform_11(%arg0: i32) -> (i32, i32, i32) {
    %c0_i32 = arith.constant 0 : i32
    %c0_i32_0 = arith.constant 0 : i32
    %c0_i32_1 = arith.constant 0 : i32
    %c0_i32_2 = arith.constant 0 : i32
    return %c0_i32, %c0_i32_0, %c0_i32_1 : i32, i32, i32
  }
  func.func @transform_12(%arg0: i32) -> (i32, i32) {
    %c0_i32 = arith.constant 0 : i32
    %c0_i32_0 = arith.constant 0 : i32
    %c0_i32_1 = arith.constant 0 : i32
    return %c0_i32, %c0_i32_0 : i32, i32
  }
  func.func @transform_13(%arg0: i32) -> (i32, i32) {
    %c0_i32 = arith.constant 0 : i32
    %c0_i32_0 = arith.constant 0 : i32
    return %arg0, %c0_i32 : i32, i32
  }
  func.func @transform_14(%arg0: i32) -> (i32, i32) {
    %c0_i32 = arith.constant 0 : i32
    %c0_i32_0 = arith.constant 0 : i32
    return %arg0, %c0_i32 : i32, i32
  }
  func.func @transform_15(%arg0: i32) -> (i32, i32) {
    %c0_i32 = arith.constant 0 : i32
    %c0_i32_0 = arith.constant 0 : i32
    return %arg0, %c0_i32 : i32, i32
  }
  func.func @transform_16(%arg0: i32) -> (i32, i32) {
    %c0_i32 = arith.constant 0 : i32
    %c0_i32_0 = arith.constant 0 : i32
    return %arg0, %c0_i32 : i32, i32
  }
}

module attributes {stable_mosaic.version = 14 : i64} {
  func.func @_attn_body(%arg0: i32, %arg1: memref<256x192xf32, #tpu.memory_space<vmem>>, %arg2: memref<256x16x384xf32, #tpu.memory_space<vmem>>, %arg3: memref<256x48xf32, #tpu.memory_space<vmem>>, %arg4: memref<192x192xf32, #tpu.memory_space<vmem>>, %arg5: memref<1x192xf32, #tpu.memory_space<vmem>>, %arg6: memref<256x192xf32, #tpu.memory_space<vmem>>) attributes {dimension_semantics = [#tpu.dimension_semantics<arbitrary>], iteration_bounds = array<i64: 8>, scalar_prefetch = 0 : i64, scratch_operands = 0 : i64, tpu.core_type = #tpu.core_type<tc>, window_params = [{transform_indices = @transform_0, window_bounds = array<i64: 256, 192>}, {transform_indices = @transform_1, window_bounds = array<i64: 256, 16, 384>}, {transform_indices = @transform_2, window_bounds = array<i64: 256, 48>}, {pipeline_mode = #tpu.pipeline_mode<synchronous>, transform_indices = @transform_3, window_bounds = array<i64: 192, 192>}, {pipeline_mode = #tpu.pipeline_mode<synchronous>, transform_indices = @transform_4, window_bounds = array<i64: 1, 192>}, {transform_indices = @transform_5, window_bounds = array<i64: 256, 192>}]} {
    %get3A = arith.constant 0 : index
    %get3A_0 = arith.constant 0 : index
    %get3A_1 = vector.load %arg1[%get3A, %get3A_0] : memref<256x192xf32, #tpu.memory_space<vmem>>, vector<256x192xf32>
    %get3A_2 = arith.constant 0 : index
    %get3A_3 = arith.constant 0 : index
    %get3A_4 = arith.constant 0 : index
    %get3A_5 = vector.load %arg2[%get3A_2, %get3A_3, %get3A_4] : memref<256x16x384xf32, #tpu.memory_space<vmem>>, vector<256x16x384xf32>
    %slice3A = vector.extract_strided_slice %get3A_1 {offsets = [0, 0], sizes = [256, 64], strides = [1, 1]} : vector<256x192xf32> to vector<256x64xf32>
    %slice3A_6 = vector.extract_strided_slice %get3A_5 {offsets = [0, 0, 0], sizes = [256, 16, 64], strides = [1, 1, 1]} : vector<256x16x384xf32> to vector<256x16x64xf32>
    %broadcast_in_dim3A = vector.shape_cast %slice3A : vector<256x64xf32> to vector<256x1x64xf32>
    %mul3A = vector.broadcast %broadcast_in_dim3A : vector<256x1x64xf32> to vector<256x16x64xf32>
    %mul3A_7 = arith.mulf %mul3A, %slice3A_6 : vector<256x16x64xf32>
    %reduce_sum3A = arith.constant dense<0.000000e+00> : vector<256x16xf32>
    %reduce_sum3A_8 = vector.multi_reduction <add>, %mul3A_7, %reduce_sum3A [2] : vector<256x16x64xf32> to vector<256x16xf32>
    %mul3A_9 = arith.constant 1.250000e-01 : f32
    %mul3A_10 = vector.broadcast %mul3A_9 : f32 to vector<256x16xf32>
    %mul3A_11 = arith.mulf %reduce_sum3A_8, %mul3A_10 : vector<256x16xf32>
    %get3A_12 = arith.constant 0 : index
    %get3A_13 = arith.constant 0 : index
    %get3A_14 = vector.load %arg3[%get3A_12, %get3A_13] : memref<256x48xf32, #tpu.memory_space<vmem>>, vector<256x16xf32>
    %add3A = arith.addf %mul3A_11, %get3A_14 : vector<256x16xf32>
    %reduce_max3A = arith.constant dense<0xFF800000> : vector<256xf32>
    %reduce_max3A_15 = vector.multi_reduction <maximumf>, %add3A, %reduce_max3A [1] : vector<256x16xf32> to vector<256xf32>
    %broadcast_in_dim3A_16 = vector.shape_cast %reduce_max3A_15 : vector<256xf32> to vector<256x1xf32>
    %sub3A = vector.broadcast %broadcast_in_dim3A_16 : vector<256x1xf32> to vector<256x16xf32>
    %sub3A_17 = arith.subf %add3A, %sub3A : vector<256x16xf32>
    %exp3A = math.exp %sub3A_17 : vector<256x16xf32>
    %reduce_sum3A_18 = arith.constant dense<0.000000e+00> : vector<256xf32>
    %reduce_sum3A_19 = vector.multi_reduction <add>, %exp3A, %reduce_sum3A_18 [1] : vector<256x16xf32> to vector<256xf32>
    %broadcast_in_dim3A_20 = vector.shape_cast %reduce_sum3A_19 : vector<256xf32> to vector<256x1xf32>
    %div3A = vector.broadcast %broadcast_in_dim3A_20 : vector<256x1xf32> to vector<256x16xf32>
    %div3A_21 = arith.divf %exp3A, %div3A : vector<256x16xf32>
    %slice3A_22 = vector.extract_strided_slice %get3A_5 {offsets = [0, 0, 192], sizes = [256, 16, 64], strides = [1, 1, 1]} : vector<256x16x384xf32> to vector<256x16x64xf32>
    %broadcast_in_dim3A_23 = vector.shape_cast %div3A_21 : vector<256x16xf32> to vector<256x16x1xf32>
    %mul3A_24 = vector.broadcast %broadcast_in_dim3A_23 : vector<256x16x1xf32> to vector<256x16x64xf32>
    %mul3A_25 = arith.mulf %mul3A_24, %slice3A_22 : vector<256x16x64xf32>
    %reduce_sum3A_26 = arith.constant dense<0.000000e+00> : vector<256x64xf32>
    %reduce_sum3A_27 = vector.multi_reduction <add>, %mul3A_25, %reduce_sum3A_26 [1] : vector<256x16x64xf32> to vector<256x64xf32>
    %slice3A_28 = vector.extract_strided_slice %get3A_1 {offsets = [0, 64], sizes = [256, 64], strides = [1, 1]} : vector<256x192xf32> to vector<256x64xf32>
    %slice3A_29 = vector.extract_strided_slice %get3A_5 {offsets = [0, 0, 64], sizes = [256, 16, 64], strides = [1, 1, 1]} : vector<256x16x384xf32> to vector<256x16x64xf32>
    %broadcast_in_dim3A_30 = vector.shape_cast %slice3A_28 : vector<256x64xf32> to vector<256x1x64xf32>
    %mul3A_31 = vector.broadcast %broadcast_in_dim3A_30 : vector<256x1x64xf32> to vector<256x16x64xf32>
    %mul3A_32 = arith.mulf %mul3A_31, %slice3A_29 : vector<256x16x64xf32>
    %reduce_sum3A_33 = arith.constant dense<0.000000e+00> : vector<256x16xf32>
    %reduce_sum3A_34 = vector.multi_reduction <add>, %mul3A_32, %reduce_sum3A_33 [2] : vector<256x16x64xf32> to vector<256x16xf32>
    %mul3A_35 = arith.constant 1.250000e-01 : f32
    %mul3A_36 = vector.broadcast %mul3A_35 : f32 to vector<256x16xf32>
    %mul3A_37 = arith.mulf %reduce_sum3A_34, %mul3A_36 : vector<256x16xf32>
    %get3A_38 = arith.constant 0 : index
    %get3A_39 = arith.constant 16 : index
    %get3A_40 = vector.load %arg3[%get3A_38, %get3A_39] : memref<256x48xf32, #tpu.memory_space<vmem>>, vector<256x16xf32>
    %add3A_41 = arith.addf %mul3A_37, %get3A_40 : vector<256x16xf32>
    %reduce_max3A_42 = arith.constant dense<0xFF800000> : vector<256xf32>
    %reduce_max3A_43 = vector.multi_reduction <maximumf>, %add3A_41, %reduce_max3A_42 [1] : vector<256x16xf32> to vector<256xf32>
    %broadcast_in_dim3A_44 = vector.shape_cast %reduce_max3A_43 : vector<256xf32> to vector<256x1xf32>
    %sub3A_45 = vector.broadcast %broadcast_in_dim3A_44 : vector<256x1xf32> to vector<256x16xf32>
    %sub3A_46 = arith.subf %add3A_41, %sub3A_45 : vector<256x16xf32>
    %exp3A_47 = math.exp %sub3A_46 : vector<256x16xf32>
    %reduce_sum3A_48 = arith.constant dense<0.000000e+00> : vector<256xf32>
    %reduce_sum3A_49 = vector.multi_reduction <add>, %exp3A_47, %reduce_sum3A_48 [1] : vector<256x16xf32> to vector<256xf32>
    %broadcast_in_dim3A_50 = vector.shape_cast %reduce_sum3A_49 : vector<256xf32> to vector<256x1xf32>
    %div3A_51 = vector.broadcast %broadcast_in_dim3A_50 : vector<256x1xf32> to vector<256x16xf32>
    %div3A_52 = arith.divf %exp3A_47, %div3A_51 : vector<256x16xf32>
    %slice3A_53 = vector.extract_strided_slice %get3A_5 {offsets = [0, 0, 256], sizes = [256, 16, 64], strides = [1, 1, 1]} : vector<256x16x384xf32> to vector<256x16x64xf32>
    %broadcast_in_dim3A_54 = vector.shape_cast %div3A_52 : vector<256x16xf32> to vector<256x16x1xf32>
    %mul3A_55 = vector.broadcast %broadcast_in_dim3A_54 : vector<256x16x1xf32> to vector<256x16x64xf32>
    %mul3A_56 = arith.mulf %mul3A_55, %slice3A_53 : vector<256x16x64xf32>
    %reduce_sum3A_57 = arith.constant dense<0.000000e+00> : vector<256x64xf32>
    %reduce_sum3A_58 = vector.multi_reduction <add>, %mul3A_56, %reduce_sum3A_57 [1] : vector<256x16x64xf32> to vector<256x64xf32>
    %slice3A_59 = vector.extract_strided_slice %get3A_1 {offsets = [0, 128], sizes = [256, 64], strides = [1, 1]} : vector<256x192xf32> to vector<256x64xf32>
    %slice3A_60 = vector.extract_strided_slice %get3A_5 {offsets = [0, 0, 128], sizes = [256, 16, 64], strides = [1, 1, 1]} : vector<256x16x384xf32> to vector<256x16x64xf32>
    %broadcast_in_dim3A_61 = vector.shape_cast %slice3A_59 : vector<256x64xf32> to vector<256x1x64xf32>
    %mul3A_62 = vector.broadcast %broadcast_in_dim3A_61 : vector<256x1x64xf32> to vector<256x16x64xf32>
    %mul3A_63 = arith.mulf %mul3A_62, %slice3A_60 : vector<256x16x64xf32>
    %reduce_sum3A_64 = arith.constant dense<0.000000e+00> : vector<256x16xf32>
    %reduce_sum3A_65 = vector.multi_reduction <add>, %mul3A_63, %reduce_sum3A_64 [2] : vector<256x16x64xf32> to vector<256x16xf32>
    %mul3A_66 = arith.constant 1.250000e-01 : f32
    %mul3A_67 = vector.broadcast %mul3A_66 : f32 to vector<256x16xf32>
    %mul3A_68 = arith.mulf %reduce_sum3A_65, %mul3A_67 : vector<256x16xf32>
    %get3A_69 = arith.constant 0 : index
    %get3A_70 = arith.constant 32 : index
    %get3A_71 = vector.load %arg3[%get3A_69, %get3A_70] : memref<256x48xf32, #tpu.memory_space<vmem>>, vector<256x16xf32>
    %add3A_72 = arith.addf %mul3A_68, %get3A_71 : vector<256x16xf32>
    %reduce_max3A_73 = arith.constant dense<0xFF800000> : vector<256xf32>
    %reduce_max3A_74 = vector.multi_reduction <maximumf>, %add3A_72, %reduce_max3A_73 [1] : vector<256x16xf32> to vector<256xf32>
    %broadcast_in_dim3A_75 = vector.shape_cast %reduce_max3A_74 : vector<256xf32> to vector<256x1xf32>
    %sub3A_76 = vector.broadcast %broadcast_in_dim3A_75 : vector<256x1xf32> to vector<256x16xf32>
    %sub3A_77 = arith.subf %add3A_72, %sub3A_76 : vector<256x16xf32>
    %exp3A_78 = math.exp %sub3A_77 : vector<256x16xf32>
    %reduce_sum3A_79 = arith.constant dense<0.000000e+00> : vector<256xf32>
    %reduce_sum3A_80 = vector.multi_reduction <add>, %exp3A_78, %reduce_sum3A_79 [1] : vector<256x16xf32> to vector<256xf32>
    %broadcast_in_dim3A_81 = vector.shape_cast %reduce_sum3A_80 : vector<256xf32> to vector<256x1xf32>
    %div3A_82 = vector.broadcast %broadcast_in_dim3A_81 : vector<256x1xf32> to vector<256x16xf32>
    %div3A_83 = arith.divf %exp3A_78, %div3A_82 : vector<256x16xf32>
    %slice3A_84 = vector.extract_strided_slice %get3A_5 {offsets = [0, 0, 320], sizes = [256, 16, 64], strides = [1, 1, 1]} : vector<256x16x384xf32> to vector<256x16x64xf32>
    %broadcast_in_dim3A_85 = vector.shape_cast %div3A_83 : vector<256x16xf32> to vector<256x16x1xf32>
    %mul3A_86 = vector.broadcast %broadcast_in_dim3A_85 : vector<256x16x1xf32> to vector<256x16x64xf32>
    %mul3A_87 = arith.mulf %mul3A_86, %slice3A_84 : vector<256x16x64xf32>
    %reduce_sum3A_88 = arith.constant dense<0.000000e+00> : vector<256x64xf32>
    %reduce_sum3A_89 = vector.multi_reduction <add>, %mul3A_87, %reduce_sum3A_88 [1] : vector<256x16x64xf32> to vector<256x64xf32>
    %concatenate3A = tpu.concatenate %reduce_sum3A_27, %reduce_sum3A_58, %reduce_sum3A_89 in 1 : vector<256x64xf32>, vector<256x64xf32>, vector<256x64xf32> -> vector<256x192xf32>
    %get3A_90 = arith.constant 0 : index
    %get3A_91 = arith.constant 0 : index
    %get3A_92 = vector.load %arg4[%get3A_90, %get3A_91] : memref<192x192xf32, #tpu.memory_space<vmem>>, vector<192x192xf32>
    %dot_general3A = arith.constant dense<0.000000e+00> : vector<256x192xf32>
    %dot_general3A_93 = tpu.matmul %concatenate3A, %get3A_92, %dot_general3A {dimension_numbers = #tpu.dot_dimension_numbers<[1], [0], [0], [1], [0, 0, 1, 1], [], []>, transpose_lhs_hint = false} : vector<256x192xf32>, vector<192x192xf32>, vector<256x192xf32> -> vector<256x192xf32>
    %get3A_94 = arith.constant 0 : index
    %get3A_95 = arith.constant 0 : index
    %get3A_96 = vector.load %arg5[%get3A_94, %get3A_95] : memref<1x192xf32, #tpu.memory_space<vmem>>, vector<1x192xf32>
    %add3A_97 = vector.broadcast %get3A_96 : vector<1x192xf32> to vector<256x192xf32>
    %add3A_98 = arith.addf %dot_general3A_93, %add3A_97 : vector<256x192xf32>
    %swap3A = arith.constant 0 : index
    %swap3A_99 = arith.constant 0 : index
    %swap3A_100 = vector.load %arg6[%swap3A, %swap3A_99] : memref<256x192xf32, #tpu.memory_space<vmem>>, vector<256x192xf32>
    tpu.vector_store %arg6[%swap3A, %swap3A_99], %add3A_98 {strides = array<i32>} : memref<256x192xf32, #tpu.memory_space<vmem>>, vector<256x192xf32>,
    return
  }
  func.func @transform_0(%arg0: i32) -> (i32, i32) {
    %c0_i32 = arith.constant 0 : i32
    %c0_i32_0 = arith.constant 0 : i32
    return %arg0, %c0_i32 : i32, i32
  }
  func.func @transform_1(%arg0: i32) -> (i32, i32, i32) {
    %c0_i32 = arith.constant 0 : i32
    %c0_i32_0 = arith.constant 0 : i32
    %c0_i32_1 = arith.constant 0 : i32
    return %arg0, %c0_i32, %c0_i32_0 : i32, i32, i32
  }
  func.func @transform_2(%arg0: i32) -> (i32, i32) {
    %c0_i32 = arith.constant 0 : i32
    %c0_i32_0 = arith.constant 0 : i32
    return %arg0, %c0_i32 : i32, i32
  }
  func.func @transform_3(%arg0: i32) -> (i32, i32) {
    %c0_i32 = arith.constant 0 : i32
    %c0_i32_0 = arith.constant 0 : i32
    %c0_i32_1 = arith.constant 0 : i32
    return %c0_i32, %c0_i32_0 : i32, i32
  }
  func.func @transform_4(%arg0: i32) -> (i32, i32) {
    %c0_i32 = arith.constant 0 : i32
    %c0_i32_0 = arith.constant 0 : i32
    %c0_i32_1 = arith.constant 0 : i32
    return %c0_i32, %c0_i32_0 : i32, i32
  }
  func.func @transform_5(%arg0: i32) -> (i32, i32) {
    %c0_i32 = arith.constant 0 : i32
    %c0_i32_0 = arith.constant 0 : i32
    return %arg0, %c0_i32 : i32, i32
  }
}

</mosaic_0001>

<sc_bundles>
// kernel: kernel.11.cloned.1.call-start
scs
__scs_entry_jumppad:
0x0: {  	(pc) =	sbr.rel $0x88, $3  }
0x1: {  	(tag) =	ssettag $0x0;
	lr =	simm.s32 $0x1  }
0x2: {  	[smem:$0x3F93] =	sst lr;
	_ =	strace $0xD0000000  }
0x3: {  	_ = 	snop  }
0x4: {  	_ = 	snop  }
0x5: {  	_ = 	snop  }
0x6: {  	_ = 	snop  }
0x7: {  	_ = 	snop  }
__scs_overlays_trampoline_lowered:
0x8: {  	[smem:$0x3FA2] =	sst s0  }
0x9: {  	[smem:$0x3FA3] =	sst s1  }
0xa: {  	[smem:$0x3FA4] =	sst s2  }
0xb: {  	[smem:$0x3FA5] =	sst s3  }
0xc: {  	[smem:$0x3FA6] =	sst s4  }
0xd: {  	[smem:$0x3FA7] =	sst s5  }
0xe: {  	[smem:$0x3FA8] =	sst s6  }
0xf: {  	[smem:$0x3FA9] =	sst s7  }
0x10: {  	[smem:$0x3FAA] =	sst s8  }
0x11: {  	[smem:$0x3FAB] =	sst s9;
	s0 =	simm.s32 @!p0 $0x0  }
0x12: {  	s1 =	sld [smem:$0x3F91];
	s0 =	simm.s32 @p0 $0x1  }
0x13: {  	[smem:$0x3FAC] =	sst s0;
	s0 =	simm.s32 @!p1 $0x0  }
0x14: {  	s2 =	sld [smem:$0x3F90];
	s0 =	simm.s32 @p1 $0x1  }
0x15: {  	[smem:$0x3FAD] =	sst s0;
	s0 =	simm.s32 @!p2 $0x0  }
0x16: {  	s3 =	sld [smem:$0x3FDB];
	s0 =	simm.s32 @p2 $0x1  }
0x17: {  	s4 =	simm.s32 $0x1BF5;
	[smem:$0x3FAF] =	sst s0  }
0x18: {  	s0 =	sld [smem:$0x3F92];
	_ =	swait.ge [sflag:s4], $0x0  }
0x19: {  	s7 =	sld [smem:$0x3F93]  }
0x1a: {  	s8 =	sadd.s32 $0xFFFFE003, lr  }
0x1b: {  	s9 =	sadd.s32 $0xFFFFFEF7, lr;
	s5 =	simm.s32 $0xFFFFFFFF;
	p2 =	slt.u32 s8, $0xFFFFF086  }
0x1c: {  	p1 =	slt.u32 s9, $0xF7A;
	s5 =	simm.s32 @!p2 $0x0  }
0x1d: {  	s5 =	simm.s32 @p1 $0x1;
	p0 =	seq.s32 s7, s2  }
0x1e: {  	s7 =	smul.u32 @!p0 $0xF7A, s2;
	p2 =	seq.s32 @!p0 s5, $0x0  }
0x1f: {  	s9 =	smul.u32 $0xF7A, s1;
	s8 =	simm.s32 @!p0 $0x1BF5;
	p2 =	por !p2, p0  }
0x20: {  	[sflag:s8] =	ssyncset.s32 @!p0 $0xFFFFF086;
	s6 =	sadd.s32 @!p0 s3, s7;
	s7 =	simm.s32 @!p0 $0x108  }
0x21: {  	s3 =	sadd.s32 s3, s9;
	s6 =	sadd.s32 @!p0 $0x88, s6;
	s7 =	simm.s32 @p2 $0x1082  }
0x22: {  	[simem:s7], [sflag:s8] =	dma.local @!p0 [hbm:s6], $0xF7A  }
0x23: {  	s9 =	sor.u32 $0xD0000000, s2;
	s6 =	simm.s32 $0x108;
	_ =	swait.ge @!p0 [sflag:s8], $0x0  }
0x24: {  	s3 =	sadd.s32 $0x88, s3;
	s6 =	simm.s32 @!p1 $0x1082;
	[sflag:s4] =	ssyncset.s32 $0xFFFFF086  }
0x25: {  	[simem:s6], [sflag:s4] =	dma.local [hbm:s3], $0xF7A  }
0x26: {  	[smem:$0x3F93] =	sst s1;
	(tag) =	ssettag s2;
	_ =	strace s9  }
0x27: {  	s1 =	sld [smem:$0x3FA3]  }
0x28: {  	s2 =	sld [smem:$0x3FA4]  }
0x29: {  	s4 =	sld [smem:$0x3FA6]  }
0x2a: {  	p0 =	seq.s32 s5, $0x0;
	s5 =	sld [smem:$0x3FA7]  }
0x2b: {  	s6 =	sld [smem:$0x3FA8]  }
0x2c: {  	s7 =	sld [smem:$0x3FA9]  }
0x2d: {  	s3 =	simm.s32 $0x108;
	s8 =	sld [smem:$0x3FAA]  }
0x2e: {  	s3 =	simm.s32 @!p0 $0x1082;
	s9 =	sld [smem:$0x3FAB]  }
0x2f: {  	lr =	sadd.s32 s0, s3;
	s0 =	sld [smem:$0x3FA2]  }
0x30: {  	s3 =	sld [smem:$0x3FA5]  }
0x31: {  	[smem:$0x3FAE] =	sst s10  }
0x32: {  	s10 =	sld [smem:$0x3FAC];
	_ =	sdelay $0x3  }
0x33: {  	p0 =	seq.s32 s10, $0x1;
	s10 =	sld [smem:$0x3FAE];
	_ =	sdelay $0x3  }
0x34: {  	[smem:$0x3FAE] =	sst s10  }
0x35: {  	s10 =	sld [smem:$0x3FAD];
	_ =	sdelay $0x3  }
0x36: {  	p1 =	seq.s32 s10, $0x1;
	s10 =	sld [smem:$0x3FAE];
	_ =	sdelay $0x3  }
0x37: {  	[smem:$0x3FAE] =	sst s10  }
0x38: {  	s10 =	sld [smem:$0x3FAF]  }
0x39: {  	_ = 	snop;
	(pc) =	sbr.ind lr, $3  }
0x3a: {  	_ = 	snop  }
0x3b: {  	_ = 	snop  }
0x3c: {  	p2 =	seq.s32 s10, $0x1;
	s10 =	sld [smem:$0x3FAE]  }
0x3d: {  	_ =	shalt  }
0x3e: {  	_ =	shalt  }
0x3f: {  	_ =	shalt  }
0x40: {  	_ =	shalt  }
0x41: {  	_ =	shalt  }
0x42: {  	_ =	shalt  }
0x43: {  	_ =	shalt  }
0x44: {  	_ =	shalt  }
0x45: {  	_ =	shalt  }
0x46: {  	_ =	shalt  }
0x47: {  	_ =	shalt  }
0x48: {  	_ =	shalt  }
0x49: {  	_ =	shalt  }
0x4a: {  	_ =	shalt  }
0x4b: {  	_ =	shalt  }
0x4c: {  	_ =	shalt  }
0x4d: {  	_ =	shalt  }
0x4e: {  	_ =	shalt  }
0x4f: {  	_ =	shalt  }
0x50: {  	_ =	shalt  }
0x51: {  	_ =	shalt  }
0x52: {  	_ =	shalt  }
0x53: {  	_ =	shalt  }
0x54: {  	_ =	shalt  }
0x55: {  	_ =	shalt  }
0x56: {  	_ =	shalt  }
0x57: {  	_ =	shalt  }
0x58: {  	_ =	shalt  }
0x59: {  	_ =	shalt  }
0x5a: {  	_ =	shalt  }
0x5b: {  	_ =	shalt  }
0x5c: {  	_ =	shalt  }
0x5d: {  	_ =	shalt  }
0x5e: {  	_ =	shalt  }
0x5f: {  	_ =	shalt  }
0x60: {  	_ =	shalt  }
0x61: {  	_ =	shalt  }
0x62: {  	_ =	shalt  }
0x63: {  	_ =	shalt  }
0x64: {  	_ =	shalt  }
0x65: {  	_ =	shalt  }
0x66: {  	_ =	shalt  }
0x67: {  	_ =	shalt  }
0x68: {  	_ =	shalt  }
0x69: {  	_ =	shalt  }
0x6a: {  	_ =	shalt  }
0x6b: {  	_ =	shalt  }
0x6c: {  	_ =	shalt  }
0x6d: {  	_ =	shalt  }
0x6e: {  	_ =	shalt  }
0x6f: {  	_ =	shalt  }
0x70: {  	_ =	shalt  }
0x71: {  	_ =	shalt  }
0x72: {  	_ =	shalt  }
0x73: {  	_ =	shalt  }
0x74: {  	_ =	shalt  }
0x75: {  	_ =	shalt  }
0x76: {  	_ =	shalt  }
0x77: {  	_ =	shalt  }
0x78: {  	_ =	shalt  }
0x79: {  	_ =	shalt  }
0x7a: {  	_ =	shalt  }
0x7b: {  	_ =	shalt  }
0x7c: {  	_ =	shalt  }
0x7d: {  	_ =	shalt  }
0x7e: {  	_ =	shalt  }
0x7f: {  	_ =	shalt  }
0x80: {  	_ =	shalt  }
0x81: {  	_ =	shalt  }
0x82: {  	_ =	shalt  }
0x83: {  	_ =	shalt  }
0x84: {  	_ =	shalt  }
0x85: {  	_ =	shalt  }
0x86: {  	_ =	shalt  }
0x87: {  	_ =	shalt  }
.Lfunc_end0:
.L_simem_size_0:
called_computation.1_lowered:
.L_overlay_start_0:
0x88: {  	s2 =	sld [smem:$0x3FD9]  }
0x89: {  	s3 =	sld [smem:$0x3FFE];
	_ =	sdelay $0x1  }
0x8a: {  	s1 =	srdreg.scid  }
0x8b: {  	s0 =	sand.u32 $0x1, s1  }
0x8c: {  	s17 =	sshll.u32 s0, $0xA;
	s2 =	sadd.s32 s3, s2  }
0x8d: {  	s2 =	sadd.s32 s2, s17  }
0x8e: {  	[smem:$0x3FBA] =	sst s2  }
0x8f: {  	_ = 	snop  }
0x90: {  	s18 =	sld [smem:$0x3FD0];
	(tm) =	ssettm $0x1  }
0x91: {  	s19 =	sld [smem:$0x3FFB];
	_ =	sdelay $0x3  }
0x92: {  	_ =	strace s19  }
0x93: {  	s2 =	sld [smem:$0x3FFC];
	_ =	sdelay $0x3  }
0x94: {  	_ =	strace s2  }
0x95: {  	s2 =	sld [smem:$0x3FFD];
	_ =	sdelay $0x3  }
0x96: {  	_ =	strace s2  }
0x97: {  	_ =	strace $0x8FFFFFFF  }
0x98: {  	s20 =	sld [smem:$0x3FDB];
	_ =	sdelay $0x1  }
0x99: {  	s4 =	simm.s32 $_scs_section_size  }
0x9a: {  	s5 =	simm.s32 $_size__tile_overlayer_lowered;
	s6 =	simm.s32 $_tile_overlayer_lowered  }
0x9b: {  	s7 =	simm.s32 $0x1BFF;
	s21 =	sshll.u32 s6, $0x1;
	s4 =	sadd.s32 s4, s20  }
0x9c: {  	s22 =	simm.s32 $0x0;
	s5 =	sshll.u32 s5, $0x1;
	s6 =	sadd.s32 s21, s4  }
0x9d: {  	[timem:s22], [sflag:s7] =	dma.local [hbm:s6], s5  }
0x9e: {  	_ =	swait.ge [sflag:s7], s5  }
0x9f: {  	s5 =	ssub.s32 $0x0, s5;
	[sflag:s7] =	ssyncset.done $0x0  }
0xa0: {  	[sflag:s7] =	ssyncadd.s32 s5;
	_ =	sdelay $0x1  }
0xa1: {  	s23 =	simm.s32 $0x1B8B  }
0xa2: {  	_ =	swait.ge [sflag:s23], $0x1  }
0xa3: {  	[sflag:s23] =	ssyncset.done $0x0  }
0xa4: {  	[sflag:s23] =	ssyncadd.s32 $0xFFFFFFFF  }
0xa5: {  	s5 =	sld [smem:$0x0]  }
0xa6: {  	s6 =	sand.u32 $0xFFFFFFFE, s1  }
0xa7: {  	p0 =	sne.s32 s1, s6  }
0xa8: {  	s6 =	sshll.u32 @p0 s6, $0xE  }
0xa9: {  	s6 =	sadd.s32 @p0 $0x11B8D, s6;
	s7 =	sshll.u32 @p0 s5, $0x11  }
0xaa: {  	s6 =	sor.u32 @p0 s7, s6  }
0xab: {  	[sflag:s6] =	ssyncadd.remote.s32 @p0 $0x1;
	_ =	sdelay $0x1  }
0xac: {  	s6 =	simm.s32 @p0 $0x1B8D  }
0xad: {  	_ =	swait.eq @p0 [sflag:s6], $0x1  }
0xae: {  	[sflag:s6] =	ssyncadd.s32 @p0 $0xFFFFFFFF  }
0xaf: {  	s7 =	sshll.u32 @!p0 s1, $0xE  }
0xb0: {  	s7 =	sor.u32 @!p0 $0x4000, s7;
	s6 =	simm.s32 @!p0 $0x1B8D  }
0xb1: {  	s5 =	sshll.u32 @!p0 s5, $0x11;
	s7 =	sadd.s32 @!p0 $0x11B8D, s7;
	_ =	swait.eq @!p0 [sflag:s6], $0x1  }
0xb2: {  	s5 =	sor.u32 @!p0 s5, s7;
	[sflag:s6] =	ssyncadd.s32 @!p0 $0xFFFFFFFF  }
0xb3: {  	s25 =	simm.s32 $0x1B8E;
	s24 =	sld [smem:$0x3FFE];
	[sflag:s5] =	ssyncadd.remote.s32 @!p0 $0x1  }
0xb4: {  	s26 =	simm.s32 $execute0_lowered;
	[smem:$0x3FD2] =	sst s25  }
0xb5: {  	s6 =	sshll.u32 s26, $0x1;
	_ =	strace $0x80000049;
	[dreg:$0x1] =	wrdreg $0xFFFFFFFF  }
0xb6: {  	s28 =	simm.s32 $_size_execute0_lowered;
	s4 =	sadd.s32 s4, s6;
	[dreg:$0x0] =	wrdreg $0x0  }
0xb7: {  	s6 =	sshll.u32 s28, $0x1;
	[dreg:$0x2] =	wrdreg s4  }
0xb8: {  	[dreg:$0x3] =	wrdreg s6  }
0xb9: {  	[dreg:$0x4] =	wrdreg $0xC0  }
0xba: {  	_ =	task [dreg:s22], $0x5FFFF  }
0xbb: {  	[dreg:$0x1] =	wrdreg $0xFFFFFFFF  }
0xbc: {  	[dreg:$0x0] =	wrdreg $0x60  }
0xbd: {  	[dreg:$0x2] =	wrdreg s18  }
0xbe: {  	[dreg:$0x3] =	wrdreg s24  }
0xbf: {  	[dreg:$0x4] =	wrdreg $0xA  }
0xc0: {  	_ =	task.clear_ibuf [dreg:s22], $0x5FFFF;
	_ =	strace $0x90000049  }
0xc1: {  	s29 =	simm.s32 $0xA;
	_ =	strace $0x8000004B  }
0xc2: {  	_ =	swait.ge [sflag:s29], $0x1  }
0xc3: {  	[sflag:s29] =	ssyncadd.s32 $0xFFFFFFFF  }
0xc4: {  	_ =	strace $0x9000004B  }
0xc5: {  	_ =	sfence  }
0xc6: {  	s30 =	sld [smem:$0x0];
	_ =	sdelay $0x2  }
0xc7: {  	s31 =	sshll.u32 s1, $0xD;
	s1 =	sshrl.u32 s1, $0x2  }
0xc8: {  	s4 =	sand.u32 $0x4000, s31;
	s1 =	sadd.s32 s1, s30  }
0xc9: {  	s0 =	sor.u32 s4, s0;
	s1 =	sshll.u32 s1, $0x11  }
0xca: {  	s0 =	sor.u32 s1, s0  }
0xcb: {  	s0 =	sadd.s32 $0x8F2B, s0  }
0xcc: {  	[sflag:s0] =	ssyncadd.remote.s32 $0x1  }
0xcd: {  	_ =	sfence.sel $0xFFFF  }
0xce: {  	[dreg:$0x0] =	wrdreg $0xFFFFFFFF;
	(pc) =	sbr.abs _section_cstart, $3  }
0xcf: {  	[dreg:$0x1] =	wrdreg $0xFFFFFFFF  }
0xd0: {  	_ =	task.clear_ibuf [dreg:s22], $0x2FFFF;
	_ =	strace $0x9FFFFFFF  }
0xd1: {  	(tm) =	ssettm $0x7FFFFFFF  }
tec
execute0_lowered:
.L_overlay_start_1:
0x0: {  	(tag) =	ssettag $0x1  }
0x1: {  	s1 =	rddreg [dreg:$0x0]  }
0x2: {  	s0 =	rddreg [dreg:$0x1];
	s2 =	srdreg.scid;
	s3 =	simm.s32 $0x0  }
0x3: {  	s4 =	stileid.u32;
	s28 =	simm.s32 $0x4;
	s29 =	simm.s32 $0x5  }
0x4: {  	s30 =	simm.s32 $0x6;
	s2 =	sand.u32 $0x1, s2;
	[smem:$0x7FF] =	sst s3  }
0x5: {  	s4 =	sshll.u32 s4, $0x8;
	s6 =	sadd.s32 $0x19C200, s0;
	s5 =	sshll.u32 s2, $0x7  }
0x6: {  	s0 =	sadd.s32 $0x19D200, s0;
	_ =	strace $0x8000004A;
	s4 =	sor.u32 s5, s4  }
0x7: {  	s2 =	ssub.s32 $0x2, s2;
	s5 =	sadd.s32 s6, s4;
	s7 =	sor.u32 $0x10, s4  }
0x8: {  	s8 =	smul.u32 $0x180, s4;
	s9 =	sor.u32 $0x20, s4;
	s12 =	sor.u32 $0x30, s4  }
0x9: {  	s15 =	sor.u32 $0x40, s4;
	[dreg:$0x3] =	wrdreg s5;
	s31 =	sadd.s32 s6, s7  }
0xa: {  	s18 =	sor.u32 $0x50, s4;
	s10 =	sadd.s32 s6, s9;
	[dreg:$0x4] =	wrdreg s31  }
0xb: {  	s21 =	sor.u32 $0x60, s4;
	s13 =	sadd.s32 s6, s12;
	[dreg:$0x6] =	wrdreg s10  }
0xc: {  	s4 =	sor.u32 $0x70, s4;
	s16 =	sadd.s32 s6, s15;
	[dreg:$0x8] =	wrdreg s13  }
0xd: {  	s7 =	smul.u32 $0x180, s7;
	s19 =	sadd.s32 s6, s18;
	[dreg:$0xa] =	wrdreg s16  }
0xe: {  	s22 =	sadd.s32 s6, s21;
	s24 =	smul.u32 $0x180, s21;
	[dreg:$0xc] =	wrdreg s19  }
0xf: {  	s25 =	sadd.s32 s6, s4;
	s4 =	smul.u32 $0x180, s4;
	[dreg:$0xe] =	wrdreg s22  }
0x10: {  	s8 =	sadd.s32 s0, s8;
	[dreg:$0x10] =	wrdreg s25;
	s31 =	sshrl.u32 s2, $0x1  }
0x11: {  	[dreg:$0x5] =	wrdreg s8;
	s11 =	sadd.s32 s0, s7;
	s8 =	smul.u32 $0x180, s9  }
0x12: {  	s7 =	smul.u32 $0x180, s12;
	s26 =	sadd.s32 s0, s24;
	[dreg:$0x7] =	wrdreg s11  }
0x13: {  	[dreg:$0x11] =	wrdreg s26;
	s14 =	sadd.s32 s0, s8;
	s8 =	smul.u32 $0x180, s15  }
0x14: {  	s17 =	sadd.s32 s0, s7;
	s7 =	smul.u32 $0x180, s18;
	[dreg:$0x9] =	wrdreg s14  }
0x15: {  	s16 =	simm.s32 $0x2;
	[dreg:$0xb] =	wrdreg s17;
	s20 =	sadd.s32 s0, s8  }
0x16: {  	v2 =	vlaneseq.u32;
	s2 =	ssub.s32 s2, s31;
	s23 =	sadd.s32 s0, s7;
	[dreg:$0xd] =	wrdreg s20  }
0x17: {  	vm0 =	vmmov $0xffff;
	vm1 =	vmmov $0xff;
	v1 =	vshrl.u32 v2, $0x3;
	s5 =	smax.u32 s2, $0x1;
	s0 =	sadd.s32 s0, s4;
	[dreg:$0xf] =	wrdreg s23  }
0x18: {  	v0 =	vand.u32 $0x7, v2;
	v2 =	vor.u32 $0x8, v2;
	v1 =	vmul.u32 $0x8, v1;
	s18 =	simm.s32 $0x3;
	s4 =	sadd.s32 $0x100, s1;
	[dreg:$0x12] =	wrdreg s0  }
.LBB2_1:
0x19: {  	s31 =	rddreg [dreg:$0x3];
	s15 =	simm.s32 $0x1  }
0x1a: {  	[tilespmem:s3], [sflag:$0x1] =	stream.linear.gather [hbm4b:s31+s3], $0x80, $0x38;
	[tilespmem:$0x18100] =	vst v63  }
0x1b: {  	_ =	swait.ge [sflag:s15], $0x80  }
0x1c: {  	[sflag:s15] =	ssyncset.done $0x0  }
0x1d: {  	[sflag:s15] =	ssyncadd.s32 $0xFFFFFF80  }
0x1e: {  	v3 =	vld [tilespmem:$0x0];
	_ =	sdelay $0x4  }
0x1f: {  	v4 =	vshrl.u32 v3, $0x3  }
0x20: {  	v4 =	vmul.u32 $0x18, v4  }
0x21: {  	v3 =	vand.u32 $0x7, v3  }
0x22: {  	v3 =	vor.u32 v3, v4  }
0x23: {  	v4 =	vperm.xlane v3, v0;
	_ =	sdelay $0x1  }
0x24: {  	v4 =	vadd.s32 v1, v4;
	_ =	sdelay $0x1  }
0x25: {  	v3 =	vperm.xlane v3, v2;
	_ =	sdelay $0x1  }
0x26: {  	s0 =	simm.s32 $0x100;
	v3 =	vadd.s32 v1, v3  }
0x27: {  	[tilespmem:s0], [sflag:$0x3] =	stream.indirect_vreg.gather [hbm4b:s1+s3], $0x80, v4, vm0, $0xb8;
	[tilespmem:$0x18100] =	vst v63  }
0x28: {  	s2 =	simm.s32 $0x900  }
0x29: {  	[tilespmem:s2], [sflag:$0x3] =	stream.indirect_vreg.gather [hbm4b:s4+s3], $0x80, v4, vm1, $0xb8;
	[tilespmem:$0x18100] =	vst v63  }
0x2a: {  	s20 =	simm.s32 $0xD00  }
0x2b: {  	[tilespmem:s20], [sflag:$0x3] =	stream.indirect_vreg.gather [hbm4b:s1+s3], $0x80, v3, vm0, $0xb8;
	[tilespmem:$0x18100] =	vst v63  }
0x2c: {  	s21 =	simm.s32 $0x1500  }
0x2d: {  	[tilespmem:s21], [sflag:$0x3] =	stream.indirect_vreg.gather [hbm4b:s4+s3], $0x80, v3, vm1, $0xb8;
	[tilespmem:$0x18100] =	vst v63  }
0x2e: {  	v3 =	vld [tilespmem:$0x10];
	_ =	sdelay $0x4  }
0x2f: {  	v57 =	vshrl.u32 v3, $0x3  }
0x30: {  	v4 =	vmul.u32 $0x18, v57  }
0x31: {  	v3 =	vand.u32 $0x7, v3  }
0x32: {  	v3 =	vor.u32 v3, v4  }
0x33: {  	v4 =	vperm.xlane v3, v0;
	_ =	sdelay $0x1  }
0x34: {  	v4 =	vadd.s32 v1, v4;
	_ =	sdelay $0x1  }
0x35: {  	v3 =	vperm.xlane v3, v2;
	_ =	sdelay $0x1  }
0x36: {  	s22 =	simm.s32 $0x1900;
	v3 =	vadd.s32 v1, v3  }
0x37: {  	[tilespmem:s22], [sflag:$0x3] =	stream.indirect_vreg.gather [hbm4b:s1+s3], $0x80, v4, vm0, $0xb8;
	[tilespmem:$0x18100] =	vst v63  }
0x38: {  	s23 =	simm.s32 $0x2100  }
0x39: {  	[tilespmem:s23], [sflag:$0x3] =	stream.indirect_vreg.gather [hbm4b:s4+s3], $0x80, v4, vm1, $0xb8;
	[tilespmem:$0x18100] =	vst v63  }
0x3a: {  	s24 =	simm.s32 $0x2500  }
0x3b: {  	[tilespmem:s24], [sflag:$0x3] =	stream.indirect_vreg.gather [hbm4b:s1+s3], $0x80, v3, vm0, $0xb8;
	[tilespmem:$0x18100] =	vst v63  }
0x3c: {  	s25 =	simm.s32 $0x2D00  }
0x3d: {  	[tilespmem:s25], [sflag:$0x3] =	stream.indirect_vreg.gather [hbm4b:s4+s3], $0x80, v3, vm1, $0xb8;
	[tilespmem:$0x18100] =	vst v63  }
0x3e: {  	v3 =	vld [tilespmem:$0x20];
	_ =	sdelay $0x4  }
0x3f: {  	v58 =	vshrl.u32 v3, $0x3  }
0x40: {  	v4 =	vmul.u32 $0x18, v58  }
0x41: {  	v3 =	vand.u32 $0x7, v3  }
0x42: {  	v3 =	vor.u32 v3, v4  }
0x43: {  	v4 =	vperm.xlane v3, v0;
	_ =	sdelay $0x1  }
0x44: {  	v4 =	vadd.s32 v1, v4;
	_ =	sdelay $0x1  }
0x45: {  	v3 =	vperm.xlane v3, v2;
	_ =	sdelay $0x1  }
0x46: {  	s26 =	simm.s32 $0x3100;
	v3 =	vadd.s32 v1, v3  }
0x47: {  	[tilespmem:s26], [sflag:$0x3] =	stream.indirect_vreg.gather [hbm4b:s1+s3], $0x80, v4, vm0, $0xb8;
	[tilespmem:$0x18100] =	vst v63  }
0x48: {  	s31 =	simm.s32 $0x3900  }
0x49: {  	[tilespmem:s31], [sflag:$0x3] =	stream.indirect_vreg.gather [hbm4b:s4+s3], $0x80, v4, vm1, $0xb8;
	[tilespmem:$0x18100] =	vst v63  }
0x4a: {  	s7 =	simm.s32 $0x3D00  }
0x4b: {  	[tilespmem:s7], [sflag:$0x3] =	stream.indirect_vreg.gather [hbm4b:s1+s3], $0x80, v3, vm0, $0xb8;
	[tilespmem:$0x18100] =	vst v63  }
0x4c: {  	s8 =	simm.s32 $0x4500  }
0x4d: {  	[tilespmem:s8], [sflag:$0x3] =	stream.indirect_vreg.gather [hbm4b:s4+s3], $0x80, v3, vm1, $0xb8;
	[tilespmem:$0x18100] =	vst v63  }
0x4e: {  	v3 =	vld [tilespmem:$0x30];
	_ =	sdelay $0x4  }
0x4f: {  	v59 =	vshrl.u32 v3, $0x3  }
0x50: {  	v4 =	vmul.u32 $0x18, v59  }
0x51: {  	v3 =	vand.u32 $0x7, v3  }
0x52: {  	v3 =	vor.u32 v3, v4  }
0x53: {  	v4 =	vperm.xlane v3, v0;
	_ =	sdelay $0x1  }
0x54: {  	v4 =	vadd.s32 v1, v4;
	_ =	sdelay $0x1  }
0x55: {  	v3 =	vperm.xlane v3, v2;
	_ =	sdelay $0x1  }
0x56: {  	s9 =	simm.s32 $0x4900;
	v3 =	vadd.s32 v1, v3  }
0x57: {  	[tilespmem:s9], [sflag:$0x3] =	stream.indirect_vreg.gather [hbm4b:s1+s3], $0x80, v4, vm0, $0xb8;
	[tilespmem:$0x18100] =	vst v63  }
0x58: {  	s10 =	simm.s32 $0x5100  }
0x59: {  	[tilespmem:s10], [sflag:$0x3] =	stream.indirect_vreg.gather [hbm4b:s4+s3], $0x80, v4, vm1, $0xb8;
	[tilespmem:$0x18100] =	vst v63  }
0x5a: {  	s11 =	simm.s32 $0x5500  }
0x5b: {  	[tilespmem:s11], [sflag:$0x3] =	stream.indirect_vreg.gather [hbm4b:s1+s3], $0x80, v3, vm0, $0xb8;
	[tilespmem:$0x18100] =	vst v63  }
0x5c: {  	s12 =	simm.s32 $0x5D00  }
0x5d: {  	[tilespmem:s12], [sflag:$0x3] =	stream.indirect_vreg.gather [hbm4b:s4+s3], $0x80, v3, vm1, $0xb8;
	[tilespmem:$0x18100] =	vst v63  }
0x5e: {  	v3 =	vld [tilespmem:$0x40];
	_ =	sdelay $0x4  }
0x5f: {  	v60 =	vshrl.u32 v3, $0x3  }
0x60: {  	v4 =	vmul.u32 $0x18, v60  }
0x61: {  	v3 =	vand.u32 $0x7, v3  }
0x62: {  	v3 =	vor.u32 v3, v4  }
0x63: {  	v4 =	vperm.xlane v3, v0;
	_ =	sdelay $0x1  }
0x64: {  	v4 =	vadd.s32 v1, v4;
	_ =	sdelay $0x1  }
0x65: {  	v3 =	vperm.xlane v3, v2;
	_ =	sdelay $0x1  }
0x66: {  	s13 =	simm.s32 $0x6100;
	v3 =	vadd.s32 v1, v3  }
0x67: {  	[tilespmem:s13], [sflag:$0x3] =	stream.indirect_vreg.gather [hbm4b:s1+s3], $0x80, v4, vm0, $0xb8;
	[tilespmem:$0x18100] =	vst v63  }
0x68: {  	s14 =	simm.s32 $0x6900  }
0x69: {  	[tilespmem:s14], [sflag:$0x3] =	stream.indirect_vreg.gather [hbm4b:s4+s3], $0x80, v4, vm1, $0xb8;
	[tilespmem:$0x18100] =	vst v63  }
0x6a: {  	s17 =	simm.s32 $0x6D00  }
0x6b: {  	[tilespmem:s17], [sflag:$0x3] =	stream.indirect_vreg.gather [hbm4b:s1+s3], $0x80, v3, vm0, $0xb8;
	[tilespmem:$0x18100] =	vst v63  }
0x6c: {  	s20 =	simm.s32 $0x7500  }
0x6d: {  	[tilespmem:s20], [sflag:$0x3] =	stream.indirect_vreg.gather [hbm4b:s4+s3], $0x80, v3, vm1, $0xb8;
	[tilespmem:$0x18100] =	vst v63  }
0x6e: {  	v3 =	vld [tilespmem:$0x50];
	_ =	sdelay $0x4  }
0x6f: {  	v61 =	vshrl.u32 v3, $0x3  }
0x70: {  	v4 =	vmul.u32 $0x18, v61  }
0x71: {  	v3 =	vand.u32 $0x7, v3  }
0x72: {  	v3 =	vor.u32 v3, v4  }
0x73: {  	v4 =	vperm.xlane v3, v0;
	_ =	sdelay $0x1  }
0x74: {  	v4 =	vadd.s32 v1, v4;
	_ =	sdelay $0x1  }
0x75: {  	v3 =	vperm.xlane v3, v2;
	_ =	sdelay $0x1  }
0x76: {  	s22 =	simm.s32 $0x7900;
	v3 =	vadd.s32 v1, v3  }
0x77: {  	[tilespmem:s22], [sflag:$0x3] =	stream.indirect_vreg.gather [hbm4b:s1+s3], $0x80, v4, vm0, $0xb8;
	[tilespmem:$0x18100] =	vst v63  }
0x78: {  	s23 =	simm.s32 $0x8100  }
0x79: {  	[tilespmem:s23], [sflag:$0x3] =	stream.indirect_vreg.gather [hbm4b:s4+s3], $0x80, v4, vm1, $0xb8;
	[tilespmem:$0x18100] =	vst v63  }
0x7a: {  	s25 =	simm.s32 $0x8500  }
0x7b: {  	[tilespmem:s25], [sflag:$0x3] =	stream.indirect_vreg.gather [hbm4b:s1+s3], $0x80, v3, vm0, $0xb8;
	[tilespmem:$0x18100] =	vst v63  }
0x7c: {  	s26 =	simm.s32 $0x8D00  }
0x7d: {  	[tilespmem:s26], [sflag:$0x3] =	stream.indirect_vreg.gather [hbm4b:s4+s3], $0x80, v3, vm1, $0xb8;
	[tilespmem:$0x18100] =	vst v63  }
0x7e: {  	v3 =	vld [tilespmem:$0x60];
	_ =	sdelay $0x4  }
0x7f: {  	v62 =	vshrl.u32 v3, $0x3  }
0x80: {  	v4 =	vmul.u32 $0x18, v62  }
0x81: {  	v3 =	vand.u32 $0x7, v3  }
0x82: {  	v3 =	vor.u32 v3, v4  }
0x83: {  	v4 =	vperm.xlane v3, v0;
	_ =	sdelay $0x1  }
0x84: {  	v4 =	vadd.s32 v1, v4;
	_ =	sdelay $0x1  }
0x85: {  	v3 =	vperm.xlane v3, v2;
	_ =	sdelay $0x1  }
0x86: {  	s31 =	simm.s32 $0x9100;
	v3 =	vadd.s32 v1, v3  }
0x87: {  	[tilespmem:s31], [sflag:$0x3] =	stream.indirect_vreg.gather [hbm4b:s1+s3], $0x80, v4, vm0, $0xb8;
	[tilespmem:$0x18100] =	vst v63  }
0x88: {  	s10 =	simm.s32 $0x9900  }
0x89: {  	[tilespmem:s10], [sflag:$0x3] =	stream.indirect_vreg.gather [hbm4b:s4+s3], $0x80, v4, vm1, $0xb8;
	[tilespmem:$0x18100] =	vst v63  }
0x8a: {  	s11 =	simm.s32 $0x9D00  }
0x8b: {  	[tilespmem:s11], [sflag:$0x3] =	stream.indirect_vreg.gather [hbm4b:s1+s3], $0x80, v3, vm0, $0xb8;
	[tilespmem:$0x18100] =	vst v63  }
0x8c: {  	s12 =	simm.s32 $0xA500  }
0x8d: {  	[tilespmem:s12], [sflag:$0x3] =	stream.indirect_vreg.gather [hbm4b:s4+s3], $0x80, v3, vm1, $0xb8;
	[tilespmem:$0x18100] =	vst v63  }
0x8e: {  	v3 =	vld [tilespmem:$0x70];
	_ =	sdelay $0x4  }
0x8f: {  	v63 =	vshrl.u32 v3, $0x3  }
0x90: {  	v4 =	vmul.u32 $0x18, v63  }
0x91: {  	v3 =	vand.u32 $0x7, v3  }
0x92: {  	v3 =	vor.u32 v3, v4  }
0x93: {  	v4 =	vperm.xlane v3, v0;
	_ =	sdelay $0x1  }
0x94: {  	v4 =	vadd.s32 v1, v4;
	_ =	sdelay $0x1  }
0x95: {  	v3 =	vperm.xlane v3, v2;
	_ =	sdelay $0x1  }
0x96: {  	s14 =	simm.s32 $0xA900;
	v3 =	vadd.s32 v1, v3  }
0x97: {  	[tilespmem:s14], [sflag:$0x3] =	stream.indirect_vreg.gather [hbm4b:s1+s3], $0x80, v4, vm0, $0xb8;
	[tilespmem:$0x18100] =	vst v63  }
0x98: {  	s17 =	simm.s32 $0xB100  }
0x99: {  	[tilespmem:s17], [sflag:$0x3] =	stream.indirect_vreg.gather [hbm4b:s4+s3], $0x80, v4, vm1, $0xb8;
	[tilespmem:$0x18100] =	vst v63  }
0x9a: {  	s20 =	simm.s32 $0xB500  }
0x9b: {  	[tilespmem:s20], [sflag:$0x3] =	stream.indirect_vreg.gather [hbm4b:s1+s3], $0x80, v3, vm0, $0xb8;
	[tilespmem:$0x18100] =	vst v63  }
0x9c: {  	s23 =	simm.s32 $0xBD00  }
0x9d: {  	[tilespmem:s23], [sflag:$0x3] =	stream.indirect_vreg.gather [hbm4b:s4+s3], $0x80, v3, vm1, $0xb8;
	[tilespmem:$0x18100] =	vst v63  }
0x9e: {  	s22 =	rddreg [dreg:$0x4];
	s25 =	simm.s32 $0x80  }
0x9f: {  	[tilespmem:s25], [sflag:$0x2] =	stream.linear.gather [hbm4b:s22+s3], $0x80, $0x38;
	[tilespmem:$0x18100] =	vst v63  }
0xa0: {  	_ =	swait.ge [sflag:s18], $0xC000  }
0xa1: {  	[sflag:s18] =	ssyncset.done $0x0  }
0xa2: {  	s0 =	simm.s32 $0x100;
	s26 =	rddreg [dreg:$0x5];
	[sflag:s18] =	ssyncadd.s32 $0xFFFF4000  }
0xa3: {  	[hbm4b:s26+s3] =	stream.linear.scatter [tilespmem:s0], [sflag:$0x5], $0xC000, $0x38;
	[tilespmem:$0x18100] =	vst v63  }
0xa4: {  	_ =	swait.ge [sflag:s16], $0x80  }
0xa5: {  	[sflag:s16] =	ssyncset.done $0x0  }
0xa6: {  	[sflag:s16] =	ssyncadd.s32 $0xFFFFFF80  }
0xa7: {  	v3 =	vld [tilespmem:$0x80];
	_ =	sdelay $0x4  }
0xa8: {  	v8 =	vshrl.u32 v3, $0x3  }
0xa9: {  	v4 =	vmul.u32 $0x18, v8  }
0xaa: {  	v3 =	vand.u32 $0x7, v3  }
0xab: {  	v3 =	vor.u32 v3, v4  }
0xac: {  	v4 =	vperm.xlane v3, v0;
	_ =	sdelay $0x1  }
0xad: {  	v4 =	vadd.s32 v1, v4;
	_ =	sdelay $0x1  }
0xae: {  	v3 =	vperm.xlane v3, v2;
	_ =	sdelay $0x1  }
0xaf: {  	s0 =	simm.s32 $0xC100;
	v3 =	vadd.s32 v1, v3  }
0xb0: {  	[tilespmem:s0], [sflag:$0x4] =	stream.indirect_vreg.gather [hbm4b:s1+s3], $0x80, v4, vm0, $0xb8;
	[tilespmem:$0x18100] =	vst v63  }
0xb1: {  	s2 =	simm.s32 $0xC900  }
0xb2: {  	[tilespmem:s2], [sflag:$0x4] =	stream.indirect_vreg.gather [hbm4b:s4+s3], $0x80, v4, vm1, $0xb8;
	[tilespmem:$0x18100] =	vst v63  }
0xb3: {  	s17 =	simm.s32 $0xCD00  }
0xb4: {  	[tilespmem:s17], [sflag:$0x4] =	stream.indirect_vreg.gather [hbm4b:s1+s3], $0x80, v3, vm0, $0xb8;
	[tilespmem:$0x18100] =	vst v63  }
0xb5: {  	s20 =	simm.s32 $0xD500  }
0xb6: {  	[tilespmem:s20], [sflag:$0x4] =	stream.indirect_vreg.gather [hbm4b:s4+s3], $0x80, v3, vm1, $0xb8;
	[tilespmem:$0x18100] =	vst v63  }
0xb7: {  	v3 =	vld [tilespmem:$0x90];
	_ =	sdelay $0x4  }
0xb8: {  	v9 =	vshrl.u32 v3, $0x3  }
0xb9: {  	v4 =	vmul.u32 $0x18, v9  }
0xba: {  	v3 =	vand.u32 $0x7, v3  }
0xbb: {  	v3 =	vor.u32 v3, v4  }
0xbc: {  	v4 =	vperm.xlane v3, v0;
	_ =	sdelay $0x1  }
0xbd: {  	v4 =	vadd.s32 v1, v4;
	_ =	sdelay $0x1  }
0xbe: {  	v3 =	vperm.xlane v3, v2;
	_ =	sdelay $0x1  }
0xbf: {  	s22 =	simm.s32 $0xD900;
	v3 =	vadd.s32 v1, v3  }
0xc0: {  	[tilespmem:s22], [sflag:$0x4] =	stream.indirect_vreg.gather [hbm4b:s1+s3], $0x80, v4, vm0, $0xb8;
	[tilespmem:$0x18100] =	vst v63  }
0xc1: {  	s23 =	simm.s32 $0xE100  }
0xc2: {  	[tilespmem:s23], [sflag:$0x4] =	stream.indirect_vreg.gather [hbm4b:s4+s3], $0x80, v4, vm1, $0xb8;
	[tilespmem:$0x18100] =	vst v63  }
0xc3: {  	s25 =	simm.s32 $0xE500  }
0xc4: {  	[tilespmem:s25], [sflag:$0x4] =	stream.indirect_vreg.gather [hbm4b:s1+s3], $0x80, v3, vm0, $0xb8;
	[tilespmem:$0x18100] =	vst v63  }
0xc5: {  	s26 =	simm.s32 $0xED00  }
0xc6: {  	[tilespmem:s26], [sflag:$0x4] =	stream.indirect_vreg.gather [hbm4b:s4+s3], $0x80, v3, vm1, $0xb8;
	[tilespmem:$0x18100] =	vst v63  }
0xc7: {  	v3 =	vld [tilespmem:$0xA0];
	_ =	sdelay $0x4  }
0xc8: {  	v10 =	vshrl.u32 v3, $0x3  }
0xc9: {  	v4 =	vmul.u32 $0x18, v10  }
0xca: {  	v3 =	vand.u32 $0x7, v3  }
0xcb: {  	v3 =	vor.u32 v3, v4  }
0xcc: {  	v4 =	vperm.xlane v3, v0;
	_ =	sdelay $0x1  }
0xcd: {  	v4 =	vadd.s32 v1, v4;
	_ =	sdelay $0x1  }
0xce: {  	v3 =	vperm.xlane v3, v2;
	_ =	sdelay $0x1  }
0xcf: {  	s0 =	simm.s32 $0xF100;
	v3 =	vadd.s32 v1, v3  }
0xd0: {  	[tilespmem:s0], [sflag:$0x4] =	stream.indirect_vreg.gather [hbm4b:s1+s3], $0x80, v4, vm0, $0xb8;
	[tilespmem:$0x18100] =	vst v63  }
0xd1: {  	s2 =	simm.s32 $0xF900  }
0xd2: {  	[tilespmem:s2], [sflag:$0x4] =	stream.indirect_vreg.gather [hbm4b:s4+s3], $0x80, v4, vm1, $0xb8;
	[tilespmem:$0x18100] =	vst v63  }
0xd3: {  	s17 =	simm.s32 $0xFD00  }
0xd4: {  	[tilespmem:s17], [sflag:$0x4] =	stream.indirect_vreg.gather [hbm4b:s1+s3], $0x80, v3, vm0, $0xb8;
	[tilespmem:$0x18100] =	vst v63  }
0xd5: {  	s20 =	simm.s32 $0x10500  }
0xd6: {  	[tilespmem:s20], [sflag:$0x4] =	stream.indirect_vreg.gather [hbm4b:s4+s3], $0x80, v3, vm1, $0xb8;
	[tilespmem:$0x18100] =	vst v63  }
0xd7: {  	v3 =	vld [tilespmem:$0xB0];
	_ =	sdelay $0x4  }
0xd8: {  	v11 =	vshrl.u32 v3, $0x3  }
0xd9: {  	v4 =	vmul.u32 $0x18, v11  }
0xda: {  	v3 =	vand.u32 $0x7, v3  }
0xdb: {  	v3 =	vor.u32 v3, v4  }
0xdc: {  	v4 =	vperm.xlane v3, v0;
	_ =	sdelay $0x1  }
0xdd: {  	v4 =	vadd.s32 v1, v4;
	_ =	sdelay $0x1  }
0xde: {  	v3 =	vperm.xlane v3, v2;
	_ =	sdelay $0x1  }
0xdf: {  	s22 =	simm.s32 $0x10900;
	v3 =	vadd.s32 v1, v3  }
0xe0: {  	[tilespmem:s22], [sflag:$0x4] =	stream.indirect_vreg.gather [hbm4b:s1+s3], $0x80, v4, vm0, $0xb8;
	[tilespmem:$0x18100] =	vst v63  }
0xe1: {  	s23 =	simm.s32 $0x11100  }
0xe2: {  	[tilespmem:s23], [sflag:$0x4] =	stream.indirect_vreg.gather [hbm4b:s4+s3], $0x80, v4, vm1, $0xb8;
	[tilespmem:$0x18100] =	vst v63  }
0xe3: {  	s25 =	simm.s32 $0x11500  }
0xe4: {  	[tilespmem:s25], [sflag:$0x4] =	stream.indirect_vreg.gather [hbm4b:s1+s3], $0x80, v3, vm0, $0xb8;
	[tilespmem:$0x18100] =	vst v63  }
0xe5: {  	s26 =	simm.s32 $0x11D00  }
0xe6: {  	[tilespmem:s26], [sflag:$0x4] =	stream.indirect_vreg.gather [hbm4b:s4+s3], $0x80, v3, vm1, $0xb8;
	[tilespmem:$0x18100] =	vst v63  }
0xe7: {  	v3 =	vld [tilespmem:$0xC0];
	_ =	sdelay $0x4  }
0xe8: {  	v12 =	vshrl.u32 v3, $0x3  }
0xe9: {  	v4 =	vmul.u32 $0x18, v12  }
0xea: {  	v3 =	vand.u32 $0x7, v3  }
0xeb: {  	v3 =	vor.u32 v3, v4  }
0xec: {  	v4 =	vperm.xlane v3, v0;
	_ =	sdelay $0x1  }
0xed: {  	v4 =	vadd.s32 v1, v4;
	_ =	sdelay $0x1  }
0xee: {  	v3 =	vperm.xlane v3, v2;
	_ =	sdelay $0x1  }
0xef: {  	s0 =	simm.s32 $0x12100;
	v3 =	vadd.s32 v1, v3  }
0xf0: {  	[tilespmem:s0], [sflag:$0x4] =	stream.indirect_vreg.gather [hbm4b:s1+s3], $0x80, v4, vm0, $0xb8;
	[tilespmem:$0x18100] =	vst v63  }
0xf1: {  	s2 =	simm.s32 $0x12900  }
0xf2: {  	[tilespmem:s2], [sflag:$0x4] =	stream.indirect_vreg.gather [hbm4b:s4+s3], $0x80, v4, vm1, $0xb8;
	[tilespmem:$0x18100] =	vst v63  }
0xf3: {  	s17 =	simm.s32 $0x12D00  }
0xf4: {  	[tilespmem:s17], [sflag:$0x4] =	stream.indirect_vreg.gather [hbm4b:s1+s3], $0x80, v3, vm0, $0xb8;
	[tilespmem:$0x18100] =	vst v63  }
0xf5: {  	s20 =	simm.s32 $0x13500  }
0xf6: {  	[tilespmem:s20], [sflag:$0x4] =	stream.indirect_vreg.gather [hbm4b:s4+s3], $0x80, v3, vm1, $0xb8;
	[tilespmem:$0x18100] =	vst v63  }
0xf7: {  	v3 =	vld [tilespmem:$0xD0];
	_ =	sdelay $0x4  }
0xf8: {  	v13 =	vshrl.u32 v3, $0x3  }
0xf9: {  	v4 =	vmul.u32 $0x18, v13  }
0xfa: {  	v3 =	vand.u32 $0x7, v3  }
0xfb: {  	v3 =	vor.u32 v3, v4  }
0xfc: {  	v4 =	vperm.xlane v3, v0;
	_ =	sdelay $0x1  }
0xfd: {  	v4 =	vadd.s32 v1, v4;
	_ =	sdelay $0x1  }
0xfe: {  	v3 =	vperm.xlane v3, v2;
	_ =	sdelay $0x1  }
0xff: {  	s22 =	simm.s32 $0x13900;
	v3 =	vadd.s32 v1, v3  }
0x100: {  	[tilespmem:s22], [sflag:$0x4] =	stream.indirect_vreg.gather [hbm4b:s1+s3], $0x80, v4, vm0, $0xb8;
	[tilespmem:$0x18100] =	vst v63  }
0x101: {  	s23 =	simm.s32 $0x14100  }
0x102: {  	[tilespmem:s23], [sflag:$0x4] =	stream.indirect_vreg.gather [hbm4b:s4+s3], $0x80, v4, vm1, $0xb8;
	[tilespmem:$0x18100] =	vst v63  }
0x103: {  	s25 =	simm.s32 $0x14500  }
0x104: {  	[tilespmem:s25], [sflag:$0x4] =	stream.indirect_vreg.gather [hbm4b:s1+s3], $0x80, v3, vm0, $0xb8;
	[tilespmem:$0x18100] =	vst v63  }
0x105: {  	s26 =	simm.s32 $0x14D00  }
0x106: {  	[tilespmem:s26], [sflag:$0x4] =	stream.indirect_vreg.gather [hbm4b:s4+s3], $0x80, v3, vm1, $0xb8;
	[tilespmem:$0x18100] =	vst v63  }
0x107: {  	v3 =	vld [tilespmem:$0xE0];
	_ =	sdelay $0x4  }
0x108: {  	v14 =	vshrl.u32 v3, $0x3  }
0x109: {  	v4 =	vmul.u32 $0x18, v14  }
0x10a: {  	v3 =	vand.u32 $0x7, v3  }
0x10b: {  	v3 =	vor.u32 v3, v4  }
0x10c: {  	v4 =	vperm.xlane v3, v0;
	_ =	sdelay $0x1  }
0x10d: {  	v4 =	vadd.s32 v1, v4;
	_ =	sdelay $0x1  }
0x10e: {  	v3 =	vperm.xlane v3, v2;
	_ =	sdelay $0x1  }
0x10f: {  	s0 =	simm.s32 $0x15100;
	v3 =	vadd.s32 v1, v3  }
0x110: {  	[tilespmem:s0], [sflag:$0x4] =	stream.indirect_vreg.gather [hbm4b:s1+s3], $0x80, v4, vm0, $0xb8;
	[tilespmem:$0x18100] =	vst v63  }
0x111: {  	s2 =	simm.s32 $0x15900  }
0x112: {  	[tilespmem:s2], [sflag:$0x4] =	stream.indirect_vreg.gather [hbm4b:s4+s3], $0x80, v4, vm1, $0xb8;
	[tilespmem:$0x18100] =	vst v63  }
0x113: {  	s17 =	simm.s32 $0x15D00  }
0x114: {  	[tilespmem:s17], [sflag:$0x4] =	stream.indirect_vreg.gather [hbm4b:s1+s3], $0x80, v3, vm0, $0xb8;
	[tilespmem:$0x18100] =	vst v63  }
0x115: {  	s20 =	simm.s32 $0x16500  }
0x116: {  	[tilespmem:s20], [sflag:$0x4] =	stream.indirect_vreg.gather [hbm4b:s4+s3], $0x80, v3, vm1, $0xb8;
	[tilespmem:$0x18100] =	vst v63  }
0x117: {  	v3 =	vld [tilespmem:$0xF0];
	_ =	sdelay $0x4  }
0x118: {  	v15 =	vshrl.u32 v3, $0x3  }
0x119: {  	v4 =	vmul.u32 $0x18, v15  }
0x11a: {  	v3 =	vand.u32 $0x7, v3  }
0x11b: {  	v3 =	vor.u32 v3, v4  }
0x11c: {  	v4 =	vperm.xlane v3, v0;
	_ =	sdelay $0x1  }
0x11d: {  	v4 =	vadd.s32 v1, v4;
	_ =	sdelay $0x1  }
0x11e: {  	v3 =	vperm.xlane v3, v2;
	_ =	sdelay $0x1  }
0x11f: {  	s22 =	simm.s32 $0x16900;
	v3 =	vadd.s32 v1, v3  }
0x120: {  	[tilespmem:s22], [sflag:$0x4] =	stream.indirect_vreg.gather [hbm4b:s1+s3], $0x80, v4, vm0, $0xb8;
	[tilespmem:$0x18100] =	vst v63  }
0x121: {  	s23 =	simm.s32 $0x17100  }
0x122: {  	[tilespmem:s23], [sflag:$0x4] =	stream.indirect_vreg.gather [hbm4b:s4+s3], $0x80, v4, vm1, $0xb8;
	[tilespmem:$0x18100] =	vst v63  }
0x123: {  	s25 =	simm.s32 $0x17500  }
0x124: {  	[tilespmem:s25], [sflag:$0x4] =	stream.indirect_vreg.gather [hbm4b:s1+s3], $0x80, v3, vm0, $0xb8;
	[tilespmem:$0x18100] =	vst v63  }
0x125: {  	s0 =	simm.s32 $0x17D00  }
0x126: {  	[tilespmem:s0], [sflag:$0x4] =	stream.indirect_vreg.gather [hbm4b:s4+s3], $0x80, v3, vm1, $0xb8;
	[tilespmem:$0x18100] =	vst v63  }
0x127: {  	s26 =	rddreg [dreg:$0x6]  }
0x128: {  	[tilespmem:s3], [sflag:$0x1] =	stream.linear.gather [hbm4b:s26+s3], $0x80, $0x38;
	[tilespmem:$0x18100] =	vst v63  }
0x129: {  	_ =	swait.ge [sflag:s28], $0xC000  }
0x12a: {  	[sflag:s28] =	ssyncset.done $0x0  }
0x12b: {  	s14 =	simm.s32 $0xC100;
	s2 =	rddreg [dreg:$0x7];
	[sflag:s28] =	ssyncadd.s32 $0xFFFF4000  }
0x12c: {  	[hbm4b:s2+s3] =	stream.linear.scatter [tilespmem:s14], [sflag:$0x6], $0xC000, $0x38;
	[tilespmem:$0x18100] =	vst v63  }
0x12d: {  	_ =	swait.ge [sflag:s29], $0xC000  }
0x12e: {  	[sflag:s29] =	ssyncset.done $0x0  }
0x12f: {  	[sflag:s29] =	ssyncadd.s32 $0xFFFF4000  }
0x130: {  	_ =	swait.ge [sflag:s15], $0x80  }
0x131: {  	[sflag:s15] =	ssyncset.done $0x0  }
0x132: {  	[sflag:s15] =	ssyncadd.s32 $0xFFFFFF80  }
0x133: {  	v3 =	vld [tilespmem:$0x0];
	_ =	sdelay $0x4  }
0x134: {  	v16 =	vshrl.u32 v3, $0x3  }
0x135: {  	v4 =	vmul.u32 $0x18, v16  }
0x136: {  	v3 =	vand.u32 $0x7, v3  }
0x137: {  	v3 =	vor.u32 v3, v4  }
0x138: {  	v4 =	vperm.xlane v3, v0;
	_ =	sdelay $0x1  }
0x139: {  	v4 =	vadd.s32 v1, v4;
	_ =	sdelay $0x1  }
0x13a: {  	v3 =	vperm.xlane v3, v2;
	_ =	sdelay $0x1  }
0x13b: {  	s2 =	simm.s32 $0x100;
	v3 =	vadd.s32 v1, v3  }
0x13c: {  	[tilespmem:s2], [sflag:$0x3] =	stream.indirect_vreg.gather [hbm4b:s1+s3], $0x80, v4, vm0, $0xb8;
	[tilespmem:$0x18100] =	vst v63  }
0x13d: {  	s6 =	simm.s32 $0x900  }
0x13e: {  	[tilespmem:s6], [sflag:$0x3] =	stream.indirect_vreg.gather [hbm4b:s4+s3], $0x80, v4, vm1, $0xb8;
	[tilespmem:$0x18100] =	vst v63  }
0x13f: {  	s14 =	simm.s32 $0xD00  }
0x140: {  	[tilespmem:s14], [sflag:$0x3] =	stream.indirect_vreg.gather [hbm4b:s1+s3], $0x80, v3, vm0, $0xb8;
	[tilespmem:$0x18100] =	vst v63  }
0x141: {  	s19 =	simm.s32 $0x1500  }
0x142: {  	[tilespmem:s19], [sflag:$0x3] =	stream.indirect_vreg.gather [hbm4b:s4+s3], $0x80, v3, vm1, $0xb8;
	[tilespmem:$0x18100] =	vst v63  }
0x143: {  	v3 =	vld [tilespmem:$0x10];
	_ =	sdelay $0x4  }
0x144: {  	v17 =	vshrl.u32 v3, $0x3  }
0x145: {  	v4 =	vmul.u32 $0x18, v17  }
0x146: {  	v3 =	vand.u32 $0x7, v3  }
0x147: {  	v3 =	vor.u32 v3, v4  }
0x148: {  	v4 =	vperm.xlane v3, v0;
	_ =	sdelay $0x1  }
0x149: {  	v4 =	vadd.s32 v1, v4;
	_ =	sdelay $0x1  }
0x14a: {  	v3 =	vperm.xlane v3, v2;
	_ =	sdelay $0x1  }
0x14b: {  	s6 =	simm.s32 $0x1900;
	v3 =	vadd.s32 v1, v3  }
0x14c: {  	[tilespmem:s6], [sflag:$0x3] =	stream.indirect_vreg.gather [hbm4b:s1+s3], $0x80, v4, vm0, $0xb8;
	[tilespmem:$0x18100] =	vst v63  }
0x14d: {  	s19 =	simm.s32 $0x2100  }
0x14e: {  	[tilespmem:s19], [sflag:$0x3] =	stream.indirect_vreg.gather [hbm4b:s4+s3], $0x80, v4, vm1, $0xb8;
	[tilespmem:$0x18100] =	vst v63  }
0x14f: {  	s20 =	simm.s32 $0x2500  }
0x150: {  	[tilespmem:s20], [sflag:$0x3] =	stream.indirect_vreg.gather [hbm4b:s1+s3], $0x80, v3, vm0, $0xb8;
	[tilespmem:$0x18100] =	vst v63  }
0x151: {  	s21 =	simm.s32 $0x2D00  }
0x152: {  	[tilespmem:s21], [sflag:$0x3] =	stream.indirect_vreg.gather [hbm4b:s4+s3], $0x80, v3, vm1, $0xb8;
	[tilespmem:$0x18100] =	vst v63  }
0x153: {  	v3 =	vld [tilespmem:$0x20];
	_ =	sdelay $0x4  }
0x154: {  	v18 =	vshrl.u32 v3, $0x3  }
0x155: {  	v4 =	vmul.u32 $0x18, v18  }
0x156: {  	v3 =	vand.u32 $0x7, v3  }
0x157: {  	v3 =	vor.u32 v3, v4  }
0x158: {  	v4 =	vperm.xlane v3, v0;
	_ =	sdelay $0x1  }
0x159: {  	v4 =	vadd.s32 v1, v4;
	_ =	sdelay $0x1  }
0x15a: {  	v3 =	vperm.xlane v3, v2;
	_ =	sdelay $0x1  }
0x15b: {  	s21 =	simm.s32 $0x3100;
	v3 =	vadd.s32 v1, v3  }
0x15c: {  	[tilespmem:s21], [sflag:$0x3] =	stream.indirect_vreg.gather [hbm4b:s1+s3], $0x80, v4, vm0, $0xb8;
	[tilespmem:$0x18100] =	vst v63  }
0x15d: {  	s22 =	simm.s32 $0x3900  }
0x15e: {  	[tilespmem:s22], [sflag:$0x3] =	stream.indirect_vreg.gather [hbm4b:s4+s3], $0x80, v4, vm1, $0xb8;
	[tilespmem:$0x18100] =	vst v63  }
0x15f: {  	s23 =	simm.s32 $0x3D00  }
0x160: {  	[tilespmem:s23], [sflag:$0x3] =	stream.indirect_vreg.gather [hbm4b:s1+s3], $0x80, v3, vm0, $0xb8;
	[tilespmem:$0x18100] =	vst v63  }
0x161: {  	s24 =	simm.s32 $0x4500  }
0x162: {  	[tilespmem:s24], [sflag:$0x3] =	stream.indirect_vreg.gather [hbm4b:s4+s3], $0x80, v3, vm1, $0xb8;
	[tilespmem:$0x18100] =	vst v63  }
0x163: {  	v3 =	vld [tilespmem:$0x30];
	_ =	sdelay $0x4  }
0x164: {  	v19 =	vshrl.u32 v3, $0x3  }
0x165: {  	v4 =	vmul.u32 $0x18, v19  }
0x166: {  	v3 =	vand.u32 $0x7, v3  }
0x167: {  	v3 =	vor.u32 v3, v4  }
0x168: {  	v4 =	vperm.xlane v3, v0;
	_ =	sdelay $0x1  }
0x169: {  	v4 =	vadd.s32 v1, v4;
	_ =	sdelay $0x1  }
0x16a: {  	v3 =	vperm.xlane v3, v2;
	_ =	sdelay $0x1  }
0x16b: {  	s24 =	simm.s32 $0x4900;
	v3 =	vadd.s32 v1, v3  }
0x16c: {  	[tilespmem:s24], [sflag:$0x3] =	stream.indirect_vreg.gather [hbm4b:s1+s3], $0x80, v4, vm0, $0xb8;
	[tilespmem:$0x18100] =	vst v63  }
0x16d: {  	s25 =	simm.s32 $0x5100  }
0x16e: {  	[tilespmem:s25], [sflag:$0x3] =	stream.indirect_vreg.gather [hbm4b:s4+s3], $0x80, v4, vm1, $0xb8;
	[tilespmem:$0x18100] =	vst v63  }
0x16f: {  	s26 =	simm.s32 $0x5500  }
0x170: {  	[tilespmem:s26], [sflag:$0x3] =	stream.indirect_vreg.gather [hbm4b:s1+s3], $0x80, v3, vm0, $0xb8;
	[tilespmem:$0x18100] =	vst v63  }
0x171: {  	s7 =	simm.s32 $0x5D00  }
0x172: {  	[tilespmem:s7], [sflag:$0x3] =	stream.indirect_vreg.gather [hbm4b:s4+s3], $0x80, v3, vm1, $0xb8;
	[tilespmem:$0x18100] =	vst v63  }
0x173: {  	v3 =	vld [tilespmem:$0x40];
	_ =	sdelay $0x4  }
0x174: {  	v20 =	vshrl.u32 v3, $0x3  }
0x175: {  	v4 =	vmul.u32 $0x18, v20  }
0x176: {  	v3 =	vand.u32 $0x7, v3  }
0x177: {  	v3 =	vor.u32 v3, v4  }
0x178: {  	v4 =	vperm.xlane v3, v0;
	_ =	sdelay $0x1  }
0x179: {  	v4 =	vadd.s32 v1, v4;
	_ =	sdelay $0x1  }
0x17a: {  	v3 =	vperm.xlane v3, v2;
	_ =	sdelay $0x1  }
0x17b: {  	s7 =	simm.s32 $0x6100;
	v3 =	vadd.s32 v1, v3  }
0x17c: {  	[tilespmem:s7], [sflag:$0x3] =	stream.indirect_vreg.gather [hbm4b:s1+s3], $0x80, v4, vm0, $0xb8;
	[tilespmem:$0x18100] =	vst v63  }
0x17d: {  	s31 =	simm.s32 $0x6900  }
0x17e: {  	[tilespmem:s31], [sflag:$0x3] =	stream.indirect_vreg.gather [hbm4b:s4+s3], $0x80, v4, vm1, $0xb8;
	[tilespmem:$0x18100] =	vst v63  }
0x17f: {  	s6 =	simm.s32 $0x6D00  }
0x180: {  	[tilespmem:s6], [sflag:$0x3] =	stream.indirect_vreg.gather [hbm4b:s1+s3], $0x80, v3, vm0, $0xb8;
	[tilespmem:$0x18100] =	vst v63  }
0x181: {  	s8 =	simm.s32 $0x7500  }
0x182: {  	[tilespmem:s8], [sflag:$0x3] =	stream.indirect_vreg.gather [hbm4b:s4+s3], $0x80, v3, vm1, $0xb8;
	[tilespmem:$0x18100] =	vst v63  }
0x183: {  	v3 =	vld [tilespmem:$0x50];
	_ =	sdelay $0x4  }
0x184: {  	v21 =	vshrl.u32 v3, $0x3  }
0x185: {  	v4 =	vmul.u32 $0x18, v21  }
0x186: {  	v3 =	vand.u32 $0x7, v3  }
0x187: {  	v3 =	vor.u32 v3, v4  }
0x188: {  	v4 =	vperm.xlane v3, v0;
	_ =	sdelay $0x1  }
0x189: {  	v4 =	vadd.s32 v1, v4;
	_ =	sdelay $0x1  }
0x18a: {  	v3 =	vperm.xlane v3, v2;
	_ =	sdelay $0x1  }
0x18b: {  	s7 =	simm.s32 $0x7900;
	v3 =	vadd.s32 v1, v3  }
0x18c: {  	[tilespmem:s7], [sflag:$0x3] =	stream.indirect_vreg.gather [hbm4b:s1+s3], $0x80, v4, vm0, $0xb8;
	[tilespmem:$0x18100] =	vst v63  }
0x18d: {  	s8 =	simm.s32 $0x8100  }
0x18e: {  	[tilespmem:s8], [sflag:$0x3] =	stream.indirect_vreg.gather [hbm4b:s4+s3], $0x80, v4, vm1, $0xb8;
	[tilespmem:$0x18100] =	vst v63  }
0x18f: {  	s31 =	simm.s32 $0x8500  }
0x190: {  	[tilespmem:s31], [sflag:$0x3] =	stream.indirect_vreg.gather [hbm4b:s1+s3], $0x80, v3, vm0, $0xb8;
	[tilespmem:$0x18100] =	vst v63  }
0x191: {  	s9 =	simm.s32 $0x8D00  }
0x192: {  	[tilespmem:s9], [sflag:$0x3] =	stream.indirect_vreg.gather [hbm4b:s4+s3], $0x80, v3, vm1, $0xb8;
	[tilespmem:$0x18100] =	vst v63  }
0x193: {  	v3 =	vld [tilespmem:$0x60];
	_ =	sdelay $0x4  }
0x194: {  	v22 =	vshrl.u32 v3, $0x3  }
0x195: {  	v4 =	vmul.u32 $0x18, v22  }
0x196: {  	v3 =	vand.u32 $0x7, v3  }
0x197: {  	v3 =	vor.u32 v3, v4  }
0x198: {  	v4 =	vperm.xlane v3, v0;
	_ =	sdelay $0x1  }
0x199: {  	v4 =	vadd.s32 v1, v4;
	_ =	sdelay $0x1  }
0x19a: {  	v3 =	vperm.xlane v3, v2;
	_ =	sdelay $0x1  }
0x19b: {  	s6 =	simm.s32 $0x9100;
	v3 =	vadd.s32 v1, v3  }
0x19c: {  	[tilespmem:s6], [sflag:$0x3] =	stream.indirect_vreg.gather [hbm4b:s1+s3], $0x80, v4, vm0, $0xb8;
	[tilespmem:$0x18100] =	vst v63  }
0x19d: {  	s13 =	simm.s32 $0x9900  }
0x19e: {  	[tilespmem:s13], [sflag:$0x3] =	stream.indirect_vreg.gather [hbm4b:s4+s3], $0x80, v4, vm1, $0xb8;
	[tilespmem:$0x18100] =	vst v63  }
0x19f: {  	s7 =	simm.s32 $0x9D00  }
0x1a0: {  	[tilespmem:s7], [sflag:$0x3] =	stream.indirect_vreg.gather [hbm4b:s1+s3], $0x80, v3, vm0, $0xb8;
	[tilespmem:$0x18100] =	vst v63  }
0x1a1: {  	s10 =	simm.s32 $0xA500  }
0x1a2: {  	[tilespmem:s10], [sflag:$0x3] =	stream.indirect_vreg.gather [hbm4b:s4+s3], $0x80, v3, vm1, $0xb8;
	[tilespmem:$0x18100] =	vst v63  }
0x1a3: {  	v3 =	vld [tilespmem:$0x70];
	_ =	sdelay $0x4  }
0x1a4: {  	v23 =	vshrl.u32 v3, $0x3  }
0x1a5: {  	v4 =	vmul.u32 $0x18, v23  }
0x1a6: {  	v3 =	vand.u32 $0x7, v3  }
0x1a7: {  	v3 =	vor.u32 v3, v4  }
0x1a8: {  	v4 =	vperm.xlane v3, v0;
	_ =	sdelay $0x1  }
0x1a9: {  	v4 =	vadd.s32 v1, v4;
	_ =	sdelay $0x1  }
0x1aa: {  	v3 =	vperm.xlane v3, v2;
	_ =	sdelay $0x1  }
0x1ab: {  	s8 =	simm.s32 $0xA900;
	v3 =	vadd.s32 v1, v3  }
0x1ac: {  	[tilespmem:s8], [sflag:$0x3] =	stream.indirect_vreg.gather [hbm4b:s1+s3], $0x80, v4, vm0, $0xb8;
	[tilespmem:$0x18100] =	vst v63  }
0x1ad: {  	s9 =	simm.s32 $0xB100  }
0x1ae: {  	[tilespmem:s9], [sflag:$0x3] =	stream.indirect_vreg.gather [hbm4b:s4+s3], $0x80, v4, vm1, $0xb8;
	[tilespmem:$0x18100] =	vst v63  }
0x1af: {  	s11 =	simm.s32 $0xB500  }
0x1b0: {  	[tilespmem:s11], [sflag:$0x3] =	stream.indirect_vreg.gather [hbm4b:s1+s3], $0x80, v3, vm0, $0xb8;
	[tilespmem:$0x18100] =	vst v63  }
0x1b1: {  	s11 =	simm.s32 $0xBD00  }
0x1b2: {  	[tilespmem:s11], [sflag:$0x3] =	stream.indirect_vreg.gather [hbm4b:s4+s3], $0x80, v3, vm1, $0xb8;
	[tilespmem:$0x18100] =	vst v63  }
0x1b3: {  	s12 =	simm.s32 $0x80;
	s10 =	rddreg [dreg:$0x8]  }
0x1b4: {  	[tilespmem:s12], [sflag:$0x2] =	stream.linear.gather [hbm4b:s10+s3], $0x80, $0x38;
	[tilespmem:$0x18100] =	vst v63  }
0x1b5: {  	_ =	swait.ge [sflag:s18], $0xC000  }
0x1b6: {  	[sflag:s18] =	ssyncset.done $0x0  }
0x1b7: {  	s13 =	rddreg [dreg:$0x9];
	[sflag:s18] =	ssyncadd.s32 $0xFFFF4000  }
0x1b8: {  	[hbm4b:s13+s3] =	stream.linear.scatter [tilespmem:s2], [sflag:$0x5], $0xC000, $0x38;
	[tilespmem:$0x18100] =	vst v63  }
0x1b9: {  	_ =	swait.ge [sflag:s30], $0xC000  }
0x1ba: {  	[sflag:s30] =	ssyncset.done $0x0  }
0x1bb: {  	[sflag:s30] =	ssyncadd.s32 $0xFFFF4000  }
0x1bc: {  	_ =	swait.ge [sflag:s16], $0x80  }
0x1bd: {  	[sflag:s16] =	ssyncset.done $0x0  }
0x1be: {  	[sflag:s16] =	ssyncadd.s32 $0xFFFFFF80  }
0x1bf: {  	v3 =	vld [tilespmem:$0x80];
	_ =	sdelay $0x4  }
0x1c0: {  	v24 =	vshrl.u32 v3, $0x3  }
0x1c1: {  	v4 =	vmul.u32 $0x18, v24  }
0x1c2: {  	v3 =	vand.u32 $0x7, v3  }
0x1c3: {  	v3 =	vor.u32 v3, v4  }
0x1c4: {  	v4 =	vperm.xlane v3, v0;
	_ =	sdelay $0x1  }
0x1c5: {  	v4 =	vadd.s32 v1, v4;
	_ =	sdelay $0x1  }
0x1c6: {  	v3 =	vperm.xlane v3, v2;
	_ =	sdelay $0x1  }
0x1c7: {  	s17 =	simm.s32 $0xC100;
	v3 =	vadd.s32 v1, v3  }
0x1c8: {  	[tilespmem:s17], [sflag:$0x4] =	stream.indirect_vreg.gather [hbm4b:s1+s3], $0x80, v4, vm0, $0xb8;
	[tilespmem:$0x18100] =	vst v63  }
0x1c9: {  	s31 =	simm.s32 $0xC900  }
0x1ca: {  	[tilespmem:s31], [sflag:$0x4] =	stream.indirect_vreg.gather [hbm4b:s4+s3], $0x80, v4, vm1, $0xb8;
	[tilespmem:$0x18100] =	vst v63  }
0x1cb: {  	s7 =	simm.s32 $0xCD00  }
0x1cc: {  	[tilespmem:s7], [sflag:$0x4] =	stream.indirect_vreg.gather [hbm4b:s1+s3], $0x80, v3, vm0, $0xb8;
	[tilespmem:$0x18100] =	vst v63  }
0x1cd: {  	s17 =	simm.s32 $0xD500  }
0x1ce: {  	[tilespmem:s17], [sflag:$0x4] =	stream.indirect_vreg.gather [hbm4b:s4+s3], $0x80, v3, vm1, $0xb8;
	[tilespmem:$0x18100] =	vst v63  }
0x1cf: {  	v3 =	vld [tilespmem:$0x90];
	_ =	sdelay $0x4  }
0x1d0: {  	v25 =	vshrl.u32 v3, $0x3  }
0x1d1: {  	v4 =	vmul.u32 $0x18, v25  }
0x1d2: {  	v3 =	vand.u32 $0x7, v3  }
0x1d3: {  	v3 =	vor.u32 v3, v4  }
0x1d4: {  	v4 =	vperm.xlane v3, v0;
	_ =	sdelay $0x1  }
0x1d5: {  	v4 =	vadd.s32 v1, v4;
	_ =	sdelay $0x1  }
0x1d6: {  	v3 =	vperm.xlane v3, v2;
	_ =	sdelay $0x1  }
0x1d7: {  	s8 =	simm.s32 $0xD900;
	v3 =	vadd.s32 v1, v3  }
0x1d8: {  	[tilespmem:s8], [sflag:$0x4] =	stream.indirect_vreg.gather [hbm4b:s1+s3], $0x80, v4, vm0, $0xb8;
	[tilespmem:$0x18100] =	vst v63  }
0x1d9: {  	s9 =	simm.s32 $0xE100  }
0x1da: {  	[tilespmem:s9], [sflag:$0x4] =	stream.indirect_vreg.gather [hbm4b:s4+s3], $0x80, v4, vm1, $0xb8;
	[tilespmem:$0x18100] =	vst v63  }
0x1db: {  	s10 =	simm.s32 $0xE500  }
0x1dc: {  	[tilespmem:s10], [sflag:$0x4] =	stream.indirect_vreg.gather [hbm4b:s1+s3], $0x80, v3, vm0, $0xb8;
	[tilespmem:$0x18100] =	vst v63  }
0x1dd: {  	s7 =	simm.s32 $0xED00  }
0x1de: {  	[tilespmem:s7], [sflag:$0x4] =	stream.indirect_vreg.gather [hbm4b:s4+s3], $0x80, v3, vm1, $0xb8;
	[tilespmem:$0x18100] =	vst v63  }
0x1df: {  	v3 =	vld [tilespmem:$0xA0];
	_ =	sdelay $0x4  }
0x1e0: {  	v26 =	vshrl.u32 v3, $0x3  }
0x1e1: {  	v4 =	vmul.u32 $0x18, v26  }
0x1e2: {  	v3 =	vand.u32 $0x7, v3  }
0x1e3: {  	v3 =	vor.u32 v3, v4  }
0x1e4: {  	v4 =	vperm.xlane v3, v0;
	_ =	sdelay $0x1  }
0x1e5: {  	v4 =	vadd.s32 v1, v4;
	_ =	sdelay $0x1  }
0x1e6: {  	v3 =	vperm.xlane v3, v2;
	_ =	sdelay $0x1  }
0x1e7: {  	s11 =	simm.s32 $0xF100;
	v3 =	vadd.s32 v1, v3  }
0x1e8: {  	[tilespmem:s11], [sflag:$0x4] =	stream.indirect_vreg.gather [hbm4b:s1+s3], $0x80, v4, vm0, $0xb8;
	[tilespmem:$0x18100] =	vst v63  }
0x1e9: {  	s12 =	simm.s32 $0xF900  }
0x1ea: {  	[tilespmem:s12], [sflag:$0x4] =	stream.indirect_vreg.gather [hbm4b:s4+s3], $0x80, v4, vm1, $0xb8;
	[tilespmem:$0x18100] =	vst v63  }
0x1eb: {  	s13 =	simm.s32 $0xFD00  }
0x1ec: {  	[tilespmem:s13], [sflag:$0x4] =	stream.indirect_vreg.gather [hbm4b:s1+s3], $0x80, v3, vm0, $0xb8;
	[tilespmem:$0x18100] =	vst v63  }
0x1ed: {  	s8 =	simm.s32 $0x10500  }
0x1ee: {  	[tilespmem:s8], [sflag:$0x4] =	stream.indirect_vreg.gather [hbm4b:s4+s3], $0x80, v3, vm1, $0xb8;
	[tilespmem:$0x18100] =	vst v63  }
0x1ef: {  	v3 =	vld [tilespmem:$0xB0];
	_ =	sdelay $0x4  }
0x1f0: {  	v27 =	vshrl.u32 v3, $0x3  }
0x1f1: {  	v4 =	vmul.u32 $0x18, v27  }
0x1f2: {  	v3 =	vand.u32 $0x7, v3  }
0x1f3: {  	v3 =	vor.u32 v3, v4  }
0x1f4: {  	v4 =	vperm.xlane v3, v0;
	_ =	sdelay $0x1  }
0x1f5: {  	v4 =	vadd.s32 v1, v4;
	_ =	sdelay $0x1  }
0x1f6: {  	v3 =	vperm.xlane v3, v2;
	_ =	sdelay $0x1  }
0x1f7: {  	s31 =	simm.s32 $0x10900;
	v3 =	vadd.s32 v1, v3  }
0x1f8: {  	[tilespmem:s31], [sflag:$0x4] =	stream.indirect_vreg.gather [hbm4b:s1+s3], $0x80, v4, vm0, $0xb8;
	[tilespmem:$0x18100] =	vst v63  }
0x1f9: {  	s9 =	simm.s32 $0x11100  }
0x1fa: {  	[tilespmem:s9], [sflag:$0x4] =	stream.indirect_vreg.gather [hbm4b:s4+s3], $0x80, v4, vm1, $0xb8;
	[tilespmem:$0x18100] =	vst v63  }
0x1fb: {  	s10 =	simm.s32 $0x11500  }
0x1fc: {  	[tilespmem:s10], [sflag:$0x4] =	stream.indirect_vreg.gather [hbm4b:s1+s3], $0x80, v3, vm0, $0xb8;
	[tilespmem:$0x18100] =	vst v63  }
0x1fd: {  	s9 =	simm.s32 $0x11D00  }
0x1fe: {  	[tilespmem:s9], [sflag:$0x4] =	stream.indirect_vreg.gather [hbm4b:s4+s3], $0x80, v3, vm1, $0xb8;
	[tilespmem:$0x18100] =	vst v63  }
0x1ff: {  	v3 =	vld [tilespmem:$0xC0];
	_ =	sdelay $0x4  }
0x200: {  	v28 =	vshrl.u32 v3, $0x3  }
0x201: {  	v4 =	vmul.u32 $0x18, v28  }
0x202: {  	v3 =	vand.u32 $0x7, v3  }
0x203: {  	v3 =	vor.u32 v3, v4  }
0x204: {  	v4 =	vperm.xlane v3, v0;
	_ =	sdelay $0x1  }
0x205: {  	v4 =	vadd.s32 v1, v4;
	_ =	sdelay $0x1  }
0x206: {  	v3 =	vperm.xlane v3, v2;
	_ =	sdelay $0x1  }
0x207: {  	s11 =	simm.s32 $0x12100;
	v3 =	vadd.s32 v1, v3  }
0x208: {  	[tilespmem:s11], [sflag:$0x4] =	stream.indirect_vreg.gather [hbm4b:s1+s3], $0x80, v4, vm0, $0xb8;
	[tilespmem:$0x18100] =	vst v63  }
0x209: {  	s12 =	simm.s32 $0x12900  }
0x20a: {  	[tilespmem:s12], [sflag:$0x4] =	stream.indirect_vreg.gather [hbm4b:s4+s3], $0x80, v4, vm1, $0xb8;
	[tilespmem:$0x18100] =	vst v63  }
0x20b: {  	s13 =	simm.s32 $0x12D00  }
0x20c: {  	[tilespmem:s13], [sflag:$0x4] =	stream.indirect_vreg.gather [hbm4b:s1+s3], $0x80, v3, vm0, $0xb8;
	[tilespmem:$0x18100] =	vst v63  }
0x20d: {  	s10 =	simm.s32 $0x13500  }
0x20e: {  	[tilespmem:s10], [sflag:$0x4] =	stream.indirect_vreg.gather [hbm4b:s4+s3], $0x80, v3, vm1, $0xb8;
	[tilespmem:$0x18100] =	vst v63  }
0x20f: {  	v3 =	vld [tilespmem:$0xD0];
	_ =	sdelay $0x4  }
0x210: {  	v29 =	vshrl.u32 v3, $0x3  }
0x211: {  	v4 =	vmul.u32 $0x18, v29  }
0x212: {  	v3 =	vand.u32 $0x7, v3  }
0x213: {  	v3 =	vor.u32 v3, v4  }
0x214: {  	v4 =	vperm.xlane v3, v0;
	_ =	sdelay $0x1  }
0x215: {  	v4 =	vadd.s32 v1, v4;
	_ =	sdelay $0x1  }
0x216: {  	v3 =	vperm.xlane v3, v2;
	_ =	sdelay $0x1  }
0x217: {  	s31 =	simm.s32 $0x13900;
	v3 =	vadd.s32 v1, v3  }
0x218: {  	[tilespmem:s31], [sflag:$0x4] =	stream.indirect_vreg.gather [hbm4b:s1+s3], $0x80, v4, vm0, $0xb8;
	[tilespmem:$0x18100] =	vst v63  }
0x219: {  	s11 =	simm.s32 $0x14100  }
0x21a: {  	[tilespmem:s11], [sflag:$0x4] =	stream.indirect_vreg.gather [hbm4b:s4+s3], $0x80, v4, vm1, $0xb8;
	[tilespmem:$0x18100] =	vst v63  }
0x21b: {  	s12 =	simm.s32 $0x14500  }
0x21c: {  	[tilespmem:s12], [sflag:$0x4] =	stream.indirect_vreg.gather [hbm4b:s1+s3], $0x80, v3, vm0, $0xb8;
	[tilespmem:$0x18100] =	vst v63  }
0x21d: {  	s11 =	simm.s32 $0x14D00  }
0x21e: {  	[tilespmem:s11], [sflag:$0x4] =	stream.indirect_vreg.gather [hbm4b:s4+s3], $0x80, v3, vm1, $0xb8;
	[tilespmem:$0x18100] =	vst v63  }
0x21f: {  	v3 =	vld [tilespmem:$0xE0];
	_ =	sdelay $0x4  }
0x220: {  	v30 =	vshrl.u32 v3, $0x3  }
0x221: {  	v4 =	vmul.u32 $0x18, v30  }
0x222: {  	v3 =	vand.u32 $0x7, v3  }
0x223: {  	v3 =	vor.u32 v3, v4  }
0x224: {  	v4 =	vperm.xlane v3, v0;
	_ =	sdelay $0x1  }
0x225: {  	v4 =	vadd.s32 v1, v4;
	_ =	sdelay $0x1  }
0x226: {  	v3 =	vperm.xlane v3, v2;
	_ =	sdelay $0x1  }
0x227: {  	s13 =	simm.s32 $0x15100;
	v3 =	vadd.s32 v1, v3  }
0x228: {  	[tilespmem:s13], [sflag:$0x4] =	stream.indirect_vreg.gather [hbm4b:s1+s3], $0x80, v4, vm0, $0xb8;
	[tilespmem:$0x18100] =	vst v63  }
0x229: {  	s31 =	simm.s32 $0x15900  }
0x22a: {  	[tilespmem:s31], [sflag:$0x4] =	stream.indirect_vreg.gather [hbm4b:s4+s3], $0x80, v4, vm1, $0xb8;
	[tilespmem:$0x18100] =	vst v63  }
0x22b: {  	s12 =	simm.s32 $0x15D00  }
0x22c: {  	[tilespmem:s12], [sflag:$0x4] =	stream.indirect_vreg.gather [hbm4b:s1+s3], $0x80, v3, vm0, $0xb8;
	[tilespmem:$0x18100] =	vst v63  }
0x22d: {  	s12 =	simm.s32 $0x16500  }
0x22e: {  	[tilespmem:s12], [sflag:$0x4] =	stream.indirect_vreg.gather [hbm4b:s4+s3], $0x80, v3, vm1, $0xb8;
	[tilespmem:$0x18100] =	vst v63  }
0x22f: {  	v3 =	vld [tilespmem:$0xF0];
	_ =	sdelay $0x4  }
0x230: {  	v31 =	vshrl.u32 v3, $0x3  }
0x231: {  	v4 =	vmul.u32 $0x18, v31  }
0x232: {  	v3 =	vand.u32 $0x7, v3  }
0x233: {  	v3 =	vor.u32 v3, v4  }
0x234: {  	v4 =	vperm.xlane v3, v0;
	_ =	sdelay $0x1  }
0x235: {  	v4 =	vadd.s32 v1, v4;
	_ =	sdelay $0x1  }
0x236: {  	v3 =	vperm.xlane v3, v2;
	_ =	sdelay $0x1  }
0x237: {  	s13 =	simm.s32 $0x16900;
	v3 =	vadd.s32 v1, v3  }
0x238: {  	[tilespmem:s13], [sflag:$0x4] =	stream.indirect_vreg.gather [hbm4b:s1+s3], $0x80, v4, vm0, $0xb8;
	[tilespmem:$0x18100] =	vst v63  }
0x239: {  	s31 =	simm.s32 $0x17100  }
0x23a: {  	[tilespmem:s31], [sflag:$0x4] =	stream.indirect_vreg.gather [hbm4b:s4+s3], $0x80, v4, vm1, $0xb8;
	[tilespmem:$0x18100] =	vst v63  }
0x23b: {  	s13 =	simm.s32 $0x17500  }
0x23c: {  	[tilespmem:s13], [sflag:$0x4] =	stream.indirect_vreg.gather [hbm4b:s1+s3], $0x80, v3, vm0, $0xb8;
	[tilespmem:$0x18100] =	vst v63  }
0x23d: {  	s0 =	simm.s32 $0x17D00  }
0x23e: {  	[tilespmem:s0], [sflag:$0x4] =	stream.indirect_vreg.gather [hbm4b:s4+s3], $0x80, v3, vm1, $0xb8;
	[tilespmem:$0x18100] =	vst v63  }
0x23f: {  	s31 =	rddreg [dreg:$0xa]  }
0x240: {  	[tilespmem:s3], [sflag:$0x1] =	stream.linear.gather [hbm4b:s31+s3], $0x80, $0x38;
	[tilespmem:$0x18100] =	vst v63  }
0x241: {  	_ =	swait.ge [sflag:s28], $0xC000  }
0x242: {  	[sflag:s28] =	ssyncset.done $0x0  }
0x243: {  	s2 =	simm.s32 $0xC100;
	s0 =	rddreg [dreg:$0xb];
	[sflag:s28] =	ssyncadd.s32 $0xFFFF4000  }
0x244: {  	[hbm4b:s0+s3] =	stream.linear.scatter [tilespmem:s2], [sflag:$0x6], $0xC000, $0x38;
	[tilespmem:$0x18100] =	vst v63  }
0x245: {  	_ =	swait.ge [sflag:s29], $0xC000  }
0x246: {  	[sflag:s29] =	ssyncset.done $0x0  }
0x247: {  	[sflag:s29] =	ssyncadd.s32 $0xFFFF4000  }
0x248: {  	_ =	swait.ge [sflag:s15], $0x80  }
0x249: {  	[sflag:s15] =	ssyncset.done $0x0  }
0x24a: {  	[sflag:s15] =	ssyncadd.s32 $0xFFFFFF80  }
0x24b: {  	v3 =	vld [tilespmem:$0x0];
	_ =	sdelay $0x4  }
0x24c: {  	v32 =	vshrl.u32 v3, $0x3  }
0x24d: {  	v4 =	vmul.u32 $0x18, v32  }
0x24e: {  	v3 =	vand.u32 $0x7, v3  }
0x24f: {  	v3 =	vor.u32 v3, v4  }
0x250: {  	v4 =	vperm.xlane v3, v0;
	_ =	sdelay $0x1  }
0x251: {  	v4 =	vadd.s32 v1, v4;
	_ =	sdelay $0x1  }
0x252: {  	v3 =	vperm.xlane v3, v2;
	_ =	sdelay $0x1  }
0x253: {  	s6 =	simm.s32 $0x100;
	v3 =	vadd.s32 v1, v3  }
0x254: {  	[tilespmem:s6], [sflag:$0x3] =	stream.indirect_vreg.gather [hbm4b:s1+s3], $0x80, v4, vm0, $0xb8;
	[tilespmem:$0x18100] =	vst v63  }
0x255: {  	s6 =	simm.s32 $0x900  }
0x256: {  	[tilespmem:s6], [sflag:$0x3] =	stream.indirect_vreg.gather [hbm4b:s4+s3], $0x80, v4, vm1, $0xb8;
	[tilespmem:$0x18100] =	vst v63  }
0x257: {  	_ = 	snop  }
0x258: {  	[tilespmem:s14], [sflag:$0x3] =	stream.indirect_vreg.gather [hbm4b:s1+s3], $0x80, v3, vm0, $0xb8;
	[tilespmem:$0x18100] =	vst v63  }
0x259: {  	s14 =	simm.s32 $0x1500  }
0x25a: {  	[tilespmem:s14], [sflag:$0x3] =	stream.indirect_vreg.gather [hbm4b:s4+s3], $0x80, v3, vm1, $0xb8;
	[tilespmem:$0x18100] =	vst v63  }
0x25b: {  	v3 =	vld [tilespmem:$0x10];
	_ =	sdelay $0x4  }
0x25c: {  	v33 =	vshrl.u32 v3, $0x3  }
0x25d: {  	v4 =	vmul.u32 $0x18, v33  }
0x25e: {  	v3 =	vand.u32 $0x7, v3  }
0x25f: {  	v3 =	vor.u32 v3, v4  }
0x260: {  	v4 =	vperm.xlane v3, v0;
	_ =	sdelay $0x1  }
0x261: {  	v4 =	vadd.s32 v1, v4;
	_ =	sdelay $0x1  }
0x262: {  	v3 =	vperm.xlane v3, v2;
	_ =	sdelay $0x1  }
0x263: {  	s31 =	simm.s32 $0x1900;
	v3 =	vadd.s32 v1, v3  }
0x264: {  	[tilespmem:s31], [sflag:$0x3] =	stream.indirect_vreg.gather [hbm4b:s1+s3], $0x80, v4, vm0, $0xb8;
	[tilespmem:$0x18100] =	vst v63  }
0x265: {  	_ = 	snop  }
0x266: {  	[tilespmem:s19], [sflag:$0x3] =	stream.indirect_vreg.gather [hbm4b:s4+s3], $0x80, v4, vm1, $0xb8;
	[tilespmem:$0x18100] =	vst v63  }
0x267: {  	_ = 	snop  }
0x268: {  	[tilespmem:s20], [sflag:$0x3] =	stream.indirect_vreg.gather [hbm4b:s1+s3], $0x80, v3, vm0, $0xb8;
	[tilespmem:$0x18100] =	vst v63  }
0x269: {  	s2 =	simm.s32 $0x2D00  }
0x26a: {  	[tilespmem:s2], [sflag:$0x3] =	stream.indirect_vreg.gather [hbm4b:s4+s3], $0x80, v3, vm1, $0xb8;
	[tilespmem:$0x18100] =	vst v63  }
0x26b: {  	v3 =	vld [tilespmem:$0x20];
	_ =	sdelay $0x4  }
0x26c: {  	v34 =	vshrl.u32 v3, $0x3  }
0x26d: {  	v4 =	vmul.u32 $0x18, v34  }
0x26e: {  	v3 =	vand.u32 $0x7, v3  }
0x26f: {  	v3 =	vor.u32 v3, v4  }
0x270: {  	v4 =	vperm.xlane v3, v0;
	_ =	sdelay $0x1  }
0x271: {  	v4 =	vadd.s32 v1, v4;
	_ =	sdelay $0x1  }
0x272: {  	v3 =	vperm.xlane v3, v2;
	_ =	sdelay $0x1  }
0x273: {  	v3 =	vadd.s32 v1, v3  }
0x274: {  	[tilespmem:s21], [sflag:$0x3] =	stream.indirect_vreg.gather [hbm4b:s1+s3], $0x80, v4, vm0, $0xb8;
	[tilespmem:$0x18100] =	vst v63  }
0x275: {  	_ = 	snop  }
0x276: {  	[tilespmem:s22], [sflag:$0x3] =	stream.indirect_vreg.gather [hbm4b:s4+s3], $0x80, v4, vm1, $0xb8;
	[tilespmem:$0x18100] =	vst v63  }
0x277: {  	_ = 	snop  }
0x278: {  	[tilespmem:s23], [sflag:$0x3] =	stream.indirect_vreg.gather [hbm4b:s1+s3], $0x80, v3, vm0, $0xb8;
	[tilespmem:$0x18100] =	vst v63  }
0x279: {  	s14 =	simm.s32 $0x4500  }
0x27a: {  	[tilespmem:s14], [sflag:$0x3] =	stream.indirect_vreg.gather [hbm4b:s4+s3], $0x80, v3, vm1, $0xb8;
	[tilespmem:$0x18100] =	vst v63  }
0x27b: {  	v3 =	vld [tilespmem:$0x30];
	_ =	sdelay $0x4  }
0x27c: {  	v35 =	vshrl.u32 v3, $0x3  }
0x27d: {  	v4 =	vmul.u32 $0x18, v35  }
0x27e: {  	v3 =	vand.u32 $0x7, v3  }
0x27f: {  	v3 =	vor.u32 v3, v4  }
0x280: {  	v4 =	vperm.xlane v3, v0;
	_ =	sdelay $0x1  }
0x281: {  	v4 =	vadd.s32 v1, v4;
	_ =	sdelay $0x1  }
0x282: {  	v3 =	vperm.xlane v3, v2;
	_ =	sdelay $0x1  }
0x283: {  	v3 =	vadd.s32 v1, v3  }
0x284: {  	[tilespmem:s24], [sflag:$0x3] =	stream.indirect_vreg.gather [hbm4b:s1+s3], $0x80, v4, vm0, $0xb8;
	[tilespmem:$0x18100] =	vst v63  }
0x285: {  	_ = 	snop  }
0x286: {  	[tilespmem:s25], [sflag:$0x3] =	stream.indirect_vreg.gather [hbm4b:s4+s3], $0x80, v4, vm1, $0xb8;
	[tilespmem:$0x18100] =	vst v63  }
0x287: {  	_ = 	snop  }
0x288: {  	[tilespmem:s26], [sflag:$0x3] =	stream.indirect_vreg.gather [hbm4b:s1+s3], $0x80, v3, vm0, $0xb8;
	[tilespmem:$0x18100] =	vst v63  }
0x289: {  	s19 =	simm.s32 $0x5D00  }
0x28a: {  	[tilespmem:s19], [sflag:$0x3] =	stream.indirect_vreg.gather [hbm4b:s4+s3], $0x80, v3, vm1, $0xb8;
	[tilespmem:$0x18100] =	vst v63  }
0x28b: {  	v3 =	vld [tilespmem:$0x40];
	_ =	sdelay $0x4  }
0x28c: {  	v36 =	vshrl.u32 v3, $0x3  }
0x28d: {  	v4 =	vmul.u32 $0x18, v36  }
0x28e: {  	v3 =	vand.u32 $0x7, v3  }
0x28f: {  	v3 =	vor.u32 v3, v4  }
0x290: {  	v4 =	vperm.xlane v3, v0;
	_ =	sdelay $0x1  }
0x291: {  	v4 =	vadd.s32 v1, v4;
	_ =	sdelay $0x1  }
0x292: {  	v3 =	vperm.xlane v3, v2;
	_ =	sdelay $0x1  }
0x293: {  	s31 =	simm.s32 $0x6100;
	v3 =	vadd.s32 v1, v3  }
0x294: {  	[tilespmem:s31], [sflag:$0x3] =	stream.indirect_vreg.gather [hbm4b:s1+s3], $0x80, v4, vm0, $0xb8;
	[tilespmem:$0x18100] =	vst v63  }
0x295: {  	s6 =	simm.s32 $0x6900  }
0x296: {  	[tilespmem:s6], [sflag:$0x3] =	stream.indirect_vreg.gather [hbm4b:s4+s3], $0x80, v4, vm1, $0xb8;
	[tilespmem:$0x18100] =	vst v63  }
0x297: {  	s19 =	simm.s32 $0x6D00  }
0x298: {  	[tilespmem:s19], [sflag:$0x3] =	stream.indirect_vreg.gather [hbm4b:s1+s3], $0x80, v3, vm0, $0xb8;
	[tilespmem:$0x18100] =	vst v63  }
0x299: {  	s2 =	simm.s32 $0x7500  }
0x29a: {  	[tilespmem:s2], [sflag:$0x3] =	stream.indirect_vreg.gather [hbm4b:s4+s3], $0x80, v3, vm1, $0xb8;
	[tilespmem:$0x18100] =	vst v63  }
0x29b: {  	v3 =	vld [tilespmem:$0x50];
	_ =	sdelay $0x4  }
0x29c: {  	v37 =	vshrl.u32 v3, $0x3  }
0x29d: {  	v4 =	vmul.u32 $0x18, v37  }
0x29e: {  	v3 =	vand.u32 $0x7, v3  }
0x29f: {  	v3 =	vor.u32 v3, v4  }
0x2a0: {  	v4 =	vperm.xlane v3, v0;
	_ =	sdelay $0x1  }
0x2a1: {  	v4 =	vadd.s32 v1, v4;
	_ =	sdelay $0x1  }
0x2a2: {  	v3 =	vperm.xlane v3, v2;
	_ =	sdelay $0x1  }
0x2a3: {  	s14 =	simm.s32 $0x7900;
	v3 =	vadd.s32 v1, v3  }
0x2a4: {  	[tilespmem:s14], [sflag:$0x3] =	stream.indirect_vreg.gather [hbm4b:s1+s3], $0x80, v4, vm0, $0xb8;
	[tilespmem:$0x18100] =	vst v63  }
0x2a5: {  	s2 =	simm.s32 $0x8100  }
0x2a6: {  	[tilespmem:s2], [sflag:$0x3] =	stream.indirect_vreg.gather [hbm4b:s4+s3], $0x80, v4, vm1, $0xb8;
	[tilespmem:$0x18100] =	vst v63  }
0x2a7: {  	s14 =	simm.s32 $0x8500  }
0x2a8: {  	[tilespmem:s14], [sflag:$0x3] =	stream.indirect_vreg.gather [hbm4b:s1+s3], $0x80, v3, vm0, $0xb8;
	[tilespmem:$0x18100] =	vst v63  }
0x2a9: {  	s2 =	simm.s32 $0x8D00  }
0x2aa: {  	[tilespmem:s2], [sflag:$0x3] =	stream.indirect_vreg.gather [hbm4b:s4+s3], $0x80, v3, vm1, $0xb8;
	[tilespmem:$0x18100] =	vst v63  }
0x2ab: {  	v3 =	vld [tilespmem:$0x60];
	_ =	sdelay $0x4  }
0x2ac: {  	v38 =	vshrl.u32 v3, $0x3  }
0x2ad: {  	v4 =	vmul.u32 $0x18, v38  }
0x2ae: {  	v3 =	vand.u32 $0x7, v3  }
0x2af: {  	v3 =	vor.u32 v3, v4  }
0x2b0: {  	v4 =	vperm.xlane v3, v0;
	_ =	sdelay $0x1  }
0x2b1: {  	v4 =	vadd.s32 v1, v4;
	_ =	sdelay $0x1  }
0x2b2: {  	v3 =	vperm.xlane v3, v2;
	_ =	sdelay $0x1  }
0x2b3: {  	s14 =	simm.s32 $0x9100;
	v3 =	vadd.s32 v1, v3  }
0x2b4: {  	[tilespmem:s14], [sflag:$0x3] =	stream.indirect_vreg.gather [hbm4b:s1+s3], $0x80, v4, vm0, $0xb8;
	[tilespmem:$0x18100] =	vst v63  }
0x2b5: {  	s2 =	simm.s32 $0x9900  }
0x2b6: {  	[tilespmem:s2], [sflag:$0x3] =	stream.indirect_vreg.gather [hbm4b:s4+s3], $0x80, v4, vm1, $0xb8;
	[tilespmem:$0x18100] =	vst v63  }
0x2b7: {  	s14 =	simm.s32 $0x9D00  }
0x2b8: {  	[tilespmem:s14], [sflag:$0x3] =	stream.indirect_vreg.gather [hbm4b:s1+s3], $0x80, v3, vm0, $0xb8;
	[tilespmem:$0x18100] =	vst v63  }
0x2b9: {  	s31 =	simm.s32 $0xA500  }
0x2ba: {  	[tilespmem:s31], [sflag:$0x3] =	stream.indirect_vreg.gather [hbm4b:s4+s3], $0x80, v3, vm1, $0xb8;
	[tilespmem:$0x18100] =	vst v63  }
0x2bb: {  	v3 =	vld [tilespmem:$0x70];
	_ =	sdelay $0x4  }
0x2bc: {  	v39 =	vshrl.u32 v3, $0x3  }
0x2bd: {  	v4 =	vmul.u32 $0x18, v39  }
0x2be: {  	v3 =	vand.u32 $0x7, v3  }
0x2bf: {  	v3 =	vor.u32 v3, v4  }
0x2c0: {  	v4 =	vperm.xlane v3, v0;
	_ =	sdelay $0x1  }
0x2c1: {  	v4 =	vadd.s32 v1, v4;
	_ =	sdelay $0x1  }
0x2c2: {  	v3 =	vperm.xlane v3, v2;
	_ =	sdelay $0x1  }
0x2c3: {  	s2 =	simm.s32 $0xA900;
	v3 =	vadd.s32 v1, v3  }
0x2c4: {  	[tilespmem:s2], [sflag:$0x3] =	stream.indirect_vreg.gather [hbm4b:s1+s3], $0x80, v4, vm0, $0xb8;
	[tilespmem:$0x18100] =	vst v63  }
0x2c5: {  	s14 =	simm.s32 $0xB100  }
0x2c6: {  	[tilespmem:s14], [sflag:$0x3] =	stream.indirect_vreg.gather [hbm4b:s4+s3], $0x80, v4, vm1, $0xb8;
	[tilespmem:$0x18100] =	vst v63  }
0x2c7: {  	s31 =	simm.s32 $0xB500  }
0x2c8: {  	[tilespmem:s31], [sflag:$0x3] =	stream.indirect_vreg.gather [hbm4b:s1+s3], $0x80, v3, vm0, $0xb8;
	[tilespmem:$0x18100] =	vst v63  }
0x2c9: {  	s2 =	simm.s32 $0xBD00  }
0x2ca: {  	[tilespmem:s2], [sflag:$0x3] =	stream.indirect_vreg.gather [hbm4b:s4+s3], $0x80, v3, vm1, $0xb8;
	[tilespmem:$0x18100] =	vst v63  }
0x2cb: {  	s14 =	simm.s32 $0x80;
	s31 =	rddreg [dreg:$0xc]  }
0x2cc: {  	[tilespmem:s14], [sflag:$0x2] =	stream.linear.gather [hbm4b:s31+s3], $0x80, $0x38;
	[tilespmem:$0x18100] =	vst v63  }
0x2cd: {  	_ =	swait.ge [sflag:s18], $0xC000  }
0x2ce: {  	[sflag:s18] =	ssyncset.done $0x0  }
0x2cf: {  	s0 =	simm.s32 $0x100;
	s2 =	rddreg [dreg:$0xd];
	[sflag:s18] =	ssyncadd.s32 $0xFFFF4000  }
0x2d0: {  	[hbm4b:s2+s3] =	stream.linear.scatter [tilespmem:s0], [sflag:$0x5], $0xC000, $0x38;
	[tilespmem:$0x18100] =	vst v63  }
0x2d1: {  	_ =	swait.ge [sflag:s30], $0xC000  }
0x2d2: {  	[sflag:s30] =	ssyncset.done $0x0  }
0x2d3: {  	[sflag:s30] =	ssyncadd.s32 $0xFFFF4000  }
0x2d4: {  	_ =	swait.ge [sflag:s16], $0x80  }
0x2d5: {  	[sflag:s16] =	ssyncset.done $0x0  }
0x2d6: {  	[sflag:s16] =	ssyncadd.s32 $0xFFFFFF80  }
0x2d7: {  	v3 =	vld [tilespmem:$0x80];
	_ =	sdelay $0x4  }
0x2d8: {  	v40 =	vshrl.u32 v3, $0x3  }
0x2d9: {  	v4 =	vmul.u32 $0x18, v40  }
0x2da: {  	v3 =	vand.u32 $0x7, v3  }
0x2db: {  	v3 =	vor.u32 v3, v4  }
0x2dc: {  	v4 =	vperm.xlane v3, v0;
	_ =	sdelay $0x1  }
0x2dd: {  	v4 =	vadd.s32 v1, v4;
	_ =	sdelay $0x1  }
0x2de: {  	v3 =	vperm.xlane v3, v2;
	_ =	sdelay $0x1  }
0x2df: {  	s0 =	simm.s32 $0xC100;
	v3 =	vadd.s32 v1, v3  }
0x2e0: {  	[tilespmem:s0], [sflag:$0x4] =	stream.indirect_vreg.gather [hbm4b:s1+s3], $0x80, v4, vm0, $0xb8;
	[tilespmem:$0x18100] =	vst v63  }
0x2e1: {  	s2 =	simm.s32 $0xC900  }
0x2e2: {  	[tilespmem:s2], [sflag:$0x4] =	stream.indirect_vreg.gather [hbm4b:s4+s3], $0x80, v4, vm1, $0xb8;
	[tilespmem:$0x18100] =	vst v63  }
0x2e3: {  	s2 =	simm.s32 $0xCD00  }
0x2e4: {  	[tilespmem:s2], [sflag:$0x4] =	stream.indirect_vreg.gather [hbm4b:s1+s3], $0x80, v3, vm0, $0xb8;
	[tilespmem:$0x18100] =	vst v63  }
0x2e5: {  	_ = 	snop  }
0x2e6: {  	[tilespmem:s17], [sflag:$0x4] =	stream.indirect_vreg.gather [hbm4b:s4+s3], $0x80, v3, vm1, $0xb8;
	[tilespmem:$0x18100] =	vst v63  }
0x2e7: {  	v3 =	vld [tilespmem:$0x90];
	_ =	sdelay $0x4  }
0x2e8: {  	v41 =	vshrl.u32 v3, $0x3  }
0x2e9: {  	v4 =	vmul.u32 $0x18, v41  }
0x2ea: {  	v3 =	vand.u32 $0x7, v3  }
0x2eb: {  	v3 =	vor.u32 v3, v4  }
0x2ec: {  	v4 =	vperm.xlane v3, v0;
	_ =	sdelay $0x1  }
0x2ed: {  	v4 =	vadd.s32 v1, v4;
	_ =	sdelay $0x1  }
0x2ee: {  	v3 =	vperm.xlane v3, v2;
	_ =	sdelay $0x1  }
0x2ef: {  	s2 =	simm.s32 $0xD900;
	v3 =	vadd.s32 v1, v3  }
0x2f0: {  	[tilespmem:s2], [sflag:$0x4] =	stream.indirect_vreg.gather [hbm4b:s1+s3], $0x80, v4, vm0, $0xb8;
	[tilespmem:$0x18100] =	vst v63  }
0x2f1: {  	s2 =	simm.s32 $0xE100  }
0x2f2: {  	[tilespmem:s2], [sflag:$0x4] =	stream.indirect_vreg.gather [hbm4b:s4+s3], $0x80, v4, vm1, $0xb8;
	[tilespmem:$0x18100] =	vst v63  }
0x2f3: {  	s2 =	simm.s32 $0xE500  }
0x2f4: {  	[tilespmem:s2], [sflag:$0x4] =	stream.indirect_vreg.gather [hbm4b:s1+s3], $0x80, v3, vm0, $0xb8;
	[tilespmem:$0x18100] =	vst v63  }
0x2f5: {  	_ = 	snop  }
0x2f6: {  	[tilespmem:s7], [sflag:$0x4] =	stream.indirect_vreg.gather [hbm4b:s4+s3], $0x80, v3, vm1, $0xb8;
	[tilespmem:$0x18100] =	vst v63  }
0x2f7: {  	v3 =	vld [tilespmem:$0xA0];
	_ =	sdelay $0x4  }
0x2f8: {  	v42 =	vshrl.u32 v3, $0x3  }
0x2f9: {  	v4 =	vmul.u32 $0x18, v42  }
0x2fa: {  	v3 =	vand.u32 $0x7, v3  }
0x2fb: {  	v3 =	vor.u32 v3, v4  }
0x2fc: {  	v4 =	vperm.xlane v3, v0;
	_ =	sdelay $0x1  }
0x2fd: {  	v4 =	vadd.s32 v1, v4;
	_ =	sdelay $0x1  }
0x2fe: {  	v3 =	vperm.xlane v3, v2;
	_ =	sdelay $0x1  }
0x2ff: {  	s7 =	simm.s32 $0xF100;
	v3 =	vadd.s32 v1, v3  }
0x300: {  	[tilespmem:s7], [sflag:$0x4] =	stream.indirect_vreg.gather [hbm4b:s1+s3], $0x80, v4, vm0, $0xb8;
	[tilespmem:$0x18100] =	vst v63  }
0x301: {  	s2 =	simm.s32 $0xF900  }
0x302: {  	[tilespmem:s2], [sflag:$0x4] =	stream.indirect_vreg.gather [hbm4b:s4+s3], $0x80, v4, vm1, $0xb8;
	[tilespmem:$0x18100] =	vst v63  }
0x303: {  	s7 =	simm.s32 $0xFD00  }
0x304: {  	[tilespmem:s7], [sflag:$0x4] =	stream.indirect_vreg.gather [hbm4b:s1+s3], $0x80, v3, vm0, $0xb8;
	[tilespmem:$0x18100] =	vst v63  }
0x305: {  	_ = 	snop  }
0x306: {  	[tilespmem:s8], [sflag:$0x4] =	stream.indirect_vreg.gather [hbm4b:s4+s3], $0x80, v3, vm1, $0xb8;
	[tilespmem:$0x18100] =	vst v63  }
0x307: {  	v3 =	vld [tilespmem:$0xB0];
	_ =	sdelay $0x4  }
0x308: {  	v43 =	vshrl.u32 v3, $0x3  }
0x309: {  	v4 =	vmul.u32 $0x18, v43  }
0x30a: {  	v3 =	vand.u32 $0x7, v3  }
0x30b: {  	v3 =	vor.u32 v3, v4  }
0x30c: {  	v4 =	vperm.xlane v3, v0;
	_ =	sdelay $0x1  }
0x30d: {  	v4 =	vadd.s32 v1, v4;
	_ =	sdelay $0x1  }
0x30e: {  	v3 =	vperm.xlane v3, v2;
	_ =	sdelay $0x1  }
0x30f: {  	s2 =	simm.s32 $0x10900;
	v3 =	vadd.s32 v1, v3  }
0x310: {  	[tilespmem:s2], [sflag:$0x4] =	stream.indirect_vreg.gather [hbm4b:s1+s3], $0x80, v4, vm0, $0xb8;
	[tilespmem:$0x18100] =	vst v63  }
0x311: {  	s7 =	simm.s32 $0x11100  }
0x312: {  	[tilespmem:s7], [sflag:$0x4] =	stream.indirect_vreg.gather [hbm4b:s4+s3], $0x80, v4, vm1, $0xb8;
	[tilespmem:$0x18100] =	vst v63  }
0x313: {  	s2 =	simm.s32 $0x11500  }
0x314: {  	[tilespmem:s2], [sflag:$0x4] =	stream.indirect_vreg.gather [hbm4b:s1+s3], $0x80, v3, vm0, $0xb8;
	[tilespmem:$0x18100] =	vst v63  }
0x315: {  	_ = 	snop  }
0x316: {  	[tilespmem:s9], [sflag:$0x4] =	stream.indirect_vreg.gather [hbm4b:s4+s3], $0x80, v3, vm1, $0xb8;
	[tilespmem:$0x18100] =	vst v63  }
0x317: {  	v3 =	vld [tilespmem:$0xC0];
	_ =	sdelay $0x4  }
0x318: {  	v44 =	vshrl.u32 v3, $0x3  }
0x319: {  	v4 =	vmul.u32 $0x18, v44  }
0x31a: {  	v3 =	vand.u32 $0x7, v3  }
0x31b: {  	v3 =	vor.u32 v3, v4  }
0x31c: {  	v4 =	vperm.xlane v3, v0;
	_ =	sdelay $0x1  }
0x31d: {  	v4 =	vadd.s32 v1, v4;
	_ =	sdelay $0x1  }
0x31e: {  	v3 =	vperm.xlane v3, v2;
	_ =	sdelay $0x1  }
0x31f: {  	s7 =	simm.s32 $0x12100;
	v3 =	vadd.s32 v1, v3  }
0x320: {  	[tilespmem:s7], [sflag:$0x4] =	stream.indirect_vreg.gather [hbm4b:s1+s3], $0x80, v4, vm0, $0xb8;
	[tilespmem:$0x18100] =	vst v63  }
0x321: {  	s2 =	simm.s32 $0x12900  }
0x322: {  	[tilespmem:s2], [sflag:$0x4] =	stream.indirect_vreg.gather [hbm4b:s4+s3], $0x80, v4, vm1, $0xb8;
	[tilespmem:$0x18100] =	vst v63  }
0x323: {  	s7 =	simm.s32 $0x12D00  }
0x324: {  	[tilespmem:s7], [sflag:$0x4] =	stream.indirect_vreg.gather [hbm4b:s1+s3], $0x80, v3, vm0, $0xb8;
	[tilespmem:$0x18100] =	vst v63  }
0x325: {  	_ = 	snop  }
0x326: {  	[tilespmem:s10], [sflag:$0x4] =	stream.indirect_vreg.gather [hbm4b:s4+s3], $0x80, v3, vm1, $0xb8;
	[tilespmem:$0x18100] =	vst v63  }
0x327: {  	v3 =	vld [tilespmem:$0xD0];
	_ =	sdelay $0x4  }
0x328: {  	v45 =	vshrl.u32 v3, $0x3  }
0x329: {  	v4 =	vmul.u32 $0x18, v45  }
0x32a: {  	v3 =	vand.u32 $0x7, v3  }
0x32b: {  	v3 =	vor.u32 v3, v4  }
0x32c: {  	v4 =	vperm.xlane v3, v0;
	_ =	sdelay $0x1  }
0x32d: {  	v4 =	vadd.s32 v1, v4;
	_ =	sdelay $0x1  }
0x32e: {  	v3 =	vperm.xlane v3, v2;
	_ =	sdelay $0x1  }
0x32f: {  	s2 =	simm.s32 $0x13900;
	v3 =	vadd.s32 v1, v3  }
0x330: {  	[tilespmem:s2], [sflag:$0x4] =	stream.indirect_vreg.gather [hbm4b:s1+s3], $0x80, v4, vm0, $0xb8;
	[tilespmem:$0x18100] =	vst v63  }
0x331: {  	s7 =	simm.s32 $0x14100  }
0x332: {  	[tilespmem:s7], [sflag:$0x4] =	stream.indirect_vreg.gather [hbm4b:s4+s3], $0x80, v4, vm1, $0xb8;
	[tilespmem:$0x18100] =	vst v63  }
0x333: {  	s2 =	simm.s32 $0x14500  }
0x334: {  	[tilespmem:s2], [sflag:$0x4] =	stream.indirect_vreg.gather [hbm4b:s1+s3], $0x80, v3, vm0, $0xb8;
	[tilespmem:$0x18100] =	vst v63  }
0x335: {  	_ = 	snop  }
0x336: {  	[tilespmem:s11], [sflag:$0x4] =	stream.indirect_vreg.gather [hbm4b:s4+s3], $0x80, v3, vm1, $0xb8;
	[tilespmem:$0x18100] =	vst v63  }
0x337: {  	v3 =	vld [tilespmem:$0xE0];
	_ =	sdelay $0x4  }
0x338: {  	v46 =	vshrl.u32 v3, $0x3  }
0x339: {  	v4 =	vmul.u32 $0x18, v46  }
0x33a: {  	v3 =	vand.u32 $0x7, v3  }
0x33b: {  	v3 =	vor.u32 v3, v4  }
0x33c: {  	v4 =	vperm.xlane v3, v0;
	_ =	sdelay $0x1  }
0x33d: {  	v4 =	vadd.s32 v1, v4;
	_ =	sdelay $0x1  }
0x33e: {  	v3 =	vperm.xlane v3, v2;
	_ =	sdelay $0x1  }
0x33f: {  	s7 =	simm.s32 $0x15100;
	v3 =	vadd.s32 v1, v3  }
0x340: {  	[tilespmem:s7], [sflag:$0x4] =	stream.indirect_vreg.gather [hbm4b:s1+s3], $0x80, v4, vm0, $0xb8;
	[tilespmem:$0x18100] =	vst v63  }
0x341: {  	s2 =	simm.s32 $0x15900  }
0x342: {  	[tilespmem:s2], [sflag:$0x4] =	stream.indirect_vreg.gather [hbm4b:s4+s3], $0x80, v4, vm1, $0xb8;
	[tilespmem:$0x18100] =	vst v63  }
0x343: {  	s7 =	simm.s32 $0x15D00  }
0x344: {  	[tilespmem:s7], [sflag:$0x4] =	stream.indirect_vreg.gather [hbm4b:s1+s3], $0x80, v3, vm0, $0xb8;
	[tilespmem:$0x18100] =	vst v63  }
0x345: {  	_ = 	snop  }
0x346: {  	[tilespmem:s12], [sflag:$0x4] =	stream.indirect_vreg.gather [hbm4b:s4+s3], $0x80, v3, vm1, $0xb8;
	[tilespmem:$0x18100] =	vst v63  }
0x347: {  	v3 =	vld [tilespmem:$0xF0];
	_ =	sdelay $0x4  }
0x348: {  	v47 =	vshrl.u32 v3, $0x3  }
0x349: {  	v4 =	vmul.u32 $0x18, v47  }
0x34a: {  	v3 =	vand.u32 $0x7, v3  }
0x34b: {  	v3 =	vor.u32 v3, v4  }
0x34c: {  	v4 =	vperm.xlane v3, v0;
	_ =	sdelay $0x1  }
0x34d: {  	v4 =	vadd.s32 v1, v4;
	_ =	sdelay $0x1  }
0x34e: {  	v3 =	vperm.xlane v3, v2;
	_ =	sdelay $0x1  }
0x34f: {  	s2 =	simm.s32 $0x16900;
	v3 =	vadd.s32 v1, v3  }
0x350: {  	[tilespmem:s2], [sflag:$0x4] =	stream.indirect_vreg.gather [hbm4b:s1+s3], $0x80, v4, vm0, $0xb8;
	[tilespmem:$0x18100] =	vst v63  }
0x351: {  	s7 =	simm.s32 $0x17100  }
0x352: {  	[tilespmem:s7], [sflag:$0x4] =	stream.indirect_vreg.gather [hbm4b:s4+s3], $0x80, v4, vm1, $0xb8;
	[tilespmem:$0x18100] =	vst v63  }
0x353: {  	_ = 	snop  }
0x354: {  	[tilespmem:s13], [sflag:$0x4] =	stream.indirect_vreg.gather [hbm4b:s1+s3], $0x80, v3, vm0, $0xb8;
	[tilespmem:$0x18100] =	vst v63  }
0x355: {  	s2 =	simm.s32 $0x17D00  }
0x356: {  	[tilespmem:s2], [sflag:$0x4] =	stream.indirect_vreg.gather [hbm4b:s4+s3], $0x80, v3, vm1, $0xb8;
	[tilespmem:$0x18100] =	vst v63  }
0x357: {  	s31 =	rddreg [dreg:$0xe]  }
0x358: {  	[tilespmem:s3], [sflag:$0x1] =	stream.linear.gather [hbm4b:s31+s3], $0x80, $0x38;
	[tilespmem:$0x18100] =	vst v63  }
0x359: {  	_ =	swait.ge [sflag:s28], $0xC000  }
0x35a: {  	[sflag:s28] =	ssyncset.done $0x0  }
0x35b: {  	s2 =	rddreg [dreg:$0xf];
	[sflag:s28] =	ssyncadd.s32 $0xFFFF4000  }
0x35c: {  	[hbm4b:s2+s3] =	stream.linear.scatter [tilespmem:s0], [sflag:$0x6], $0xC000, $0x38;
	[tilespmem:$0x18100] =	vst v63  }
0x35d: {  	_ =	swait.ge [sflag:s29], $0xC000  }
0x35e: {  	[sflag:s29] =	ssyncset.done $0x0  }
0x35f: {  	[sflag:s29] =	ssyncadd.s32 $0xFFFF4000  }
0x360: {  	_ =	swait.ge [sflag:s15], $0x80  }
0x361: {  	[sflag:s15] =	ssyncset.done $0x0  }
0x362: {  	[sflag:s15] =	ssyncadd.s32 $0xFFFFFF80  }
0x363: {  	v3 =	vld [tilespmem:$0x0];
	_ =	sdelay $0x4  }
0x364: {  	v48 =	vshrl.u32 v3, $0x3  }
0x365: {  	v4 =	vmul.u32 $0x18, v48  }
0x366: {  	v3 =	vand.u32 $0x7, v3  }
0x367: {  	v3 =	vor.u32 v3, v4  }
0x368: {  	v4 =	vperm.xlane v3, v0;
	_ =	sdelay $0x1  }
0x369: {  	v4 =	vadd.s32 v1, v4;
	_ =	sdelay $0x1  }
0x36a: {  	v3 =	vperm.xlane v3, v2;
	_ =	sdelay $0x1  }
0x36b: {  	s0 =	simm.s32 $0x100;
	v3 =	vadd.s32 v1, v3  }
0x36c: {  	[tilespmem:s0], [sflag:$0x3] =	stream.indirect_vreg.gather [hbm4b:s1+s3], $0x80, v4, vm0, $0xb8;
	[tilespmem:$0x18100] =	vst v63  }
0x36d: {  	s31 =	simm.s32 $0x900  }
0x36e: {  	[tilespmem:s31], [sflag:$0x3] =	stream.indirect_vreg.gather [hbm4b:s4+s3], $0x80, v4, vm1, $0xb8;
	[tilespmem:$0x18100] =	vst v63  }
0x36f: {  	s31 =	simm.s32 $0xD00  }
0x370: {  	[tilespmem:s31], [sflag:$0x3] =	stream.indirect_vreg.gather [hbm4b:s1+s3], $0x80, v3, vm0, $0xb8;
	[tilespmem:$0x18100] =	vst v63  }
0x371: {  	s31 =	simm.s32 $0x1500  }
0x372: {  	[tilespmem:s31], [sflag:$0x3] =	stream.indirect_vreg.gather [hbm4b:s4+s3], $0x80, v3, vm1, $0xb8;
	[tilespmem:$0x18100] =	vst v63  }
0x373: {  	v3 =	vld [tilespmem:$0x10];
	_ =	sdelay $0x4  }
0x374: {  	v49 =	vshrl.u32 v3, $0x3  }
0x375: {  	v4 =	vmul.u32 $0x18, v49  }
0x376: {  	v3 =	vand.u32 $0x7, v3  }
0x377: {  	v3 =	vor.u32 v3, v4  }
0x378: {  	v4 =	vperm.xlane v3, v0;
	_ =	sdelay $0x1  }
0x379: {  	v4 =	vadd.s32 v1, v4;
	_ =	sdelay $0x1  }
0x37a: {  	v3 =	vperm.xlane v3, v2;
	_ =	sdelay $0x1  }
0x37b: {  	s31 =	simm.s32 $0x1900;
	v3 =	vadd.s32 v1, v3  }
0x37c: {  	[tilespmem:s31], [sflag:$0x3] =	stream.indirect_vreg.gather [hbm4b:s1+s3], $0x80, v4, vm0, $0xb8;
	[tilespmem:$0x18100] =	vst v63  }
0x37d: {  	s31 =	simm.s32 $0x2100  }
0x37e: {  	[tilespmem:s31], [sflag:$0x3] =	stream.indirect_vreg.gather [hbm4b:s4+s3], $0x80, v4, vm1, $0xb8;
	[tilespmem:$0x18100] =	vst v63  }
0x37f: {  	s20 =	simm.s32 $0x2500  }
0x380: {  	[tilespmem:s20], [sflag:$0x3] =	stream.indirect_vreg.gather [hbm4b:s1+s3], $0x80, v3, vm0, $0xb8;
	[tilespmem:$0x18100] =	vst v63  }
0x381: {  	s31 =	simm.s32 $0x2D00  }
0x382: {  	[tilespmem:s31], [sflag:$0x3] =	stream.indirect_vreg.gather [hbm4b:s4+s3], $0x80, v3, vm1, $0xb8;
	[tilespmem:$0x18100] =	vst v63  }
0x383: {  	v3 =	vld [tilespmem:$0x20];
	_ =	sdelay $0x4  }
0x384: {  	v50 =	vshrl.u32 v3, $0x3  }
0x385: {  	v4 =	vmul.u32 $0x18, v50  }
0x386: {  	v3 =	vand.u32 $0x7, v3  }
0x387: {  	v3 =	vor.u32 v3, v4  }
0x388: {  	v4 =	vperm.xlane v3, v0;
	_ =	sdelay $0x1  }
0x389: {  	v4 =	vadd.s32 v1, v4;
	_ =	sdelay $0x1  }
0x38a: {  	v3 =	vperm.xlane v3, v2;
	_ =	sdelay $0x1  }
0x38b: {  	s21 =	simm.s32 $0x3100;
	v3 =	vadd.s32 v1, v3  }
0x38c: {  	[tilespmem:s21], [sflag:$0x3] =	stream.indirect_vreg.gather [hbm4b:s1+s3], $0x80, v4, vm0, $0xb8;
	[tilespmem:$0x18100] =	vst v63  }
0x38d: {  	s22 =	simm.s32 $0x3900  }
0x38e: {  	[tilespmem:s22], [sflag:$0x3] =	stream.indirect_vreg.gather [hbm4b:s4+s3], $0x80, v4, vm1, $0xb8;
	[tilespmem:$0x18100] =	vst v63  }
0x38f: {  	s23 =	simm.s32 $0x3D00  }
0x390: {  	[tilespmem:s23], [sflag:$0x3] =	stream.indirect_vreg.gather [hbm4b:s1+s3], $0x80, v3, vm0, $0xb8;
	[tilespmem:$0x18100] =	vst v63  }
0x391: {  	s20 =	simm.s32 $0x4500  }
0x392: {  	[tilespmem:s20], [sflag:$0x3] =	stream.indirect_vreg.gather [hbm4b:s4+s3], $0x80, v3, vm1, $0xb8;
	[tilespmem:$0x18100] =	vst v63  }
0x393: {  	v3 =	vld [tilespmem:$0x30];
	_ =	sdelay $0x4  }
0x394: {  	v51 =	vshrl.u32 v3, $0x3  }
0x395: {  	v4 =	vmul.u32 $0x18, v51  }
0x396: {  	v3 =	vand.u32 $0x7, v3  }
0x397: {  	v3 =	vor.u32 v3, v4  }
0x398: {  	v4 =	vperm.xlane v3, v0;
	_ =	sdelay $0x1  }
0x399: {  	v4 =	vadd.s32 v1, v4;
	_ =	sdelay $0x1  }
0x39a: {  	v3 =	vperm.xlane v3, v2;
	_ =	sdelay $0x1  }
0x39b: {  	s24 =	simm.s32 $0x4900;
	v3 =	vadd.s32 v1, v3  }
0x39c: {  	[tilespmem:s24], [sflag:$0x3] =	stream.indirect_vreg.gather [hbm4b:s1+s3], $0x80, v4, vm0, $0xb8;
	[tilespmem:$0x18100] =	vst v63  }
0x39d: {  	s25 =	simm.s32 $0x5100  }
0x39e: {  	[tilespmem:s25], [sflag:$0x3] =	stream.indirect_vreg.gather [hbm4b:s4+s3], $0x80, v4, vm1, $0xb8;
	[tilespmem:$0x18100] =	vst v63  }
0x39f: {  	s26 =	simm.s32 $0x5500  }
0x3a0: {  	[tilespmem:s26], [sflag:$0x3] =	stream.indirect_vreg.gather [hbm4b:s1+s3], $0x80, v3, vm0, $0xb8;
	[tilespmem:$0x18100] =	vst v63  }
0x3a1: {  	s21 =	simm.s32 $0x5D00  }
0x3a2: {  	[tilespmem:s21], [sflag:$0x3] =	stream.indirect_vreg.gather [hbm4b:s4+s3], $0x80, v3, vm1, $0xb8;
	[tilespmem:$0x18100] =	vst v63  }
0x3a3: {  	v3 =	vld [tilespmem:$0x40];
	_ =	sdelay $0x4  }
0x3a4: {  	v52 =	vshrl.u32 v3, $0x3  }
0x3a5: {  	v4 =	vmul.u32 $0x18, v52  }
0x3a6: {  	v3 =	vand.u32 $0x7, v3  }
0x3a7: {  	v3 =	vor.u32 v3, v4  }
0x3a8: {  	v4 =	vperm.xlane v3, v0;
	_ =	sdelay $0x1  }
0x3a9: {  	v4 =	vadd.s32 v1, v4;
	_ =	sdelay $0x1  }
0x3aa: {  	v3 =	vperm.xlane v3, v2;
	_ =	sdelay $0x1  }
0x3ab: {  	s22 =	simm.s32 $0x6100;
	v3 =	vadd.s32 v1, v3  }
0x3ac: {  	[tilespmem:s22], [sflag:$0x3] =	stream.indirect_vreg.gather [hbm4b:s1+s3], $0x80, v4, vm0, $0xb8;
	[tilespmem:$0x18100] =	vst v63  }
0x3ad: {  	_ = 	snop  }
0x3ae: {  	[tilespmem:s6], [sflag:$0x3] =	stream.indirect_vreg.gather [hbm4b:s4+s3], $0x80, v4, vm1, $0xb8;
	[tilespmem:$0x18100] =	vst v63  }
0x3af: {  	_ = 	snop  }
0x3b0: {  	[tilespmem:s19], [sflag:$0x3] =	stream.indirect_vreg.gather [hbm4b:s1+s3], $0x80, v3, vm0, $0xb8;
	[tilespmem:$0x18100] =	vst v63  }
0x3b1: {  	s23 =	simm.s32 $0x7500  }
0x3b2: {  	[tilespmem:s23], [sflag:$0x3] =	stream.indirect_vreg.gather [hbm4b:s4+s3], $0x80, v3, vm1, $0xb8;
	[tilespmem:$0x18100] =	vst v63  }
0x3b3: {  	v3 =	vld [tilespmem:$0x50];
	_ =	sdelay $0x4  }
0x3b4: {  	v53 =	vshrl.u32 v3, $0x3  }
0x3b5: {  	v4 =	vmul.u32 $0x18, v53  }
0x3b6: {  	v3 =	vand.u32 $0x7, v3  }
0x3b7: {  	v3 =	vor.u32 v3, v4  }
0x3b8: {  	v4 =	vperm.xlane v3, v0;
	_ =	sdelay $0x1  }
0x3b9: {  	v4 =	vadd.s32 v1, v4;
	_ =	sdelay $0x1  }
0x3ba: {  	v3 =	vperm.xlane v3, v2;
	_ =	sdelay $0x1  }
0x3bb: {  	s24 =	simm.s32 $0x7900;
	v3 =	vadd.s32 v1, v3  }
0x3bc: {  	[tilespmem:s24], [sflag:$0x3] =	stream.indirect_vreg.gather [hbm4b:s1+s3], $0x80, v4, vm0, $0xb8;
	[tilespmem:$0x18100] =	vst v63  }
0x3bd: {  	s25 =	simm.s32 $0x8100  }
0x3be: {  	[tilespmem:s25], [sflag:$0x3] =	stream.indirect_vreg.gather [hbm4b:s4+s3], $0x80, v4, vm1, $0xb8;
	[tilespmem:$0x18100] =	vst v63  }
0x3bf: {  	s26 =	simm.s32 $0x8500  }
0x3c0: {  	[tilespmem:s26], [sflag:$0x3] =	stream.indirect_vreg.gather [hbm4b:s1+s3], $0x80, v3, vm0, $0xb8;
	[tilespmem:$0x18100] =	vst v63  }
0x3c1: {  	s31 =	simm.s32 $0x8D00  }
0x3c2: {  	[tilespmem:s31], [sflag:$0x3] =	stream.indirect_vreg.gather [hbm4b:s4+s3], $0x80, v3, vm1, $0xb8;
	[tilespmem:$0x18100] =	vst v63  }
0x3c3: {  	v3 =	vld [tilespmem:$0x60];
	_ =	sdelay $0x4  }
0x3c4: {  	v54 =	vshrl.u32 v3, $0x3  }
0x3c5: {  	v4 =	vmul.u32 $0x18, v54  }
0x3c6: {  	v3 =	vand.u32 $0x7, v3  }
0x3c7: {  	v3 =	vor.u32 v3, v4  }
0x3c8: {  	v4 =	vperm.xlane v3, v0;
	_ =	sdelay $0x1  }
0x3c9: {  	v4 =	vadd.s32 v1, v4;
	_ =	sdelay $0x1  }
0x3ca: {  	v3 =	vperm.xlane v3, v2;
	_ =	sdelay $0x1  }
0x3cb: {  	s15 =	simm.s32 $0x9100;
	v3 =	vadd.s32 v1, v3  }
0x3cc: {  	[tilespmem:s15], [sflag:$0x3] =	stream.indirect_vreg.gather [hbm4b:s1+s3], $0x80, v4, vm0, $0xb8;
	[tilespmem:$0x18100] =	vst v63  }
0x3cd: {  	s19 =	simm.s32 $0x9900  }
0x3ce: {  	[tilespmem:s19], [sflag:$0x3] =	stream.indirect_vreg.gather [hbm4b:s4+s3], $0x80, v4, vm1, $0xb8;
	[tilespmem:$0x18100] =	vst v63  }
0x3cf: {  	s20 =	simm.s32 $0x9D00  }
0x3d0: {  	[tilespmem:s20], [sflag:$0x3] =	stream.indirect_vreg.gather [hbm4b:s1+s3], $0x80, v3, vm0, $0xb8;
	[tilespmem:$0x18100] =	vst v63  }
0x3d1: {  	s21 =	simm.s32 $0xA500  }
0x3d2: {  	[tilespmem:s21], [sflag:$0x3] =	stream.indirect_vreg.gather [hbm4b:s4+s3], $0x80, v3, vm1, $0xb8;
	[tilespmem:$0x18100] =	vst v63  }
0x3d3: {  	v3 =	vld [tilespmem:$0x70];
	_ =	sdelay $0x4  }
0x3d4: {  	v55 =	vshrl.u32 v3, $0x3  }
0x3d5: {  	v4 =	vmul.u32 $0x18, v55  }
0x3d6: {  	v3 =	vand.u32 $0x7, v3  }
0x3d7: {  	v3 =	vor.u32 v3, v4  }
0x3d8: {  	v4 =	vperm.xlane v3, v0;
	_ =	sdelay $0x1  }
0x3d9: {  	v4 =	vadd.s32 v1, v4;
	_ =	sdelay $0x1  }
0x3da: {  	v3 =	vperm.xlane v3, v2;
	_ =	sdelay $0x1  }
0x3db: {  	s22 =	simm.s32 $0xA900;
	v3 =	vadd.s32 v1, v3  }
0x3dc: {  	[tilespmem:s22], [sflag:$0x3] =	stream.indirect_vreg.gather [hbm4b:s1+s3], $0x80, v4, vm0, $0xb8;
	[tilespmem:$0x18100] =	vst v63  }
0x3dd: {  	s23 =	simm.s32 $0xB100  }
0x3de: {  	[tilespmem:s23], [sflag:$0x3] =	stream.indirect_vreg.gather [hbm4b:s4+s3], $0x80, v4, vm1, $0xb8;
	[tilespmem:$0x18100] =	vst v63  }
0x3df: {  	s24 =	simm.s32 $0xB500  }
0x3e0: {  	[tilespmem:s24], [sflag:$0x3] =	stream.indirect_vreg.gather [hbm4b:s1+s3], $0x80, v3, vm0, $0xb8;
	[tilespmem:$0x18100] =	vst v63  }
0x3e1: {  	s26 =	simm.s32 $0xBD00  }
0x3e2: {  	[tilespmem:s26], [sflag:$0x3] =	stream.indirect_vreg.gather [hbm4b:s4+s3], $0x80, v3, vm1, $0xb8;
	[tilespmem:$0x18100] =	vst v63  }
0x3e3: {  	s25 =	rddreg [dreg:$0x10]  }
0x3e4: {  	[tilespmem:s14], [sflag:$0x2] =	stream.linear.gather [hbm4b:s25+s3], $0x80, $0x38;
	[tilespmem:$0x18100] =	vst v63  }
0x3e5: {  	_ =	swait.ge [sflag:s18], $0xC000  }
0x3e6: {  	[sflag:s18] =	ssyncset.done $0x0  }
0x3e7: {  	s14 =	rddreg [dreg:$0x11];
	[sflag:s18] =	ssyncadd.s32 $0xFFFF4000  }
0x3e8: {  	[hbm4b:s14+s3] =	stream.linear.scatter [tilespmem:s0], [sflag:$0x5], $0xC000, $0x38;
	[tilespmem:$0x18100] =	vst v63  }
0x3e9: {  	_ =	swait.ge [sflag:s30], $0xC000  }
0x3ea: {  	[sflag:s30] =	ssyncset.done $0x0  }
0x3eb: {  	[sflag:s30] =	ssyncadd.s32 $0xFFFF4000  }
0x3ec: {  	_ =	swait.ge [sflag:s16], $0x80  }
0x3ed: {  	[sflag:s16] =	ssyncset.done $0x0  }
0x3ee: {  	[sflag:s16] =	ssyncadd.s32 $0xFFFFFF80  }
0x3ef: {  	v3 =	vld [tilespmem:$0x80];
	_ =	sdelay $0x4  }
0x3f0: {  	v56 =	vshrl.u32 v3, $0x3  }
0x3f1: {  	v4 =	vmul.u32 $0x18, v56  }
0x3f2: {  	v3 =	vand.u32 $0x7, v3  }
0x3f3: {  	v3 =	vor.u32 v3, v4  }
0x3f4: {  	v4 =	vperm.xlane v3, v0;
	_ =	sdelay $0x1  }
0x3f5: {  	v4 =	vadd.s32 v1, v4;
	_ =	sdelay $0x1  }
0x3f6: {  	v3 =	vperm.xlane v3, v2;
	_ =	sdelay $0x1  }
0x3f7: {  	s2 =	simm.s32 $0xC100;
	v3 =	vadd.s32 v1, v3  }
0x3f8: {  	[tilespmem:s2], [sflag:$0x4] =	stream.indirect_vreg.gather [hbm4b:s1+s3], $0x80, v4, vm0, $0xb8;
	[tilespmem:$0x18100] =	vst v63  }
0x3f9: {  	s15 =	simm.s32 $0xC900  }
0x3fa: {  	[tilespmem:s15], [sflag:$0x4] =	stream.indirect_vreg.gather [hbm4b:s4+s3], $0x80, v4, vm1, $0xb8;
	[tilespmem:$0x18100] =	vst v63  }
0x3fb: {  	s19 =	simm.s32 $0xCD00  }
0x3fc: {  	[tilespmem:s19], [sflag:$0x4] =	stream.indirect_vreg.gather [hbm4b:s1+s3], $0x80, v3, vm0, $0xb8;
	[tilespmem:$0x18100] =	vst v63  }
0x3fd: {  	s17 =	simm.s32 $0xD500  }
0x3fe: {  	[tilespmem:s17], [sflag:$0x4] =	stream.indirect_vreg.gather [hbm4b:s4+s3], $0x80, v3, vm1, $0xb8;
	[tilespmem:$0x18100] =	vst v63  }
0x3ff: {  	v3 =	vld [tilespmem:$0x90];
	_ =	sdelay $0x4  }
0x400: {  	v57 =	vshrl.u32 v3, $0x3  }
0x401: {  	v4 =	vmul.u32 $0x18, v57  }
0x402: {  	v3 =	vand.u32 $0x7, v3  }
0x403: {  	v3 =	vor.u32 v3, v4  }
0x404: {  	v4 =	vperm.xlane v3, v0;
	_ =	sdelay $0x1  }
0x405: {  	v4 =	vadd.s32 v1, v4;
	_ =	sdelay $0x1  }
0x406: {  	v3 =	vperm.xlane v3, v2;
	_ =	sdelay $0x1  }
0x407: {  	s20 =	simm.s32 $0xD900;
	v3 =	vadd.s32 v1, v3  }
0x408: {  	[tilespmem:s20], [sflag:$0x4] =	stream.indirect_vreg.gather [hbm4b:s1+s3], $0x80, v4, vm0, $0xb8;
	[tilespmem:$0x18100] =	vst v63  }
0x409: {  	s21 =	simm.s32 $0xE100  }
0x40a: {  	[tilespmem:s21], [sflag:$0x4] =	stream.indirect_vreg.gather [hbm4b:s4+s3], $0x80, v4, vm1, $0xb8;
	[tilespmem:$0x18100] =	vst v63  }
0x40b: {  	s22 =	simm.s32 $0xE500  }
0x40c: {  	[tilespmem:s22], [sflag:$0x4] =	stream.indirect_vreg.gather [hbm4b:s1+s3], $0x80, v3, vm0, $0xb8;
	[tilespmem:$0x18100] =	vst v63  }
0x40d: {  	s23 =	simm.s32 $0xED00  }
0x40e: {  	[tilespmem:s23], [sflag:$0x4] =	stream.indirect_vreg.gather [hbm4b:s4+s3], $0x80, v3, vm1, $0xb8;
	[tilespmem:$0x18100] =	vst v63  }
0x40f: {  	v3 =	vld [tilespmem:$0xA0];
	_ =	sdelay $0x4  }
0x410: {  	v58 =	vshrl.u32 v3, $0x3  }
0x411: {  	v4 =	vmul.u32 $0x18, v58  }
0x412: {  	v3 =	vand.u32 $0x7, v3  }
0x413: {  	v3 =	vor.u32 v3, v4  }
0x414: {  	v4 =	vperm.xlane v3, v0;
	_ =	sdelay $0x1  }
0x415: {  	v4 =	vadd.s32 v1, v4;
	_ =	sdelay $0x1  }
0x416: {  	v3 =	vperm.xlane v3, v2;
	_ =	sdelay $0x1  }
0x417: {  	s24 =	simm.s32 $0xF100;
	v3 =	vadd.s32 v1, v3  }
0x418: {  	[tilespmem:s24], [sflag:$0x4] =	stream.indirect_vreg.gather [hbm4b:s1+s3], $0x80, v4, vm0, $0xb8;
	[tilespmem:$0x18100] =	vst v63  }
0x419: {  	s25 =	simm.s32 $0xF900  }
0x41a: {  	[tilespmem:s25], [sflag:$0x4] =	stream.indirect_vreg.gather [hbm4b:s4+s3], $0x80, v4, vm1, $0xb8;
	[tilespmem:$0x18100] =	vst v63  }
0x41b: {  	s26 =	simm.s32 $0xFD00  }
0x41c: {  	[tilespmem:s26], [sflag:$0x4] =	stream.indirect_vreg.gather [hbm4b:s1+s3], $0x80, v3, vm0, $0xb8;
	[tilespmem:$0x18100] =	vst v63  }
0x41d: {  	s8 =	simm.s32 $0x10500  }
0x41e: {  	[tilespmem:s8], [sflag:$0x4] =	stream.indirect_vreg.gather [hbm4b:s4+s3], $0x80, v3, vm1, $0xb8;
	[tilespmem:$0x18100] =	vst v63  }
0x41f: {  	v3 =	vld [tilespmem:$0xB0];
	_ =	sdelay $0x4  }
0x420: {  	v59 =	vshrl.u32 v3, $0x3  }
0x421: {  	v4 =	vmul.u32 $0x18, v59  }
0x422: {  	v3 =	vand.u32 $0x7, v3  }
0x423: {  	v3 =	vor.u32 v3, v4  }
0x424: {  	v4 =	vperm.xlane v3, v0;
	_ =	sdelay $0x1  }
0x425: {  	v4 =	vadd.s32 v1, v4;
	_ =	sdelay $0x1  }
0x426: {  	v3 =	vperm.xlane v3, v2;
	_ =	sdelay $0x1  }
0x427: {  	s31 =	simm.s32 $0x10900;
	v3 =	vadd.s32 v1, v3  }
0x428: {  	[tilespmem:s31], [sflag:$0x4] =	stream.indirect_vreg.gather [hbm4b:s1+s3], $0x80, v4, vm0, $0xb8;
	[tilespmem:$0x18100] =	vst v63  }
0x429: {  	s6 =	simm.s32 $0x11100  }
0x42a: {  	[tilespmem:s6], [sflag:$0x4] =	stream.indirect_vreg.gather [hbm4b:s4+s3], $0x80, v4, vm1, $0xb8;
	[tilespmem:$0x18100] =	vst v63  }
0x42b: {  	s8 =	simm.s32 $0x11500  }
0x42c: {  	[tilespmem:s8], [sflag:$0x4] =	stream.indirect_vreg.gather [hbm4b:s1+s3], $0x80, v3, vm0, $0xb8;
	[tilespmem:$0x18100] =	vst v63  }
0x42d: {  	s9 =	simm.s32 $0x11D00  }
0x42e: {  	[tilespmem:s9], [sflag:$0x4] =	stream.indirect_vreg.gather [hbm4b:s4+s3], $0x80, v3, vm1, $0xb8;
	[tilespmem:$0x18100] =	vst v63  }
0x42f: {  	v3 =	vld [tilespmem:$0xC0];
	_ =	sdelay $0x4  }
0x430: {  	v60 =	vshrl.u32 v3, $0x3  }
0x431: {  	v4 =	vmul.u32 $0x18, v60  }
0x432: {  	v3 =	vand.u32 $0x7, v3  }
0x433: {  	v3 =	vor.u32 v3, v4  }
0x434: {  	v4 =	vperm.xlane v3, v0;
	_ =	sdelay $0x1  }
0x435: {  	v4 =	vadd.s32 v1, v4;
	_ =	sdelay $0x1  }
0x436: {  	v3 =	vperm.xlane v3, v2;
	_ =	sdelay $0x1  }
0x437: {  	s9 =	simm.s32 $0x12100;
	v3 =	vadd.s32 v1, v3  }
0x438: {  	[tilespmem:s9], [sflag:$0x4] =	stream.indirect_vreg.gather [hbm4b:s1+s3], $0x80, v4, vm0, $0xb8;
	[tilespmem:$0x18100] =	vst v63  }
0x439: {  	s14 =	simm.s32 $0x12900  }
0x43a: {  	[tilespmem:s14], [sflag:$0x4] =	stream.indirect_vreg.gather [hbm4b:s4+s3], $0x80, v4, vm1, $0xb8;
	[tilespmem:$0x18100] =	vst v63  }
0x43b: {  	s15 =	simm.s32 $0x12D00  }
0x43c: {  	[tilespmem:s15], [sflag:$0x4] =	stream.indirect_vreg.gather [hbm4b:s1+s3], $0x80, v3, vm0, $0xb8;
	[tilespmem:$0x18100] =	vst v63  }
0x43d: {  	s10 =	simm.s32 $0x13500  }
0x43e: {  	[tilespmem:s10], [sflag:$0x4] =	stream.indirect_vreg.gather [hbm4b:s4+s3], $0x80, v3, vm1, $0xb8;
	[tilespmem:$0x18100] =	vst v63  }
0x43f: {  	v3 =	vld [tilespmem:$0xD0];
	_ =	sdelay $0x4  }
0x440: {  	v61 =	vshrl.u32 v3, $0x3  }
0x441: {  	v4 =	vmul.u32 $0x18, v61  }
0x442: {  	v3 =	vand.u32 $0x7, v3  }
0x443: {  	v3 =	vor.u32 v3, v4  }
0x444: {  	v4 =	vperm.xlane v3, v0;
	_ =	sdelay $0x1  }
0x445: {  	v4 =	vadd.s32 v1, v4;
	_ =	sdelay $0x1  }
0x446: {  	v3 =	vperm.xlane v3, v2;
	_ =	sdelay $0x1  }
0x447: {  	s17 =	simm.s32 $0x13900;
	v3 =	vadd.s32 v1, v3  }
0x448: {  	[tilespmem:s17], [sflag:$0x4] =	stream.indirect_vreg.gather [hbm4b:s1+s3], $0x80, v4, vm0, $0xb8;
	[tilespmem:$0x18100] =	vst v63  }
0x449: {  	s19 =	simm.s32 $0x14100  }
0x44a: {  	[tilespmem:s19], [sflag:$0x4] =	stream.indirect_vreg.gather [hbm4b:s4+s3], $0x80, v4, vm1, $0xb8;
	[tilespmem:$0x18100] =	vst v63  }
0x44b: {  	s20 =	simm.s32 $0x14500  }
0x44c: {  	[tilespmem:s20], [sflag:$0x4] =	stream.indirect_vreg.gather [hbm4b:s1+s3], $0x80, v3, vm0, $0xb8;
	[tilespmem:$0x18100] =	vst v63  }
0x44d: {  	s11 =	simm.s32 $0x14D00  }
0x44e: {  	[tilespmem:s11], [sflag:$0x4] =	stream.indirect_vreg.gather [hbm4b:s4+s3], $0x80, v3, vm1, $0xb8;
	[tilespmem:$0x18100] =	vst v63  }
0x44f: {  	v3 =	vld [tilespmem:$0xE0];
	_ =	sdelay $0x4  }
0x450: {  	v62 =	vshrl.u32 v3, $0x3  }
0x451: {  	v4 =	vmul.u32 $0x18, v62  }
0x452: {  	v3 =	vand.u32 $0x7, v3  }
0x453: {  	v3 =	vor.u32 v3, v4  }
0x454: {  	v4 =	vperm.xlane v3, v0;
	_ =	sdelay $0x1  }
0x455: {  	v4 =	vadd.s32 v1, v4;
	_ =	sdelay $0x1  }
0x456: {  	v3 =	vperm.xlane v3, v2;
	_ =	sdelay $0x1  }
0x457: {  	s21 =	simm.s32 $0x15100;
	v3 =	vadd.s32 v1, v3  }
0x458: {  	[tilespmem:s21], [sflag:$0x4] =	stream.indirect_vreg.gather [hbm4b:s1+s3], $0x80, v4, vm0, $0xb8;
	[tilespmem:$0x18100] =	vst v63  }
0x459: {  	s22 =	simm.s32 $0x15900  }
0x45a: {  	[tilespmem:s22], [sflag:$0x4] =	stream.indirect_vreg.gather [hbm4b:s4+s3], $0x80, v4, vm1, $0xb8;
	[tilespmem:$0x18100] =	vst v63  }
0x45b: {  	s23 =	simm.s32 $0x15D00  }
0x45c: {  	[tilespmem:s23], [sflag:$0x4] =	stream.indirect_vreg.gather [hbm4b:s1+s3], $0x80, v3, vm0, $0xb8;
	[tilespmem:$0x18100] =	vst v63  }
0x45d: {  	s12 =	simm.s32 $0x16500  }
0x45e: {  	[tilespmem:s12], [sflag:$0x4] =	stream.indirect_vreg.gather [hbm4b:s4+s3], $0x80, v3, vm1, $0xb8;
	[tilespmem:$0x18100] =	vst v63  }
0x45f: {  	v3 =	vld [tilespmem:$0xF0];
	_ =	sdelay $0x4  }
0x460: {  	v63 =	vshrl.u32 v3, $0x3  }
0x461: {  	v4 =	vmul.u32 $0x18, v63  }
0x462: {  	v3 =	vand.u32 $0x7, v3  }
0x463: {  	v3 =	vor.u32 v3, v4  }
0x464: {  	v4 =	vperm.xlane v3, v0;
	_ =	sdelay $0x1  }
0x465: {  	v4 =	vadd.s32 v1, v4;
	_ =	sdelay $0x1  }
0x466: {  	v3 =	vperm.xlane v3, v2;
	_ =	sdelay $0x1  }
0x467: {  	s24 =	simm.s32 $0x16900;
	v3 =	vadd.s32 v1, v3  }
0x468: {  	[tilespmem:s24], [sflag:$0x4] =	stream.indirect_vreg.gather [hbm4b:s1+s3], $0x80, v4, vm0, $0xb8;
	[tilespmem:$0x18100] =	vst v63  }
0x469: {  	s25 =	simm.s32 $0x17100  }
0x46a: {  	[tilespmem:s25], [sflag:$0x4] =	stream.indirect_vreg.gather [hbm4b:s4+s3], $0x80, v4, vm1, $0xb8;
	[tilespmem:$0x18100] =	vst v63  }
0x46b: {  	s13 =	simm.s32 $0x17500  }
0x46c: {  	[tilespmem:s13], [sflag:$0x4] =	stream.indirect_vreg.gather [hbm4b:s1+s3], $0x80, v3, vm0, $0xb8;
	[tilespmem:$0x18100] =	vst v63  }
0x46d: {  	s7 =	simm.s32 $0x17D00  }
0x46e: {  	[tilespmem:s7], [sflag:$0x4] =	stream.indirect_vreg.gather [hbm4b:s4+s3], $0x80, v3, vm1, $0xb8;
	[tilespmem:$0x18100] =	vst v63  }
0x46f: {  	_ =	swait.ge [sflag:s28], $0xC000  }
0x470: {  	[sflag:s28] =	ssyncset.done $0x0  }
0x471: {  	s26 =	rddreg [dreg:$0x12];
	[sflag:s28] =	ssyncadd.s32 $0xFFFF4000  }
0x472: {  	[hbm4b:s26+s3] =	stream.linear.scatter [tilespmem:s2], [sflag:$0x6], $0xC000, $0x38;
	[tilespmem:$0x18100] =	vst v63  }
0x473: {  	p0 =	sne.s32 s5, $0x1;
	_ =	swait.ge [sflag:s29], $0xC000  }
.Ltmp0:
0x474: {  	[sflag:s29] =	ssyncset.done $0x0;
	(pc) =	sbr.rel @p0 .LBB2_1-.Ltmp0, $4  }
0x475: {  	[sflag:s29] =	ssyncadd.s32 $0xFFFF4000  }
0x476: {  	_ =	swait.ge [sflag:s30], $0xC000  }
0x477: {  	[sflag:s30] =	ssyncset.done $0x0  }
0x478: {  	s5 =	sadd.s32 $0xFFFFFFFF, s5;
	[sflag:s30] =	ssyncadd.s32 $0xFFFF4000  }
0x479: {  	_ =	sfence.sel $0x180000  }
0x47a: {  	[bflag:$0x0] =	sbarrier.arrive $0xFFFF  }
0x47b: {  	_ =	strace $0x9000004A  }
0x47c: {  	s0 =	stileid.u32;
	[bflag:$0x2] =	sbarrier.arrive $0xFFFF  }
0x47d: {  	p0 =	sne.s32 s0, $0x0;
	s0 =	rddreg [dreg:$0x2]  }
0x47e: {  	s0 =	sadd.s32 @!p0 $0x100000, s0  }
0x47f: {  	[sflag:s0] =	ssyncadd.tile.s32 @!p0 $0x1;
	_ =	shalt  }
.Lfunc_end2:
_tile_overlayer_lowered:
.L_overlay_start_2:
0x480: {  	(tag) =	ssettag $0x2  }
0x481: {  	s0 =	rddreg [dreg:$0x0];
	s2 =	stileid.u32  }
0x482: {  	s1 =	rddreg [dreg:$0x1];
	p0 =	sne.s32 s2, $0x0  }
0x483: {  	s3 =	rddreg [dreg:$0x2];
	[bflag:$0x3] =	sbarrier.arrive $0xFFFF;
	s2 =	simm.s32 @!p0 $0x1C07  }
0x484: {  	[timem:s3], [sflag:s2] =	dma.local @!p0 [hbm:s0], s1  }
0x485: {  	s0 =	simm.s32 @!p0 $0x7  }
0x486: {  	_ =	swait.ge @!p0 [sflag:s0], s1  }
0x487: {  	s1 =	ssub.s32 @!p0 $0x0, s1;
	[sflag:s0] =	ssyncset.done @!p0 $0x0  }
0x488: {  	[sflag:s0] =	ssyncadd.s32 @!p0 s1  }
0x489: {  	[bflag:$0x3] =	sbarrier.arrive $0xFFFF  }
0x48a: {  	_ =	shalt  }

// kernel: kernel.8.cloned.1.call-start
scs
__scs_entry_jumppad:
0x0: {  	(pc) =	sbr.rel $0x88, $3  }
0x1: {  	(tag) =	ssettag $0x0;
	lr =	simm.s32 $0x1  }
0x2: {  	[smem:$0x3F93] =	sst lr;
	_ =	strace $0xD0000000  }
0x3: {  	_ = 	snop  }
0x4: {  	_ = 	snop  }
0x5: {  	_ = 	snop  }
0x6: {  	_ = 	snop  }
0x7: {  	_ = 	snop  }
__scs_overlays_trampoline_lowered:
0x8: {  	[smem:$0x3FA2] =	sst s0  }
0x9: {  	[smem:$0x3FA3] =	sst s1  }
0xa: {  	[smem:$0x3FA4] =	sst s2  }
0xb: {  	[smem:$0x3FA5] =	sst s3  }
0xc: {  	[smem:$0x3FA6] =	sst s4  }
0xd: {  	[smem:$0x3FA7] =	sst s5  }
0xe: {  	[smem:$0x3FA8] =	sst s6  }
0xf: {  	[smem:$0x3FA9] =	sst s7  }
0x10: {  	[smem:$0x3FAA] =	sst s8  }
0x11: {  	[smem:$0x3FAB] =	sst s9;
	s0 =	simm.s32 @!p0 $0x0  }
0x12: {  	s1 =	sld [smem:$0x3F91];
	s0 =	simm.s32 @p0 $0x1  }
0x13: {  	[smem:$0x3FAC] =	sst s0;
	s0 =	simm.s32 @!p1 $0x0  }
0x14: {  	s2 =	sld [smem:$0x3F90];
	s0 =	simm.s32 @p1 $0x1  }
0x15: {  	[smem:$0x3FAD] =	sst s0;
	s0 =	simm.s32 @!p2 $0x0  }
0x16: {  	s3 =	sld [smem:$0x3FDB];
	s0 =	simm.s32 @p2 $0x1  }
0x17: {  	s4 =	simm.s32 $0x1BF5;
	[smem:$0x3FAF] =	sst s0  }
0x18: {  	s0 =	sld [smem:$0x3F92];
	_ =	swait.ge [sflag:s4], $0x0  }
0x19: {  	s7 =	sld [smem:$0x3F93]  }
0x1a: {  	s8 =	sadd.s32 $0xFFFFE003, lr  }
0x1b: {  	s9 =	sadd.s32 $0xFFFFFEF7, lr;
	s5 =	simm.s32 $0xFFFFFFFF;
	p2 =	slt.u32 s8, $0xFFFFF086  }
0x1c: {  	p1 =	slt.u32 s9, $0xF7A;
	s5 =	simm.s32 @!p2 $0x0  }
0x1d: {  	s5 =	simm.s32 @p1 $0x1;
	p0 =	seq.s32 s7, s2  }
0x1e: {  	s7 =	smul.u32 @!p0 $0xF7A, s2;
	p2 =	seq.s32 @!p0 s5, $0x0  }
0x1f: {  	s9 =	smul.u32 $0xF7A, s1;
	s8 =	simm.s32 @!p0 $0x1BF5;
	p2 =	por !p2, p0  }
0x20: {  	[sflag:s8] =	ssyncset.s32 @!p0 $0xFFFFF086;
	s6 =	sadd.s32 @!p0 s3, s7;
	s7 =	simm.s32 @!p0 $0x108  }
0x21: {  	s3 =	sadd.s32 s3, s9;
	s6 =	sadd.s32 @!p0 $0x88, s6;
	s7 =	simm.s32 @p2 $0x1082  }
0x22: {  	[simem:s7], [sflag:s8] =	dma.local @!p0 [hbm:s6], $0xF7A  }
0x23: {  	s9 =	sor.u32 $0xD0000000, s2;
	s6 =	simm.s32 $0x108;
	_ =	swait.ge @!p0 [sflag:s8], $0x0  }
0x24: {  	s3 =	sadd.s32 $0x88, s3;
	s6 =	simm.s32 @!p1 $0x1082;
	[sflag:s4] =	ssyncset.s32 $0xFFFFF086  }
0x25: {  	[simem:s6], [sflag:s4] =	dma.local [hbm:s3], $0xF7A  }
0x26: {  	[smem:$0x3F93] =	sst s1;
	(tag) =	ssettag s2;
	_ =	strace s9  }
0x27: {  	s1 =	sld [smem:$0x3FA3]  }
0x28: {  	s2 =	sld [smem:$0x3FA4]  }
0x29: {  	s4 =	sld [smem:$0x3FA6]  }
0x2a: {  	p0 =	seq.s32 s5, $0x0;
	s5 =	sld [smem:$0x3FA7]  }
0x2b: {  	s6 =	sld [smem:$0x3FA8]  }
0x2c: {  	s7 =	sld [smem:$0x3FA9]  }
0x2d: {  	s3 =	simm.s32 $0x108;
	s8 =	sld [smem:$0x3FAA]  }
0x2e: {  	s3 =	simm.s32 @!p0 $0x1082;
	s9 =	sld [smem:$0x3FAB]  }
0x2f: {  	lr =	sadd.s32 s0, s3;
	s0 =	sld [smem:$0x3FA2]  }
0x30: {  	s3 =	sld [smem:$0x3FA5]  }
0x31: {  	[smem:$0x3FAE] =	sst s10  }
0x32: {  	s10 =	sld [smem:$0x3FAC];
	_ =	sdelay $0x3  }
0x33: {  	p0 =	seq.s32 s10, $0x1;
	s10 =	sld [smem:$0x3FAE];
	_ =	sdelay $0x3  }
0x34: {  	[smem:$0x3FAE] =	sst s10  }
0x35: {  	s10 =	sld [smem:$0x3FAD];
	_ =	sdelay $0x3  }
0x36: {  	p1 =	seq.s32 s10, $0x1;
	s10 =	sld [smem:$0x3FAE];
	_ =	sdelay $0x3  }
0x37: {  	[smem:$0x3FAE] =	sst s10  }
0x38: {  	s10 =	sld [smem:$0x3FAF]  }
0x39: {  	_ = 	snop;
	(pc) =	sbr.ind lr, $3  }
0x3a: {  	_ = 	snop  }
0x3b: {  	_ = 	snop  }
0x3c: {  	p2 =	seq.s32 s10, $0x1;
	s10 =	sld [smem:$0x3FAE]  }
0x3d: {  	_ =	shalt  }
0x3e: {  	_ =	shalt  }
0x3f: {  	_ =	shalt  }
0x40: {  	_ =	shalt  }
0x41: {  	_ =	shalt  }
0x42: {  	_ =	shalt  }
0x43: {  	_ =	shalt  }
0x44: {  	_ =	shalt  }
0x45: {  	_ =	shalt  }
0x46: {  	_ =	shalt  }
0x47: {  	_ =	shalt  }
0x48: {  	_ =	shalt  }
0x49: {  	_ =	shalt  }
0x4a: {  	_ =	shalt  }
0x4b: {  	_ =	shalt  }
0x4c: {  	_ =	shalt  }
0x4d: {  	_ =	shalt  }
0x4e: {  	_ =	shalt  }
0x4f: {  	_ =	shalt  }
0x50: {  	_ =	shalt  }
0x51: {  	_ =	shalt  }
0x52: {  	_ =	shalt  }
0x53: {  	_ =	shalt  }
0x54: {  	_ =	shalt  }
0x55: {  	_ =	shalt  }
0x56: {  	_ =	shalt  }
0x57: {  	_ =	shalt  }
0x58: {  	_ =	shalt  }
0x59: {  	_ =	shalt  }
0x5a: {  	_ =	shalt  }
0x5b: {  	_ =	shalt  }
0x5c: {  	_ =	shalt  }
0x5d: {  	_ =	shalt  }
0x5e: {  	_ =	shalt  }
0x5f: {  	_ =	shalt  }
0x60: {  	_ =	shalt  }
0x61: {  	_ =	shalt  }
0x62: {  	_ =	shalt  }
0x63: {  	_ =	shalt  }
0x64: {  	_ =	shalt  }
0x65: {  	_ =	shalt  }
0x66: {  	_ =	shalt  }
0x67: {  	_ =	shalt  }
0x68: {  	_ =	shalt  }
0x69: {  	_ =	shalt  }
0x6a: {  	_ =	shalt  }
0x6b: {  	_ =	shalt  }
0x6c: {  	_ =	shalt  }
0x6d: {  	_ =	shalt  }
0x6e: {  	_ =	shalt  }
0x6f: {  	_ =	shalt  }
0x70: {  	_ =	shalt  }
0x71: {  	_ =	shalt  }
0x72: {  	_ =	shalt  }
0x73: {  	_ =	shalt  }
0x74: {  	_ =	shalt  }
0x75: {  	_ =	shalt  }
0x76: {  	_ =	shalt  }
0x77: {  	_ =	shalt  }
0x78: {  	_ =	shalt  }
0x79: {  	_ =	shalt  }
0x7a: {  	_ =	shalt  }
0x7b: {  	_ =	shalt  }
0x7c: {  	_ =	shalt  }
0x7d: {  	_ =	shalt  }
0x7e: {  	_ =	shalt  }
0x7f: {  	_ =	shalt  }
0x80: {  	_ =	shalt  }
0x81: {  	_ =	shalt  }
0x82: {  	_ =	shalt  }
0x83: {  	_ =	shalt  }
0x84: {  	_ =	shalt  }
0x85: {  	_ =	shalt  }
0x86: {  	_ =	shalt  }
0x87: {  	_ =	shalt  }
.Lfunc_end0:
.L_simem_size_0:
called_computation_lowered:
.L_overlay_start_0:
0x88: {  	s2 =	sld [smem:$0x3FD9]  }
0x89: {  	s3 =	sld [smem:$0x3FFE];
	_ =	sdelay $0x1  }
0x8a: {  	s1 =	srdreg.scid  }
0x8b: {  	s0 =	sand.u32 $0x1, s1  }
0x8c: {  	s16 =	sshll.u32 s0, $0xA;
	s2 =	sadd.s32 s3, s2  }
0x8d: {  	s2 =	sadd.s32 s2, s16  }
0x8e: {  	[smem:$0x3FBA] =	sst s2  }
0x8f: {  	_ = 	snop  }
0x90: {  	(tm) =	ssettm $0x1  }
0x91: {  	s17 =	sld [smem:$0x3FFB];
	_ =	sdelay $0x3  }
0x92: {  	_ =	strace s17  }
0x93: {  	s2 =	sld [smem:$0x3FFC];
	_ =	sdelay $0x3  }
0x94: {  	_ =	strace s2  }
0x95: {  	s2 =	sld [smem:$0x3FFD];
	_ =	sdelay $0x3  }
0x96: {  	_ =	strace s2  }
0x97: {  	_ =	strace $0x8FFFFFFF  }
0x98: {  	s18 =	sld [smem:$0x3FDB];
	_ =	sdelay $0x1  }
0x99: {  	s19 =	simm.s32 $_scs_section_size  }
0x9a: {  	s4 =	simm.s32 $_size__tile_overlayer_lowered;
	s5 =	simm.s32 $_tile_overlayer_lowered  }
0x9b: {  	s22 =	simm.s32 $0x1BFF;
	s21 =	sshll.u32 s5, $0x1;
	s2 =	sadd.s32 s19, s18  }
0x9c: {  	s6 =	simm.s32 $0x0;
	s20 =	sshll.u32 s4, $0x1;
	s4 =	sadd.s32 s21, s2  }
0x9d: {  	[timem:s6], [sflag:s22] =	dma.local [hbm:s4], s20  }
0x9e: {  	_ =	swait.ge [sflag:s22], s20  }
0x9f: {  	s3 =	ssub.s32 $0x0, s20;
	[sflag:s22] =	ssyncset.done $0x0  }
0xa0: {  	[sflag:s22] =	ssyncadd.s32 s3;
	_ =	sdelay $0x1  }
0xa1: {  	s23 =	simm.s32 $0x1B8B  }
0xa2: {  	_ =	swait.ge [sflag:s23], $0x1  }
0xa3: {  	[sflag:s23] =	ssyncset.done $0x0  }
0xa4: {  	s25 =	simm.s32 $0x1B8E;
	s24 =	sld [smem:$0x3FFE];
	[sflag:s23] =	ssyncadd.s32 $0xFFFFFFFF  }
0xa5: {  	s26 =	simm.s32 $execute0_lowered;
	[smem:$0x3FD2] =	sst s25  }
0xa6: {  	s4 =	sshll.u32 s26, $0x1;
	_ =	strace $0x80000046;
	[dreg:$0x1] =	wrdreg $0xFFFFFFFF  }
0xa7: {  	s28 =	simm.s32 $_size_execute0_lowered;
	s2 =	sadd.s32 s2, s4;
	[dreg:$0x0] =	wrdreg $0x0  }
0xa8: {  	s4 =	sshll.u32 s28, $0x1;
	[dreg:$0x2] =	wrdreg s2  }
0xa9: {  	[dreg:$0x3] =	wrdreg s4  }
0xaa: {  	[dreg:$0x4] =	wrdreg $0xC0  }
0xab: {  	_ =	task [dreg:s6], $0x5FFFF  }
0xac: {  	[dreg:$0x1] =	wrdreg $0xFFFFFFFF  }
0xad: {  	[dreg:$0x0] =	wrdreg $0x60  }
0xae: {  	[dreg:$0x2] =	wrdreg s24  }
0xaf: {  	[dreg:$0x3] =	wrdreg $0x9  }
0xb0: {  	_ =	task.clear_ibuf [dreg:s6], $0x4FFFF;
	_ =	strace $0x90000046  }
0xb1: {  	s29 =	simm.s32 $0x9;
	_ =	strace $0x80000048  }
0xb2: {  	_ =	swait.ge [sflag:s29], $0x1  }
0xb3: {  	[sflag:s29] =	ssyncadd.s32 $0xFFFFFFFF  }
0xb4: {  	_ =	strace $0x90000048  }
0xb5: {  	_ =	sfence  }
0xb6: {  	s30 =	sld [smem:$0x0];
	_ =	sdelay $0x2  }
0xb7: {  	s31 =	sshll.u32 s1, $0xD;
	s1 =	sshrl.u32 s1, $0x2  }
0xb8: {  	s3 =	sand.u32 $0x4000, s31;
	s1 =	sadd.s32 s1, s30  }
0xb9: {  	s0 =	sor.u32 s3, s0;
	s1 =	sshll.u32 s1, $0x11  }
0xba: {  	s0 =	sor.u32 s1, s0  }
0xbb: {  	s0 =	sadd.s32 $0x8F2B, s0  }
0xbc: {  	[sflag:s0] =	ssyncadd.remote.s32 $0x1  }
0xbd: {  	_ =	sfence.sel $0xFFFF  }
0xbe: {  	[dreg:$0x0] =	wrdreg $0xFFFFFFFF;
	(pc) =	sbr.abs _section_cstart, $3  }
0xbf: {  	[dreg:$0x1] =	wrdreg $0xFFFFFFFF  }
0xc0: {  	_ =	task.clear_ibuf [dreg:s6], $0x2FFFF;
	_ =	strace $0x9FFFFFFF  }
0xc1: {  	(tm) =	ssettm $0x7FFFFFFF  }
tec
execute0_lowered:
.L_overlay_start_1:
0x0: {  	(tag) =	ssettag $0x1  }
0x1: {  	s0 =	rddreg [dreg:$0x0]  }
0x2: {  	s1 =	srdreg.scid;
	s2 =	simm.s32 $0x0;
	s3 =	stileid.u32  }
0x3: {  	s28 =	simm.s32 $0x4;
	s29 =	simm.s32 $0x5;
	s30 =	simm.s32 $0x6  }
0x4: {  	s1 =	sand.u32 $0x1, s1;
	[smem:$0x7FF] =	sst s2;
	s3 =	sshll.u32 s3, $0x8  }
0x5: {  	s5 =	sadd.s32 $0x1B200, s0;
	s8 =	sadd.s32 $0x1C200, s0;
	s4 =	sshll.u32 s1, $0x7  }
0x6: {  	_ =	strace $0x80000047;
	s1 =	ssub.s32 $0x2, s1;
	s4 =	sor.u32 s4, s3  }
0x7: {  	s26 =	sshrl.u32 s1, $0x1;
	s3 =	sadd.s32 s5, s4;
	s6 =	sor.u32 $0x10, s4  }
0x8: {  	s7 =	smul.u32 $0x180, s4;
	s12 =	sor.u32 $0x20, s4;
	s15 =	sor.u32 $0x30, s4  }
0x9: {  	s18 =	sor.u32 $0x40, s4;
	[dreg:$0x2] =	wrdreg s3;
	s10 =	sadd.s32 s5, s6  }
0xa: {  	s21 =	sor.u32 $0x50, s4;
	s13 =	sadd.s32 s5, s12;
	[dreg:$0x3] =	wrdreg s10  }
0xb: {  	s24 =	sor.u32 $0x60, s4;
	s16 =	sadd.s32 s5, s15;
	[dreg:$0x5] =	wrdreg s13  }
0xc: {  	s4 =	sor.u32 $0x70, s4;
	s19 =	sadd.s32 s5, s18;
	[dreg:$0x7] =	wrdreg s16  }
0xd: {  	s1 =	ssub.s32 s1, s26;
	s22 =	sadd.s32 s5, s21;
	[dreg:$0x9] =	wrdreg s19  }
0xe: {  	s6 =	smul.u32 $0x180, s6;
	s9 =	sadd.s32 s5, s24;
	[dreg:$0xb] =	wrdreg s22  }
0xf: {  	s3 =	sadd.s32 $0x3200, s0;
	s5 =	sadd.s32 s5, s4;
	[dreg:$0xd] =	wrdreg s9  }
0x10: {  	s4 =	smul.u32 $0x180, s4;
	s11 =	sadd.s32 s8, s7;
	[dreg:$0xf] =	wrdreg s5  }
0x11: {  	s7 =	smul.u32 $0x180, s12;
	[dreg:$0x4] =	wrdreg s11;
	s14 =	sadd.s32 s8, s6  }
0x12: {  	s6 =	smul.u32 $0x180, s15;
	s31 =	sadd.s32 s8, s4;
	[dreg:$0x6] =	wrdreg s14  }
0x13: {  	s17 =	sadd.s32 s8, s7;
	s7 =	smul.u32 $0x180, s18;
	[dreg:$0x11] =	wrdreg s31  }
0x14: {  	[dreg:$0x8] =	wrdreg s17;
	s20 =	sadd.s32 s8, s6;
	s6 =	smul.u32 $0x180, s21  }
0x15: {  	[dreg:$0xa] =	wrdreg s20;
	s23 =	sadd.s32 s8, s7;
	s7 =	smul.u32 $0x180, s24  }
0x16: {  	v2 =	vlaneseq.u32;
	s5 =	smax.u32 s1, $0x1;
	[dreg:$0xc] =	wrdreg s23;
	s6 =	sadd.s32 s8, s6  }
0x17: {  	vm0 =	vmmov $0xffff;
	vm1 =	vmmov $0xff;
	v1 =	vshrl.u32 v2, $0x3;
	s16 =	simm.s32 $0x2;
	[dreg:$0xe] =	wrdreg s6;
	s25 =	sadd.s32 s8, s7  }
0x18: {  	v0 =	vand.u32 $0x7, v2;
	v2 =	vor.u32 $0x8, v2;
	v1 =	vmul.u32 $0x8, v1;
	s4 =	sadd.s32 $0x3300, s0;
	s18 =	simm.s32 $0x3;
	[dreg:$0x10] =	wrdreg s25  }
.LBB2_1:
0x19: {  	s31 =	rddreg [dreg:$0x2];
	s15 =	simm.s32 $0x1  }
0x1a: {  	[tilespmem:s2], [sflag:$0x1] =	stream.linear.gather [hbm4b:s31+s2], $0x80, $0x38;
	[tilespmem:$0x18100] =	vst v63  }
0x1b: {  	_ =	swait.ge [sflag:s15], $0x80  }
0x1c: {  	[sflag:s15] =	ssyncset.done $0x0  }
0x1d: {  	[sflag:s15] =	ssyncadd.s32 $0xFFFFFF80  }
0x1e: {  	v3 =	vld [tilespmem:$0x0];
	_ =	sdelay $0x4  }
0x1f: {  	v4 =	vshrl.u32 v3, $0x3  }
0x20: {  	v4 =	vmul.u32 $0x18, v4  }
0x21: {  	v3 =	vand.u32 $0x7, v3  }
0x22: {  	v3 =	vor.u32 v3, v4  }
0x23: {  	v4 =	vperm.xlane v3, v0;
	_ =	sdelay $0x1  }
0x24: {  	v4 =	vadd.s32 v1, v4;
	_ =	sdelay $0x1  }
0x25: {  	v3 =	vperm.xlane v3, v2;
	_ =	sdelay $0x1  }
0x26: {  	s0 =	simm.s32 $0x100;
	v3 =	vadd.s32 v1, v3  }
0x27: {  	[tilespmem:s0], [sflag:$0x3] =	stream.indirect_vreg.gather [hbm4b:s3+s2], $0x80, v4, vm0, $0xb8;
	[tilespmem:$0x18100] =	vst v63  }
0x28: {  	s1 =	simm.s32 $0x900  }
0x29: {  	[tilespmem:s1], [sflag:$0x3] =	stream.indirect_vreg.gather [hbm4b:s4+s2], $0x80, v4, vm1, $0xb8;
	[tilespmem:$0x18100] =	vst v63  }
0x2a: {  	s20 =	simm.s32 $0xD00  }
0x2b: {  	[tilespmem:s20], [sflag:$0x3] =	stream.indirect_vreg.gather [hbm4b:s3+s2], $0x80, v3, vm0, $0xb8;
	[tilespmem:$0x18100] =	vst v63  }
0x2c: {  	s21 =	simm.s32 $0x1500  }
0x2d: {  	[tilespmem:s21], [sflag:$0x3] =	stream.indirect_vreg.gather [hbm4b:s4+s2], $0x80, v3, vm1, $0xb8;
	[tilespmem:$0x18100] =	vst v63  }
0x2e: {  	v3 =	vld [tilespmem:$0x10];
	_ =	sdelay $0x4  }
0x2f: {  	v57 =	vshrl.u32 v3, $0x3  }
0x30: {  	v4 =	vmul.u32 $0x18, v57  }
0x31: {  	v3 =	vand.u32 $0x7, v3  }
0x32: {  	v3 =	vor.u32 v3, v4  }
0x33: {  	v4 =	vperm.xlane v3, v0;
	_ =	sdelay $0x1  }
0x34: {  	v4 =	vadd.s32 v1, v4;
	_ =	sdelay $0x1  }
0x35: {  	v3 =	vperm.xlane v3, v2;
	_ =	sdelay $0x1  }
0x36: {  	s22 =	simm.s32 $0x1900;
	v3 =	vadd.s32 v1, v3  }
0x37: {  	[tilespmem:s22], [sflag:$0x3] =	stream.indirect_vreg.gather [hbm4b:s3+s2], $0x80, v4, vm0, $0xb8;
	[tilespmem:$0x18100] =	vst v63  }
0x38: {  	s23 =	simm.s32 $0x2100  }
0x39: {  	[tilespmem:s23], [sflag:$0x3] =	stream.indirect_vreg.gather [hbm4b:s4+s2], $0x80, v4, vm1, $0xb8;
	[tilespmem:$0x18100] =	vst v63  }
0x3a: {  	s24 =	simm.s32 $0x2500  }
0x3b: {  	[tilespmem:s24], [sflag:$0x3] =	stream.indirect_vreg.gather [hbm4b:s3+s2], $0x80, v3, vm0, $0xb8;
	[tilespmem:$0x18100] =	vst v63  }
0x3c: {  	s25 =	simm.s32 $0x2D00  }
0x3d: {  	[tilespmem:s25], [sflag:$0x3] =	stream.indirect_vreg.gather [hbm4b:s4+s2], $0x80, v3, vm1, $0xb8;
	[tilespmem:$0x18100] =	vst v63  }
0x3e: {  	v3 =	vld [tilespmem:$0x20];
	_ =	sdelay $0x4  }
0x3f: {  	v58 =	vshrl.u32 v3, $0x3  }
0x40: {  	v4 =	vmul.u32 $0x18, v58  }
0x41: {  	v3 =	vand.u32 $0x7, v3  }
0x42: {  	v3 =	vor.u32 v3, v4  }
0x43: {  	v4 =	vperm.xlane v3, v0;
	_ =	sdelay $0x1  }
0x44: {  	v4 =	vadd.s32 v1, v4;
	_ =	sdelay $0x1  }
0x45: {  	v3 =	vperm.xlane v3, v2;
	_ =	sdelay $0x1  }
0x46: {  	s26 =	simm.s32 $0x3100;
	v3 =	vadd.s32 v1, v3  }
0x47: {  	[tilespmem:s26], [sflag:$0x3] =	stream.indirect_vreg.gather [hbm4b:s3+s2], $0x80, v4, vm0, $0xb8;
	[tilespmem:$0x18100] =	vst v63  }
0x48: {  	s31 =	simm.s32 $0x3900  }
0x49: {  	[tilespmem:s31], [sflag:$0x3] =	stream.indirect_vreg.gather [hbm4b:s4+s2], $0x80, v4, vm1, $0xb8;
	[tilespmem:$0x18100] =	vst v63  }
0x4a: {  	s7 =	simm.s32 $0x3D00  }
0x4b: {  	[tilespmem:s7], [sflag:$0x3] =	stream.indirect_vreg.gather [hbm4b:s3+s2], $0x80, v3, vm0, $0xb8;
	[tilespmem:$0x18100] =	vst v63  }
0x4c: {  	s8 =	simm.s32 $0x4500  }
0x4d: {  	[tilespmem:s8], [sflag:$0x3] =	stream.indirect_vreg.gather [hbm4b:s4+s2], $0x80, v3, vm1, $0xb8;
	[tilespmem:$0x18100] =	vst v63  }
0x4e: {  	v3 =	vld [tilespmem:$0x30];
	_ =	sdelay $0x4  }
0x4f: {  	v59 =	vshrl.u32 v3, $0x3  }
0x50: {  	v4 =	vmul.u32 $0x18, v59  }
0x51: {  	v3 =	vand.u32 $0x7, v3  }
0x52: {  	v3 =	vor.u32 v3, v4  }
0x53: {  	v4 =	vperm.xlane v3, v0;
	_ =	sdelay $0x1  }
0x54: {  	v4 =	vadd.s32 v1, v4;
	_ =	sdelay $0x1  }
0x55: {  	v3 =	vperm.xlane v3, v2;
	_ =	sdelay $0x1  }
0x56: {  	s9 =	simm.s32 $0x4900;
	v3 =	vadd.s32 v1, v3  }
0x57: {  	[tilespmem:s9], [sflag:$0x3] =	stream.indirect_vreg.gather [hbm4b:s3+s2], $0x80, v4, vm0, $0xb8;
	[tilespmem:$0x18100] =	vst v63  }
0x58: {  	s10 =	simm.s32 $0x5100  }
0x59: {  	[tilespmem:s10], [sflag:$0x3] =	stream.indirect_vreg.gather [hbm4b:s4+s2], $0x80, v4, vm1, $0xb8;
	[tilespmem:$0x18100] =	vst v63  }
0x5a: {  	s11 =	simm.s32 $0x5500  }
0x5b: {  	[tilespmem:s11], [sflag:$0x3] =	stream.indirect_vreg.gather [hbm4b:s3+s2], $0x80, v3, vm0, $0xb8;
	[tilespmem:$0x18100] =	vst v63  }
0x5c: {  	s12 =	simm.s32 $0x5D00  }
0x5d: {  	[tilespmem:s12], [sflag:$0x3] =	stream.indirect_vreg.gather [hbm4b:s4+s2], $0x80, v3, vm1, $0xb8;
	[tilespmem:$0x18100] =	vst v63  }
0x5e: {  	v3 =	vld [tilespmem:$0x40];
	_ =	sdelay $0x4  }
0x5f: {  	v60 =	vshrl.u32 v3, $0x3  }
0x60: {  	v4 =	vmul.u32 $0x18, v60  }
0x61: {  	v3 =	vand.u32 $0x7, v3  }
0x62: {  	v3 =	vor.u32 v3, v4  }
0x63: {  	v4 =	vperm.xlane v3, v0;
	_ =	sdelay $0x1  }
0x64: {  	v4 =	vadd.s32 v1, v4;
	_ =	sdelay $0x1  }
0x65: {  	v3 =	vperm.xlane v3, v2;
	_ =	sdelay $0x1  }
0x66: {  	s13 =	simm.s32 $0x6100;
	v3 =	vadd.s32 v1, v3  }
0x67: {  	[tilespmem:s13], [sflag:$0x3] =	stream.indirect_vreg.gather [hbm4b:s3+s2], $0x80, v4, vm0, $0xb8;
	[tilespmem:$0x18100] =	vst v63  }
0x68: {  	s14 =	simm.s32 $0x6900  }
0x69: {  	[tilespmem:s14], [sflag:$0x3] =	stream.indirect_vreg.gather [hbm4b:s4+s2], $0x80, v4, vm1, $0xb8;
	[tilespmem:$0x18100] =	vst v63  }
0x6a: {  	s17 =	simm.s32 $0x6D00  }
0x6b: {  	[tilespmem:s17], [sflag:$0x3] =	stream.indirect_vreg.gather [hbm4b:s3+s2], $0x80, v3, vm0, $0xb8;
	[tilespmem:$0x18100] =	vst v63  }
0x6c: {  	s20 =	simm.s32 $0x7500  }
0x6d: {  	[tilespmem:s20], [sflag:$0x3] =	stream.indirect_vreg.gather [hbm4b:s4+s2], $0x80, v3, vm1, $0xb8;
	[tilespmem:$0x18100] =	vst v63  }
0x6e: {  	v3 =	vld [tilespmem:$0x50];
	_ =	sdelay $0x4  }
0x6f: {  	v61 =	vshrl.u32 v3, $0x3  }
0x70: {  	v4 =	vmul.u32 $0x18, v61  }
0x71: {  	v3 =	vand.u32 $0x7, v3  }
0x72: {  	v3 =	vor.u32 v3, v4  }
0x73: {  	v4 =	vperm.xlane v3, v0;
	_ =	sdelay $0x1  }
0x74: {  	v4 =	vadd.s32 v1, v4;
	_ =	sdelay $0x1  }
0x75: {  	v3 =	vperm.xlane v3, v2;
	_ =	sdelay $0x1  }
0x76: {  	s22 =	simm.s32 $0x7900;
	v3 =	vadd.s32 v1, v3  }
0x77: {  	[tilespmem:s22], [sflag:$0x3] =	stream.indirect_vreg.gather [hbm4b:s3+s2], $0x80, v4, vm0, $0xb8;
	[tilespmem:$0x18100] =	vst v63  }
0x78: {  	s23 =	simm.s32 $0x8100  }
0x79: {  	[tilespmem:s23], [sflag:$0x3] =	stream.indirect_vreg.gather [hbm4b:s4+s2], $0x80, v4, vm1, $0xb8;
	[tilespmem:$0x18100] =	vst v63  }
0x7a: {  	s25 =	simm.s32 $0x8500  }
0x7b: {  	[tilespmem:s25], [sflag:$0x3] =	stream.indirect_vreg.gather [hbm4b:s3+s2], $0x80, v3, vm0, $0xb8;
	[tilespmem:$0x18100] =	vst v63  }
0x7c: {  	s26 =	simm.s32 $0x8D00  }
0x7d: {  	[tilespmem:s26], [sflag:$0x3] =	stream.indirect_vreg.gather [hbm4b:s4+s2], $0x80, v3, vm1, $0xb8;
	[tilespmem:$0x18100] =	vst v63  }
0x7e: {  	v3 =	vld [tilespmem:$0x60];
	_ =	sdelay $0x4  }
0x7f: {  	v62 =	vshrl.u32 v3, $0x3  }
0x80: {  	v4 =	vmul.u32 $0x18, v62  }
0x81: {  	v3 =	vand.u32 $0x7, v3  }
0x82: {  	v3 =	vor.u32 v3, v4  }
0x83: {  	v4 =	vperm.xlane v3, v0;
	_ =	sdelay $0x1  }
0x84: {  	v4 =	vadd.s32 v1, v4;
	_ =	sdelay $0x1  }
0x85: {  	v3 =	vperm.xlane v3, v2;
	_ =	sdelay $0x1  }
0x86: {  	s31 =	simm.s32 $0x9100;
	v3 =	vadd.s32 v1, v3  }
0x87: {  	[tilespmem:s31], [sflag:$0x3] =	stream.indirect_vreg.gather [hbm4b:s3+s2], $0x80, v4, vm0, $0xb8;
	[tilespmem:$0x18100] =	vst v63  }
0x88: {  	s10 =	simm.s32 $0x9900  }
0x89: {  	[tilespmem:s10], [sflag:$0x3] =	stream.indirect_vreg.gather [hbm4b:s4+s2], $0x80, v4, vm1, $0xb8;
	[tilespmem:$0x18100] =	vst v63  }
0x8a: {  	s11 =	simm.s32 $0x9D00  }
0x8b: {  	[tilespmem:s11], [sflag:$0x3] =	stream.indirect_vreg.gather [hbm4b:s3+s2], $0x80, v3, vm0, $0xb8;
	[tilespmem:$0x18100] =	vst v63  }
0x8c: {  	s12 =	simm.s32 $0xA500  }
0x8d: {  	[tilespmem:s12], [sflag:$0x3] =	stream.indirect_vreg.gather [hbm4b:s4+s2], $0x80, v3, vm1, $0xb8;
	[tilespmem:$0x18100] =	vst v63  }
0x8e: {  	v3 =	vld [tilespmem:$0x70];
	_ =	sdelay $0x4  }
0x8f: {  	v63 =	vshrl.u32 v3, $0x3  }
0x90: {  	v4 =	vmul.u32 $0x18, v63  }
0x91: {  	v3 =	vand.u32 $0x7, v3  }
0x92: {  	v3 =	vor.u32 v3, v4  }
0x93: {  	v4 =	vperm.xlane v3, v0;
	_ =	sdelay $0x1  }
0x94: {  	v4 =	vadd.s32 v1, v4;
	_ =	sdelay $0x1  }
0x95: {  	v3 =	vperm.xlane v3, v2;
	_ =	sdelay $0x1  }
0x96: {  	s14 =	simm.s32 $0xA900;
	v3 =	vadd.s32 v1, v3  }
0x97: {  	[tilespmem:s14], [sflag:$0x3] =	stream.indirect_vreg.gather [hbm4b:s3+s2], $0x80, v4, vm0, $0xb8;
	[tilespmem:$0x18100] =	vst v63  }
0x98: {  	s17 =	simm.s32 $0xB100  }
0x99: {  	[tilespmem:s17], [sflag:$0x3] =	stream.indirect_vreg.gather [hbm4b:s4+s2], $0x80, v4, vm1, $0xb8;
	[tilespmem:$0x18100] =	vst v63  }
0x9a: {  	s20 =	simm.s32 $0xB500  }
0x9b: {  	[tilespmem:s20], [sflag:$0x3] =	stream.indirect_vreg.gather [hbm4b:s3+s2], $0x80, v3, vm0, $0xb8;
	[tilespmem:$0x18100] =	vst v63  }
0x9c: {  	s23 =	simm.s32 $0xBD00  }
0x9d: {  	[tilespmem:s23], [sflag:$0x3] =	stream.indirect_vreg.gather [hbm4b:s4+s2], $0x80, v3, vm1, $0xb8;
	[tilespmem:$0x18100] =	vst v63  }
0x9e: {  	s22 =	rddreg [dreg:$0x3];
	s25 =	simm.s32 $0x80  }
0x9f: {  	[tilespmem:s25], [sflag:$0x2] =	stream.linear.gather [hbm4b:s22+s2], $0x80, $0x38;
	[tilespmem:$0x18100] =	vst v63  }
0xa0: {  	_ =	swait.ge [sflag:s18], $0xC000  }
0xa1: {  	[sflag:s18] =	ssyncset.done $0x0  }
0xa2: {  	s0 =	simm.s32 $0x100;
	s26 =	rddreg [dreg:$0x4];
	[sflag:s18] =	ssyncadd.s32 $0xFFFF4000  }
0xa3: {  	[hbm4b:s26+s2] =	stream.linear.scatter [tilespmem:s0], [sflag:$0x5], $0xC000, $0x38;
	[tilespmem:$0x18100] =	vst v63  }
0xa4: {  	_ =	swait.ge [sflag:s16], $0x80  }
0xa5: {  	[sflag:s16] =	ssyncset.done $0x0  }
0xa6: {  	[sflag:s16] =	ssyncadd.s32 $0xFFFFFF80  }
0xa7: {  	v3 =	vld [tilespmem:$0x80];
	_ =	sdelay $0x4  }
0xa8: {  	v8 =	vshrl.u32 v3, $0x3  }
0xa9: {  	v4 =	vmul.u32 $0x18, v8  }
0xaa: {  	v3 =	vand.u32 $0x7, v3  }
0xab: {  	v3 =	vor.u32 v3, v4  }
0xac: {  	v4 =	vperm.xlane v3, v0;
	_ =	sdelay $0x1  }
0xad: {  	v4 =	vadd.s32 v1, v4;
	_ =	sdelay $0x1  }
0xae: {  	v3 =	vperm.xlane v3, v2;
	_ =	sdelay $0x1  }
0xaf: {  	s0 =	simm.s32 $0xC100;
	v3 =	vadd.s32 v1, v3  }
0xb0: {  	[tilespmem:s0], [sflag:$0x4] =	stream.indirect_vreg.gather [hbm4b:s3+s2], $0x80, v4, vm0, $0xb8;
	[tilespmem:$0x18100] =	vst v63  }
0xb1: {  	s1 =	simm.s32 $0xC900  }
0xb2: {  	[tilespmem:s1], [sflag:$0x4] =	stream.indirect_vreg.gather [hbm4b:s4+s2], $0x80, v4, vm1, $0xb8;
	[tilespmem:$0x18100] =	vst v63  }
0xb3: {  	s17 =	simm.s32 $0xCD00  }
0xb4: {  	[tilespmem:s17], [sflag:$0x4] =	stream.indirect_vreg.gather [hbm4b:s3+s2], $0x80, v3, vm0, $0xb8;
	[tilespmem:$0x18100] =	vst v63  }
0xb5: {  	s20 =	simm.s32 $0xD500  }
0xb6: {  	[tilespmem:s20], [sflag:$0x4] =	stream.indirect_vreg.gather [hbm4b:s4+s2], $0x80, v3, vm1, $0xb8;
	[tilespmem:$0x18100] =	vst v63  }
0xb7: {  	v3 =	vld [tilespmem:$0x90];
	_ =	sdelay $0x4  }
0xb8: {  	v9 =	vshrl.u32 v3, $0x3  }
0xb9: {  	v4 =	vmul.u32 $0x18, v9  }
0xba: {  	v3 =	vand.u32 $0x7, v3  }
0xbb: {  	v3 =	vor.u32 v3, v4  }
0xbc: {  	v4 =	vperm.xlane v3, v0;
	_ =	sdelay $0x1  }
0xbd: {  	v4 =	vadd.s32 v1, v4;
	_ =	sdelay $0x1  }
0xbe: {  	v3 =	vperm.xlane v3, v2;
	_ =	sdelay $0x1  }
0xbf: {  	s22 =	simm.s32 $0xD900;
	v3 =	vadd.s32 v1, v3  }
0xc0: {  	[tilespmem:s22], [sflag:$0x4] =	stream.indirect_vreg.gather [hbm4b:s3+s2], $0x80, v4, vm0, $0xb8;
	[tilespmem:$0x18100] =	vst v63  }
0xc1: {  	s23 =	simm.s32 $0xE100  }
0xc2: {  	[tilespmem:s23], [sflag:$0x4] =	stream.indirect_vreg.gather [hbm4b:s4+s2], $0x80, v4, vm1, $0xb8;
	[tilespmem:$0x18100] =	vst v63  }
0xc3: {  	s25 =	simm.s32 $0xE500  }
0xc4: {  	[tilespmem:s25], [sflag:$0x4] =	stream.indirect_vreg.gather [hbm4b:s3+s2], $0x80, v3, vm0, $0xb8;
	[tilespmem:$0x18100] =	vst v63  }
0xc5: {  	s26 =	simm.s32 $0xED00  }
0xc6: {  	[tilespmem:s26], [sflag:$0x4] =	stream.indirect_vreg.gather [hbm4b:s4+s2], $0x80, v3, vm1, $0xb8;
	[tilespmem:$0x18100] =	vst v63  }
0xc7: {  	v3 =	vld [tilespmem:$0xA0];
	_ =	sdelay $0x4  }
0xc8: {  	v10 =	vshrl.u32 v3, $0x3  }
0xc9: {  	v4 =	vmul.u32 $0x18, v10  }
0xca: {  	v3 =	vand.u32 $0x7, v3  }
0xcb: {  	v3 =	vor.u32 v3, v4  }
0xcc: {  	v4 =	vperm.xlane v3, v0;
	_ =	sdelay $0x1  }
0xcd: {  	v4 =	vadd.s32 v1, v4;
	_ =	sdelay $0x1  }
0xce: {  	v3 =	vperm.xlane v3, v2;
	_ =	sdelay $0x1  }
0xcf: {  	s0 =	simm.s32 $0xF100;
	v3 =	vadd.s32 v1, v3  }
0xd0: {  	[tilespmem:s0], [sflag:$0x4] =	stream.indirect_vreg.gather [hbm4b:s3+s2], $0x80, v4, vm0, $0xb8;
	[tilespmem:$0x18100] =	vst v63  }
0xd1: {  	s1 =	simm.s32 $0xF900  }
0xd2: {  	[tilespmem:s1], [sflag:$0x4] =	stream.indirect_vreg.gather [hbm4b:s4+s2], $0x80, v4, vm1, $0xb8;
	[tilespmem:$0x18100] =	vst v63  }
0xd3: {  	s17 =	simm.s32 $0xFD00  }
0xd4: {  	[tilespmem:s17], [sflag:$0x4] =	stream.indirect_vreg.gather [hbm4b:s3+s2], $0x80, v3, vm0, $0xb8;
	[tilespmem:$0x18100] =	vst v63  }
0xd5: {  	s20 =	simm.s32 $0x10500  }
0xd6: {  	[tilespmem:s20], [sflag:$0x4] =	stream.indirect_vreg.gather [hbm4b:s4+s2], $0x80, v3, vm1, $0xb8;
	[tilespmem:$0x18100] =	vst v63  }
0xd7: {  	v3 =	vld [tilespmem:$0xB0];
	_ =	sdelay $0x4  }
0xd8: {  	v11 =	vshrl.u32 v3, $0x3  }
0xd9: {  	v4 =	vmul.u32 $0x18, v11  }
0xda: {  	v3 =	vand.u32 $0x7, v3  }
0xdb: {  	v3 =	vor.u32 v3, v4  }
0xdc: {  	v4 =	vperm.xlane v3, v0;
	_ =	sdelay $0x1  }
0xdd: {  	v4 =	vadd.s32 v1, v4;
	_ =	sdelay $0x1  }
0xde: {  	v3 =	vperm.xlane v3, v2;
	_ =	sdelay $0x1  }
0xdf: {  	s22 =	simm.s32 $0x10900;
	v3 =	vadd.s32 v1, v3  }
0xe0: {  	[tilespmem:s22], [sflag:$0x4] =	stream.indirect_vreg.gather [hbm4b:s3+s2], $0x80, v4, vm0, $0xb8;
	[tilespmem:$0x18100] =	vst v63  }
0xe1: {  	s23 =	simm.s32 $0x11100  }
0xe2: {  	[tilespmem:s23], [sflag:$0x4] =	stream.indirect_vreg.gather [hbm4b:s4+s2], $0x80, v4, vm1, $0xb8;
	[tilespmem:$0x18100] =	vst v63  }
0xe3: {  	s25 =	simm.s32 $0x11500  }
0xe4: {  	[tilespmem:s25], [sflag:$0x4] =	stream.indirect_vreg.gather [hbm4b:s3+s2], $0x80, v3, vm0, $0xb8;
	[tilespmem:$0x18100] =	vst v63  }
0xe5: {  	s26 =	simm.s32 $0x11D00  }
0xe6: {  	[tilespmem:s26], [sflag:$0x4] =	stream.indirect_vreg.gather [hbm4b:s4+s2], $0x80, v3, vm1, $0xb8;
	[tilespmem:$0x18100] =	vst v63  }
0xe7: {  	v3 =	vld [tilespmem:$0xC0];
	_ =	sdelay $0x4  }
0xe8: {  	v12 =	vshrl.u32 v3, $0x3  }
0xe9: {  	v4 =	vmul.u32 $0x18, v12  }
0xea: {  	v3 =	vand.u32 $0x7, v3  }
0xeb: {  	v3 =	vor.u32 v3, v4  }
0xec: {  	v4 =	vperm.xlane v3, v0;
	_ =	sdelay $0x1  }
0xed: {  	v4 =	vadd.s32 v1, v4;
	_ =	sdelay $0x1  }
0xee: {  	v3 =	vperm.xlane v3, v2;
	_ =	sdelay $0x1  }
0xef: {  	s0 =	simm.s32 $0x12100;
	v3 =	vadd.s32 v1, v3  }
0xf0: {  	[tilespmem:s0], [sflag:$0x4] =	stream.indirect_vreg.gather [hbm4b:s3+s2], $0x80, v4, vm0, $0xb8;
	[tilespmem:$0x18100] =	vst v63  }
0xf1: {  	s1 =	simm.s32 $0x12900  }
0xf2: {  	[tilespmem:s1], [sflag:$0x4] =	stream.indirect_vreg.gather [hbm4b:s4+s2], $0x80, v4, vm1, $0xb8;
	[tilespmem:$0x18100] =	vst v63  }
0xf3: {  	s17 =	simm.s32 $0x12D00  }
0xf4: {  	[tilespmem:s17], [sflag:$0x4] =	stream.indirect_vreg.gather [hbm4b:s3+s2], $0x80, v3, vm0, $0xb8;
	[tilespmem:$0x18100] =	vst v63  }
0xf5: {  	s20 =	simm.s32 $0x13500  }
0xf6: {  	[tilespmem:s20], [sflag:$0x4] =	stream.indirect_vreg.gather [hbm4b:s4+s2], $0x80, v3, vm1, $0xb8;
	[tilespmem:$0x18100] =	vst v63  }
0xf7: {  	v3 =	vld [tilespmem:$0xD0];
	_ =	sdelay $0x4  }
0xf8: {  	v13 =	vshrl.u32 v3, $0x3  }
0xf9: {  	v4 =	vmul.u32 $0x18, v13  }
0xfa: {  	v3 =	vand.u32 $0x7, v3  }
0xfb: {  	v3 =	vor.u32 v3, v4  }
0xfc: {  	v4 =	vperm.xlane v3, v0;
	_ =	sdelay $0x1  }
0xfd: {  	v4 =	vadd.s32 v1, v4;
	_ =	sdelay $0x1  }
0xfe: {  	v3 =	vperm.xlane v3, v2;
	_ =	sdelay $0x1  }
0xff: {  	s22 =	simm.s32 $0x13900;
	v3 =	vadd.s32 v1, v3  }
0x100: {  	[tilespmem:s22], [sflag:$0x4] =	stream.indirect_vreg.gather [hbm4b:s3+s2], $0x80, v4, vm0, $0xb8;
	[tilespmem:$0x18100] =	vst v63  }
0x101: {  	s23 =	simm.s32 $0x14100  }
0x102: {  	[tilespmem:s23], [sflag:$0x4] =	stream.indirect_vreg.gather [hbm4b:s4+s2], $0x80, v4, vm1, $0xb8;
	[tilespmem:$0x18100] =	vst v63  }
0x103: {  	s25 =	simm.s32 $0x14500  }
0x104: {  	[tilespmem:s25], [sflag:$0x4] =	stream.indirect_vreg.gather [hbm4b:s3+s2], $0x80, v3, vm0, $0xb8;
	[tilespmem:$0x18100] =	vst v63  }
0x105: {  	s26 =	simm.s32 $0x14D00  }
0x106: {  	[tilespmem:s26], [sflag:$0x4] =	stream.indirect_vreg.gather [hbm4b:s4+s2], $0x80, v3, vm1, $0xb8;
	[tilespmem:$0x18100] =	vst v63  }
0x107: {  	v3 =	vld [tilespmem:$0xE0];
	_ =	sdelay $0x4  }
0x108: {  	v14 =	vshrl.u32 v3, $0x3  }
0x109: {  	v4 =	vmul.u32 $0x18, v14  }
0x10a: {  	v3 =	vand.u32 $0x7, v3  }
0x10b: {  	v3 =	vor.u32 v3, v4  }
0x10c: {  	v4 =	vperm.xlane v3, v0;
	_ =	sdelay $0x1  }
0x10d: {  	v4 =	vadd.s32 v1, v4;
	_ =	sdelay $0x1  }
0x10e: {  	v3 =	vperm.xlane v3, v2;
	_ =	sdelay $0x1  }
0x10f: {  	s0 =	simm.s32 $0x15100;
	v3 =	vadd.s32 v1, v3  }
0x110: {  	[tilespmem:s0], [sflag:$0x4] =	stream.indirect_vreg.gather [hbm4b:s3+s2], $0x80, v4, vm0, $0xb8;
	[tilespmem:$0x18100] =	vst v63  }
0x111: {  	s1 =	simm.s32 $0x15900  }
0x112: {  	[tilespmem:s1], [sflag:$0x4] =	stream.indirect_vreg.gather [hbm4b:s4+s2], $0x80, v4, vm1, $0xb8;
	[tilespmem:$0x18100] =	vst v63  }
0x113: {  	s17 =	simm.s32 $0x15D00  }
0x114: {  	[tilespmem:s17], [sflag:$0x4] =	stream.indirect_vreg.gather [hbm4b:s3+s2], $0x80, v3, vm0, $0xb8;
	[tilespmem:$0x18100] =	vst v63  }
0x115: {  	s20 =	simm.s32 $0x16500  }
0x116: {  	[tilespmem:s20], [sflag:$0x4] =	stream.indirect_vreg.gather [hbm4b:s4+s2], $0x80, v3, vm1, $0xb8;
	[tilespmem:$0x18100] =	vst v63  }
0x117: {  	v3 =	vld [tilespmem:$0xF0];
	_ =	sdelay $0x4  }
0x118: {  	v15 =	vshrl.u32 v3, $0x3  }
0x119: {  	v4 =	vmul.u32 $0x18, v15  }
0x11a: {  	v3 =	vand.u32 $0x7, v3  }
0x11b: {  	v3 =	vor.u32 v3, v4  }
0x11c: {  	v4 =	vperm.xlane v3, v0;
	_ =	sdelay $0x1  }
0x11d: {  	v4 =	vadd.s32 v1, v4;
	_ =	sdelay $0x1  }
0x11e: {  	v3 =	vperm.xlane v3, v2;
	_ =	sdelay $0x1  }
0x11f: {  	s22 =	simm.s32 $0x16900;
	v3 =	vadd.s32 v1, v3  }
0x120: {  	[tilespmem:s22], [sflag:$0x4] =	stream.indirect_vreg.gather [hbm4b:s3+s2], $0x80, v4, vm0, $0xb8;
	[tilespmem:$0x18100] =	vst v63  }
0x121: {  	s23 =	simm.s32 $0x17100  }
0x122: {  	[tilespmem:s23], [sflag:$0x4] =	stream.indirect_vreg.gather [hbm4b:s4+s2], $0x80, v4, vm1, $0xb8;
	[tilespmem:$0x18100] =	vst v63  }
0x123: {  	s25 =	simm.s32 $0x17500  }
0x124: {  	[tilespmem:s25], [sflag:$0x4] =	stream.indirect_vreg.gather [hbm4b:s3+s2], $0x80, v3, vm0, $0xb8;
	[tilespmem:$0x18100] =	vst v63  }
0x125: {  	s0 =	simm.s32 $0x17D00  }
0x126: {  	[tilespmem:s0], [sflag:$0x4] =	stream.indirect_vreg.gather [hbm4b:s4+s2], $0x80, v3, vm1, $0xb8;
	[tilespmem:$0x18100] =	vst v63  }
0x127: {  	s26 =	rddreg [dreg:$0x5]  }
0x128: {  	[tilespmem:s2], [sflag:$0x1] =	stream.linear.gather [hbm4b:s26+s2], $0x80, $0x38;
	[tilespmem:$0x18100] =	vst v63  }
0x129: {  	_ =	swait.ge [sflag:s28], $0xC000  }
0x12a: {  	[sflag:s28] =	ssyncset.done $0x0  }
0x12b: {  	s14 =	simm.s32 $0xC100;
	s1 =	rddreg [dreg:$0x6];
	[sflag:s28] =	ssyncadd.s32 $0xFFFF4000  }
0x12c: {  	[hbm4b:s1+s2] =	stream.linear.scatter [tilespmem:s14], [sflag:$0x6], $0xC000, $0x38;
	[tilespmem:$0x18100] =	vst v63  }
0x12d: {  	_ =	swait.ge [sflag:s29], $0xC000  }
0x12e: {  	[sflag:s29] =	ssyncset.done $0x0  }
0x12f: {  	[sflag:s29] =	ssyncadd.s32 $0xFFFF4000  }
0x130: {  	_ =	swait.ge [sflag:s15], $0x80  }
0x131: {  	[sflag:s15] =	ssyncset.done $0x0  }
0x132: {  	[sflag:s15] =	ssyncadd.s32 $0xFFFFFF80  }
0x133: {  	v3 =	vld [tilespmem:$0x0];
	_ =	sdelay $0x4  }
0x134: {  	v16 =	vshrl.u32 v3, $0x3  }
0x135: {  	v4 =	vmul.u32 $0x18, v16  }
0x136: {  	v3 =	vand.u32 $0x7, v3  }
0x137: {  	v3 =	vor.u32 v3, v4  }
0x138: {  	v4 =	vperm.xlane v3, v0;
	_ =	sdelay $0x1  }
0x139: {  	v4 =	vadd.s32 v1, v4;
	_ =	sdelay $0x1  }
0x13a: {  	v3 =	vperm.xlane v3, v2;
	_ =	sdelay $0x1  }
0x13b: {  	s1 =	simm.s32 $0x100;
	v3 =	vadd.s32 v1, v3  }
0x13c: {  	[tilespmem:s1], [sflag:$0x3] =	stream.indirect_vreg.gather [hbm4b:s3+s2], $0x80, v4, vm0, $0xb8;
	[tilespmem:$0x18100] =	vst v63  }
0x13d: {  	s6 =	simm.s32 $0x900  }
0x13e: {  	[tilespmem:s6], [sflag:$0x3] =	stream.indirect_vreg.gather [hbm4b:s4+s2], $0x80, v4, vm1, $0xb8;
	[tilespmem:$0x18100] =	vst v63  }
0x13f: {  	s14 =	simm.s32 $0xD00  }
0x140: {  	[tilespmem:s14], [sflag:$0x3] =	stream.indirect_vreg.gather [hbm4b:s3+s2], $0x80, v3, vm0, $0xb8;
	[tilespmem:$0x18100] =	vst v63  }
0x141: {  	s19 =	simm.s32 $0x1500  }
0x142: {  	[tilespmem:s19], [sflag:$0x3] =	stream.indirect_vreg.gather [hbm4b:s4+s2], $0x80, v3, vm1, $0xb8;
	[tilespmem:$0x18100] =	vst v63  }
0x143: {  	v3 =	vld [tilespmem:$0x10];
	_ =	sdelay $0x4  }
0x144: {  	v17 =	vshrl.u32 v3, $0x3  }
0x145: {  	v4 =	vmul.u32 $0x18, v17  }
0x146: {  	v3 =	vand.u32 $0x7, v3  }
0x147: {  	v3 =	vor.u32 v3, v4  }
0x148: {  	v4 =	vperm.xlane v3, v0;
	_ =	sdelay $0x1  }
0x149: {  	v4 =	vadd.s32 v1, v4;
	_ =	sdelay $0x1  }
0x14a: {  	v3 =	vperm.xlane v3, v2;
	_ =	sdelay $0x1  }
0x14b: {  	s6 =	simm.s32 $0x1900;
	v3 =	vadd.s32 v1, v3  }
0x14c: {  	[tilespmem:s6], [sflag:$0x3] =	stream.indirect_vreg.gather [hbm4b:s3+s2], $0x80, v4, vm0, $0xb8;
	[tilespmem:$0x18100] =	vst v63  }
0x14d: {  	s19 =	simm.s32 $0x2100  }
0x14e: {  	[tilespmem:s19], [sflag:$0x3] =	stream.indirect_vreg.gather [hbm4b:s4+s2], $0x80, v4, vm1, $0xb8;
	[tilespmem:$0x18100] =	vst v63  }
0x14f: {  	s20 =	simm.s32 $0x2500  }
0x150: {  	[tilespmem:s20], [sflag:$0x3] =	stream.indirect_vreg.gather [hbm4b:s3+s2], $0x80, v3, vm0, $0xb8;
	[tilespmem:$0x18100] =	vst v63  }
0x151: {  	s21 =	simm.s32 $0x2D00  }
0x152: {  	[tilespmem:s21], [sflag:$0x3] =	stream.indirect_vreg.gather [hbm4b:s4+s2], $0x80, v3, vm1, $0xb8;
	[tilespmem:$0x18100] =	vst v63  }
0x153: {  	v3 =	vld [tilespmem:$0x20];
	_ =	sdelay $0x4  }
0x154: {  	v18 =	vshrl.u32 v3, $0x3  }
0x155: {  	v4 =	vmul.u32 $0x18, v18  }
0x156: {  	v3 =	vand.u32 $0x7, v3  }
0x157: {  	v3 =	vor.u32 v3, v4  }
0x158: {  	v4 =	vperm.xlane v3, v0;
	_ =	sdelay $0x1  }
0x159: {  	v4 =	vadd.s32 v1, v4;
	_ =	sdelay $0x1  }
0x15a: {  	v3 =	vperm.xlane v3, v2;
	_ =	sdelay $0x1  }
0x15b: {  	s21 =	simm.s32 $0x3100;
	v3 =	vadd.s32 v1, v3  }
0x15c: {  	[tilespmem:s21], [sflag:$0x3] =	stream.indirect_vreg.gather [hbm4b:s3+s2], $0x80, v4, vm0, $0xb8;
	[tilespmem:$0x18100] =	vst v63  }
0x15d: {  	s22 =	simm.s32 $0x3900  }
0x15e: {  	[tilespmem:s22], [sflag:$0x3] =	stream.indirect_vreg.gather [hbm4b:s4+s2], $0x80, v4, vm1, $0xb8;
	[tilespmem:$0x18100] =	vst v63  }
0x15f: {  	s23 =	simm.s32 $0x3D00  }
0x160: {  	[tilespmem:s23], [sflag:$0x3] =	stream.indirect_vreg.gather [hbm4b:s3+s2], $0x80, v3, vm0, $0xb8;
	[tilespmem:$0x18100] =	vst v63  }
0x161: {  	s24 =	simm.s32 $0x4500  }
0x162: {  	[tilespmem:s24], [sflag:$0x3] =	stream.indirect_vreg.gather [hbm4b:s4+s2], $0x80, v3, vm1, $0xb8;
	[tilespmem:$0x18100] =	vst v63  }
0x163: {  	v3 =	vld [tilespmem:$0x30];
	_ =	sdelay $0x4  }
0x164: {  	v19 =	vshrl.u32 v3, $0x3  }
0x165: {  	v4 =	vmul.u32 $0x18, v19  }
0x166: {  	v3 =	vand.u32 $0x7, v3  }
0x167: {  	v3 =	vor.u32 v3, v4  }
0x168: {  	v4 =	vperm.xlane v3, v0;
	_ =	sdelay $0x1  }
0x169: {  	v4 =	vadd.s32 v1, v4;
	_ =	sdelay $0x1  }
0x16a: {  	v3 =	vperm.xlane v3, v2;
	_ =	sdelay $0x1  }
0x16b: {  	s24 =	simm.s32 $0x4900;
	v3 =	vadd.s32 v1, v3  }
0x16c: {  	[tilespmem:s24], [sflag:$0x3] =	stream.indirect_vreg.gather [hbm4b:s3+s2], $0x80, v4, vm0, $0xb8;
	[tilespmem:$0x18100] =	vst v63  }
0x16d: {  	s25 =	simm.s32 $0x5100  }
0x16e: {  	[tilespmem:s25], [sflag:$0x3] =	stream.indirect_vreg.gather [hbm4b:s4+s2], $0x80, v4, vm1, $0xb8;
	[tilespmem:$0x18100] =	vst v63  }
0x16f: {  	s26 =	simm.s32 $0x5500  }
0x170: {  	[tilespmem:s26], [sflag:$0x3] =	stream.indirect_vreg.gather [hbm4b:s3+s2], $0x80, v3, vm0, $0xb8;
	[tilespmem:$0x18100] =	vst v63  }
0x171: {  	s7 =	simm.s32 $0x5D00  }
0x172: {  	[tilespmem:s7], [sflag:$0x3] =	stream.indirect_vreg.gather [hbm4b:s4+s2], $0x80, v3, vm1, $0xb8;
	[tilespmem:$0x18100] =	vst v63  }
0x173: {  	v3 =	vld [tilespmem:$0x40];
	_ =	sdelay $0x4  }
0x174: {  	v20 =	vshrl.u32 v3, $0x3  }
0x175: {  	v4 =	vmul.u32 $0x18, v20  }
0x176: {  	v3 =	vand.u32 $0x7, v3  }
0x177: {  	v3 =	vor.u32 v3, v4  }
0x178: {  	v4 =	vperm.xlane v3, v0;
	_ =	sdelay $0x1  }
0x179: {  	v4 =	vadd.s32 v1, v4;
	_ =	sdelay $0x1  }
0x17a: {  	v3 =	vperm.xlane v3, v2;
	_ =	sdelay $0x1  }
0x17b: {  	s7 =	simm.s32 $0x6100;
	v3 =	vadd.s32 v1, v3  }
0x17c: {  	[tilespmem:s7], [sflag:$0x3] =	stream.indirect_vreg.gather [hbm4b:s3+s2], $0x80, v4, vm0, $0xb8;
	[tilespmem:$0x18100] =	vst v63  }
0x17d: {  	s31 =	simm.s32 $0x6900  }
0x17e: {  	[tilespmem:s31], [sflag:$0x3] =	stream.indirect_vreg.gather [hbm4b:s4+s2], $0x80, v4, vm1, $0xb8;
	[tilespmem:$0x18100] =	vst v63  }
0x17f: {  	s6 =	simm.s32 $0x6D00  }
0x180: {  	[tilespmem:s6], [sflag:$0x3] =	stream.indirect_vreg.gather [hbm4b:s3+s2], $0x80, v3, vm0, $0xb8;
	[tilespmem:$0x18100] =	vst v63  }
0x181: {  	s8 =	simm.s32 $0x7500  }
0x182: {  	[tilespmem:s8], [sflag:$0x3] =	stream.indirect_vreg.gather [hbm4b:s4+s2], $0x80, v3, vm1, $0xb8;
	[tilespmem:$0x18100] =	vst v63  }
0x183: {  	v3 =	vld [tilespmem:$0x50];
	_ =	sdelay $0x4  }
0x184: {  	v21 =	vshrl.u32 v3, $0x3  }
0x185: {  	v4 =	vmul.u32 $0x18, v21  }
0x186: {  	v3 =	vand.u32 $0x7, v3  }
0x187: {  	v3 =	vor.u32 v3, v4  }
0x188: {  	v4 =	vperm.xlane v3, v0;
	_ =	sdelay $0x1  }
0x189: {  	v4 =	vadd.s32 v1, v4;
	_ =	sdelay $0x1  }
0x18a: {  	v3 =	vperm.xlane v3, v2;
	_ =	sdelay $0x1  }
0x18b: {  	s7 =	simm.s32 $0x7900;
	v3 =	vadd.s32 v1, v3  }
0x18c: {  	[tilespmem:s7], [sflag:$0x3] =	stream.indirect_vreg.gather [hbm4b:s3+s2], $0x80, v4, vm0, $0xb8;
	[tilespmem:$0x18100] =	vst v63  }
0x18d: {  	s8 =	simm.s32 $0x8100  }
0x18e: {  	[tilespmem:s8], [sflag:$0x3] =	stream.indirect_vreg.gather [hbm4b:s4+s2], $0x80, v4, vm1, $0xb8;
	[tilespmem:$0x18100] =	vst v63  }
0x18f: {  	s31 =	simm.s32 $0x8500  }
0x190: {  	[tilespmem:s31], [sflag:$0x3] =	stream.indirect_vreg.gather [hbm4b:s3+s2], $0x80, v3, vm0, $0xb8;
	[tilespmem:$0x18100] =	vst v63  }
0x191: {  	s9 =	simm.s32 $0x8D00  }
0x192: {  	[tilespmem:s9], [sflag:$0x3] =	stream.indirect_vreg.gather [hbm4b:s4+s2], $0x80, v3, vm1, $0xb8;
	[tilespmem:$0x18100] =	vst v63  }
0x193: {  	v3 =	vld [tilespmem:$0x60];
	_ =	sdelay $0x4  }
0x194: {  	v22 =	vshrl.u32 v3, $0x3  }
0x195: {  	v4 =	vmul.u32 $0x18, v22  }
0x196: {  	v3 =	vand.u32 $0x7, v3  }
0x197: {  	v3 =	vor.u32 v3, v4  }
0x198: {  	v4 =	vperm.xlane v3, v0;
	_ =	sdelay $0x1  }
0x199: {  	v4 =	vadd.s32 v1, v4;
	_ =	sdelay $0x1  }
0x19a: {  	v3 =	vperm.xlane v3, v2;
	_ =	sdelay $0x1  }
0x19b: {  	s6 =	simm.s32 $0x9100;
	v3 =	vadd.s32 v1, v3  }
0x19c: {  	[tilespmem:s6], [sflag:$0x3] =	stream.indirect_vreg.gather [hbm4b:s3+s2], $0x80, v4, vm0, $0xb8;
	[tilespmem:$0x18100] =	vst v63  }
0x19d: {  	s13 =	simm.s32 $0x9900  }
0x19e: {  	[tilespmem:s13], [sflag:$0x3] =	stream.indirect_vreg.gather [hbm4b:s4+s2], $0x80, v4, vm1, $0xb8;
	[tilespmem:$0x18100] =	vst v63  }
0x19f: {  	s7 =	simm.s32 $0x9D00  }
0x1a0: {  	[tilespmem:s7], [sflag:$0x3] =	stream.indirect_vreg.gather [hbm4b:s3+s2], $0x80, v3, vm0, $0xb8;
	[tilespmem:$0x18100] =	vst v63  }
0x1a1: {  	s10 =	simm.s32 $0xA500  }
0x1a2: {  	[tilespmem:s10], [sflag:$0x3] =	stream.indirect_vreg.gather [hbm4b:s4+s2], $0x80, v3, vm1, $0xb8;
	[tilespmem:$0x18100] =	vst v63  }
0x1a3: {  	v3 =	vld [tilespmem:$0x70];
	_ =	sdelay $0x4  }
0x1a4: {  	v23 =	vshrl.u32 v3, $0x3  }
0x1a5: {  	v4 =	vmul.u32 $0x18, v23  }
0x1a6: {  	v3 =	vand.u32 $0x7, v3  }
0x1a7: {  	v3 =	vor.u32 v3, v4  }
0x1a8: {  	v4 =	vperm.xlane v3, v0;
	_ =	sdelay $0x1  }
0x1a9: {  	v4 =	vadd.s32 v1, v4;
	_ =	sdelay $0x1  }
0x1aa: {  	v3 =	vperm.xlane v3, v2;
	_ =	sdelay $0x1  }
0x1ab: {  	s8 =	simm.s32 $0xA900;
	v3 =	vadd.s32 v1, v3  }
0x1ac: {  	[tilespmem:s8], [sflag:$0x3] =	stream.indirect_vreg.gather [hbm4b:s3+s2], $0x80, v4, vm0, $0xb8;
	[tilespmem:$0x18100] =	vst v63  }
0x1ad: {  	s9 =	simm.s32 $0xB100  }
0x1ae: {  	[tilespmem:s9], [sflag:$0x3] =	stream.indirect_vreg.gather [hbm4b:s4+s2], $0x80, v4, vm1, $0xb8;
	[tilespmem:$0x18100] =	vst v63  }
0x1af: {  	s11 =	simm.s32 $0xB500  }
0x1b0: {  	[tilespmem:s11], [sflag:$0x3] =	stream.indirect_vreg.gather [hbm4b:s3+s2], $0x80, v3, vm0, $0xb8;
	[tilespmem:$0x18100] =	vst v63  }
0x1b1: {  	s11 =	simm.s32 $0xBD00  }
0x1b2: {  	[tilespmem:s11], [sflag:$0x3] =	stream.indirect_vreg.gather [hbm4b:s4+s2], $0x80, v3, vm1, $0xb8;
	[tilespmem:$0x18100] =	vst v63  }
0x1b3: {  	s12 =	simm.s32 $0x80;
	s10 =	rddreg [dreg:$0x7]  }
0x1b4: {  	[tilespmem:s12], [sflag:$0x2] =	stream.linear.gather [hbm4b:s10+s2], $0x80, $0x38;
	[tilespmem:$0x18100] =	vst v63  }
0x1b5: {  	_ =	swait.ge [sflag:s18], $0xC000  }
0x1b6: {  	[sflag:s18] =	ssyncset.done $0x0  }
0x1b7: {  	s13 =	rddreg [dreg:$0x8];
	[sflag:s18] =	ssyncadd.s32 $0xFFFF4000  }
0x1b8: {  	[hbm4b:s13+s2] =	stream.linear.scatter [tilespmem:s1], [sflag:$0x5], $0xC000, $0x38;
	[tilespmem:$0x18100] =	vst v63  }
0x1b9: {  	_ =	swait.ge [sflag:s30], $0xC000  }
0x1ba: {  	[sflag:s30] =	ssyncset.done $0x0  }
0x1bb: {  	[sflag:s30] =	ssyncadd.s32 $0xFFFF4000  }
0x1bc: {  	_ =	swait.ge [sflag:s16], $0x80  }
0x1bd: {  	[sflag:s16] =	ssyncset.done $0x0  }
0x1be: {  	[sflag:s16] =	ssyncadd.s32 $0xFFFFFF80  }
0x1bf: {  	v3 =	vld [tilespmem:$0x80];
	_ =	sdelay $0x4  }
0x1c0: {  	v24 =	vshrl.u32 v3, $0x3  }
0x1c1: {  	v4 =	vmul.u32 $0x18, v24  }
0x1c2: {  	v3 =	vand.u32 $0x7, v3  }
0x1c3: {  	v3 =	vor.u32 v3, v4  }
0x1c4: {  	v4 =	vperm.xlane v3, v0;
	_ =	sdelay $0x1  }
0x1c5: {  	v4 =	vadd.s32 v1, v4;
	_ =	sdelay $0x1  }
0x1c6: {  	v3 =	vperm.xlane v3, v2;
	_ =	sdelay $0x1  }
0x1c7: {  	s17 =	simm.s32 $0xC100;
	v3 =	vadd.s32 v1, v3  }
0x1c8: {  	[tilespmem:s17], [sflag:$0x4] =	stream.indirect_vreg.gather [hbm4b:s3+s2], $0x80, v4, vm0, $0xb8;
	[tilespmem:$0x18100] =	vst v63  }
0x1c9: {  	s31 =	simm.s32 $0xC900  }
0x1ca: {  	[tilespmem:s31], [sflag:$0x4] =	stream.indirect_vreg.gather [hbm4b:s4+s2], $0x80, v4, vm1, $0xb8;
	[tilespmem:$0x18100] =	vst v63  }
0x1cb: {  	s7 =	simm.s32 $0xCD00  }
0x1cc: {  	[tilespmem:s7], [sflag:$0x4] =	stream.indirect_vreg.gather [hbm4b:s3+s2], $0x80, v3, vm0, $0xb8;
	[tilespmem:$0x18100] =	vst v63  }
0x1cd: {  	s17 =	simm.s32 $0xD500  }
0x1ce: {  	[tilespmem:s17], [sflag:$0x4] =	stream.indirect_vreg.gather [hbm4b:s4+s2], $0x80, v3, vm1, $0xb8;
	[tilespmem:$0x18100] =	vst v63  }
0x1cf: {  	v3 =	vld [tilespmem:$0x90];
	_ =	sdelay $0x4  }
0x1d0: {  	v25 =	vshrl.u32 v3, $0x3  }
0x1d1: {  	v4 =	vmul.u32 $0x18, v25  }
0x1d2: {  	v3 =	vand.u32 $0x7, v3  }
0x1d3: {  	v3 =	vor.u32 v3, v4  }
0x1d4: {  	v4 =	vperm.xlane v3, v0;
	_ =	sdelay $0x1  }
0x1d5: {  	v4 =	vadd.s32 v1, v4;
	_ =	sdelay $0x1  }
0x1d6: {  	v3 =	vperm.xlane v3, v2;
	_ =	sdelay $0x1  }
0x1d7: {  	s8 =	simm.s32 $0xD900;
	v3 =	vadd.s32 v1, v3  }
0x1d8: {  	[tilespmem:s8], [sflag:$0x4] =	stream.indirect_vreg.gather [hbm4b:s3+s2], $0x80, v4, vm0, $0xb8;
	[tilespmem:$0x18100] =	vst v63  }
0x1d9: {  	s9 =	simm.s32 $0xE100  }
0x1da: {  	[tilespmem:s9], [sflag:$0x4] =	stream.indirect_vreg.gather [hbm4b:s4+s2], $0x80, v4, vm1, $0xb8;
	[tilespmem:$0x18100] =	vst v63  }
0x1db: {  	s10 =	simm.s32 $0xE500  }
0x1dc: {  	[tilespmem:s10], [sflag:$0x4] =	stream.indirect_vreg.gather [hbm4b:s3+s2], $0x80, v3, vm0, $0xb8;
	[tilespmem:$0x18100] =	vst v63  }
0x1dd: {  	s7 =	simm.s32 $0xED00  }
0x1de: {  	[tilespmem:s7], [sflag:$0x4] =	stream.indirect_vreg.gather [hbm4b:s4+s2], $0x80, v3, vm1, $0xb8;
	[tilespmem:$0x18100] =	vst v63  }
0x1df: {  	v3 =	vld [tilespmem:$0xA0];
	_ =	sdelay $0x4  }
0x1e0: {  	v26 =	vshrl.u32 v3, $0x3  }
0x1e1: {  	v4 =	vmul.u32 $0x18, v26  }
0x1e2: {  	v3 =	vand.u32 $0x7, v3  }
0x1e3: {  	v3 =	vor.u32 v3, v4  }
0x1e4: {  	v4 =	vperm.xlane v3, v0;
	_ =	sdelay $0x1  }
0x1e5: {  	v4 =	vadd.s32 v1, v4;
	_ =	sdelay $0x1  }
0x1e6: {  	v3 =	vperm.xlane v3, v2;
	_ =	sdelay $0x1  }
0x1e7: {  	s11 =	simm.s32 $0xF100;
	v3 =	vadd.s32 v1, v3  }
0x1e8: {  	[tilespmem:s11], [sflag:$0x4] =	stream.indirect_vreg.gather [hbm4b:s3+s2], $0x80, v4, vm0, $0xb8;
	[tilespmem:$0x18100] =	vst v63  }
0x1e9: {  	s12 =	simm.s32 $0xF900  }
0x1ea: {  	[tilespmem:s12], [sflag:$0x4] =	stream.indirect_vreg.gather [hbm4b:s4+s2], $0x80, v4, vm1, $0xb8;
	[tilespmem:$0x18100] =	vst v63  }
0x1eb: {  	s13 =	simm.s32 $0xFD00  }
0x1ec: {  	[tilespmem:s13], [sflag:$0x4] =	stream.indirect_vreg.gather [hbm4b:s3+s2], $0x80, v3, vm0, $0xb8;
	[tilespmem:$0x18100] =	vst v63  }
0x1ed: {  	s8 =	simm.s32 $0x10500  }
0x1ee: {  	[tilespmem:s8], [sflag:$0x4] =	stream.indirect_vreg.gather [hbm4b:s4+s2], $0x80, v3, vm1, $0xb8;
	[tilespmem:$0x18100] =	vst v63  }
0x1ef: {  	v3 =	vld [tilespmem:$0xB0];
	_ =	sdelay $0x4  }
0x1f0: {  	v27 =	vshrl.u32 v3, $0x3  }
0x1f1: {  	v4 =	vmul.u32 $0x18, v27  }
0x1f2: {  	v3 =	vand.u32 $0x7, v3  }
0x1f3: {  	v3 =	vor.u32 v3, v4  }
0x1f4: {  	v4 =	vperm.xlane v3, v0;
	_ =	sdelay $0x1  }
0x1f5: {  	v4 =	vadd.s32 v1, v4;
	_ =	sdelay $0x1  }
0x1f6: {  	v3 =	vperm.xlane v3, v2;
	_ =	sdelay $0x1  }
0x1f7: {  	s31 =	simm.s32 $0x10900;
	v3 =	vadd.s32 v1, v3  }
0x1f8: {  	[tilespmem:s31], [sflag:$0x4] =	stream.indirect_vreg.gather [hbm4b:s3+s2], $0x80, v4, vm0, $0xb8;
	[tilespmem:$0x18100] =	vst v63  }
0x1f9: {  	s9 =	simm.s32 $0x11100  }
0x1fa: {  	[tilespmem:s9], [sflag:$0x4] =	stream.indirect_vreg.gather [hbm4b:s4+s2], $0x80, v4, vm1, $0xb8;
	[tilespmem:$0x18100] =	vst v63  }
0x1fb: {  	s10 =	simm.s32 $0x11500  }
0x1fc: {  	[tilespmem:s10], [sflag:$0x4] =	stream.indirect_vreg.gather [hbm4b:s3+s2], $0x80, v3, vm0, $0xb8;
	[tilespmem:$0x18100] =	vst v63  }
0x1fd: {  	s9 =	simm.s32 $0x11D00  }
0x1fe: {  	[tilespmem:s9], [sflag:$0x4] =	stream.indirect_vreg.gather [hbm4b:s4+s2], $0x80, v3, vm1, $0xb8;
	[tilespmem:$0x18100] =	vst v63  }
0x1ff: {  	v3 =	vld [tilespmem:$0xC0];
	_ =	sdelay $0x4  }
0x200: {  	v28 =	vshrl.u32 v3, $0x3  }
0x201: {  	v4 =	vmul.u32 $0x18, v28  }
0x202: {  	v3 =	vand.u32 $0x7, v3  }
0x203: {  	v3 =	vor.u32 v3, v4  }
0x204: {  	v4 =	vperm.xlane v3, v0;
	_ =	sdelay $0x1  }
0x205: {  	v4 =	vadd.s32 v1, v4;
	_ =	sdelay $0x1  }
0x206: {  	v3 =	vperm.xlane v3, v2;
	_ =	sdelay $0x1  }
0x207: {  	s11 =	simm.s32 $0x12100;
	v3 =	vadd.s32 v1, v3  }
0x208: {  	[tilespmem:s11], [sflag:$0x4] =	stream.indirect_vreg.gather [hbm4b:s3+s2], $0x80, v4, vm0, $0xb8;
	[tilespmem:$0x18100] =	vst v63  }
0x209: {  	s12 =	simm.s32 $0x12900  }
0x20a: {  	[tilespmem:s12], [sflag:$0x4] =	stream.indirect_vreg.gather [hbm4b:s4+s2], $0x80, v4, vm1, $0xb8;
	[tilespmem:$0x18100] =	vst v63  }
0x20b: {  	s13 =	simm.s32 $0x12D00  }
0x20c: {  	[tilespmem:s13], [sflag:$0x4] =	stream.indirect_vreg.gather [hbm4b:s3+s2], $0x80, v3, vm0, $0xb8;
	[tilespmem:$0x18100] =	vst v63  }
0x20d: {  	s10 =	simm.s32 $0x13500  }
0x20e: {  	[tilespmem:s10], [sflag:$0x4] =	stream.indirect_vreg.gather [hbm4b:s4+s2], $0x80, v3, vm1, $0xb8;
	[tilespmem:$0x18100] =	vst v63  }
0x20f: {  	v3 =	vld [tilespmem:$0xD0];
	_ =	sdelay $0x4  }
0x210: {  	v29 =	vshrl.u32 v3, $0x3  }
0x211: {  	v4 =	vmul.u32 $0x18, v29  }
0x212: {  	v3 =	vand.u32 $0x7, v3  }
0x213: {  	v3 =	vor.u32 v3, v4  }
0x214: {  	v4 =	vperm.xlane v3, v0;
	_ =	sdelay $0x1  }
0x215: {  	v4 =	vadd.s32 v1, v4;
	_ =	sdelay $0x1  }
0x216: {  	v3 =	vperm.xlane v3, v2;
	_ =	sdelay $0x1  }
0x217: {  	s31 =	simm.s32 $0x13900;
	v3 =	vadd.s32 v1, v3  }
0x218: {  	[tilespmem:s31], [sflag:$0x4] =	stream.indirect_vreg.gather [hbm4b:s3+s2], $0x80, v4, vm0, $0xb8;
	[tilespmem:$0x18100] =	vst v63  }
0x219: {  	s11 =	simm.s32 $0x14100  }
0x21a: {  	[tilespmem:s11], [sflag:$0x4] =	stream.indirect_vreg.gather [hbm4b:s4+s2], $0x80, v4, vm1, $0xb8;
	[tilespmem:$0x18100] =	vst v63  }
0x21b: {  	s12 =	simm.s32 $0x14500  }
0x21c: {  	[tilespmem:s12], [sflag:$0x4] =	stream.indirect_vreg.gather [hbm4b:s3+s2], $0x80, v3, vm0, $0xb8;
	[tilespmem:$0x18100] =	vst v63  }
0x21d: {  	s11 =	simm.s32 $0x14D00  }
0x21e: {  	[tilespmem:s11], [sflag:$0x4] =	stream.indirect_vreg.gather [hbm4b:s4+s2], $0x80, v3, vm1, $0xb8;
	[tilespmem:$0x18100] =	vst v63  }
0x21f: {  	v3 =	vld [tilespmem:$0xE0];
	_ =	sdelay $0x4  }
0x220: {  	v30 =	vshrl.u32 v3, $0x3  }
0x221: {  	v4 =	vmul.u32 $0x18, v30  }
0x222: {  	v3 =	vand.u32 $0x7, v3  }
0x223: {  	v3 =	vor.u32 v3, v4  }
0x224: {  	v4 =	vperm.xlane v3, v0;
	_ =	sdelay $0x1  }
0x225: {  	v4 =	vadd.s32 v1, v4;
	_ =	sdelay $0x1  }
0x226: {  	v3 =	vperm.xlane v3, v2;
	_ =	sdelay $0x1  }
0x227: {  	s13 =	simm.s32 $0x15100;
	v3 =	vadd.s32 v1, v3  }
0x228: {  	[tilespmem:s13], [sflag:$0x4] =	stream.indirect_vreg.gather [hbm4b:s3+s2], $0x80, v4, vm0, $0xb8;
	[tilespmem:$0x18100] =	vst v63  }
0x229: {  	s31 =	simm.s32 $0x15900  }
0x22a: {  	[tilespmem:s31], [sflag:$0x4] =	stream.indirect_vreg.gather [hbm4b:s4+s2], $0x80, v4, vm1, $0xb8;
	[tilespmem:$0x18100] =	vst v63  }
0x22b: {  	s12 =	simm.s32 $0x15D00  }
0x22c: {  	[tilespmem:s12], [sflag:$0x4] =	stream.indirect_vreg.gather [hbm4b:s3+s2], $0x80, v3, vm0, $0xb8;
	[tilespmem:$0x18100] =	vst v63  }
0x22d: {  	s12 =	simm.s32 $0x16500  }
0x22e: {  	[tilespmem:s12], [sflag:$0x4] =	stream.indirect_vreg.gather [hbm4b:s4+s2], $0x80, v3, vm1, $0xb8;
	[tilespmem:$0x18100] =	vst v63  }
0x22f: {  	v3 =	vld [tilespmem:$0xF0];
	_ =	sdelay $0x4  }
0x230: {  	v31 =	vshrl.u32 v3, $0x3  }
0x231: {  	v4 =	vmul.u32 $0x18, v31  }
0x232: {  	v3 =	vand.u32 $0x7, v3  }
0x233: {  	v3 =	vor.u32 v3, v4  }
0x234: {  	v4 =	vperm.xlane v3, v0;
	_ =	sdelay $0x1  }
0x235: {  	v4 =	vadd.s32 v1, v4;
	_ =	sdelay $0x1  }
0x236: {  	v3 =	vperm.xlane v3, v2;
	_ =	sdelay $0x1  }
0x237: {  	s13 =	simm.s32 $0x16900;
	v3 =	vadd.s32 v1, v3  }
0x238: {  	[tilespmem:s13], [sflag:$0x4] =	stream.indirect_vreg.gather [hbm4b:s3+s2], $0x80, v4, vm0, $0xb8;
	[tilespmem:$0x18100] =	vst v63  }
0x239: {  	s31 =	simm.s32 $0x17100  }
0x23a: {  	[tilespmem:s31], [sflag:$0x4] =	stream.indirect_vreg.gather [hbm4b:s4+s2], $0x80, v4, vm1, $0xb8;
	[tilespmem:$0x18100] =	vst v63  }
0x23b: {  	s13 =	simm.s32 $0x17500  }
0x23c: {  	[tilespmem:s13], [sflag:$0x4] =	stream.indirect_vreg.gather [hbm4b:s3+s2], $0x80, v3, vm0, $0xb8;
	[tilespmem:$0x18100] =	vst v63  }
0x23d: {  	s0 =	simm.s32 $0x17D00  }
0x23e: {  	[tilespmem:s0], [sflag:$0x4] =	stream.indirect_vreg.gather [hbm4b:s4+s2], $0x80, v3, vm1, $0xb8;
	[tilespmem:$0x18100] =	vst v63  }
0x23f: {  	s31 =	rddreg [dreg:$0x9]  }
0x240: {  	[tilespmem:s2], [sflag:$0x1] =	stream.linear.gather [hbm4b:s31+s2], $0x80, $0x38;
	[tilespmem:$0x18100] =	vst v63  }
0x241: {  	_ =	swait.ge [sflag:s28], $0xC000  }
0x242: {  	[sflag:s28] =	ssyncset.done $0x0  }
0x243: {  	s1 =	simm.s32 $0xC100;
	s0 =	rddreg [dreg:$0xa];
	[sflag:s28] =	ssyncadd.s32 $0xFFFF4000  }
0x244: {  	[hbm4b:s0+s2] =	stream.linear.scatter [tilespmem:s1], [sflag:$0x6], $0xC000, $0x38;
	[tilespmem:$0x18100] =	vst v63  }
0x245: {  	_ =	swait.ge [sflag:s29], $0xC000  }
0x246: {  	[sflag:s29] =	ssyncset.done $0x0  }
0x247: {  	[sflag:s29] =	ssyncadd.s32 $0xFFFF4000  }
0x248: {  	_ =	swait.ge [sflag:s15], $0x80  }
0x249: {  	[sflag:s15] =	ssyncset.done $0x0  }
0x24a: {  	[sflag:s15] =	ssyncadd.s32 $0xFFFFFF80  }
0x24b: {  	v3 =	vld [tilespmem:$0x0];
	_ =	sdelay $0x4  }
0x24c: {  	v32 =	vshrl.u32 v3, $0x3  }
0x24d: {  	v4 =	vmul.u32 $0x18, v32  }
0x24e: {  	v3 =	vand.u32 $0x7, v3  }
0x24f: {  	v3 =	vor.u32 v3, v4  }
0x250: {  	v4 =	vperm.xlane v3, v0;
	_ =	sdelay $0x1  }
0x251: {  	v4 =	vadd.s32 v1, v4;
	_ =	sdelay $0x1  }
0x252: {  	v3 =	vperm.xlane v3, v2;
	_ =	sdelay $0x1  }
0x253: {  	s6 =	simm.s32 $0x100;
	v3 =	vadd.s32 v1, v3  }
0x254: {  	[tilespmem:s6], [sflag:$0x3] =	stream.indirect_vreg.gather [hbm4b:s3+s2], $0x80, v4, vm0, $0xb8;
	[tilespmem:$0x18100] =	vst v63  }
0x255: {  	s6 =	simm.s32 $0x900  }
0x256: {  	[tilespmem:s6], [sflag:$0x3] =	stream.indirect_vreg.gather [hbm4b:s4+s2], $0x80, v4, vm1, $0xb8;
	[tilespmem:$0x18100] =	vst v63  }
0x257: {  	_ = 	snop  }
0x258: {  	[tilespmem:s14], [sflag:$0x3] =	stream.indirect_vreg.gather [hbm4b:s3+s2], $0x80, v3, vm0, $0xb8;
	[tilespmem:$0x18100] =	vst v63  }
0x259: {  	s14 =	simm.s32 $0x1500  }
0x25a: {  	[tilespmem:s14], [sflag:$0x3] =	stream.indirect_vreg.gather [hbm4b:s4+s2], $0x80, v3, vm1, $0xb8;
	[tilespmem:$0x18100] =	vst v63  }
0x25b: {  	v3 =	vld [tilespmem:$0x10];
	_ =	sdelay $0x4  }
0x25c: {  	v33 =	vshrl.u32 v3, $0x3  }
0x25d: {  	v4 =	vmul.u32 $0x18, v33  }
0x25e: {  	v3 =	vand.u32 $0x7, v3  }
0x25f: {  	v3 =	vor.u32 v3, v4  }
0x260: {  	v4 =	vperm.xlane v3, v0;
	_ =	sdelay $0x1  }
0x261: {  	v4 =	vadd.s32 v1, v4;
	_ =	sdelay $0x1  }
0x262: {  	v3 =	vperm.xlane v3, v2;
	_ =	sdelay $0x1  }
0x263: {  	s31 =	simm.s32 $0x1900;
	v3 =	vadd.s32 v1, v3  }
0x264: {  	[tilespmem:s31], [sflag:$0x3] =	stream.indirect_vreg.gather [hbm4b:s3+s2], $0x80, v4, vm0, $0xb8;
	[tilespmem:$0x18100] =	vst v63  }
0x265: {  	_ = 	snop  }
0x266: {  	[tilespmem:s19], [sflag:$0x3] =	stream.indirect_vreg.gather [hbm4b:s4+s2], $0x80, v4, vm1, $0xb8;
	[tilespmem:$0x18100] =	vst v63  }
0x267: {  	_ = 	snop  }
0x268: {  	[tilespmem:s20], [sflag:$0x3] =	stream.indirect_vreg.gather [hbm4b:s3+s2], $0x80, v3, vm0, $0xb8;
	[tilespmem:$0x18100] =	vst v63  }
0x269: {  	s1 =	simm.s32 $0x2D00  }
0x26a: {  	[tilespmem:s1], [sflag:$0x3] =	stream.indirect_vreg.gather [hbm4b:s4+s2], $0x80, v3, vm1, $0xb8;
	[tilespmem:$0x18100] =	vst v63  }
0x26b: {  	v3 =	vld [tilespmem:$0x20];
	_ =	sdelay $0x4  }
0x26c: {  	v34 =	vshrl.u32 v3, $0x3  }
0x26d: {  	v4 =	vmul.u32 $0x18, v34  }
0x26e: {  	v3 =	vand.u32 $0x7, v3  }
0x26f: {  	v3 =	vor.u32 v3, v4  }
0x270: {  	v4 =	vperm.xlane v3, v0;
	_ =	sdelay $0x1  }
0x271: {  	v4 =	vadd.s32 v1, v4;
	_ =	sdelay $0x1  }
0x272: {  	v3 =	vperm.xlane v3, v2;
	_ =	sdelay $0x1  }
0x273: {  	v3 =	vadd.s32 v1, v3  }
0x274: {  	[tilespmem:s21], [sflag:$0x3] =	stream.indirect_vreg.gather [hbm4b:s3+s2], $0x80, v4, vm0, $0xb8;
	[tilespmem:$0x18100] =	vst v63  }
0x275: {  	_ = 	snop  }
0x276: {  	[tilespmem:s22], [sflag:$0x3] =	stream.indirect_vreg.gather [hbm4b:s4+s2], $0x80, v4, vm1, $0xb8;
	[tilespmem:$0x18100] =	vst v63  }
0x277: {  	_ = 	snop  }
0x278: {  	[tilespmem:s23], [sflag:$0x3] =	stream.indirect_vreg.gather [hbm4b:s3+s2], $0x80, v3, vm0, $0xb8;
	[tilespmem:$0x18100] =	vst v63  }
0x279: {  	s14 =	simm.s32 $0x4500  }
0x27a: {  	[tilespmem:s14], [sflag:$0x3] =	stream.indirect_vreg.gather [hbm4b:s4+s2], $0x80, v3, vm1, $0xb8;
	[tilespmem:$0x18100] =	vst v63  }
0x27b: {  	v3 =	vld [tilespmem:$0x30];
	_ =	sdelay $0x4  }
0x27c: {  	v35 =	vshrl.u32 v3, $0x3  }
0x27d: {  	v4 =	vmul.u32 $0x18, v35  }
0x27e: {  	v3 =	vand.u32 $0x7, v3  }
0x27f: {  	v3 =	vor.u32 v3, v4  }
0x280: {  	v4 =	vperm.xlane v3, v0;
	_ =	sdelay $0x1  }
0x281: {  	v4 =	vadd.s32 v1, v4;
	_ =	sdelay $0x1  }
0x282: {  	v3 =	vperm.xlane v3, v2;
	_ =	sdelay $0x1  }
0x283: {  	v3 =	vadd.s32 v1, v3  }
0x284: {  	[tilespmem:s24], [sflag:$0x3] =	stream.indirect_vreg.gather [hbm4b:s3+s2], $0x80, v4, vm0, $0xb8;
	[tilespmem:$0x18100] =	vst v63  }
0x285: {  	_ = 	snop  }
0x286: {  	[tilespmem:s25], [sflag:$0x3] =	stream.indirect_vreg.gather [hbm4b:s4+s2], $0x80, v4, vm1, $0xb8;
	[tilespmem:$0x18100] =	vst v63  }
0x287: {  	_ = 	snop  }
0x288: {  	[tilespmem:s26], [sflag:$0x3] =	stream.indirect_vreg.gather [hbm4b:s3+s2], $0x80, v3, vm0, $0xb8;
	[tilespmem:$0x18100] =	vst v63  }
0x289: {  	s19 =	simm.s32 $0x5D00  }
0x28a: {  	[tilespmem:s19], [sflag:$0x3] =	stream.indirect_vreg.gather [hbm4b:s4+s2], $0x80, v3, vm1, $0xb8;
	[tilespmem:$0x18100] =	vst v63  }
0x28b: {  	v3 =	vld [tilespmem:$0x40];
	_ =	sdelay $0x4  }
0x28c: {  	v36 =	vshrl.u32 v3, $0x3  }
0x28d: {  	v4 =	vmul.u32 $0x18, v36  }
0x28e: {  	v3 =	vand.u32 $0x7, v3  }
0x28f: {  	v3 =	vor.u32 v3, v4  }
0x290: {  	v4 =	vperm.xlane v3, v0;
	_ =	sdelay $0x1  }
0x291: {  	v4 =	vadd.s32 v1, v4;
	_ =	sdelay $0x1  }
0x292: {  	v3 =	vperm.xlane v3, v2;
	_ =	sdelay $0x1  }
0x293: {  	s31 =	simm.s32 $0x6100;
	v3 =	vadd.s32 v1, v3  }
0x294: {  	[tilespmem:s31], [sflag:$0x3] =	stream.indirect_vreg.gather [hbm4b:s3+s2], $0x80, v4, vm0, $0xb8;
	[tilespmem:$0x18100] =	vst v63  }
0x295: {  	s6 =	simm.s32 $0x6900  }
0x296: {  	[tilespmem:s6], [sflag:$0x3] =	stream.indirect_vreg.gather [hbm4b:s4+s2], $0x80, v4, vm1, $0xb8;
	[tilespmem:$0x18100] =	vst v63  }
0x297: {  	s19 =	simm.s32 $0x6D00  }
0x298: {  	[tilespmem:s19], [sflag:$0x3] =	stream.indirect_vreg.gather [hbm4b:s3+s2], $0x80, v3, vm0, $0xb8;
	[tilespmem:$0x18100] =	vst v63  }
0x299: {  	s1 =	simm.s32 $0x7500  }
0x29a: {  	[tilespmem:s1], [sflag:$0x3] =	stream.indirect_vreg.gather [hbm4b:s4+s2], $0x80, v3, vm1, $0xb8;
	[tilespmem:$0x18100] =	vst v63  }
0x29b: {  	v3 =	vld [tilespmem:$0x50];
	_ =	sdelay $0x4  }
0x29c: {  	v37 =	vshrl.u32 v3, $0x3  }
0x29d: {  	v4 =	vmul.u32 $0x18, v37  }
0x29e: {  	v3 =	vand.u32 $0x7, v3  }
0x29f: {  	v3 =	vor.u32 v3, v4  }
0x2a0: {  	v4 =	vperm.xlane v3, v0;
	_ =	sdelay $0x1  }
0x2a1: {  	v4 =	vadd.s32 v1, v4;
	_ =	sdelay $0x1  }
0x2a2: {  	v3 =	vperm.xlane v3, v2;
	_ =	sdelay $0x1  }
0x2a3: {  	s14 =	simm.s32 $0x7900;
	v3 =	vadd.s32 v1, v3  }
0x2a4: {  	[tilespmem:s14], [sflag:$0x3] =	stream.indirect_vreg.gather [hbm4b:s3+s2], $0x80, v4, vm0, $0xb8;
	[tilespmem:$0x18100] =	vst v63  }
0x2a5: {  	s1 =	simm.s32 $0x8100  }
0x2a6: {  	[tilespmem:s1], [sflag:$0x3] =	stream.indirect_vreg.gather [hbm4b:s4+s2], $0x80, v4, vm1, $0xb8;
	[tilespmem:$0x18100] =	vst v63  }
0x2a7: {  	s14 =	simm.s32 $0x8500  }
0x2a8: {  	[tilespmem:s14], [sflag:$0x3] =	stream.indirect_vreg.gather [hbm4b:s3+s2], $0x80, v3, vm0, $0xb8;
	[tilespmem:$0x18100] =	vst v63  }
0x2a9: {  	s1 =	simm.s32 $0x8D00  }
0x2aa: {  	[tilespmem:s1], [sflag:$0x3] =	stream.indirect_vreg.gather [hbm4b:s4+s2], $0x80, v3, vm1, $0xb8;
	[tilespmem:$0x18100] =	vst v63  }
0x2ab: {  	v3 =	vld [tilespmem:$0x60];
	_ =	sdelay $0x4  }
0x2ac: {  	v38 =	vshrl.u32 v3, $0x3  }
0x2ad: {  	v4 =	vmul.u32 $0x18, v38  }
0x2ae: {  	v3 =	vand.u32 $0x7, v3  }
0x2af: {  	v3 =	vor.u32 v3, v4  }
0x2b0: {  	v4 =	vperm.xlane v3, v0;
	_ =	sdelay $0x1  }
0x2b1: {  	v4 =	vadd.s32 v1, v4;
	_ =	sdelay $0x1  }
0x2b2: {  	v3 =	vperm.xlane v3, v2;
	_ =	sdelay $0x1  }
0x2b3: {  	s14 =	simm.s32 $0x9100;
	v3 =	vadd.s32 v1, v3  }
0x2b4: {  	[tilespmem:s14], [sflag:$0x3] =	stream.indirect_vreg.gather [hbm4b:s3+s2], $0x80, v4, vm0, $0xb8;
	[tilespmem:$0x18100] =	vst v63  }
0x2b5: {  	s1 =	simm.s32 $0x9900  }
0x2b6: {  	[tilespmem:s1], [sflag:$0x3] =	stream.indirect_vreg.gather [hbm4b:s4+s2], $0x80, v4, vm1, $0xb8;
	[tilespmem:$0x18100] =	vst v63  }
0x2b7: {  	s14 =	simm.s32 $0x9D00  }
0x2b8: {  	[tilespmem:s14], [sflag:$0x3] =	stream.indirect_vreg.gather [hbm4b:s3+s2], $0x80, v3, vm0, $0xb8;
	[tilespmem:$0x18100] =	vst v63  }
0x2b9: {  	s31 =	simm.s32 $0xA500  }
0x2ba: {  	[tilespmem:s31], [sflag:$0x3] =	stream.indirect_vreg.gather [hbm4b:s4+s2], $0x80, v3, vm1, $0xb8;
	[tilespmem:$0x18100] =	vst v63  }
0x2bb: {  	v3 =	vld [tilespmem:$0x70];
	_ =	sdelay $0x4  }
0x2bc: {  	v39 =	vshrl.u32 v3, $0x3  }
0x2bd: {  	v4 =	vmul.u32 $0x18, v39  }
0x2be: {  	v3 =	vand.u32 $0x7, v3  }
0x2bf: {  	v3 =	vor.u32 v3, v4  }
0x2c0: {  	v4 =	vperm.xlane v3, v0;
	_ =	sdelay $0x1  }
0x2c1: {  	v4 =	vadd.s32 v1, v4;
	_ =	sdelay $0x1  }
0x2c2: {  	v3 =	vperm.xlane v3, v2;
	_ =	sdelay $0x1  }
0x2c3: {  	s1 =	simm.s32 $0xA900;
	v3 =	vadd.s32 v1, v3  }
0x2c4: {  	[tilespmem:s1], [sflag:$0x3] =	stream.indirect_vreg.gather [hbm4b:s3+s2], $0x80, v4, vm0, $0xb8;
	[tilespmem:$0x18100] =	vst v63  }
0x2c5: {  	s14 =	simm.s32 $0xB100  }
0x2c6: {  	[tilespmem:s14], [sflag:$0x3] =	stream.indirect_vreg.gather [hbm4b:s4+s2], $0x80, v4, vm1, $0xb8;
	[tilespmem:$0x18100] =	vst v63  }
0x2c7: {  	s31 =	simm.s32 $0xB500  }
0x2c8: {  	[tilespmem:s31], [sflag:$0x3] =	stream.indirect_vreg.gather [hbm4b:s3+s2], $0x80, v3, vm0, $0xb8;
	[tilespmem:$0x18100] =	vst v63  }
0x2c9: {  	s1 =	simm.s32 $0xBD00  }
0x2ca: {  	[tilespmem:s1], [sflag:$0x3] =	stream.indirect_vreg.gather [hbm4b:s4+s2], $0x80, v3, vm1, $0xb8;
	[tilespmem:$0x18100] =	vst v63  }
0x2cb: {  	s14 =	simm.s32 $0x80;
	s31 =	rddreg [dreg:$0xb]  }
0x2cc: {  	[tilespmem:s14], [sflag:$0x2] =	stream.linear.gather [hbm4b:s31+s2], $0x80, $0x38;
	[tilespmem:$0x18100] =	vst v63  }
0x2cd: {  	_ =	swait.ge [sflag:s18], $0xC000  }
0x2ce: {  	[sflag:s18] =	ssyncset.done $0x0  }
0x2cf: {  	s0 =	simm.s32 $0x100;
	s1 =	rddreg [dreg:$0xc];
	[sflag:s18] =	ssyncadd.s32 $0xFFFF4000  }
0x2d0: {  	[hbm4b:s1+s2] =	stream.linear.scatter [tilespmem:s0], [sflag:$0x5], $0xC000, $0x38;
	[tilespmem:$0x18100] =	vst v63  }
0x2d1: {  	_ =	swait.ge [sflag:s30], $0xC000  }
0x2d2: {  	[sflag:s30] =	ssyncset.done $0x0  }
0x2d3: {  	[sflag:s30] =	ssyncadd.s32 $0xFFFF4000  }
0x2d4: {  	_ =	swait.ge [sflag:s16], $0x80  }
0x2d5: {  	[sflag:s16] =	ssyncset.done $0x0  }
0x2d6: {  	[sflag:s16] =	ssyncadd.s32 $0xFFFFFF80  }
0x2d7: {  	v3 =	vld [tilespmem:$0x80];
	_ =	sdelay $0x4  }
0x2d8: {  	v40 =	vshrl.u32 v3, $0x3  }
0x2d9: {  	v4 =	vmul.u32 $0x18, v40  }
0x2da: {  	v3 =	vand.u32 $0x7, v3  }
0x2db: {  	v3 =	vor.u32 v3, v4  }
0x2dc: {  	v4 =	vperm.xlane v3, v0;
	_ =	sdelay $0x1  }
0x2dd: {  	v4 =	vadd.s32 v1, v4;
	_ =	sdelay $0x1  }
0x2de: {  	v3 =	vperm.xlane v3, v2;
	_ =	sdelay $0x1  }
0x2df: {  	s0 =	simm.s32 $0xC100;
	v3 =	vadd.s32 v1, v3  }
0x2e0: {  	[tilespmem:s0], [sflag:$0x4] =	stream.indirect_vreg.gather [hbm4b:s3+s2], $0x80, v4, vm0, $0xb8;
	[tilespmem:$0x18100] =	vst v63  }
0x2e1: {  	s1 =	simm.s32 $0xC900  }
0x2e2: {  	[tilespmem:s1], [sflag:$0x4] =	stream.indirect_vreg.gather [hbm4b:s4+s2], $0x80, v4, vm1, $0xb8;
	[tilespmem:$0x18100] =	vst v63  }
0x2e3: {  	s1 =	simm.s32 $0xCD00  }
0x2e4: {  	[tilespmem:s1], [sflag:$0x4] =	stream.indirect_vreg.gather [hbm4b:s3+s2], $0x80, v3, vm0, $0xb8;
	[tilespmem:$0x18100] =	vst v63  }
0x2e5: {  	_ = 	snop  }
0x2e6: {  	[tilespmem:s17], [sflag:$0x4] =	stream.indirect_vreg.gather [hbm4b:s4+s2], $0x80, v3, vm1, $0xb8;
	[tilespmem:$0x18100] =	vst v63  }
0x2e7: {  	v3 =	vld [tilespmem:$0x90];
	_ =	sdelay $0x4  }
0x2e8: {  	v41 =	vshrl.u32 v3, $0x3  }
0x2e9: {  	v4 =	vmul.u32 $0x18, v41  }
0x2ea: {  	v3 =	vand.u32 $0x7, v3  }
0x2eb: {  	v3 =	vor.u32 v3, v4  }
0x2ec: {  	v4 =	vperm.xlane v3, v0;
	_ =	sdelay $0x1  }
0x2ed: {  	v4 =	vadd.s32 v1, v4;
	_ =	sdelay $0x1  }
0x2ee: {  	v3 =	vperm.xlane v3, v2;
	_ =	sdelay $0x1  }
0x2ef: {  	s1 =	simm.s32 $0xD900;
	v3 =	vadd.s32 v1, v3  }
0x2f0: {  	[tilespmem:s1], [sflag:$0x4] =	stream.indirect_vreg.gather [hbm4b:s3+s2], $0x80, v4, vm0, $0xb8;
	[tilespmem:$0x18100] =	vst v63  }
0x2f1: {  	s1 =	simm.s32 $0xE100  }
0x2f2: {  	[tilespmem:s1], [sflag:$0x4] =	stream.indirect_vreg.gather [hbm4b:s4+s2], $0x80, v4, vm1, $0xb8;
	[tilespmem:$0x18100] =	vst v63  }
0x2f3: {  	s1 =	simm.s32 $0xE500  }
0x2f4: {  	[tilespmem:s1], [sflag:$0x4] =	stream.indirect_vreg.gather [hbm4b:s3+s2], $0x80, v3, vm0, $0xb8;
	[tilespmem:$0x18100] =	vst v63  }
0x2f5: {  	_ = 	snop  }
0x2f6: {  	[tilespmem:s7], [sflag:$0x4] =	stream.indirect_vreg.gather [hbm4b:s4+s2], $0x80, v3, vm1, $0xb8;
	[tilespmem:$0x18100] =	vst v63  }
0x2f7: {  	v3 =	vld [tilespmem:$0xA0];
	_ =	sdelay $0x4  }
0x2f8: {  	v42 =	vshrl.u32 v3, $0x3  }
0x2f9: {  	v4 =	vmul.u32 $0x18, v42  }
0x2fa: {  	v3 =	vand.u32 $0x7, v3  }
0x2fb: {  	v3 =	vor.u32 v3, v4  }
0x2fc: {  	v4 =	vperm.xlane v3, v0;
	_ =	sdelay $0x1  }
0x2fd: {  	v4 =	vadd.s32 v1, v4;
	_ =	sdelay $0x1  }
0x2fe: {  	v3 =	vperm.xlane v3, v2;
	_ =	sdelay $0x1  }
0x2ff: {  	s7 =	simm.s32 $0xF100;
	v3 =	vadd.s32 v1, v3  }
0x300: {  	[tilespmem:s7], [sflag:$0x4] =	stream.indirect_vreg.gather [hbm4b:s3+s2], $0x80, v4, vm0, $0xb8;
	[tilespmem:$0x18100] =	vst v63  }
0x301: {  	s1 =	simm.s32 $0xF900  }
0x302: {  	[tilespmem:s1], [sflag:$0x4] =	stream.indirect_vreg.gather [hbm4b:s4+s2], $0x80, v4, vm1, $0xb8;
	[tilespmem:$0x18100] =	vst v63  }
0x303: {  	s7 =	simm.s32 $0xFD00  }
0x304: {  	[tilespmem:s7], [sflag:$0x4] =	stream.indirect_vreg.gather [hbm4b:s3+s2], $0x80, v3, vm0, $0xb8;
	[tilespmem:$0x18100] =	vst v63  }
0x305: {  	_ = 	snop  }
0x306: {  	[tilespmem:s8], [sflag:$0x4] =	stream.indirect_vreg.gather [hbm4b:s4+s2], $0x80, v3, vm1, $0xb8;
	[tilespmem:$0x18100] =	vst v63  }
0x307: {  	v3 =	vld [tilespmem:$0xB0];
	_ =	sdelay $0x4  }
0x308: {  	v43 =	vshrl.u32 v3, $0x3  }
0x309: {  	v4 =	vmul.u32 $0x18, v43  }
0x30a: {  	v3 =	vand.u32 $0x7, v3  }
0x30b: {  	v3 =	vor.u32 v3, v4  }
0x30c: {  	v4 =	vperm.xlane v3, v0;
	_ =	sdelay $0x1  }
0x30d: {  	v4 =	vadd.s32 v1, v4;
	_ =	sdelay $0x1  }
0x30e: {  	v3 =	vperm.xlane v3, v2;
	_ =	sdelay $0x1  }
0x30f: {  	s1 =	simm.s32 $0x10900;
	v3 =	vadd.s32 v1, v3  }
0x310: {  	[tilespmem:s1], [sflag:$0x4] =	stream.indirect_vreg.gather [hbm4b:s3+s2], $0x80, v4, vm0, $0xb8;
	[tilespmem:$0x18100] =	vst v63  }
0x311: {  	s7 =	simm.s32 $0x11100  }
0x312: {  	[tilespmem:s7], [sflag:$0x4] =	stream.indirect_vreg.gather [hbm4b:s4+s2], $0x80, v4, vm1, $0xb8;
	[tilespmem:$0x18100] =	vst v63  }
0x313: {  	s1 =	simm.s32 $0x11500  }
0x314: {  	[tilespmem:s1], [sflag:$0x4] =	stream.indirect_vreg.gather [hbm4b:s3+s2], $0x80, v3, vm0, $0xb8;
	[tilespmem:$0x18100] =	vst v63  }
0x315: {  	_ = 	snop  }
0x316: {  	[tilespmem:s9], [sflag:$0x4] =	stream.indirect_vreg.gather [hbm4b:s4+s2], $0x80, v3, vm1, $0xb8;
	[tilespmem:$0x18100] =	vst v63  }
0x317: {  	v3 =	vld [tilespmem:$0xC0];
	_ =	sdelay $0x4  }
0x318: {  	v44 =	vshrl.u32 v3, $0x3  }
0x319: {  	v4 =	vmul.u32 $0x18, v44  }
0x31a: {  	v3 =	vand.u32 $0x7, v3  }
0x31b: {  	v3 =	vor.u32 v3, v4  }
0x31c: {  	v4 =	vperm.xlane v3, v0;
	_ =	sdelay $0x1  }
0x31d: {  	v4 =	vadd.s32 v1, v4;
	_ =	sdelay $0x1  }
0x31e: {  	v3 =	vperm.xlane v3, v2;
	_ =	sdelay $0x1  }
0x31f: {  	s7 =	simm.s32 $0x12100;
	v3 =	vadd.s32 v1, v3  }
0x320: {  	[tilespmem:s7], [sflag:$0x4] =	stream.indirect_vreg.gather [hbm4b:s3+s2], $0x80, v4, vm0, $0xb8;
	[tilespmem:$0x18100] =	vst v63  }
0x321: {  	s1 =	simm.s32 $0x12900  }
0x322: {  	[tilespmem:s1], [sflag:$0x4] =	stream.indirect_vreg.gather [hbm4b:s4+s2], $0x80, v4, vm1, $0xb8;
	[tilespmem:$0x18100] =	vst v63  }
0x323: {  	s7 =	simm.s32 $0x12D00  }
0x324: {  	[tilespmem:s7], [sflag:$0x4] =	stream.indirect_vreg.gather [hbm4b:s3+s2], $0x80, v3, vm0, $0xb8;
	[tilespmem:$0x18100] =	vst v63  }
0x325: {  	_ = 	snop  }
0x326: {  	[tilespmem:s10], [sflag:$0x4] =	stream.indirect_vreg.gather [hbm4b:s4+s2], $0x80, v3, vm1, $0xb8;
	[tilespmem:$0x18100] =	vst v63  }
0x327: {  	v3 =	vld [tilespmem:$0xD0];
	_ =	sdelay $0x4  }
0x328: {  	v45 =	vshrl.u32 v3, $0x3  }
0x329: {  	v4 =	vmul.u32 $0x18, v45  }
0x32a: {  	v3 =	vand.u32 $0x7, v3  }
0x32b: {  	v3 =	vor.u32 v3, v4  }
0x32c: {  	v4 =	vperm.xlane v3, v0;
	_ =	sdelay $0x1  }
0x32d: {  	v4 =	vadd.s32 v1, v4;
	_ =	sdelay $0x1  }
0x32e: {  	v3 =	vperm.xlane v3, v2;
	_ =	sdelay $0x1  }
0x32f: {  	s1 =	simm.s32 $0x13900;
	v3 =	vadd.s32 v1, v3  }
0x330: {  	[tilespmem:s1], [sflag:$0x4] =	stream.indirect_vreg.gather [hbm4b:s3+s2], $0x80, v4, vm0, $0xb8;
	[tilespmem:$0x18100] =	vst v63  }
0x331: {  	s7 =	simm.s32 $0x14100  }
0x332: {  	[tilespmem:s7], [sflag:$0x4] =	stream.indirect_vreg.gather [hbm4b:s4+s2], $0x80, v4, vm1, $0xb8;
	[tilespmem:$0x18100] =	vst v63  }
0x333: {  	s1 =	simm.s32 $0x14500  }
0x334: {  	[tilespmem:s1], [sflag:$0x4] =	stream.indirect_vreg.gather [hbm4b:s3+s2], $0x80, v3, vm0, $0xb8;
	[tilespmem:$0x18100] =	vst v63  }
0x335: {  	_ = 	snop  }
0x336: {  	[tilespmem:s11], [sflag:$0x4] =	stream.indirect_vreg.gather [hbm4b:s4+s2], $0x80, v3, vm1, $0xb8;
	[tilespmem:$0x18100] =	vst v63  }
0x337: {  	v3 =	vld [tilespmem:$0xE0];
	_ =	sdelay $0x4  }
0x338: {  	v46 =	vshrl.u32 v3, $0x3  }
0x339: {  	v4 =	vmul.u32 $0x18, v46  }
0x33a: {  	v3 =	vand.u32 $0x7, v3  }
0x33b: {  	v3 =	vor.u32 v3, v4  }
0x33c: {  	v4 =	vperm.xlane v3, v0;
	_ =	sdelay $0x1  }
0x33d: {  	v4 =	vadd.s32 v1, v4;
	_ =	sdelay $0x1  }
0x33e: {  	v3 =	vperm.xlane v3, v2;
	_ =	sdelay $0x1  }
0x33f: {  	s7 =	simm.s32 $0x15100;
	v3 =	vadd.s32 v1, v3  }
0x340: {  	[tilespmem:s7], [sflag:$0x4] =	stream.indirect_vreg.gather [hbm4b:s3+s2], $0x80, v4, vm0, $0xb8;
	[tilespmem:$0x18100] =	vst v63  }
0x341: {  	s1 =	simm.s32 $0x15900  }
0x342: {  	[tilespmem:s1], [sflag:$0x4] =	stream.indirect_vreg.gather [hbm4b:s4+s2], $0x80, v4, vm1, $0xb8;
	[tilespmem:$0x18100] =	vst v63  }
0x343: {  	s7 =	simm.s32 $0x15D00  }
0x344: {  	[tilespmem:s7], [sflag:$0x4] =	stream.indirect_vreg.gather [hbm4b:s3+s2], $0x80, v3, vm0, $0xb8;
	[tilespmem:$0x18100] =	vst v63  }
0x345: {  	_ = 	snop  }
0x346: {  	[tilespmem:s12], [sflag:$0x4] =	stream.indirect_vreg.gather [hbm4b:s4+s2], $0x80, v3, vm1, $0xb8;
	[tilespmem:$0x18100] =	vst v63  }
0x347: {  	v3 =	vld [tilespmem:$0xF0];
	_ =	sdelay $0x4  }
0x348: {  	v47 =	vshrl.u32 v3, $0x3  }
0x349: {  	v4 =	vmul.u32 $0x18, v47  }
0x34a: {  	v3 =	vand.u32 $0x7, v3  }
0x34b: {  	v3 =	vor.u32 v3, v4  }
0x34c: {  	v4 =	vperm.xlane v3, v0;
	_ =	sdelay $0x1  }
0x34d: {  	v4 =	vadd.s32 v1, v4;
	_ =	sdelay $0x1  }
0x34e: {  	v3 =	vperm.xlane v3, v2;
	_ =	sdelay $0x1  }
0x34f: {  	s1 =	simm.s32 $0x16900;
	v3 =	vadd.s32 v1, v3  }
0x350: {  	[tilespmem:s1], [sflag:$0x4] =	stream.indirect_vreg.gather [hbm4b:s3+s2], $0x80, v4, vm0, $0xb8;
	[tilespmem:$0x18100] =	vst v63  }
0x351: {  	s7 =	simm.s32 $0x17100  }
0x352: {  	[tilespmem:s7], [sflag:$0x4] =	stream.indirect_vreg.gather [hbm4b:s4+s2], $0x80, v4, vm1, $0xb8;
	[tilespmem:$0x18100] =	vst v63  }
0x353: {  	_ = 	snop  }
0x354: {  	[tilespmem:s13], [sflag:$0x4] =	stream.indirect_vreg.gather [hbm4b:s3+s2], $0x80, v3, vm0, $0xb8;
	[tilespmem:$0x18100] =	vst v63  }
0x355: {  	s1 =	simm.s32 $0x17D00  }
0x356: {  	[tilespmem:s1], [sflag:$0x4] =	stream.indirect_vreg.gather [hbm4b:s4+s2], $0x80, v3, vm1, $0xb8;
	[tilespmem:$0x18100] =	vst v63  }
0x357: {  	s31 =	rddreg [dreg:$0xd]  }
0x358: {  	[tilespmem:s2], [sflag:$0x1] =	stream.linear.gather [hbm4b:s31+s2], $0x80, $0x38;
	[tilespmem:$0x18100] =	vst v63  }
0x359: {  	_ =	swait.ge [sflag:s28], $0xC000  }
0x35a: {  	[sflag:s28] =	ssyncset.done $0x0  }
0x35b: {  	s1 =	rddreg [dreg:$0xe];
	[sflag:s28] =	ssyncadd.s32 $0xFFFF4000  }
0x35c: {  	[hbm4b:s1+s2] =	stream.linear.scatter [tilespmem:s0], [sflag:$0x6], $0xC000, $0x38;
	[tilespmem:$0x18100] =	vst v63  }
0x35d: {  	_ =	swait.ge [sflag:s29], $0xC000  }
0x35e: {  	[sflag:s29] =	ssyncset.done $0x0  }
0x35f: {  	[sflag:s29] =	ssyncadd.s32 $0xFFFF4000  }
0x360: {  	_ =	swait.ge [sflag:s15], $0x80  }
0x361: {  	[sflag:s15] =	ssyncset.done $0x0  }
0x362: {  	[sflag:s15] =	ssyncadd.s32 $0xFFFFFF80  }
0x363: {  	v3 =	vld [tilespmem:$0x0];
	_ =	sdelay $0x4  }
0x364: {  	v48 =	vshrl.u32 v3, $0x3  }
0x365: {  	v4 =	vmul.u32 $0x18, v48  }
0x366: {  	v3 =	vand.u32 $0x7, v3  }
0x367: {  	v3 =	vor.u32 v3, v4  }
0x368: {  	v4 =	vperm.xlane v3, v0;
	_ =	sdelay $0x1  }
0x369: {  	v4 =	vadd.s32 v1, v4;
	_ =	sdelay $0x1  }
0x36a: {  	v3 =	vperm.xlane v3, v2;
	_ =	sdelay $0x1  }
0x36b: {  	s0 =	simm.s32 $0x100;
	v3 =	vadd.s32 v1, v3  }
0x36c: {  	[tilespmem:s0], [sflag:$0x3] =	stream.indirect_vreg.gather [hbm4b:s3+s2], $0x80, v4, vm0, $0xb8;
	[tilespmem:$0x18100] =	vst v63  }
0x36d: {  	s31 =	simm.s32 $0x900  }
0x36e: {  	[tilespmem:s31], [sflag:$0x3] =	stream.indirect_vreg.gather [hbm4b:s4+s2], $0x80, v4, vm1, $0xb8;
	[tilespmem:$0x18100] =	vst v63  }
0x36f: {  	s31 =	simm.s32 $0xD00  }
0x370: {  	[tilespmem:s31], [sflag:$0x3] =	stream.indirect_vreg.gather [hbm4b:s3+s2], $0x80, v3, vm0, $0xb8;
	[tilespmem:$0x18100] =	vst v63  }
0x371: {  	s31 =	simm.s32 $0x1500  }
0x372: {  	[tilespmem:s31], [sflag:$0x3] =	stream.indirect_vreg.gather [hbm4b:s4+s2], $0x80, v3, vm1, $0xb8;
	[tilespmem:$0x18100] =	vst v63  }
0x373: {  	v3 =	vld [tilespmem:$0x10];
	_ =	sdelay $0x4  }
0x374: {  	v49 =	vshrl.u32 v3, $0x3  }
0x375: {  	v4 =	vmul.u32 $0x18, v49  }
0x376: {  	v3 =	vand.u32 $0x7, v3  }
0x377: {  	v3 =	vor.u32 v3, v4  }
0x378: {  	v4 =	vperm.xlane v3, v0;
	_ =	sdelay $0x1  }
0x379: {  	v4 =	vadd.s32 v1, v4;
	_ =	sdelay $0x1  }
0x37a: {  	v3 =	vperm.xlane v3, v2;
	_ =	sdelay $0x1  }
0x37b: {  	s31 =	simm.s32 $0x1900;
	v3 =	vadd.s32 v1, v3  }
0x37c: {  	[tilespmem:s31], [sflag:$0x3] =	stream.indirect_vreg.gather [hbm4b:s3+s2], $0x80, v4, vm0, $0xb8;
	[tilespmem:$0x18100] =	vst v63  }
0x37d: {  	s31 =	simm.s32 $0x2100  }
0x37e: {  	[tilespmem:s31], [sflag:$0x3] =	stream.indirect_vreg.gather [hbm4b:s4+s2], $0x80, v4, vm1, $0xb8;
	[tilespmem:$0x18100] =	vst v63  }
0x37f: {  	s20 =	simm.s32 $0x2500  }
0x380: {  	[tilespmem:s20], [sflag:$0x3] =	stream.indirect_vreg.gather [hbm4b:s3+s2], $0x80, v3, vm0, $0xb8;
	[tilespmem:$0x18100] =	vst v63  }
0x381: {  	s31 =	simm.s32 $0x2D00  }
0x382: {  	[tilespmem:s31], [sflag:$0x3] =	stream.indirect_vreg.gather [hbm4b:s4+s2], $0x80, v3, vm1, $0xb8;
	[tilespmem:$0x18100] =	vst v63  }
0x383: {  	v3 =	vld [tilespmem:$0x20];
	_ =	sdelay $0x4  }
0x384: {  	v50 =	vshrl.u32 v3, $0x3  }
0x385: {  	v4 =	vmul.u32 $0x18, v50  }
0x386: {  	v3 =	vand.u32 $0x7, v3  }
0x387: {  	v3 =	vor.u32 v3, v4  }
0x388: {  	v4 =	vperm.xlane v3, v0;
	_ =	sdelay $0x1  }
0x389: {  	v4 =	vadd.s32 v1, v4;
	_ =	sdelay $0x1  }
0x38a: {  	v3 =	vperm.xlane v3, v2;
	_ =	sdelay $0x1  }
0x38b: {  	s21 =	simm.s32 $0x3100;
	v3 =	vadd.s32 v1, v3  }
0x38c: {  	[tilespmem:s21], [sflag:$0x3] =	stream.indirect_vreg.gather [hbm4b:s3+s2], $0x80, v4, vm0, $0xb8;
	[tilespmem:$0x18100] =	vst v63  }
0x38d: {  	s22 =	simm.s32 $0x3900  }
0x38e: {  	[tilespmem:s22], [sflag:$0x3] =	stream.indirect_vreg.gather [hbm4b:s4+s2], $0x80, v4, vm1, $0xb8;
	[tilespmem:$0x18100] =	vst v63  }
0x38f: {  	s23 =	simm.s32 $0x3D00  }
0x390: {  	[tilespmem:s23], [sflag:$0x3] =	stream.indirect_vreg.gather [hbm4b:s3+s2], $0x80, v3, vm0, $0xb8;
	[tilespmem:$0x18100] =	vst v63  }
0x391: {  	s20 =	simm.s32 $0x4500  }
0x392: {  	[tilespmem:s20], [sflag:$0x3] =	stream.indirect_vreg.gather [hbm4b:s4+s2], $0x80, v3, vm1, $0xb8;
	[tilespmem:$0x18100] =	vst v63  }
0x393: {  	v3 =	vld [tilespmem:$0x30];
	_ =	sdelay $0x4  }
0x394: {  	v51 =	vshrl.u32 v3, $0x3  }
0x395: {  	v4 =	vmul.u32 $0x18, v51  }
0x396: {  	v3 =	vand.u32 $0x7, v3  }
0x397: {  	v3 =	vor.u32 v3, v4  }
0x398: {  	v4 =	vperm.xlane v3, v0;
	_ =	sdelay $0x1  }
0x399: {  	v4 =	vadd.s32 v1, v4;
	_ =	sdelay $0x1  }
0x39a: {  	v3 =	vperm.xlane v3, v2;
	_ =	sdelay $0x1  }
0x39b: {  	s24 =	simm.s32 $0x4900;
	v3 =	vadd.s32 v1, v3  }
0x39c: {  	[tilespmem:s24], [sflag:$0x3] =	stream.indirect_vreg.gather [hbm4b:s3+s2], $0x80, v4, vm0, $0xb8;
	[tilespmem:$0x18100] =	vst v63  }
0x39d: {  	s25 =	simm.s32 $0x5100  }
0x39e: {  	[tilespmem:s25], [sflag:$0x3] =	stream.indirect_vreg.gather [hbm4b:s4+s2], $0x80, v4, vm1, $0xb8;
	[tilespmem:$0x18100] =	vst v63  }
0x39f: {  	s26 =	simm.s32 $0x5500  }
0x3a0: {  	[tilespmem:s26], [sflag:$0x3] =	stream.indirect_vreg.gather [hbm4b:s3+s2], $0x80, v3, vm0, $0xb8;
	[tilespmem:$0x18100] =	vst v63  }
0x3a1: {  	s21 =	simm.s32 $0x5D00  }
0x3a2: {  	[tilespmem:s21], [sflag:$0x3] =	stream.indirect_vreg.gather [hbm4b:s4+s2], $0x80, v3, vm1, $0xb8;
	[tilespmem:$0x18100] =	vst v63  }
0x3a3: {  	v3 =	vld [tilespmem:$0x40];
	_ =	sdelay $0x4  }
0x3a4: {  	v52 =	vshrl.u32 v3, $0x3  }
0x3a5: {  	v4 =	vmul.u32 $0x18, v52  }
0x3a6: {  	v3 =	vand.u32 $0x7, v3  }
0x3a7: {  	v3 =	vor.u32 v3, v4  }
0x3a8: {  	v4 =	vperm.xlane v3, v0;
	_ =	sdelay $0x1  }
0x3a9: {  	v4 =	vadd.s32 v1, v4;
	_ =	sdelay $0x1  }
0x3aa: {  	v3 =	vperm.xlane v3, v2;
	_ =	sdelay $0x1  }
0x3ab: {  	s22 =	simm.s32 $0x6100;
	v3 =	vadd.s32 v1, v3  }
0x3ac: {  	[tilespmem:s22], [sflag:$0x3] =	stream.indirect_vreg.gather [hbm4b:s3+s2], $0x80, v4, vm0, $0xb8;
	[tilespmem:$0x18100] =	vst v63  }
0x3ad: {  	_ = 	snop  }
0x3ae: {  	[tilespmem:s6], [sflag:$0x3] =	stream.indirect_vreg.gather [hbm4b:s4+s2], $0x80, v4, vm1, $0xb8;
	[tilespmem:$0x18100] =	vst v63  }
0x3af: {  	_ = 	snop  }
0x3b0: {  	[tilespmem:s19], [sflag:$0x3] =	stream.indirect_vreg.gather [hbm4b:s3+s2], $0x80, v3, vm0, $0xb8;
	[tilespmem:$0x18100] =	vst v63  }
0x3b1: {  	s23 =	simm.s32 $0x7500  }
0x3b2: {  	[tilespmem:s23], [sflag:$0x3] =	stream.indirect_vreg.gather [hbm4b:s4+s2], $0x80, v3, vm1, $0xb8;
	[tilespmem:$0x18100] =	vst v63  }
0x3b3: {  	v3 =	vld [tilespmem:$0x50];
	_ =	sdelay $0x4  }
0x3b4: {  	v53 =	vshrl.u32 v3, $0x3  }
0x3b5: {  	v4 =	vmul.u32 $0x18, v53  }
0x3b6: {  	v3 =	vand.u32 $0x7, v3  }
0x3b7: {  	v3 =	vor.u32 v3, v4  }
0x3b8: {  	v4 =	vperm.xlane v3, v0;
	_ =	sdelay $0x1  }
0x3b9: {  	v4 =	vadd.s32 v1, v4;
	_ =	sdelay $0x1  }
0x3ba: {  	v3 =	vperm.xlane v3, v2;
	_ =	sdelay $0x1  }
0x3bb: {  	s24 =	simm.s32 $0x7900;
	v3 =	vadd.s32 v1, v3  }
0x3bc: {  	[tilespmem:s24], [sflag:$0x3] =	stream.indirect_vreg.gather [hbm4b:s3+s2], $0x80, v4, vm0, $0xb8;
	[tilespmem:$0x18100] =	vst v63  }
0x3bd: {  	s25 =	simm.s32 $0x8100  }
0x3be: {  	[tilespmem:s25], [sflag:$0x3] =	stream.indirect_vreg.gather [hbm4b:s4+s2], $0x80, v4, vm1, $0xb8;
	[tilespmem:$0x18100] =	vst v63  }
0x3bf: {  	s26 =	simm.s32 $0x8500  }
0x3c0: {  	[tilespmem:s26], [sflag:$0x3] =	stream.indirect_vreg.gather [hbm4b:s3+s2], $0x80, v3, vm0, $0xb8;
	[tilespmem:$0x18100] =	vst v63  }
0x3c1: {  	s31 =	simm.s32 $0x8D00  }
0x3c2: {  	[tilespmem:s31], [sflag:$0x3] =	stream.indirect_vreg.gather [hbm4b:s4+s2], $0x80, v3, vm1, $0xb8;
	[tilespmem:$0x18100] =	vst v63  }
0x3c3: {  	v3 =	vld [tilespmem:$0x60];
	_ =	sdelay $0x4  }
0x3c4: {  	v54 =	vshrl.u32 v3, $0x3  }
0x3c5: {  	v4 =	vmul.u32 $0x18, v54  }
0x3c6: {  	v3 =	vand.u32 $0x7, v3  }
0x3c7: {  	v3 =	vor.u32 v3, v4  }
0x3c8: {  	v4 =	vperm.xlane v3, v0;
	_ =	sdelay $0x1  }
0x3c9: {  	v4 =	vadd.s32 v1, v4;
	_ =	sdelay $0x1  }
0x3ca: {  	v3 =	vperm.xlane v3, v2;
	_ =	sdelay $0x1  }
0x3cb: {  	s15 =	simm.s32 $0x9100;
	v3 =	vadd.s32 v1, v3  }
0x3cc: {  	[tilespmem:s15], [sflag:$0x3] =	stream.indirect_vreg.gather [hbm4b:s3+s2], $0x80, v4, vm0, $0xb8;
	[tilespmem:$0x18100] =	vst v63  }
0x3cd: {  	s19 =	simm.s32 $0x9900  }
0x3ce: {  	[tilespmem:s19], [sflag:$0x3] =	stream.indirect_vreg.gather [hbm4b:s4+s2], $0x80, v4, vm1, $0xb8;
	[tilespmem:$0x18100] =	vst v63  }
0x3cf: {  	s20 =	simm.s32 $0x9D00  }
0x3d0: {  	[tilespmem:s20], [sflag:$0x3] =	stream.indirect_vreg.gather [hbm4b:s3+s2], $0x80, v3, vm0, $0xb8;
	[tilespmem:$0x18100] =	vst v63  }
0x3d1: {  	s21 =	simm.s32 $0xA500  }
0x3d2: {  	[tilespmem:s21], [sflag:$0x3] =	stream.indirect_vreg.gather [hbm4b:s4+s2], $0x80, v3, vm1, $0xb8;
	[tilespmem:$0x18100] =	vst v63  }
0x3d3: {  	v3 =	vld [tilespmem:$0x70];
	_ =	sdelay $0x4  }
0x3d4: {  	v55 =	vshrl.u32 v3, $0x3  }
0x3d5: {  	v4 =	vmul.u32 $0x18, v55  }
0x3d6: {  	v3 =	vand.u32 $0x7, v3  }
0x3d7: {  	v3 =	vor.u32 v3, v4  }
0x3d8: {  	v4 =	vperm.xlane v3, v0;
	_ =	sdelay $0x1  }
0x3d9: {  	v4 =	vadd.s32 v1, v4;
	_ =	sdelay $0x1  }
0x3da: {  	v3 =	vperm.xlane v3, v2;
	_ =	sdelay $0x1  }
0x3db: {  	s22 =	simm.s32 $0xA900;
	v3 =	vadd.s32 v1, v3  }
0x3dc: {  	[tilespmem:s22], [sflag:$0x3] =	stream.indirect_vreg.gather [hbm4b:s3+s2], $0x80, v4, vm0, $0xb8;
	[tilespmem:$0x18100] =	vst v63  }
0x3dd: {  	s23 =	simm.s32 $0xB100  }
0x3de: {  	[tilespmem:s23], [sflag:$0x3] =	stream.indirect_vreg.gather [hbm4b:s4+s2], $0x80, v4, vm1, $0xb8;
	[tilespmem:$0x18100] =	vst v63  }
0x3df: {  	s24 =	simm.s32 $0xB500  }
0x3e0: {  	[tilespmem:s24], [sflag:$0x3] =	stream.indirect_vreg.gather [hbm4b:s3+s2], $0x80, v3, vm0, $0xb8;
	[tilespmem:$0x18100] =	vst v63  }
0x3e1: {  	s26 =	simm.s32 $0xBD00  }
0x3e2: {  	[tilespmem:s26], [sflag:$0x3] =	stream.indirect_vreg.gather [hbm4b:s4+s2], $0x80, v3, vm1, $0xb8;
	[tilespmem:$0x18100] =	vst v63  }
0x3e3: {  	s25 =	rddreg [dreg:$0xf]  }
0x3e4: {  	[tilespmem:s14], [sflag:$0x2] =	stream.linear.gather [hbm4b:s25+s2], $0x80, $0x38;
	[tilespmem:$0x18100] =	vst v63  }
0x3e5: {  	_ =	swait.ge [sflag:s18], $0xC000  }
0x3e6: {  	[sflag:s18] =	ssyncset.done $0x0  }
0x3e7: {  	s14 =	rddreg [dreg:$0x10];
	[sflag:s18] =	ssyncadd.s32 $0xFFFF4000  }
0x3e8: {  	[hbm4b:s14+s2] =	stream.linear.scatter [tilespmem:s0], [sflag:$0x5], $0xC000, $0x38;
	[tilespmem:$0x18100] =	vst v63  }
0x3e9: {  	_ =	swait.ge [sflag:s30], $0xC000  }
0x3ea: {  	[sflag:s30] =	ssyncset.done $0x0  }
0x3eb: {  	[sflag:s30] =	ssyncadd.s32 $0xFFFF4000  }
0x3ec: {  	_ =	swait.ge [sflag:s16], $0x80  }
0x3ed: {  	[sflag:s16] =	ssyncset.done $0x0  }
0x3ee: {  	[sflag:s16] =	ssyncadd.s32 $0xFFFFFF80  }
0x3ef: {  	v3 =	vld [tilespmem:$0x80];
	_ =	sdelay $0x4  }
0x3f0: {  	v56 =	vshrl.u32 v3, $0x3  }
0x3f1: {  	v4 =	vmul.u32 $0x18, v56  }
0x3f2: {  	v3 =	vand.u32 $0x7, v3  }
0x3f3: {  	v3 =	vor.u32 v3, v4  }
0x3f4: {  	v4 =	vperm.xlane v3, v0;
	_ =	sdelay $0x1  }
0x3f5: {  	v4 =	vadd.s32 v1, v4;
	_ =	sdelay $0x1  }
0x3f6: {  	v3 =	vperm.xlane v3, v2;
	_ =	sdelay $0x1  }
0x3f7: {  	s1 =	simm.s32 $0xC100;
	v3 =	vadd.s32 v1, v3  }
0x3f8: {  	[tilespmem:s1], [sflag:$0x4] =	stream.indirect_vreg.gather [hbm4b:s3+s2], $0x80, v4, vm0, $0xb8;
	[tilespmem:$0x18100] =	vst v63  }
0x3f9: {  	s15 =	simm.s32 $0xC900  }
0x3fa: {  	[tilespmem:s15], [sflag:$0x4] =	stream.indirect_vreg.gather [hbm4b:s4+s2], $0x80, v4, vm1, $0xb8;
	[tilespmem:$0x18100] =	vst v63  }
0x3fb: {  	s19 =	simm.s32 $0xCD00  }
0x3fc: {  	[tilespmem:s19], [sflag:$0x4] =	stream.indirect_vreg.gather [hbm4b:s3+s2], $0x80, v3, vm0, $0xb8;
	[tilespmem:$0x18100] =	vst v63  }
0x3fd: {  	s17 =	simm.s32 $0xD500  }
0x3fe: {  	[tilespmem:s17], [sflag:$0x4] =	stream.indirect_vreg.gather [hbm4b:s4+s2], $0x80, v3, vm1, $0xb8;
	[tilespmem:$0x18100] =	vst v63  }
0x3ff: {  	v3 =	vld [tilespmem:$0x90];
	_ =	sdelay $0x4  }
0x400: {  	v57 =	vshrl.u32 v3, $0x3  }
0x401: {  	v4 =	vmul.u32 $0x18, v57  }
0x402: {  	v3 =	vand.u32 $0x7, v3  }
0x403: {  	v3 =	vor.u32 v3, v4  }
0x404: {  	v4 =	vperm.xlane v3, v0;
	_ =	sdelay $0x1  }
0x405: {  	v4 =	vadd.s32 v1, v4;
	_ =	sdelay $0x1  }
0x406: {  	v3 =	vperm.xlane v3, v2;
	_ =	sdelay $0x1  }
0x407: {  	s20 =	simm.s32 $0xD900;
	v3 =	vadd.s32 v1, v3  }
0x408: {  	[tilespmem:s20], [sflag:$0x4] =	stream.indirect_vreg.gather [hbm4b:s3+s2], $0x80, v4, vm0, $0xb8;
	[tilespmem:$0x18100] =	vst v63  }
0x409: {  	s21 =	simm.s32 $0xE100  }
0x40a: {  	[tilespmem:s21], [sflag:$0x4] =	stream.indirect_vreg.gather [hbm4b:s4+s2], $0x80, v4, vm1, $0xb8;
	[tilespmem:$0x18100] =	vst v63  }
0x40b: {  	s22 =	simm.s32 $0xE500  }
0x40c: {  	[tilespmem:s22], [sflag:$0x4] =	stream.indirect_vreg.gather [hbm4b:s3+s2], $0x80, v3, vm0, $0xb8;
	[tilespmem:$0x18100] =	vst v63  }
0x40d: {  	s23 =	simm.s32 $0xED00  }
0x40e: {  	[tilespmem:s23], [sflag:$0x4] =	stream.indirect_vreg.gather [hbm4b:s4+s2], $0x80, v3, vm1, $0xb8;
	[tilespmem:$0x18100] =	vst v63  }
0x40f: {  	v3 =	vld [tilespmem:$0xA0];
	_ =	sdelay $0x4  }
0x410: {  	v58 =	vshrl.u32 v3, $0x3  }
0x411: {  	v4 =	vmul.u32 $0x18, v58  }
0x412: {  	v3 =	vand.u32 $0x7, v3  }
0x413: {  	v3 =	vor.u32 v3, v4  }
0x414: {  	v4 =	vperm.xlane v3, v0;
	_ =	sdelay $0x1  }
0x415: {  	v4 =	vadd.s32 v1, v4;
	_ =	sdelay $0x1  }
0x416: {  	v3 =	vperm.xlane v3, v2;
	_ =	sdelay $0x1  }
0x417: {  	s24 =	simm.s32 $0xF100;
	v3 =	vadd.s32 v1, v3  }
0x418: {  	[tilespmem:s24], [sflag:$0x4] =	stream.indirect_vreg.gather [hbm4b:s3+s2], $0x80, v4, vm0, $0xb8;
	[tilespmem:$0x18100] =	vst v63  }
0x419: {  	s25 =	simm.s32 $0xF900  }
0x41a: {  	[tilespmem:s25], [sflag:$0x4] =	stream.indirect_vreg.gather [hbm4b:s4+s2], $0x80, v4, vm1, $0xb8;
	[tilespmem:$0x18100] =	vst v63  }
0x41b: {  	s26 =	simm.s32 $0xFD00  }
0x41c: {  	[tilespmem:s26], [sflag:$0x4] =	stream.indirect_vreg.gather [hbm4b:s3+s2], $0x80, v3, vm0, $0xb8;
	[tilespmem:$0x18100] =	vst v63  }
0x41d: {  	s8 =	simm.s32 $0x10500  }
0x41e: {  	[tilespmem:s8], [sflag:$0x4] =	stream.indirect_vreg.gather [hbm4b:s4+s2], $0x80, v3, vm1, $0xb8;
	[tilespmem:$0x18100] =	vst v63  }
0x41f: {  	v3 =	vld [tilespmem:$0xB0];
	_ =	sdelay $0x4  }
0x420: {  	v59 =	vshrl.u32 v3, $0x3  }
0x421: {  	v4 =	vmul.u32 $0x18, v59  }
0x422: {  	v3 =	vand.u32 $0x7, v3  }
0x423: {  	v3 =	vor.u32 v3, v4  }
0x424: {  	v4 =	vperm.xlane v3, v0;
	_ =	sdelay $0x1  }
0x425: {  	v4 =	vadd.s32 v1, v4;
	_ =	sdelay $0x1  }
0x426: {  	v3 =	vperm.xlane v3, v2;
	_ =	sdelay $0x1  }
0x427: {  	s31 =	simm.s32 $0x10900;
	v3 =	vadd.s32 v1, v3  }
0x428: {  	[tilespmem:s31], [sflag:$0x4] =	stream.indirect_vreg.gather [hbm4b:s3+s2], $0x80, v4, vm0, $0xb8;
	[tilespmem:$0x18100] =	vst v63  }
0x429: {  	s6 =	simm.s32 $0x11100  }
0x42a: {  	[tilespmem:s6], [sflag:$0x4] =	stream.indirect_vreg.gather [hbm4b:s4+s2], $0x80, v4, vm1, $0xb8;
	[tilespmem:$0x18100] =	vst v63  }
0x42b: {  	s8 =	simm.s32 $0x11500  }
0x42c: {  	[tilespmem:s8], [sflag:$0x4] =	stream.indirect_vreg.gather [hbm4b:s3+s2], $0x80, v3, vm0, $0xb8;
	[tilespmem:$0x18100] =	vst v63  }
0x42d: {  	s9 =	simm.s32 $0x11D00  }
0x42e: {  	[tilespmem:s9], [sflag:$0x4] =	stream.indirect_vreg.gather [hbm4b:s4+s2], $0x80, v3, vm1, $0xb8;
	[tilespmem:$0x18100] =	vst v63  }
0x42f: {  	v3 =	vld [tilespmem:$0xC0];
	_ =	sdelay $0x4  }
0x430: {  	v60 =	vshrl.u32 v3, $0x3  }
0x431: {  	v4 =	vmul.u32 $0x18, v60  }
0x432: {  	v3 =	vand.u32 $0x7, v3  }
0x433: {  	v3 =	vor.u32 v3, v4  }
0x434: {  	v4 =	vperm.xlane v3, v0;
	_ =	sdelay $0x1  }
0x435: {  	v4 =	vadd.s32 v1, v4;
	_ =	sdelay $0x1  }
0x436: {  	v3 =	vperm.xlane v3, v2;
	_ =	sdelay $0x1  }
0x437: {  	s9 =	simm.s32 $0x12100;
	v3 =	vadd.s32 v1, v3  }
0x438: {  	[tilespmem:s9], [sflag:$0x4] =	stream.indirect_vreg.gather [hbm4b:s3+s2], $0x80, v4, vm0, $0xb8;
	[tilespmem:$0x18100] =	vst v63  }
0x439: {  	s14 =	simm.s32 $0x12900  }
0x43a: {  	[tilespmem:s14], [sflag:$0x4] =	stream.indirect_vreg.gather [hbm4b:s4+s2], $0x80, v4, vm1, $0xb8;
	[tilespmem:$0x18100] =	vst v63  }
0x43b: {  	s15 =	simm.s32 $0x12D00  }
0x43c: {  	[tilespmem:s15], [sflag:$0x4] =	stream.indirect_vreg.gather [hbm4b:s3+s2], $0x80, v3, vm0, $0xb8;
	[tilespmem:$0x18100] =	vst v63  }
0x43d: {  	s10 =	simm.s32 $0x13500  }
0x43e: {  	[tilespmem:s10], [sflag:$0x4] =	stream.indirect_vreg.gather [hbm4b:s4+s2], $0x80, v3, vm1, $0xb8;
	[tilespmem:$0x18100] =	vst v63  }
0x43f: {  	v3 =	vld [tilespmem:$0xD0];
	_ =	sdelay $0x4  }
0x440: {  	v61 =	vshrl.u32 v3, $0x3  }
0x441: {  	v4 =	vmul.u32 $0x18, v61  }
0x442: {  	v3 =	vand.u32 $0x7, v3  }
0x443: {  	v3 =	vor.u32 v3, v4  }
0x444: {  	v4 =	vperm.xlane v3, v0;
	_ =	sdelay $0x1  }
0x445: {  	v4 =	vadd.s32 v1, v4;
	_ =	sdelay $0x1  }
0x446: {  	v3 =	vperm.xlane v3, v2;
	_ =	sdelay $0x1  }
0x447: {  	s17 =	simm.s32 $0x13900;
	v3 =	vadd.s32 v1, v3  }
0x448: {  	[tilespmem:s17], [sflag:$0x4] =	stream.indirect_vreg.gather [hbm4b:s3+s2], $0x80, v4, vm0, $0xb8;
	[tilespmem:$0x18100] =	vst v63  }
0x449: {  	s19 =	simm.s32 $0x14100  }
0x44a: {  	[tilespmem:s19], [sflag:$0x4] =	stream.indirect_vreg.gather [hbm4b:s4+s2], $0x80, v4, vm1, $0xb8;
	[tilespmem:$0x18100] =	vst v63  }
0x44b: {  	s20 =	simm.s32 $0x14500  }
0x44c: {  	[tilespmem:s20], [sflag:$0x4] =	stream.indirect_vreg.gather [hbm4b:s3+s2], $0x80, v3, vm0, $0xb8;
	[tilespmem:$0x18100] =	vst v63  }
0x44d: {  	s11 =	simm.s32 $0x14D00  }
0x44e: {  	[tilespmem:s11], [sflag:$0x4] =	stream.indirect_vreg.gather [hbm4b:s4+s2], $0x80, v3, vm1, $0xb8;
	[tilespmem:$0x18100] =	vst v63  }
0x44f: {  	v3 =	vld [tilespmem:$0xE0];
	_ =	sdelay $0x4  }
0x450: {  	v62 =	vshrl.u32 v3, $0x3  }
0x451: {  	v4 =	vmul.u32 $0x18, v62  }
0x452: {  	v3 =	vand.u32 $0x7, v3  }
0x453: {  	v3 =	vor.u32 v3, v4  }
0x454: {  	v4 =	vperm.xlane v3, v0;
	_ =	sdelay $0x1  }
0x455: {  	v4 =	vadd.s32 v1, v4;
	_ =	sdelay $0x1  }
0x456: {  	v3 =	vperm.xlane v3, v2;
	_ =	sdelay $0x1  }
0x457: {  	s21 =	simm.s32 $0x15100;
	v3 =	vadd.s32 v1, v3  }
0x458: {  	[tilespmem:s21], [sflag:$0x4] =	stream.indirect_vreg.gather [hbm4b:s3+s2], $0x80, v4, vm0, $0xb8;
	[tilespmem:$0x18100] =	vst v63  }
0x459: {  	s22 =	simm.s32 $0x15900  }
0x45a: {  	[tilespmem:s22], [sflag:$0x4] =	stream.indirect_vreg.gather [hbm4b:s4+s2], $0x80, v4, vm1, $0xb8;
	[tilespmem:$0x18100] =	vst v63  }
0x45b: {  	s23 =	simm.s32 $0x15D00  }
0x45c: {  	[tilespmem:s23], [sflag:$0x4] =	stream.indirect_vreg.gather [hbm4b:s3+s2], $0x80, v3, vm0, $0xb8;
	[tilespmem:$0x18100] =	vst v63  }
0x45d: {  	s12 =	simm.s32 $0x16500  }
0x45e: {  	[tilespmem:s12], [sflag:$0x4] =	stream.indirect_vreg.gather [hbm4b:s4+s2], $0x80, v3, vm1, $0xb8;
	[tilespmem:$0x18100] =	vst v63  }
0x45f: {  	v3 =	vld [tilespmem:$0xF0];
	_ =	sdelay $0x4  }
0x460: {  	v63 =	vshrl.u32 v3, $0x3  }
0x461: {  	v4 =	vmul.u32 $0x18, v63  }
0x462: {  	v3 =	vand.u32 $0x7, v3  }
0x463: {  	v3 =	vor.u32 v3, v4  }
0x464: {  	v4 =	vperm.xlane v3, v0;
	_ =	sdelay $0x1  }
0x465: {  	v4 =	vadd.s32 v1, v4;
	_ =	sdelay $0x1  }
0x466: {  	v3 =	vperm.xlane v3, v2;
	_ =	sdelay $0x1  }
0x467: {  	s24 =	simm.s32 $0x16900;
	v3 =	vadd.s32 v1, v3  }
0x468: {  	[tilespmem:s24], [sflag:$0x4] =	stream.indirect_vreg.gather [hbm4b:s3+s2], $0x80, v4, vm0, $0xb8;
	[tilespmem:$0x18100] =	vst v63  }
0x469: {  	s25 =	simm.s32 $0x17100  }
0x46a: {  	[tilespmem:s25], [sflag:$0x4] =	stream.indirect_vreg.gather [hbm4b:s4+s2], $0x80, v4, vm1, $0xb8;
	[tilespmem:$0x18100] =	vst v63  }
0x46b: {  	s13 =	simm.s32 $0x17500  }
0x46c: {  	[tilespmem:s13], [sflag:$0x4] =	stream.indirect_vreg.gather [hbm4b:s3+s2], $0x80, v3, vm0, $0xb8;
	[tilespmem:$0x18100] =	vst v63  }
0x46d: {  	s7 =	simm.s32 $0x17D00  }
0x46e: {  	[tilespmem:s7], [sflag:$0x4] =	stream.indirect_vreg.gather [hbm4b:s4+s2], $0x80, v3, vm1, $0xb8;
	[tilespmem:$0x18100] =	vst v63  }
0x46f: {  	_ =	swait.ge [sflag:s28], $0xC000  }
0x470: {  	[sflag:s28] =	ssyncset.done $0x0  }
0x471: {  	s26 =	rddreg [dreg:$0x11];
	[sflag:s28] =	ssyncadd.s32 $0xFFFF4000  }
0x472: {  	[hbm4b:s26+s2] =	stream.linear.scatter [tilespmem:s1], [sflag:$0x6], $0xC000, $0x38;
	[tilespmem:$0x18100] =	vst v63  }
0x473: {  	p0 =	sne.s32 s5, $0x1;
	_ =	swait.ge [sflag:s29], $0xC000  }
.Ltmp0:
0x474: {  	[sflag:s29] =	ssyncset.done $0x0;
	(pc) =	sbr.rel @p0 .LBB2_1-.Ltmp0, $4  }
0x475: {  	[sflag:s29] =	ssyncadd.s32 $0xFFFF4000  }
0x476: {  	_ =	swait.ge [sflag:s30], $0xC000  }
0x477: {  	[sflag:s30] =	ssyncset.done $0x0  }
0x478: {  	s5 =	sadd.s32 $0xFFFFFFFF, s5;
	[sflag:s30] =	ssyncadd.s32 $0xFFFF4000  }
0x479: {  	_ =	sfence.sel $0x180000  }
0x47a: {  	[bflag:$0x0] =	sbarrier.arrive $0xFFFF  }
0x47b: {  	_ =	strace $0x90000047  }
0x47c: {  	s0 =	stileid.u32;
	[bflag:$0x2] =	sbarrier.arrive $0xFFFF  }
0x47d: {  	p0 =	sne.s32 s0, $0x0;
	s0 =	rddreg [dreg:$0x1]  }
0x47e: {  	s0 =	sadd.s32 @!p0 $0x100000, s0  }
0x47f: {  	[sflag:s0] =	ssyncadd.tile.s32 @!p0 $0x1;
	_ =	shalt  }
.Lfunc_end2:
_tile_overlayer_lowered:
.L_overlay_start_2:
0x480: {  	(tag) =	ssettag $0x2  }
0x481: {  	s0 =	rddreg [dreg:$0x0];
	s2 =	stileid.u32  }
0x482: {  	s1 =	rddreg [dreg:$0x1];
	p0 =	sne.s32 s2, $0x0  }
0x483: {  	s3 =	rddreg [dreg:$0x2];
	[bflag:$0x3] =	sbarrier.arrive $0xFFFF;
	s2 =	simm.s32 @!p0 $0x1C07  }
0x484: {  	[timem:s3], [sflag:s2] =	dma.local @!p0 [hbm:s0], s1  }
0x485: {  	s0 =	simm.s32 @!p0 $0x7  }
0x486: {  	_ =	swait.ge @!p0 [sflag:s0], s1  }
0x487: {  	s1 =	ssub.s32 @!p0 $0x0, s1;
	[sflag:s0] =	ssyncset.done @!p0 $0x0  }
0x488: {  	[sflag:s0] =	ssyncadd.s32 @!p0 s1  }
0x489: {  	[bflag:$0x3] =	sbarrier.arrive $0xFFFF  }
0x48a: {  	_ =	shalt  }

</sc_bundles>
